<compile_context>
chip_gen: v7x
topology: tpu7x:2x2x1
jax: 0.10.2.dev20260603
libtpu: 0.0.44.dev20260713+nightly
codegen_flags: <defaults>
</compile_context>

<pallas_src>
import functools

import jax
import jax.numpy as jnp
from jax import lax
from jax.experimental import pallas as pl
from jax.experimental.pallas import tpu as pltpu
from jax.experimental.pallas import tpu_sc as plsc

NC = 2
NS = 16
NW = NC * NS
BB = 128
TP = 129
DEPTH = 8


def _make_sc_kernel(B, S, V, D):
    NB = B // BB
    JT = D // 8

    mesh = plsc.VectorSubcoreMesh(core_axis_name="c", subcore_axis_name="s")

    @functools.partial(
        pl.kernel,
        out_type=jax.ShapeDtypeStruct((S, JT, NB, 8, BB), jnp.float32),
        mesh=mesh,
        scratch_types=[
            pltpu.VMEM((S, BB), jnp.int32),
            *[pltpu.VMEM((BB, D), jnp.float32) for _ in range(DEPTH)],
            *[pltpu.VMEM((D, TP), jnp.float32) for _ in range(DEPTH)],
            pltpu.VMEM((S, D), jnp.float32),
            pltpu.SemaphoreType.DMA,
            pltpu.SemaphoreType.DMA,
        ],
        compiler_params=pltpu.CompilerParams(
            use_tc_tiling_on_sc=False, needs_layout_passes=False),
    )
    def k(idx_hbm, tab_hbm, pos_hbm, out_hbm, idx_v, *rest):
        rows = rest[:DEPTH]
        tiles = rest[DEPTH:2 * DEPTH]
        pos_v = rest[2 * DEPTH]
        gsem = rest[2 * DEPTH + 1]
        wsem = rest[2 * DEPTH + 2]

        w = lax.axis_index("s") * NC + lax.axis_index("c")
        pltpu.sync_copy(
            idx_hbm.at[w, pl.ds(0, DEPTH)], idx_v.at[pl.ds(0, DEPTH)])

        def fetch(s, r):
            pltpu.async_copy(tab_hbm.at[idx_v.at[s]], r, gsem)

        def fetch_wait(s, r):
            pltpu.make_async_copy(tab_hbm.at[idx_v.at[s]], r, gsem).wait()

        def write_tiles(s, tile):
            for jt in range(JT):
                pltpu.async_copy(
                    tile.at[pl.ds(jt * 8, 8), pl.ds(0, BB)],
                    out_hbm.at[s, jt, w], wsem)

        def write_wait(s, tile):
            for jt in range(JT):
                pltpu.make_async_copy(
                    tile.at[pl.ds(jt * 8, 8), pl.ds(0, BB)],
                    out_hbm.at[s, jt, w], wsem).wait()

        f_lo = lax.iota(jnp.int32, 16)
        f_hi = f_lo + 16
        ones = jnp.full((16,), 1, jnp.int32)

        def group(s, r, tile):
            p_lo = pos_v[s, pl.ds(0, 16)]
            p_hi = pos_v[s, pl.ds(16, 16)]

            @plsc.parallel_loop(0, BB, unroll=16, carry=f_lo * 0)
            def row_body(b, bv):
                r_lo = r[b, pl.ds(0, 16)] + p_lo
                r_hi = r[b, pl.ds(16, 16)] + p_hi
                plsc.store_scatter(tile, [f_lo, bv], r_lo)
                plsc.store_scatter(tile, [f_hi, bv], r_hi)
                return bv + ones

        for d in range(DEPTH):
            fetch(d, rows[d])
        pltpu.sync_copy(
            idx_hbm.at[w, pl.ds(DEPTH, S - DEPTH)],
            idx_v.at[pl.ds(DEPTH, S - DEPTH)])
        pltpu.sync_copy(pos_hbm, pos_v)

        def body(i, carry):
            for d in range(DEPTH):
                s = DEPTH * i + d
                fetch_wait(s, rows[d])

                @pl.when(i >= 1)
                def _():
                    write_wait(s - DEPTH, tiles[d])

                group(s, rows[d], tiles[d])
                write_tiles(s, tiles[d])

                @pl.when(s + DEPTH < S)
                def _():
                    fetch(s + DEPTH, rows[d])

            return carry

        lax.fori_loop(0, S // DEPTH, body, 0)
        for d in range(DEPTH):
            write_wait(S - DEPTH + d, tiles[d])

    return k


def kernel(inputs, word_table, pos_table):
    B, S = inputs.shape
    V, D = word_table.shape
    idx_blocks = (
        inputs.astype(jnp.int32).reshape(NW, BB, S).transpose(0, 2, 1)
    )
    k = _make_sc_kernel(B, S, V, D)
    out5d = k(idx_blocks, word_table, pos_table)
    return out5d.transpose(2, 4, 0, 1, 3).reshape(B, S, D)

# --- scband reference (transcript-rebuilt; emitter-appended) ---
"""Pipeline reference for scband-positional-embedding-7627861917771 (READ-ONLY COPY).

The authoritative reference and input builder live on the scoring server;
editing this copy changes nothing except your own understanding.
"""

import jax, jax.numpy as jnp
import numpy as np

SEQ_LEN = 200
VOCAB = 1000000
DIM = 32
BATCH = 4096

def setup_inputs(seed: int = 0) -> dict:
    key = jax.random.key(seed)
    k1, k2, k3 = jax.random.split(key, 3)
    inputs = jax.random.randint(k1, (BATCH, SEQ_LEN), 0, VOCAB, dtype=jnp.int64 if jax.config.jax_enable_x64 else jnp.int32)
    word_table = jax.random.normal(k2, (VOCAB, DIM), dtype=jnp.float32) * 0.02
    pos_table = jax.random.normal(k3, (SEQ_LEN, DIM), dtype=jnp.float32) * 0.02
    return {"inputs": inputs, "word_table": word_table, "pos_table": pos_table}

def reference(inputs, word_table, pos_table):
    position_indices = jnp.arange(inputs.shape[-1])
    embedded_words = jnp.take(word_table, inputs, axis=0)
    embedded_indices = jnp.take(pos_table, position_indices, axis=0)
    return embedded_words + embedded_indices

if __name__ == "__main__":
    import jax
    _d = setup_inputs()
    print(jax.jit(kernel)(*tuple(_d.values())))

</pallas_src>

<mosaic_0001>
#map = affine_map<(d0, d1) -> (0, 0, 0)>
#map1 = affine_map<(d0, d1) -> (0, 0)>
#map2 = affine_map<(d0, d1) -> (0, 0, 0, 0, 0)>
module attributes {stable_mosaic.version = 14 : i64} {
  func.func @k(%arg0: i32, %arg1: i32, %arg2: memref<32x200x128xi32, #tpu.memory_space<hbm>>, %arg3: memref<1000000x32xf32, #tpu.memory_space<hbm>>, %arg4: memref<200x32xf32, #tpu.memory_space<hbm>>, %arg5: memref<200x4x32x8x128xf32, #tpu.memory_space<hbm>>, %arg6: memref<200x128xi32, #tpu.memory_space<vmem>>, %arg7: memref<128x32xf32, #tpu.memory_space<vmem>>, %arg8: memref<128x32xf32, #tpu.memory_space<vmem>>, %arg9: memref<128x32xf32, #tpu.memory_space<vmem>>, %arg10: memref<128x32xf32, #tpu.memory_space<vmem>>, %arg11: memref<128x32xf32, #tpu.memory_space<vmem>>, %arg12: memref<128x32xf32, #tpu.memory_space<vmem>>, %arg13: memref<128x32xf32, #tpu.memory_space<vmem>>, %arg14: memref<128x32xf32, #tpu.memory_space<vmem>>, %arg15: memref<32x129xf32, #tpu.memory_space<vmem>>, %arg16: memref<32x129xf32, #tpu.memory_space<vmem>>, %arg17: memref<32x129xf32, #tpu.memory_space<vmem>>, %arg18: memref<32x129xf32, #tpu.memory_space<vmem>>, %arg19: memref<32x129xf32, #tpu.memory_space<vmem>>, %arg20: memref<32x129xf32, #tpu.memory_space<vmem>>, %arg21: memref<32x129xf32, #tpu.memory_space<vmem>>, %arg22: memref<32x129xf32, #tpu.memory_space<vmem>>, %arg23: memref<200x32xf32, #tpu.memory_space<vmem>>, %arg24: memref<!tpu.dma_semaphore, #tpu.memory_space<semaphore_mem>>, %arg25: memref<!tpu.dma_semaphore, #tpu.memory_space<semaphore_mem>>) attributes {dimension_semantics = [#tpu.dimension_semantics<core_parallel>, #tpu.dimension_semantics<subcore_parallel>], iteration_bounds = array<i64: 2, 16>, scalar_prefetch = 0 : i64, scratch_operands = 20 : i64, tpu.core_type = #tpu.core_type<sc_vector_subcore>, window_params = [{transform_indices = #map}, {transform_indices = #map1}, {transform_indices = #map1}, {transform_indices = #map2}]} {
    %mul3A = arith.constant 2 : i32
    %mul3A_0 = arith.muli %arg1, %mul3A : i32
    %add3A = arith.addi %mul3A_0, %arg0 : i32
    "tpu.region"() ({
      %run_scoped3A = tpu.sem_alloc : memref<!tpu.dma_semaphore, #tpu.memory_space<semaphore_mem>>
      %dma_start3A_576 = arith.constant 0 : i32
      %dma_start3A_577 = arith.constant 0 : i32
      %dma_start3A_578 = tpu.memref_slice %arg6[%dma_start3A_576, %dma_start3A_577] : memref<200x128xi32, #tpu.memory_space<vmem>> -> memref<8x128xi32, #tpu.memory_space<vmem>>
      %dma_start3A_579 = arith.constant 0 : i32
      %dma_start3A_580 = arith.constant 0 : i32
      %dma_start3A_581 = tpu.memref_slice %arg2[%add3A, %dma_start3A_579, %dma_start3A_580] : memref<32x200x128xi32, #tpu.memory_space<hbm>> -> memref<1x8x128xi32, #tpu.memory_space<hbm>>
      %dma_start3A_582 = tpu.memref_squeeze %dma_start3A_581 : memref<1x8x128xi32, #tpu.memory_space<hbm>> -> memref<8x128xi32, #tpu.memory_space<hbm>>
      %dma_start3A_583 = arith.constant 0 : i32
      %dma_start3A_584 = arith.constant 0 : i32
      %dma_start3A_585 = tpu.memref_slice %arg6[%dma_start3A_583, %dma_start3A_584] : memref<200x128xi32, #tpu.memory_space<vmem>> -> memref<8x128xi32, #tpu.memory_space<vmem>>
      %dma_start3A_586 = arith.constant 0 : i32
      %dma_start3A_587 = arith.constant 0 : i32
      %dma_start3A_588 = tpu.memref_slice %arg2[%add3A, %dma_start3A_586, %dma_start3A_587] : memref<32x200x128xi32, #tpu.memory_space<hbm>> -> memref<1x8x128xi32, #tpu.memory_space<hbm>>
      %dma_start3A_589 = tpu.memref_squeeze %dma_start3A_588 : memref<1x8x128xi32, #tpu.memory_space<hbm>> -> memref<8x128xi32, #tpu.memory_space<hbm>>
      tpu.enqueue_dma source(%dma_start3A_589 : memref<8x128xi32, #tpu.memory_space<hbm>>) target(%dma_start3A_585 : memref<8x128xi32, #tpu.memory_space<vmem>>) target_semaphore(%run_scoped3A : memref<!tpu.dma_semaphore, #tpu.memory_space<semaphore_mem>>)
      %dma_wait3A_590 = arith.constant 0 : i32
      %dma_wait3A_591 = arith.constant 0 : i32
      %dma_wait3A_592 = tpu.memref_slice %arg6[%dma_wait3A_590, %dma_wait3A_591] : memref<200x128xi32, #tpu.memory_space<vmem>> -> memref<8x128xi32, #tpu.memory_space<vmem>>
      %dma_wait3A_593 = arith.constant 0 : i32
      %dma_wait3A_594 = arith.constant 0 : i32
      %dma_wait3A_595 = tpu.memref_slice %arg2[%add3A, %dma_wait3A_593, %dma_wait3A_594] : memref<32x200x128xi32, #tpu.memory_space<hbm>> -> memref<1x8x128xi32, #tpu.memory_space<hbm>>
      %dma_wait3A_596 = tpu.memref_squeeze %dma_wait3A_595 : memref<1x8x128xi32, #tpu.memory_space<hbm>> -> memref<8x128xi32, #tpu.memory_space<hbm>>
      %dma_wait3A_597 = arith.constant 0 : i32
      %dma_wait3A_598 = arith.constant 0 : i32
      %dma_wait3A_599 = tpu.memref_slice %arg6[%dma_wait3A_597, %dma_wait3A_598] : memref<200x128xi32, #tpu.memory_space<vmem>> -> memref<8x128xi32, #tpu.memory_space<vmem>>
      %dma_wait3A_600 = arith.constant 0 : i32
      %dma_wait3A_601 = arith.constant 0 : i32
      %dma_wait3A_602 = tpu.memref_slice %arg2[%add3A, %dma_wait3A_600, %dma_wait3A_601] : memref<32x200x128xi32, #tpu.memory_space<hbm>> -> memref<1x8x128xi32, #tpu.memory_space<hbm>>
      %dma_wait3A_603 = tpu.memref_squeeze %dma_wait3A_602 : memref<1x8x128xi32, #tpu.memory_space<hbm>> -> memref<8x128xi32, #tpu.memory_space<hbm>>
      tpu.wait_dma2 semaphore(%run_scoped3A : memref<!tpu.dma_semaphore, #tpu.memory_space<semaphore_mem>>) src(%dma_wait3A_603 : memref<8x128xi32, #tpu.memory_space<hbm>>) dst(%dma_wait3A_599 : memref<8x128xi32, #tpu.memory_space<vmem>>)
      tpu.yield
    }) : () -> ()
    %iota3A = tpu.iota {dimensions = array<i32: 0>} : vector<16xi32>
    %add3A_1 = arith.constant 16 : i32
    %add3A_2 = vector.broadcast %add3A_1 : i32 to vector<16xi32>
    %add3A_3 = arith.addi %iota3A, %add3A_2 : vector<16xi32>
    %broadcast_in_dim3A = arith.constant 1 : i32
    %broadcast_in_dim3A_4 = vector.broadcast %broadcast_in_dim3A : i32 to vector<16xi32>
    %dma_start3A = arith.constant 0 : i32
    %dma_start3A_5 = arith.constant 0 : i32
    %dma_start3A_6 = tpu.memref_slice %arg6[%dma_start3A, %dma_start3A_5] : memref<200x128xi32, #tpu.memory_space<vmem>> -> memref<1x128xi32, #tpu.memory_space<vmem>>
    %dma_start3A_7 = tpu.memref_squeeze %dma_start3A_6 : memref<1x128xi32, #tpu.memory_space<vmem>> -> memref<128xi32, #tpu.memory_space<vmem>>
    %dma_start3A_8 = arith.constant 0 : i32
    %dma_start3A_9 = arith.constant 0 : i32
    %dma_start3A_10 = tpu.memref_slice %arg3[%dma_start3A_8, %dma_start3A_9] : memref<1000000x32xf32, #tpu.memory_space<hbm>> -> memref<1000000x32xf32, #tpu.memory_space<hbm>>
    tpu.enqueue_indirect_dma source(%dma_start3A_10 : memref<1000000x32xf32, #tpu.memory_space<hbm>>) target(%arg7 : memref<128x32xf32, #tpu.memory_space<vmem>>) offsets(%dma_start3A_7 : memref<128xi32, #tpu.memory_space<vmem>>) semaphore(%arg24 : memref<!tpu.dma_semaphore, #tpu.memory_space<semaphore_mem>>)
    %dma_start3A_11 = arith.constant 1 : i32
    %dma_start3A_12 = arith.constant 0 : i32
    %dma_start3A_13 = tpu.memref_slice %arg6[%dma_start3A_11, %dma_start3A_12] : memref<200x128xi32, #tpu.memory_space<vmem>> -> memref<1x128xi32, #tpu.memory_space<vmem>>
    %dma_start3A_14 = tpu.memref_squeeze %dma_start3A_13 : memref<1x128xi32, #tpu.memory_space<vmem>> -> memref<128xi32, #tpu.memory_space<vmem>>
    %dma_start3A_15 = arith.constant 0 : i32
    %dma_start3A_16 = arith.constant 0 : i32
    %dma_start3A_17 = tpu.memref_slice %arg3[%dma_start3A_15, %dma_start3A_16] : memref<1000000x32xf32, #tpu.memory_space<hbm>> -> memref<1000000x32xf32, #tpu.memory_space<hbm>>
    tpu.enqueue_indirect_dma source(%dma_start3A_17 : memref<1000000x32xf32, #tpu.memory_space<hbm>>) target(%arg8 : memref<128x32xf32, #tpu.memory_space<vmem>>) offsets(%dma_start3A_14 : memref<128xi32, #tpu.memory_space<vmem>>) semaphore(%arg24 : memref<!tpu.dma_semaphore, #tpu.memory_space<semaphore_mem>>)
    %dma_start3A_18 = arith.constant 2 : i32
    %dma_start3A_19 = arith.constant 0 : i32
    %dma_start3A_20 = tpu.memref_slice %arg6[%dma_start3A_18, %dma_start3A_19] : memref<200x128xi32, #tpu.memory_space<vmem>> -> memref<1x128xi32, #tpu.memory_space<vmem>>
    %dma_start3A_21 = tpu.memref_squeeze %dma_start3A_20 : memref<1x128xi32, #tpu.memory_space<vmem>> -> memref<128xi32, #tpu.memory_space<vmem>>
    %dma_start3A_22 = arith.constant 0 : i32
    %dma_start3A_23 = arith.constant 0 : i32
    %dma_start3A_24 = tpu.memref_slice %arg3[%dma_start3A_22, %dma_start3A_23] : memref<1000000x32xf32, #tpu.memory_space<hbm>> -> memref<1000000x32xf32, #tpu.memory_space<hbm>>
    tpu.enqueue_indirect_dma source(%dma_start3A_24 : memref<1000000x32xf32, #tpu.memory_space<hbm>>) target(%arg9 : memref<128x32xf32, #tpu.memory_space<vmem>>) offsets(%dma_start3A_21 : memref<128xi32, #tpu.memory_space<vmem>>) semaphore(%arg24 : memref<!tpu.dma_semaphore, #tpu.memory_space<semaphore_mem>>)
    %dma_start3A_25 = arith.constant 3 : i32
    %dma_start3A_26 = arith.constant 0 : i32
    %dma_start3A_27 = tpu.memref_slice %arg6[%dma_start3A_25, %dma_start3A_26] : memref<200x128xi32, #tpu.memory_space<vmem>> -> memref<1x128xi32, #tpu.memory_space<vmem>>
    %dma_start3A_28 = tpu.memref_squeeze %dma_start3A_27 : memref<1x128xi32, #tpu.memory_space<vmem>> -> memref<128xi32, #tpu.memory_space<vmem>>
    %dma_start3A_29 = arith.constant 0 : i32
    %dma_start3A_30 = arith.constant 0 : i32
    %dma_start3A_31 = tpu.memref_slice %arg3[%dma_start3A_29, %dma_start3A_30] : memref<1000000x32xf32, #tpu.memory_space<hbm>> -> memref<1000000x32xf32, #tpu.memory_space<hbm>>
    tpu.enqueue_indirect_dma source(%dma_start3A_31 : memref<1000000x32xf32, #tpu.memory_space<hbm>>) target(%arg10 : memref<128x32xf32, #tpu.memory_space<vmem>>) offsets(%dma_start3A_28 : memref<128xi32, #tpu.memory_space<vmem>>) semaphore(%arg24 : memref<!tpu.dma_semaphore, #tpu.memory_space<semaphore_mem>>)
    %dma_start3A_32 = arith.constant 4 : i32
    %dma_start3A_33 = arith.constant 0 : i32
    %dma_start3A_34 = tpu.memref_slice %arg6[%dma_start3A_32, %dma_start3A_33] : memref<200x128xi32, #tpu.memory_space<vmem>> -> memref<1x128xi32, #tpu.memory_space<vmem>>
    %dma_start3A_35 = tpu.memref_squeeze %dma_start3A_34 : memref<1x128xi32, #tpu.memory_space<vmem>> -> memref<128xi32, #tpu.memory_space<vmem>>
    %dma_start3A_36 = arith.constant 0 : i32
    %dma_start3A_37 = arith.constant 0 : i32
    %dma_start3A_38 = tpu.memref_slice %arg3[%dma_start3A_36, %dma_start3A_37] : memref<1000000x32xf32, #tpu.memory_space<hbm>> -> memref<1000000x32xf32, #tpu.memory_space<hbm>>
    tpu.enqueue_indirect_dma source(%dma_start3A_38 : memref<1000000x32xf32, #tpu.memory_space<hbm>>) target(%arg11 : memref<128x32xf32, #tpu.memory_space<vmem>>) offsets(%dma_start3A_35 : memref<128xi32, #tpu.memory_space<vmem>>) semaphore(%arg24 : memref<!tpu.dma_semaphore, #tpu.memory_space<semaphore_mem>>)
    %dma_start3A_39 = arith.constant 5 : i32
    %dma_start3A_40 = arith.constant 0 : i32
    %dma_start3A_41 = tpu.memref_slice %arg6[%dma_start3A_39, %dma_start3A_40] : memref<200x128xi32, #tpu.memory_space<vmem>> -> memref<1x128xi32, #tpu.memory_space<vmem>>
    %dma_start3A_42 = tpu.memref_squeeze %dma_start3A_41 : memref<1x128xi32, #tpu.memory_space<vmem>> -> memref<128xi32, #tpu.memory_space<vmem>>
    %dma_start3A_43 = arith.constant 0 : i32
    %dma_start3A_44 = arith.constant 0 : i32
    %dma_start3A_45 = tpu.memref_slice %arg3[%dma_start3A_43, %dma_start3A_44] : memref<1000000x32xf32, #tpu.memory_space<hbm>> -> memref<1000000x32xf32, #tpu.memory_space<hbm>>
    tpu.enqueue_indirect_dma source(%dma_start3A_45 : memref<1000000x32xf32, #tpu.memory_space<hbm>>) target(%arg12 : memref<128x32xf32, #tpu.memory_space<vmem>>) offsets(%dma_start3A_42 : memref<128xi32, #tpu.memory_space<vmem>>) semaphore(%arg24 : memref<!tpu.dma_semaphore, #tpu.memory_space<semaphore_mem>>)
    %dma_start3A_46 = arith.constant 6 : i32
    %dma_start3A_47 = arith.constant 0 : i32
    %dma_start3A_48 = tpu.memref_slice %arg6[%dma_start3A_46, %dma_start3A_47] : memref<200x128xi32, #tpu.memory_space<vmem>> -> memref<1x128xi32, #tpu.memory_space<vmem>>
    %dma_start3A_49 = tpu.memref_squeeze %dma_start3A_48 : memref<1x128xi32, #tpu.memory_space<vmem>> -> memref<128xi32, #tpu.memory_space<vmem>>
    %dma_start3A_50 = arith.constant 0 : i32
    %dma_start3A_51 = arith.constant 0 : i32
    %dma_start3A_52 = tpu.memref_slice %arg3[%dma_start3A_50, %dma_start3A_51] : memref<1000000x32xf32, #tpu.memory_space<hbm>> -> memref<1000000x32xf32, #tpu.memory_space<hbm>>
    tpu.enqueue_indirect_dma source(%dma_start3A_52 : memref<1000000x32xf32, #tpu.memory_space<hbm>>) target(%arg13 : memref<128x32xf32, #tpu.memory_space<vmem>>) offsets(%dma_start3A_49 : memref<128xi32, #tpu.memory_space<vmem>>) semaphore(%arg24 : memref<!tpu.dma_semaphore, #tpu.memory_space<semaphore_mem>>)
    %dma_start3A_53 = arith.constant 7 : i32
    %dma_start3A_54 = arith.constant 0 : i32
    %dma_start3A_55 = tpu.memref_slice %arg6[%dma_start3A_53, %dma_start3A_54] : memref<200x128xi32, #tpu.memory_space<vmem>> -> memref<1x128xi32, #tpu.memory_space<vmem>>
    %dma_start3A_56 = tpu.memref_squeeze %dma_start3A_55 : memref<1x128xi32, #tpu.memory_space<vmem>> -> memref<128xi32, #tpu.memory_space<vmem>>
    %dma_start3A_57 = arith.constant 0 : i32
    %dma_start3A_58 = arith.constant 0 : i32
    %dma_start3A_59 = tpu.memref_slice %arg3[%dma_start3A_57, %dma_start3A_58] : memref<1000000x32xf32, #tpu.memory_space<hbm>> -> memref<1000000x32xf32, #tpu.memory_space<hbm>>
    tpu.enqueue_indirect_dma source(%dma_start3A_59 : memref<1000000x32xf32, #tpu.memory_space<hbm>>) target(%arg14 : memref<128x32xf32, #tpu.memory_space<vmem>>) offsets(%dma_start3A_56 : memref<128xi32, #tpu.memory_space<vmem>>) semaphore(%arg24 : memref<!tpu.dma_semaphore, #tpu.memory_space<semaphore_mem>>)
    "tpu.region"() ({
      %run_scoped3A = tpu.sem_alloc : memref<!tpu.dma_semaphore, #tpu.memory_space<semaphore_mem>>
      %dma_start3A_576 = arith.constant 8 : i32
      %dma_start3A_577 = arith.constant 0 : i32
      %dma_start3A_578 = tpu.memref_slice %arg6[%dma_start3A_576, %dma_start3A_577] : memref<200x128xi32, #tpu.memory_space<vmem>> -> memref<192x128xi32, #tpu.memory_space<vmem>>
      %dma_start3A_579 = arith.constant 8 : i32
      %dma_start3A_580 = arith.constant 0 : i32
      %dma_start3A_581 = tpu.memref_slice %arg2[%add3A, %dma_start3A_579, %dma_start3A_580] : memref<32x200x128xi32, #tpu.memory_space<hbm>> -> memref<1x192x128xi32, #tpu.memory_space<hbm>>
      %dma_start3A_582 = tpu.memref_squeeze %dma_start3A_581 : memref<1x192x128xi32, #tpu.memory_space<hbm>> -> memref<192x128xi32, #tpu.memory_space<hbm>>
      %dma_start3A_583 = arith.constant 8 : i32
      %dma_start3A_584 = arith.constant 0 : i32
      %dma_start3A_585 = tpu.memref_slice %arg6[%dma_start3A_583, %dma_start3A_584] : memref<200x128xi32, #tpu.memory_space<vmem>> -> memref<192x128xi32, #tpu.memory_space<vmem>>
      %dma_start3A_586 = arith.constant 8 : i32
      %dma_start3A_587 = arith.constant 0 : i32
      %dma_start3A_588 = tpu.memref_slice %arg2[%add3A, %dma_start3A_586, %dma_start3A_587] : memref<32x200x128xi32, #tpu.memory_space<hbm>> -> memref<1x192x128xi32, #tpu.memory_space<hbm>>
      %dma_start3A_589 = tpu.memref_squeeze %dma_start3A_588 : memref<1x192x128xi32, #tpu.memory_space<hbm>> -> memref<192x128xi32, #tpu.memory_space<hbm>>
      tpu.enqueue_dma source(%dma_start3A_589 : memref<192x128xi32, #tpu.memory_space<hbm>>) target(%dma_start3A_585 : memref<192x128xi32, #tpu.memory_space<vmem>>) target_semaphore(%run_scoped3A : memref<!tpu.dma_semaphore, #tpu.memory_space<semaphore_mem>>)
      %dma_wait3A_590 = arith.constant 8 : i32
      %dma_wait3A_591 = arith.constant 0 : i32
      %dma_wait3A_592 = tpu.memref_slice %arg6[%dma_wait3A_590, %dma_wait3A_591] : memref<200x128xi32, #tpu.memory_space<vmem>> -> memref<192x128xi32, #tpu.memory_space<vmem>>
      %dma_wait3A_593 = arith.constant 8 : i32
      %dma_wait3A_594 = arith.constant 0 : i32
      %dma_wait3A_595 = tpu.memref_slice %arg2[%add3A, %dma_wait3A_593, %dma_wait3A_594] : memref<32x200x128xi32, #tpu.memory_space<hbm>> -> memref<1x192x128xi32, #tpu.memory_space<hbm>>
      %dma_wait3A_596 = tpu.memref_squeeze %dma_wait3A_595 : memref<1x192x128xi32, #tpu.memory_space<hbm>> -> memref<192x128xi32, #tpu.memory_space<hbm>>
      %dma_wait3A_597 = arith.constant 8 : i32
      %dma_wait3A_598 = arith.constant 0 : i32
      %dma_wait3A_599 = tpu.memref_slice %arg6[%dma_wait3A_597, %dma_wait3A_598] : memref<200x128xi32, #tpu.memory_space<vmem>> -> memref<192x128xi32, #tpu.memory_space<vmem>>
      %dma_wait3A_600 = arith.constant 8 : i32
      %dma_wait3A_601 = arith.constant 0 : i32
      %dma_wait3A_602 = tpu.memref_slice %arg2[%add3A, %dma_wait3A_600, %dma_wait3A_601] : memref<32x200x128xi32, #tpu.memory_space<hbm>> -> memref<1x192x128xi32, #tpu.memory_space<hbm>>
      %dma_wait3A_603 = tpu.memref_squeeze %dma_wait3A_602 : memref<1x192x128xi32, #tpu.memory_space<hbm>> -> memref<192x128xi32, #tpu.memory_space<hbm>>
      tpu.wait_dma2 semaphore(%run_scoped3A : memref<!tpu.dma_semaphore, #tpu.memory_space<semaphore_mem>>) src(%dma_wait3A_603 : memref<192x128xi32, #tpu.memory_space<hbm>>) dst(%dma_wait3A_599 : memref<192x128xi32, #tpu.memory_space<vmem>>)
      tpu.yield
    }) : () -> ()
    "tpu.region"() ({
      %run_scoped3A = tpu.sem_alloc : memref<!tpu.dma_semaphore, #tpu.memory_space<semaphore_mem>>
      tpu.enqueue_dma source(%arg4 : memref<200x32xf32, #tpu.memory_space<hbm>>) target(%arg23 : memref<200x32xf32, #tpu.memory_space<vmem>>) target_semaphore(%run_scoped3A : memref<!tpu.dma_semaphore, #tpu.memory_space<semaphore_mem>>)
      tpu.wait_dma2 semaphore(%run_scoped3A : memref<!tpu.dma_semaphore, #tpu.memory_space<semaphore_mem>>) src(%arg4 : memref<200x32xf32, #tpu.memory_space<hbm>>) dst(%arg23 : memref<200x32xf32, #tpu.memory_space<vmem>>)
      tpu.yield
    }) : () -> ()
    %scan3A = arith.constant 0 : i32
    %scan3A_60 = arith.constant 0 : i32
    %scan3A_61 = arith.constant 25 : i32
    %scan3A_62 = arith.addi %scan3A_60, %scan3A_61 : i32
    %scan3A_63 = arith.constant 1 : i32
    scf.for %scan3A_576 = %scan3A_60 to %scan3A_62 step %scan3A_63  : i32 {
      %mul3A_577 = arith.constant 8 : i32
      %mul3A_578 = arith.muli %mul3A_577, %scan3A_576 : i32
      %add3A_579 = arith.constant 0 : i32
      %add3A_580 = arith.addi %mul3A_578, %add3A_579 : i32
      %dma_wait3A_581 = arith.constant 0 : i32
      %dma_wait3A_582 = tpu.memref_slice %arg6[%add3A_580, %dma_wait3A_581] : memref<200x128xi32, #tpu.memory_space<vmem>> -> memref<1x128xi32, #tpu.memory_space<vmem>>
      %dma_wait3A_583 = tpu.memref_squeeze %dma_wait3A_582 : memref<1x128xi32, #tpu.memory_space<vmem>> -> memref<128xi32, #tpu.memory_space<vmem>>
      %dma_wait3A_584 = arith.constant 0 : i32
      %dma_wait3A_585 = arith.constant 0 : i32
      %dma_wait3A_586 = tpu.memref_slice %arg3[%dma_wait3A_584, %dma_wait3A_585] : memref<1000000x32xf32, #tpu.memory_space<hbm>> -> memref<1000000x32xf32, #tpu.memory_space<hbm>>
      tpu.wait_indirect_dma semaphore(%arg24 : memref<!tpu.dma_semaphore, #tpu.memory_space<semaphore_mem>>) src(%dma_wait3A_586 : memref<1000000x32xf32, #tpu.memory_space<hbm>>) dst(%arg7 : memref<128x32xf32, #tpu.memory_space<vmem>>)
      %ge3A = arith.constant 1 : i32
      %ge3A_587 = arith.cmpi sge, %scan3A_576, %ge3A : i32
      %convert_element_type3A = arith.extui %ge3A_587 : i1 to i32
      %cond3A = arith.constant 0 : i32
      %cond3A_588 = arith.cmpi ne, %convert_element_type3A, %cond3A : i32
      scf.if %cond3A_588 {
        %sub3A = arith.constant 8 : i32
        %sub3A_1331 = arith.subi %add3A_580, %sub3A : i32
        %dma_wait3A_1332 = arith.constant 0 : i32
        %dma_wait3A_1333 = arith.constant 0 : i32
        %dma_wait3A_1334 = arith.constant 0 : i32
        %dma_wait3A_1335 = tpu.memref_slice %arg15[%dma_wait3A_1333, %dma_wait3A_1334] : memref<32x129xf32, #tpu.memory_space<vmem>> -> memref<8x128xf32, #tpu.memory_space<vmem>>
        %dma_wait3A_1336 = arith.constant 0 : i32
        %dma_wait3A_1337 = arith.constant 0 : i32
        %dma_wait3A_1338 = tpu.memref_slice %arg5[%sub3A_1331, %dma_wait3A_1332, %add3A, %dma_wait3A_1336, %dma_wait3A_1337] : memref<200x4x32x8x128xf32, #tpu.memory_space<hbm>> -> memref<1x1x1x8x128xf32, #tpu.memory_space<hbm>>
        %dma_wait3A_1339 = tpu.memref_squeeze %dma_wait3A_1338 : memref<1x1x1x8x128xf32, #tpu.memory_space<hbm>> -> memref<8x128xf32, #tpu.memory_space<hbm>>
        %dma_wait3A_1340 = arith.constant 0 : i32
        %dma_wait3A_1341 = arith.constant 0 : i32
        %dma_wait3A_1342 = tpu.memref_slice %arg5[%sub3A_1331, %dma_wait3A_1332, %add3A, %dma_wait3A_1340, %dma_wait3A_1341] : memref<200x4x32x8x128xf32, #tpu.memory_space<hbm>> -> memref<1x1x1x8x128xf32, #tpu.memory_space<hbm>>
        %dma_wait3A_1343 = tpu.memref_squeeze %dma_wait3A_1342 : memref<1x1x1x8x128xf32, #tpu.memory_space<hbm>> -> memref<8x128xf32, #tpu.memory_space<hbm>>
        %dma_wait3A_1344 = arith.constant 0 : i32
        %dma_wait3A_1345 = arith.constant 0 : i32
        %dma_wait3A_1346 = tpu.memref_slice %arg15[%dma_wait3A_1344, %dma_wait3A_1345] : memref<32x129xf32, #tpu.memory_space<vmem>> -> memref<8x128xf32, #tpu.memory_space<vmem>>
        tpu.wait_dma2 semaphore(%arg25 : memref<!tpu.dma_semaphore, #tpu.memory_space<semaphore_mem>>) src(%dma_wait3A_1346 : memref<8x128xf32, #tpu.memory_space<vmem>>) dst(%dma_wait3A_1343 : memref<8x128xf32, #tpu.memory_space<hbm>>)
        %dma_wait3A_1347 = arith.constant 1 : i32
        %dma_wait3A_1348 = arith.constant 8 : i32
        %dma_wait3A_1349 = arith.constant 0 : i32
        %dma_wait3A_1350 = tpu.memref_slice %arg15[%dma_wait3A_1348, %dma_wait3A_1349] : memref<32x129xf32, #tpu.memory_space<vmem>> -> memref<8x128xf32, #tpu.memory_space<vmem>>
        %dma_wait3A_1351 = arith.constant 0 : i32
        %dma_wait3A_1352 = arith.constant 0 : i32
        %dma_wait3A_1353 = tpu.memref_slice %arg5[%sub3A_1331, %dma_wait3A_1347, %add3A, %dma_wait3A_1351, %dma_wait3A_1352] : memref<200x4x32x8x128xf32, #tpu.memory_space<hbm>> -> memref<1x1x1x8x128xf32, #tpu.memory_space<hbm>>
        %dma_wait3A_1354 = tpu.memref_squeeze %dma_wait3A_1353 : memref<1x1x1x8x128xf32, #tpu.memory_space<hbm>> -> memref<8x128xf32, #tpu.memory_space<hbm>>
        %dma_wait3A_1355 = arith.constant 0 : i32
        %dma_wait3A_1356 = arith.constant 0 : i32
        %dma_wait3A_1357 = tpu.memref_slice %arg5[%sub3A_1331, %dma_wait3A_1347, %add3A, %dma_wait3A_1355, %dma_wait3A_1356] : memref<200x4x32x8x128xf32, #tpu.memory_space<hbm>> -> memref<1x1x1x8x128xf32, #tpu.memory_space<hbm>>
        %dma_wait3A_1358 = tpu.memref_squeeze %dma_wait3A_1357 : memref<1x1x1x8x128xf32, #tpu.memory_space<hbm>> -> memref<8x128xf32, #tpu.memory_space<hbm>>
        %dma_wait3A_1359 = arith.constant 8 : i32
        %dma_wait3A_1360 = arith.constant 0 : i32
        %dma_wait3A_1361 = tpu.memref_slice %arg15[%dma_wait3A_1359, %dma_wait3A_1360] : memref<32x129xf32, #tpu.memory_space<vmem>> -> memref<8x128xf32, #tpu.memory_space<vmem>>
        tpu.wait_dma2 semaphore(%arg25 : memref<!tpu.dma_semaphore, #tpu.memory_space<semaphore_mem>>) src(%dma_wait3A_1361 : memref<8x128xf32, #tpu.memory_space<vmem>>) dst(%dma_wait3A_1358 : memref<8x128xf32, #tpu.memory_space<hbm>>)
        %dma_wait3A_1362 = arith.constant 2 : i32
        %dma_wait3A_1363 = arith.constant 16 : i32
        %dma_wait3A_1364 = arith.constant 0 : i32
        %dma_wait3A_1365 = tpu.memref_slice %arg15[%dma_wait3A_1363, %dma_wait3A_1364] : memref<32x129xf32, #tpu.memory_space<vmem>> -> memref<8x128xf32, #tpu.memory_space<vmem>>
        %dma_wait3A_1366 = arith.constant 0 : i32
        %dma_wait3A_1367 = arith.constant 0 : i32
        %dma_wait3A_1368 = tpu.memref_slice %arg5[%sub3A_1331, %dma_wait3A_1362, %add3A, %dma_wait3A_1366, %dma_wait3A_1367] : memref<200x4x32x8x128xf32, #tpu.memory_space<hbm>> -> memref<1x1x1x8x128xf32, #tpu.memory_space<hbm>>
        %dma_wait3A_1369 = tpu.memref_squeeze %dma_wait3A_1368 : memref<1x1x1x8x128xf32, #tpu.memory_space<hbm>> -> memref<8x128xf32, #tpu.memory_space<hbm>>
        %dma_wait3A_1370 = arith.constant 0 : i32
        %dma_wait3A_1371 = arith.constant 0 : i32
        %dma_wait3A_1372 = tpu.memref_slice %arg5[%sub3A_1331, %dma_wait3A_1362, %add3A, %dma_wait3A_1370, %dma_wait3A_1371] : memref<200x4x32x8x128xf32, #tpu.memory_space<hbm>> -> memref<1x1x1x8x128xf32, #tpu.memory_space<hbm>>
        %dma_wait3A_1373 = tpu.memref_squeeze %dma_wait3A_1372 : memref<1x1x1x8x128xf32, #tpu.memory_space<hbm>> -> memref<8x128xf32, #tpu.memory_space<hbm>>
        %dma_wait3A_1374 = arith.constant 16 : i32
        %dma_wait3A_1375 = arith.constant 0 : i32
        %dma_wait3A_1376 = tpu.memref_slice %arg15[%dma_wait3A_1374, %dma_wait3A_1375] : memref<32x129xf32, #tpu.memory_space<vmem>> -> memref<8x128xf32, #tpu.memory_space<vmem>>
        tpu.wait_dma2 semaphore(%arg25 : memref<!tpu.dma_semaphore, #tpu.memory_space<semaphore_mem>>) src(%dma_wait3A_1376 : memref<8x128xf32, #tpu.memory_space<vmem>>) dst(%dma_wait3A_1373 : memref<8x128xf32, #tpu.memory_space<hbm>>)
        %dma_wait3A_1377 = arith.constant 3 : i32
        %dma_wait3A_1378 = arith.constant 24 : i32
        %dma_wait3A_1379 = arith.constant 0 : i32
        %dma_wait3A_1380 = tpu.memref_slice %arg15[%dma_wait3A_1378, %dma_wait3A_1379] : memref<32x129xf32, #tpu.memory_space<vmem>> -> memref<8x128xf32, #tpu.memory_space<vmem>>
        %dma_wait3A_1381 = arith.constant 0 : i32
        %dma_wait3A_1382 = arith.constant 0 : i32
        %dma_wait3A_1383 = tpu.memref_slice %arg5[%sub3A_1331, %dma_wait3A_1377, %add3A, %dma_wait3A_1381, %dma_wait3A_1382] : memref<200x4x32x8x128xf32, #tpu.memory_space<hbm>> -> memref<1x1x1x8x128xf32, #tpu.memory_space<hbm>>
        %dma_wait3A_1384 = tpu.memref_squeeze %dma_wait3A_1383 : memref<1x1x1x8x128xf32, #tpu.memory_space<hbm>> -> memref<8x128xf32, #tpu.memory_space<hbm>>
        %dma_wait3A_1385 = arith.constant 0 : i32
        %dma_wait3A_1386 = arith.constant 0 : i32
        %dma_wait3A_1387 = tpu.memref_slice %arg5[%sub3A_1331, %dma_wait3A_1377, %add3A, %dma_wait3A_1385, %dma_wait3A_1386] : memref<200x4x32x8x128xf32, #tpu.memory_space<hbm>> -> memref<1x1x1x8x128xf32, #tpu.memory_space<hbm>>
        %dma_wait3A_1388 = tpu.memref_squeeze %dma_wait3A_1387 : memref<1x1x1x8x128xf32, #tpu.memory_space<hbm>> -> memref<8x128xf32, #tpu.memory_space<hbm>>
        %dma_wait3A_1389 = arith.constant 24 : i32
        %dma_wait3A_1390 = arith.constant 0 : i32
        %dma_wait3A_1391 = tpu.memref_slice %arg15[%dma_wait3A_1389, %dma_wait3A_1390] : memref<32x129xf32, #tpu.memory_space<vmem>> -> memref<8x128xf32, #tpu.memory_space<vmem>>
        tpu.wait_dma2 semaphore(%arg25 : memref<!tpu.dma_semaphore, #tpu.memory_space<semaphore_mem>>) src(%dma_wait3A_1391 : memref<8x128xf32, #tpu.memory_space<vmem>>) dst(%dma_wait3A_1388 : memref<8x128xf32, #tpu.memory_space<hbm>>)
      } else {
      }
      %get3A = arith.index_cast %add3A_580 : i32 to index
      %get3A_589 = arith.constant 0 : index
      %get3A_590 = tpu.vector_load %arg23[%get3A, %get3A_589] {strides = array<i32>} : memref<200x32xf32, #tpu.memory_space<vmem>>, vector<16xf32>,
      %get3A_591 = arith.index_cast %add3A_580 : i32 to index
      %get3A_592 = arith.constant 16 : index
      %get3A_593 = tpu.vector_load %arg23[%get3A_591, %get3A_592] {strides = array<i32>} : memref<200x32xf32, #tpu.memory_space<vmem>>, vector<16xf32>,
      %mul3A_594 = arith.constant 0 : i32
      %mul3A_595 = vector.broadcast %mul3A_594 : i32 to vector<16xi32>
      %mul3A_596 = arith.muli %iota3A, %mul3A_595 : vector<16xi32>
      %parallel_loop3A = arith.constant 0 : i32
      %parallel_loop3A_597 = arith.constant 128 : i32
      %parallel_loop3A_598 = arith.constant 1 : i32
      %parallel_loop3A_599 = scf.for %parallel_loop3A_1331 = %parallel_loop3A to %parallel_loop3A_597 step %parallel_loop3A_598 iter_args(%parallel_loop3A_1332 = %mul3A_596) -> (vector<16xi32>)  : i32 {
        %parallel_loop3A_1333 = arith.index_cast %parallel_loop3A_1331 : i32 to index
        %parallel_loop3A_1334 = arith.constant 0 : index
        %parallel_loop3A_1335 = tpu.vector_load %arg7[%parallel_loop3A_1333, %parallel_loop3A_1334] {strides = array<i32>} : memref<128x32xf32, #tpu.memory_space<vmem>>, vector<16xf32>,
        %parallel_loop3A_1336 = arith.addf %parallel_loop3A_1335, %get3A_590 : vector<16xf32>
        %parallel_loop3A_1337 = arith.index_cast %parallel_loop3A_1331 : i32 to index
        %parallel_loop3A_1338 = arith.constant 16 : index
        %parallel_loop3A_1339 = tpu.vector_load %arg7[%parallel_loop3A_1337, %parallel_loop3A_1338] {strides = array<i32>} : memref<128x32xf32, #tpu.memory_space<vmem>>, vector<16xf32>,
        %parallel_loop3A_1340 = arith.addf %parallel_loop3A_1339, %get3A_593 : vector<16xf32>
        tpu.vector_store_idx %arg15[%iota3A, %parallel_loop3A_1332], %parallel_loop3A_1336 : memref<32x129xf32, #tpu.memory_space<vmem>>[vector<16xi32>, vector<16xi32>], vector<16xf32>,
        tpu.vector_store_idx %arg15[%add3A_3, %parallel_loop3A_1332], %parallel_loop3A_1340 : memref<32x129xf32, #tpu.memory_space<vmem>>[vector<16xi32>, vector<16xi32>], vector<16xf32>,
        %parallel_loop3A_1341 = arith.addi %parallel_loop3A_1332, %broadcast_in_dim3A_4 : vector<16xi32>
        scf.yield %parallel_loop3A_1341 : vector<16xi32>
      } {sc.loop_unroll_factor = 16 : i64, sc.parallel_access}
      %dma_start3A_600 = arith.constant 0 : i32
      %dma_start3A_601 = arith.constant 0 : i32
      %dma_start3A_602 = arith.constant 0 : i32
      %dma_start3A_603 = tpu.memref_slice %arg15[%dma_start3A_601, %dma_start3A_602] : memref<32x129xf32, #tpu.memory_space<vmem>> -> memref<8x128xf32, #tpu.memory_space<vmem>>
      %dma_start3A_604 = arith.constant 0 : i32
      %dma_start3A_605 = arith.constant 0 : i32
      %dma_start3A_606 = tpu.memref_slice %arg5[%add3A_580, %dma_start3A_600, %add3A, %dma_start3A_604, %dma_start3A_605] : memref<200x4x32x8x128xf32, #tpu.memory_space<hbm>> -> memref<1x1x1x8x128xf32, #tpu.memory_space<hbm>>
      %dma_start3A_607 = tpu.memref_squeeze %dma_start3A_606 : memref<1x1x1x8x128xf32, #tpu.memory_space<hbm>> -> memref<8x128xf32, #tpu.memory_space<hbm>>
      %dma_start3A_608 = arith.constant 0 : i32
      %dma_start3A_609 = arith.constant 0 : i32
      %dma_start3A_610 = tpu.memref_slice %arg5[%add3A_580, %dma_start3A_600, %add3A, %dma_start3A_608, %dma_start3A_609] : memref<200x4x32x8x128xf32, #tpu.memory_space<hbm>> -> memref<1x1x1x8x128xf32, #tpu.memory_space<hbm>>
      %dma_start3A_611 = tpu.memref_squeeze %dma_start3A_610 : memref<1x1x1x8x128xf32, #tpu.memory_space<hbm>> -> memref<8x128xf32, #tpu.memory_space<hbm>>
      %dma_start3A_612 = arith.constant 0 : i32
      %dma_start3A_613 = arith.constant 0 : i32
      %dma_start3A_614 = tpu.memref_slice %arg15[%dma_start3A_612, %dma_start3A_613] : memref<32x129xf32, #tpu.memory_space<vmem>> -> memref<8x128xf32, #tpu.memory_space<vmem>>
      tpu.enqueue_dma source(%dma_start3A_614 : memref<8x128xf32, #tpu.memory_space<vmem>>) target(%dma_start3A_611 : memref<8x128xf32, #tpu.memory_space<hbm>>) target_semaphore(%arg25 : memref<!tpu.dma_semaphore, #tpu.memory_space<semaphore_mem>>)
      %dma_start3A_615 = arith.constant 1 : i32
      %dma_start3A_616 = arith.constant 8 : i32
      %dma_start3A_617 = arith.constant 0 : i32
      %dma_start3A_618 = tpu.memref_slice %arg15[%dma_start3A_616, %dma_start3A_617] : memref<32x129xf32, #tpu.memory_space<vmem>> -> memref<8x128xf32, #tpu.memory_space<vmem>>
      %dma_start3A_619 = arith.constant 0 : i32
      %dma_start3A_620 = arith.constant 0 : i32
      %dma_start3A_621 = tpu.memref_slice %arg5[%add3A_580, %dma_start3A_615, %add3A, %dma_start3A_619, %dma_start3A_620] : memref<200x4x32x8x128xf32, #tpu.memory_space<hbm>> -> memref<1x1x1x8x128xf32, #tpu.memory_space<hbm>>
      %dma_start3A_622 = tpu.memref_squeeze %dma_start3A_621 : memref<1x1x1x8x128xf32, #tpu.memory_space<hbm>> -> memref<8x128xf32, #tpu.memory_space<hbm>>
      %dma_start3A_623 = arith.constant 0 : i32
      %dma_start3A_624 = arith.constant 0 : i32
      %dma_start3A_625 = tpu.memref_slice %arg5[%add3A_580, %dma_start3A_615, %add3A, %dma_start3A_623, %dma_start3A_624] : memref<200x4x32x8x128xf32, #tpu.memory_space<hbm>> -> memref<1x1x1x8x128xf32, #tpu.memory_space<hbm>>
      %dma_start3A_626 = tpu.memref_squeeze %dma_start3A_625 : memref<1x1x1x8x128xf32, #tpu.memory_space<hbm>> -> memref<8x128xf32, #tpu.memory_space<hbm>>
      %dma_start3A_627 = arith.constant 8 : i32
      %dma_start3A_628 = arith.constant 0 : i32
      %dma_start3A_629 = tpu.memref_slice %arg15[%dma_start3A_627, %dma_start3A_628] : memref<32x129xf32, #tpu.memory_space<vmem>> -> memref<8x128xf32, #tpu.memory_space<vmem>>
      tpu.enqueue_dma source(%dma_start3A_629 : memref<8x128xf32, #tpu.memory_space<vmem>>) target(%dma_start3A_626 : memref<8x128xf32, #tpu.memory_space<hbm>>) target_semaphore(%arg25 : memref<!tpu.dma_semaphore, #tpu.memory_space<semaphore_mem>>)
      %dma_start3A_630 = arith.constant 2 : i32
      %dma_start3A_631 = arith.constant 16 : i32
      %dma_start3A_632 = arith.constant 0 : i32
      %dma_start3A_633 = tpu.memref_slice %arg15[%dma_start3A_631, %dma_start3A_632] : memref<32x129xf32, #tpu.memory_space<vmem>> -> memref<8x128xf32, #tpu.memory_space<vmem>>
      %dma_start3A_634 = arith.constant 0 : i32
      %dma_start3A_635 = arith.constant 0 : i32
      %dma_start3A_636 = tpu.memref_slice %arg5[%add3A_580, %dma_start3A_630, %add3A, %dma_start3A_634, %dma_start3A_635] : memref<200x4x32x8x128xf32, #tpu.memory_space<hbm>> -> memref<1x1x1x8x128xf32, #tpu.memory_space<hbm>>
      %dma_start3A_637 = tpu.memref_squeeze %dma_start3A_636 : memref<1x1x1x8x128xf32, #tpu.memory_space<hbm>> -> memref<8x128xf32, #tpu.memory_space<hbm>>
      %dma_start3A_638 = arith.constant 0 : i32
      %dma_start3A_639 = arith.constant 0 : i32
      %dma_start3A_640 = tpu.memref_slice %arg5[%add3A_580, %dma_start3A_630, %add3A, %dma_start3A_638, %dma_start3A_639] : memref<200x4x32x8x128xf32, #tpu.memory_space<hbm>> -> memref<1x1x1x8x128xf32, #tpu.memory_space<hbm>>
      %dma_start3A_641 = tpu.memref_squeeze %dma_start3A_640 : memref<1x1x1x8x128xf32, #tpu.memory_space<hbm>> -> memref<8x128xf32, #tpu.memory_space<hbm>>
      %dma_start3A_642 = arith.constant 16 : i32
      %dma_start3A_643 = arith.constant 0 : i32
      %dma_start3A_644 = tpu.memref_slice %arg15[%dma_start3A_642, %dma_start3A_643] : memref<32x129xf32, #tpu.memory_space<vmem>> -> memref<8x128xf32, #tpu.memory_space<vmem>>
      tpu.enqueue_dma source(%dma_start3A_644 : memref<8x128xf32, #tpu.memory_space<vmem>>) target(%dma_start3A_641 : memref<8x128xf32, #tpu.memory_space<hbm>>) target_semaphore(%arg25 : memref<!tpu.dma_semaphore, #tpu.memory_space<semaphore_mem>>)
      %dma_start3A_645 = arith.constant 3 : i32
      %dma_start3A_646 = arith.constant 24 : i32
      %dma_start3A_647 = arith.constant 0 : i32
      %dma_start3A_648 = tpu.memref_slice %arg15[%dma_start3A_646, %dma_start3A_647] : memref<32x129xf32, #tpu.memory_space<vmem>> -> memref<8x128xf32, #tpu.memory_space<vmem>>
      %dma_start3A_649 = arith.constant 0 : i32
      %dma_start3A_650 = arith.constant 0 : i32
      %dma_start3A_651 = tpu.memref_slice %arg5[%add3A_580, %dma_start3A_645, %add3A, %dma_start3A_649, %dma_start3A_650] : memref<200x4x32x8x128xf32, #tpu.memory_space<hbm>> -> memref<1x1x1x8x128xf32, #tpu.memory_space<hbm>>
      %dma_start3A_652 = tpu.memref_squeeze %dma_start3A_651 : memref<1x1x1x8x128xf32, #tpu.memory_space<hbm>> -> memref<8x128xf32, #tpu.memory_space<hbm>>
      %dma_start3A_653 = arith.constant 0 : i32
      %dma_start3A_654 = arith.constant 0 : i32
      %dma_start3A_655 = tpu.memref_slice %arg5[%add3A_580, %dma_start3A_645, %add3A, %dma_start3A_653, %dma_start3A_654] : memref<200x4x32x8x128xf32, #tpu.memory_space<hbm>> -> memref<1x1x1x8x128xf32, #tpu.memory_space<hbm>>
      %dma_start3A_656 = tpu.memref_squeeze %dma_start3A_655 : memref<1x1x1x8x128xf32, #tpu.memory_space<hbm>> -> memref<8x128xf32, #tpu.memory_space<hbm>>
      %dma_start3A_657 = arith.constant 24 : i32
      %dma_start3A_658 = arith.constant 0 : i32
      %dma_start3A_659 = tpu.memref_slice %arg15[%dma_start3A_657, %dma_start3A_658] : memref<32x129xf32, #tpu.memory_space<vmem>> -> memref<8x128xf32, #tpu.memory_space<vmem>>
      tpu.enqueue_dma source(%dma_start3A_659 : memref<8x128xf32, #tpu.memory_space<vmem>>) target(%dma_start3A_656 : memref<8x128xf32, #tpu.memory_space<hbm>>) target_semaphore(%arg25 : memref<!tpu.dma_semaphore, #tpu.memory_space<semaphore_mem>>)
      %add3A_660 = arith.constant 8 : i32
      %add3A_661 = arith.addi %add3A_580, %add3A_660 : i32
      %lt3A = arith.constant 200 : i32
      %lt3A_662 = arith.cmpi slt, %add3A_661, %lt3A : i32
      %convert_element_type3A_663 = arith.extui %lt3A_662 : i1 to i32
      %cond3A_664 = arith.constant 0 : i32
      %cond3A_665 = arith.cmpi ne, %convert_element_type3A_663, %cond3A_664 : i32
      scf.if %cond3A_665 {
        %add3A_1331 = arith.constant 8 : i32
        %add3A_1332 = arith.addi %add3A_580, %add3A_1331 : i32
        %dma_start3A_1333 = arith.constant 0 : i32
        %dma_start3A_1334 = tpu.memref_slice %arg6[%add3A_1332, %dma_start3A_1333] : memref<200x128xi32, #tpu.memory_space<vmem>> -> memref<1x128xi32, #tpu.memory_space<vmem>>
        %dma_start3A_1335 = tpu.memref_squeeze %dma_start3A_1334 : memref<1x128xi32, #tpu.memory_space<vmem>> -> memref<128xi32, #tpu.memory_space<vmem>>
        %dma_start3A_1336 = arith.constant 0 : i32
        %dma_start3A_1337 = arith.constant 0 : i32
        %dma_start3A_1338 = tpu.memref_slice %arg3[%dma_start3A_1336, %dma_start3A_1337] : memref<1000000x32xf32, #tpu.memory_space<hbm>> -> memref<1000000x32xf32, #tpu.memory_space<hbm>>
        tpu.enqueue_indirect_dma source(%dma_start3A_1338 : memref<1000000x32xf32, #tpu.memory_space<hbm>>) target(%arg7 : memref<128x32xf32, #tpu.memory_space<vmem>>) offsets(%dma_start3A_1335 : memref<128xi32, #tpu.memory_space<vmem>>) semaphore(%arg24 : memref<!tpu.dma_semaphore, #tpu.memory_space<semaphore_mem>>)
      } else {
      }
      %mul3A_666 = arith.constant 8 : i32
      %mul3A_667 = arith.muli %mul3A_666, %scan3A_576 : i32
      %add3A_668 = arith.constant 1 : i32
      %add3A_669 = arith.addi %mul3A_667, %add3A_668 : i32
      %dma_wait3A_670 = arith.constant 0 : i32
      %dma_wait3A_671 = tpu.memref_slice %arg6[%add3A_669, %dma_wait3A_670] : memref<200x128xi32, #tpu.memory_space<vmem>> -> memref<1x128xi32, #tpu.memory_space<vmem>>
      %dma_wait3A_672 = tpu.memref_squeeze %dma_wait3A_671 : memref<1x128xi32, #tpu.memory_space<vmem>> -> memref<128xi32, #tpu.memory_space<vmem>>
      %dma_wait3A_673 = arith.constant 0 : i32
      %dma_wait3A_674 = arith.constant 0 : i32
      %dma_wait3A_675 = tpu.memref_slice %arg3[%dma_wait3A_673, %dma_wait3A_674] : memref<1000000x32xf32, #tpu.memory_space<hbm>> -> memref<1000000x32xf32, #tpu.memory_space<hbm>>
      tpu.wait_indirect_dma semaphore(%arg24 : memref<!tpu.dma_semaphore, #tpu.memory_space<semaphore_mem>>) src(%dma_wait3A_675 : memref<1000000x32xf32, #tpu.memory_space<hbm>>) dst(%arg8 : memref<128x32xf32, #tpu.memory_space<vmem>>)
      %ge3A_676 = arith.constant 1 : i32
      %ge3A_677 = arith.cmpi sge, %scan3A_576, %ge3A_676 : i32
      %convert_element_type3A_678 = arith.extui %ge3A_677 : i1 to i32
      %cond3A_679 = arith.constant 0 : i32
      %cond3A_680 = arith.cmpi ne, %convert_element_type3A_678, %cond3A_679 : i32
      scf.if %cond3A_680 {
        %sub3A = arith.constant 8 : i32
        %sub3A_1331 = arith.subi %add3A_669, %sub3A : i32
        %dma_wait3A_1332 = arith.constant 0 : i32
        %dma_wait3A_1333 = arith.constant 0 : i32
        %dma_wait3A_1334 = arith.constant 0 : i32
        %dma_wait3A_1335 = tpu.memref_slice %arg16[%dma_wait3A_1333, %dma_wait3A_1334] : memref<32x129xf32, #tpu.memory_space<vmem>> -> memref<8x128xf32, #tpu.memory_space<vmem>>
        %dma_wait3A_1336 = arith.constant 0 : i32
        %dma_wait3A_1337 = arith.constant 0 : i32
        %dma_wait3A_1338 = tpu.memref_slice %arg5[%sub3A_1331, %dma_wait3A_1332, %add3A, %dma_wait3A_1336, %dma_wait3A_1337] : memref<200x4x32x8x128xf32, #tpu.memory_space<hbm>> -> memref<1x1x1x8x128xf32, #tpu.memory_space<hbm>>
        %dma_wait3A_1339 = tpu.memref_squeeze %dma_wait3A_1338 : memref<1x1x1x8x128xf32, #tpu.memory_space<hbm>> -> memref<8x128xf32, #tpu.memory_space<hbm>>
        %dma_wait3A_1340 = arith.constant 0 : i32
        %dma_wait3A_1341 = arith.constant 0 : i32
        %dma_wait3A_1342 = tpu.memref_slice %arg5[%sub3A_1331, %dma_wait3A_1332, %add3A, %dma_wait3A_1340, %dma_wait3A_1341] : memref<200x4x32x8x128xf32, #tpu.memory_space<hbm>> -> memref<1x1x1x8x128xf32, #tpu.memory_space<hbm>>
        %dma_wait3A_1343 = tpu.memref_squeeze %dma_wait3A_1342 : memref<1x1x1x8x128xf32, #tpu.memory_space<hbm>> -> memref<8x128xf32, #tpu.memory_space<hbm>>
        %dma_wait3A_1344 = arith.constant 0 : i32
        %dma_wait3A_1345 = arith.constant 0 : i32
        %dma_wait3A_1346 = tpu.memref_slice %arg16[%dma_wait3A_1344, %dma_wait3A_1345] : memref<32x129xf32, #tpu.memory_space<vmem>> -> memref<8x128xf32, #tpu.memory_space<vmem>>
        tpu.wait_dma2 semaphore(%arg25 : memref<!tpu.dma_semaphore, #tpu.memory_space<semaphore_mem>>) src(%dma_wait3A_1346 : memref<8x128xf32, #tpu.memory_space<vmem>>) dst(%dma_wait3A_1343 : memref<8x128xf32, #tpu.memory_space<hbm>>)
        %dma_wait3A_1347 = arith.constant 1 : i32
        %dma_wait3A_1348 = arith.constant 8 : i32
        %dma_wait3A_1349 = arith.constant 0 : i32
        %dma_wait3A_1350 = tpu.memref_slice %arg16[%dma_wait3A_1348, %dma_wait3A_1349] : memref<32x129xf32, #tpu.memory_space<vmem>> -> memref<8x128xf32, #tpu.memory_space<vmem>>
        %dma_wait3A_1351 = arith.constant 0 : i32
        %dma_wait3A_1352 = arith.constant 0 : i32
        %dma_wait3A_1353 = tpu.memref_slice %arg5[%sub3A_1331, %dma_wait3A_1347, %add3A, %dma_wait3A_1351, %dma_wait3A_1352] : memref<200x4x32x8x128xf32, #tpu.memory_space<hbm>> -> memref<1x1x1x8x128xf32, #tpu.memory_space<hbm>>
        %dma_wait3A_1354 = tpu.memref_squeeze %dma_wait3A_1353 : memref<1x1x1x8x128xf32, #tpu.memory_space<hbm>> -> memref<8x128xf32, #tpu.memory_space<hbm>>
        %dma_wait3A_1355 = arith.constant 0 : i32
        %dma_wait3A_1356 = arith.constant 0 : i32
        %dma_wait3A_1357 = tpu.memref_slice %arg5[%sub3A_1331, %dma_wait3A_1347, %add3A, %dma_wait3A_1355, %dma_wait3A_1356] : memref<200x4x32x8x128xf32, #tpu.memory_space<hbm>> -> memref<1x1x1x8x128xf32, #tpu.memory_space<hbm>>
        %dma_wait3A_1358 = tpu.memref_squeeze %dma_wait3A_1357 : memref<1x1x1x8x128xf32, #tpu.memory_space<hbm>> -> memref<8x128xf32, #tpu.memory_space<hbm>>
        %dma_wait3A_1359 = arith.constant 8 : i32
        %dma_wait3A_1360 = arith.constant 0 : i32
        %dma_wait3A_1361 = tpu.memref_slice %arg16[%dma_wait3A_1359, %dma_wait3A_1360] : memref<32x129xf32, #tpu.memory_space<vmem>> -> memref<8x128xf32, #tpu.memory_space<vmem>>
        tpu.wait_dma2 semaphore(%arg25 : memref<!tpu.dma_semaphore, #tpu.memory_space<semaphore_mem>>) src(%dma_wait3A_1361 : memref<8x128xf32, #tpu.memory_space<vmem>>) dst(%dma_wait3A_1358 : memref<8x128xf32, #tpu.memory_space<hbm>>)
        %dma_wait3A_1362 = arith.constant 2 : i32
        %dma_wait3A_1363 = arith.constant 16 : i32
        %dma_wait3A_1364 = arith.constant 0 : i32
        %dma_wait3A_1365 = tpu.memref_slice %arg16[%dma_wait3A_1363, %dma_wait3A_1364] : memref<32x129xf32, #tpu.memory_space<vmem>> -> memref<8x128xf32, #tpu.memory_space<vmem>>
        %dma_wait3A_1366 = arith.constant 0 : i32
        %dma_wait3A_1367 = arith.constant 0 : i32
        %dma_wait3A_1368 = tpu.memref_slice %arg5[%sub3A_1331, %dma_wait3A_1362, %add3A, %dma_wait3A_1366, %dma_wait3A_1367] : memref<200x4x32x8x128xf32, #tpu.memory_space<hbm>> -> memref<1x1x1x8x128xf32, #tpu.memory_space<hbm>>
        %dma_wait3A_1369 = tpu.memref_squeeze %dma_wait3A_1368 : memref<1x1x1x8x128xf32, #tpu.memory_space<hbm>> -> memref<8x128xf32, #tpu.memory_space<hbm>>
        %dma_wait3A_1370 = arith.constant 0 : i32
        %dma_wait3A_1371 = arith.constant 0 : i32
        %dma_wait3A_1372 = tpu.memref_slice %arg5[%sub3A_1331, %dma_wait3A_1362, %add3A, %dma_wait3A_1370, %dma_wait3A_1371] : memref<200x4x32x8x128xf32, #tpu.memory_space<hbm>> -> memref<1x1x1x8x128xf32, #tpu.memory_space<hbm>>
        %dma_wait3A_1373 = tpu.memref_squeeze %dma_wait3A_1372 : memref<1x1x1x8x128xf32, #tpu.memory_space<hbm>> -> memref<8x128xf32, #tpu.memory_space<hbm>>
        %dma_wait3A_1374 = arith.constant 16 : i32
        %dma_wait3A_1375 = arith.constant 0 : i32
        %dma_wait3A_1376 = tpu.memref_slice %arg16[%dma_wait3A_1374, %dma_wait3A_1375] : memref<32x129xf32, #tpu.memory_space<vmem>> -> memref<8x128xf32, #tpu.memory_space<vmem>>
        tpu.wait_dma2 semaphore(%arg25 : memref<!tpu.dma_semaphore, #tpu.memory_space<semaphore_mem>>) src(%dma_wait3A_1376 : memref<8x128xf32, #tpu.memory_space<vmem>>) dst(%dma_wait3A_1373 : memref<8x128xf32, #tpu.memory_space<hbm>>)
        %dma_wait3A_1377 = arith.constant 3 : i32
        %dma_wait3A_1378 = arith.constant 24 : i32
        %dma_wait3A_1379 = arith.constant 0 : i32
        %dma_wait3A_1380 = tpu.memref_slice %arg16[%dma_wait3A_1378, %dma_wait3A_1379] : memref<32x129xf32, #tpu.memory_space<vmem>> -> memref<8x128xf32, #tpu.memory_space<vmem>>
        %dma_wait3A_1381 = arith.constant 0 : i32
        %dma_wait3A_1382 = arith.constant 0 : i32
        %dma_wait3A_1383 = tpu.memref_slice %arg5[%sub3A_1331, %dma_wait3A_1377, %add3A, %dma_wait3A_1381, %dma_wait3A_1382] : memref<200x4x32x8x128xf32, #tpu.memory_space<hbm>> -> memref<1x1x1x8x128xf32, #tpu.memory_space<hbm>>
        %dma_wait3A_1384 = tpu.memref_squeeze %dma_wait3A_1383 : memref<1x1x1x8x128xf32, #tpu.memory_space<hbm>> -> memref<8x128xf32, #tpu.memory_space<hbm>>
        %dma_wait3A_1385 = arith.constant 0 : i32
        %dma_wait3A_1386 = arith.constant 0 : i32
        %dma_wait3A_1387 = tpu.memref_slice %arg5[%sub3A_1331, %dma_wait3A_1377, %add3A, %dma_wait3A_1385, %dma_wait3A_1386] : memref<200x4x32x8x128xf32, #tpu.memory_space<hbm>> -> memref<1x1x1x8x128xf32, #tpu.memory_space<hbm>>
        %dma_wait3A_1388 = tpu.memref_squeeze %dma_wait3A_1387 : memref<1x1x1x8x128xf32, #tpu.memory_space<hbm>> -> memref<8x128xf32, #tpu.memory_space<hbm>>
        %dma_wait3A_1389 = arith.constant 24 : i32
        %dma_wait3A_1390 = arith.constant 0 : i32
        %dma_wait3A_1391 = tpu.memref_slice %arg16[%dma_wait3A_1389, %dma_wait3A_1390] : memref<32x129xf32, #tpu.memory_space<vmem>> -> memref<8x128xf32, #tpu.memory_space<vmem>>
        tpu.wait_dma2 semaphore(%arg25 : memref<!tpu.dma_semaphore, #tpu.memory_space<semaphore_mem>>) src(%dma_wait3A_1391 : memref<8x128xf32, #tpu.memory_space<vmem>>) dst(%dma_wait3A_1388 : memref<8x128xf32, #tpu.memory_space<hbm>>)
      } else {
      }
      %get3A_681 = arith.index_cast %add3A_669 : i32 to index
      %get3A_682 = arith.constant 0 : index
      %get3A_683 = tpu.vector_load %arg23[%get3A_681, %get3A_682] {strides = array<i32>} : memref<200x32xf32, #tpu.memory_space<vmem>>, vector<16xf32>,
      %get3A_684 = arith.index_cast %add3A_669 : i32 to index
      %get3A_685 = arith.constant 16 : index
      %get3A_686 = tpu.vector_load %arg23[%get3A_684, %get3A_685] {strides = array<i32>} : memref<200x32xf32, #tpu.memory_space<vmem>>, vector<16xf32>,
      %mul3A_687 = arith.constant 0 : i32
      %mul3A_688 = vector.broadcast %mul3A_687 : i32 to vector<16xi32>
      %mul3A_689 = arith.muli %iota3A, %mul3A_688 : vector<16xi32>
      %parallel_loop3A_690 = arith.constant 0 : i32
      %parallel_loop3A_691 = arith.constant 128 : i32
      %parallel_loop3A_692 = arith.constant 1 : i32
      %parallel_loop3A_693 = scf.for %parallel_loop3A_1331 = %parallel_loop3A_690 to %parallel_loop3A_691 step %parallel_loop3A_692 iter_args(%parallel_loop3A_1332 = %mul3A_689) -> (vector<16xi32>)  : i32 {
        %parallel_loop3A_1333 = arith.index_cast %parallel_loop3A_1331 : i32 to index
        %parallel_loop3A_1334 = arith.constant 0 : index
        %parallel_loop3A_1335 = tpu.vector_load %arg8[%parallel_loop3A_1333, %parallel_loop3A_1334] {strides = array<i32>} : memref<128x32xf32, #tpu.memory_space<vmem>>, vector<16xf32>,
        %parallel_loop3A_1336 = arith.addf %parallel_loop3A_1335, %get3A_683 : vector<16xf32>
        %parallel_loop3A_1337 = arith.index_cast %parallel_loop3A_1331 : i32 to index
        %parallel_loop3A_1338 = arith.constant 16 : index
        %parallel_loop3A_1339 = tpu.vector_load %arg8[%parallel_loop3A_1337, %parallel_loop3A_1338] {strides = array<i32>} : memref<128x32xf32, #tpu.memory_space<vmem>>, vector<16xf32>,
        %parallel_loop3A_1340 = arith.addf %parallel_loop3A_1339, %get3A_686 : vector<16xf32>
        tpu.vector_store_idx %arg16[%iota3A, %parallel_loop3A_1332], %parallel_loop3A_1336 : memref<32x129xf32, #tpu.memory_space<vmem>>[vector<16xi32>, vector<16xi32>], vector<16xf32>,
        tpu.vector_store_idx %arg16[%add3A_3, %parallel_loop3A_1332], %parallel_loop3A_1340 : memref<32x129xf32, #tpu.memory_space<vmem>>[vector<16xi32>, vector<16xi32>], vector<16xf32>,
        %parallel_loop3A_1341 = arith.addi %parallel_loop3A_1332, %broadcast_in_dim3A_4 : vector<16xi32>
        scf.yield %parallel_loop3A_1341 : vector<16xi32>
      } {sc.loop_unroll_factor = 16 : i64, sc.parallel_access}
      %dma_start3A_694 = arith.constant 0 : i32
      %dma_start3A_695 = arith.constant 0 : i32
      %dma_start3A_696 = arith.constant 0 : i32
      %dma_start3A_697 = tpu.memref_slice %arg16[%dma_start3A_695, %dma_start3A_696] : memref<32x129xf32, #tpu.memory_space<vmem>> -> memref<8x128xf32, #tpu.memory_space<vmem>>
      %dma_start3A_698 = arith.constant 0 : i32
      %dma_start3A_699 = arith.constant 0 : i32
      %dma_start3A_700 = tpu.memref_slice %arg5[%add3A_669, %dma_start3A_694, %add3A, %dma_start3A_698, %dma_start3A_699] : memref<200x4x32x8x128xf32, #tpu.memory_space<hbm>> -> memref<1x1x1x8x128xf32, #tpu.memory_space<hbm>>
      %dma_start3A_701 = tpu.memref_squeeze %dma_start3A_700 : memref<1x1x1x8x128xf32, #tpu.memory_space<hbm>> -> memref<8x128xf32, #tpu.memory_space<hbm>>
      %dma_start3A_702 = arith.constant 0 : i32
      %dma_start3A_703 = arith.constant 0 : i32
      %dma_start3A_704 = tpu.memref_slice %arg5[%add3A_669, %dma_start3A_694, %add3A, %dma_start3A_702, %dma_start3A_703] : memref<200x4x32x8x128xf32, #tpu.memory_space<hbm>> -> memref<1x1x1x8x128xf32, #tpu.memory_space<hbm>>
      %dma_start3A_705 = tpu.memref_squeeze %dma_start3A_704 : memref<1x1x1x8x128xf32, #tpu.memory_space<hbm>> -> memref<8x128xf32, #tpu.memory_space<hbm>>
      %dma_start3A_706 = arith.constant 0 : i32
      %dma_start3A_707 = arith.constant 0 : i32
      %dma_start3A_708 = tpu.memref_slice %arg16[%dma_start3A_706, %dma_start3A_707] : memref<32x129xf32, #tpu.memory_space<vmem>> -> memref<8x128xf32, #tpu.memory_space<vmem>>
      tpu.enqueue_dma source(%dma_start3A_708 : memref<8x128xf32, #tpu.memory_space<vmem>>) target(%dma_start3A_705 : memref<8x128xf32, #tpu.memory_space<hbm>>) target_semaphore(%arg25 : memref<!tpu.dma_semaphore, #tpu.memory_space<semaphore_mem>>)
      %dma_start3A_709 = arith.constant 1 : i32
      %dma_start3A_710 = arith.constant 8 : i32
      %dma_start3A_711 = arith.constant 0 : i32
      %dma_start3A_712 = tpu.memref_slice %arg16[%dma_start3A_710, %dma_start3A_711] : memref<32x129xf32, #tpu.memory_space<vmem>> -> memref<8x128xf32, #tpu.memory_space<vmem>>
      %dma_start3A_713 = arith.constant 0 : i32
      %dma_start3A_714 = arith.constant 0 : i32
      %dma_start3A_715 = tpu.memref_slice %arg5[%add3A_669, %dma_start3A_709, %add3A, %dma_start3A_713, %dma_start3A_714] : memref<200x4x32x8x128xf32, #tpu.memory_space<hbm>> -> memref<1x1x1x8x128xf32, #tpu.memory_space<hbm>>
      %dma_start3A_716 = tpu.memref_squeeze %dma_start3A_715 : memref<1x1x1x8x128xf32, #tpu.memory_space<hbm>> -> memref<8x128xf32, #tpu.memory_space<hbm>>
      %dma_start3A_717 = arith.constant 0 : i32
      %dma_start3A_718 = arith.constant 0 : i32
      %dma_start3A_719 = tpu.memref_slice %arg5[%add3A_669, %dma_start3A_709, %add3A, %dma_start3A_717, %dma_start3A_718] : memref<200x4x32x8x128xf32, #tpu.memory_space<hbm>> -> memref<1x1x1x8x128xf32, #tpu.memory_space<hbm>>
      %dma_start3A_720 = tpu.memref_squeeze %dma_start3A_719 : memref<1x1x1x8x128xf32, #tpu.memory_space<hbm>> -> memref<8x128xf32, #tpu.memory_space<hbm>>
      %dma_start3A_721 = arith.constant 8 : i32
      %dma_start3A_722 = arith.constant 0 : i32
      %dma_start3A_723 = tpu.memref_slice %arg16[%dma_start3A_721, %dma_start3A_722] : memref<32x129xf32, #tpu.memory_space<vmem>> -> memref<8x128xf32, #tpu.memory_space<vmem>>
      tpu.enqueue_dma source(%dma_start3A_723 : memref<8x128xf32, #tpu.memory_space<vmem>>) target(%dma_start3A_720 : memref<8x128xf32, #tpu.memory_space<hbm>>) target_semaphore(%arg25 : memref<!tpu.dma_semaphore, #tpu.memory_space<semaphore_mem>>)
      %dma_start3A_724 = arith.constant 2 : i32
      %dma_start3A_725 = arith.constant 16 : i32
      %dma_start3A_726 = arith.constant 0 : i32
      %dma_start3A_727 = tpu.memref_slice %arg16[%dma_start3A_725, %dma_start3A_726] : memref<32x129xf32, #tpu.memory_space<vmem>> -> memref<8x128xf32, #tpu.memory_space<vmem>>
      %dma_start3A_728 = arith.constant 0 : i32
      %dma_start3A_729 = arith.constant 0 : i32
      %dma_start3A_730 = tpu.memref_slice %arg5[%add3A_669, %dma_start3A_724, %add3A, %dma_start3A_728, %dma_start3A_729] : memref<200x4x32x8x128xf32, #tpu.memory_space<hbm>> -> memref<1x1x1x8x128xf32, #tpu.memory_space<hbm>>
      %dma_start3A_731 = tpu.memref_squeeze %dma_start3A_730 : memref<1x1x1x8x128xf32, #tpu.memory_space<hbm>> -> memref<8x128xf32, #tpu.memory_space<hbm>>
      %dma_start3A_732 = arith.constant 0 : i32
      %dma_start3A_733 = arith.constant 0 : i32
      %dma_start3A_734 = tpu.memref_slice %arg5[%add3A_669, %dma_start3A_724, %add3A, %dma_start3A_732, %dma_start3A_733] : memref<200x4x32x8x128xf32, #tpu.memory_space<hbm>> -> memref<1x1x1x8x128xf32, #tpu.memory_space<hbm>>
      %dma_start3A_735 = tpu.memref_squeeze %dma_start3A_734 : memref<1x1x1x8x128xf32, #tpu.memory_space<hbm>> -> memref<8x128xf32, #tpu.memory_space<hbm>>
      %dma_start3A_736 = arith.constant 16 : i32
      %dma_start3A_737 = arith.constant 0 : i32
      %dma_start3A_738 = tpu.memref_slice %arg16[%dma_start3A_736, %dma_start3A_737] : memref<32x129xf32, #tpu.memory_space<vmem>> -> memref<8x128xf32, #tpu.memory_space<vmem>>
      tpu.enqueue_dma source(%dma_start3A_738 : memref<8x128xf32, #tpu.memory_space<vmem>>) target(%dma_start3A_735 : memref<8x128xf32, #tpu.memory_space<hbm>>) target_semaphore(%arg25 : memref<!tpu.dma_semaphore, #tpu.memory_space<semaphore_mem>>)
      %dma_start3A_739 = arith.constant 3 : i32
      %dma_start3A_740 = arith.constant 24 : i32
      %dma_start3A_741 = arith.constant 0 : i32
      %dma_start3A_742 = tpu.memref_slice %arg16[%dma_start3A_740, %dma_start3A_741] : memref<32x129xf32, #tpu.memory_space<vmem>> -> memref<8x128xf32, #tpu.memory_space<vmem>>
      %dma_start3A_743 = arith.constant 0 : i32
      %dma_start3A_744 = arith.constant 0 : i32
      %dma_start3A_745 = tpu.memref_slice %arg5[%add3A_669, %dma_start3A_739, %add3A, %dma_start3A_743, %dma_start3A_744] : memref<200x4x32x8x128xf32, #tpu.memory_space<hbm>> -> memref<1x1x1x8x128xf32, #tpu.memory_space<hbm>>
      %dma_start3A_746 = tpu.memref_squeeze %dma_start3A_745 : memref<1x1x1x8x128xf32, #tpu.memory_space<hbm>> -> memref<8x128xf32, #tpu.memory_space<hbm>>
      %dma_start3A_747 = arith.constant 0 : i32
      %dma_start3A_748 = arith.constant 0 : i32
      %dma_start3A_749 = tpu.memref_slice %arg5[%add3A_669, %dma_start3A_739, %add3A, %dma_start3A_747, %dma_start3A_748] : memref<200x4x32x8x128xf32, #tpu.memory_space<hbm>> -> memref<1x1x1x8x128xf32, #tpu.memory_space<hbm>>
      %dma_start3A_750 = tpu.memref_squeeze %dma_start3A_749 : memref<1x1x1x8x128xf32, #tpu.memory_space<hbm>> -> memref<8x128xf32, #tpu.memory_space<hbm>>
      %dma_start3A_751 = arith.constant 24 : i32
      %dma_start3A_752 = arith.constant 0 : i32
      %dma_start3A_753 = tpu.memref_slice %arg16[%dma_start3A_751, %dma_start3A_752] : memref<32x129xf32, #tpu.memory_space<vmem>> -> memref<8x128xf32, #tpu.memory_space<vmem>>
      tpu.enqueue_dma source(%dma_start3A_753 : memref<8x128xf32, #tpu.memory_space<vmem>>) target(%dma_start3A_750 : memref<8x128xf32, #tpu.memory_space<hbm>>) target_semaphore(%arg25 : memref<!tpu.dma_semaphore, #tpu.memory_space<semaphore_mem>>)
      %add3A_754 = arith.constant 8 : i32
      %add3A_755 = arith.addi %add3A_669, %add3A_754 : i32
      %lt3A_756 = arith.constant 200 : i32
      %lt3A_757 = arith.cmpi slt, %add3A_755, %lt3A_756 : i32
      %convert_element_type3A_758 = arith.extui %lt3A_757 : i1 to i32
      %cond3A_759 = arith.constant 0 : i32
      %cond3A_760 = arith.cmpi ne, %convert_element_type3A_758, %cond3A_759 : i32
      scf.if %cond3A_760 {
        %add3A_1331 = arith.constant 8 : i32
        %add3A_1332 = arith.addi %add3A_669, %add3A_1331 : i32
        %dma_start3A_1333 = arith.constant 0 : i32
        %dma_start3A_1334 = tpu.memref_slice %arg6[%add3A_1332, %dma_start3A_1333] : memref<200x128xi32, #tpu.memory_space<vmem>> -> memref<1x128xi32, #tpu.memory_space<vmem>>
        %dma_start3A_1335 = tpu.memref_squeeze %dma_start3A_1334 : memref<1x128xi32, #tpu.memory_space<vmem>> -> memref<128xi32, #tpu.memory_space<vmem>>
        %dma_start3A_1336 = arith.constant 0 : i32
        %dma_start3A_1337 = arith.constant 0 : i32
        %dma_start3A_1338 = tpu.memref_slice %arg3[%dma_start3A_1336, %dma_start3A_1337] : memref<1000000x32xf32, #tpu.memory_space<hbm>> -> memref<1000000x32xf32, #tpu.memory_space<hbm>>
        tpu.enqueue_indirect_dma source(%dma_start3A_1338 : memref<1000000x32xf32, #tpu.memory_space<hbm>>) target(%arg8 : memref<128x32xf32, #tpu.memory_space<vmem>>) offsets(%dma_start3A_1335 : memref<128xi32, #tpu.memory_space<vmem>>) semaphore(%arg24 : memref<!tpu.dma_semaphore, #tpu.memory_space<semaphore_mem>>)
      } else {
      }
      %mul3A_761 = arith.constant 8 : i32
      %mul3A_762 = arith.muli %mul3A_761, %scan3A_576 : i32
      %add3A_763 = arith.constant 2 : i32
      %add3A_764 = arith.addi %mul3A_762, %add3A_763 : i32
      %dma_wait3A_765 = arith.constant 0 : i32
      %dma_wait3A_766 = tpu.memref_slice %arg6[%add3A_764, %dma_wait3A_765] : memref<200x128xi32, #tpu.memory_space<vmem>> -> memref<1x128xi32, #tpu.memory_space<vmem>>
      %dma_wait3A_767 = tpu.memref_squeeze %dma_wait3A_766 : memref<1x128xi32, #tpu.memory_space<vmem>> -> memref<128xi32, #tpu.memory_space<vmem>>
      %dma_wait3A_768 = arith.constant 0 : i32
      %dma_wait3A_769 = arith.constant 0 : i32
      %dma_wait3A_770 = tpu.memref_slice %arg3[%dma_wait3A_768, %dma_wait3A_769] : memref<1000000x32xf32, #tpu.memory_space<hbm>> -> memref<1000000x32xf32, #tpu.memory_space<hbm>>
      tpu.wait_indirect_dma semaphore(%arg24 : memref<!tpu.dma_semaphore, #tpu.memory_space<semaphore_mem>>) src(%dma_wait3A_770 : memref<1000000x32xf32, #tpu.memory_space<hbm>>) dst(%arg9 : memref<128x32xf32, #tpu.memory_space<vmem>>)
      %ge3A_771 = arith.constant 1 : i32
      %ge3A_772 = arith.cmpi sge, %scan3A_576, %ge3A_771 : i32
      %convert_element_type3A_773 = arith.extui %ge3A_772 : i1 to i32
      %cond3A_774 = arith.constant 0 : i32
      %cond3A_775 = arith.cmpi ne, %convert_element_type3A_773, %cond3A_774 : i32
      scf.if %cond3A_775 {
        %sub3A = arith.constant 8 : i32
        %sub3A_1331 = arith.subi %add3A_764, %sub3A : i32
        %dma_wait3A_1332 = arith.constant 0 : i32
        %dma_wait3A_1333 = arith.constant 0 : i32
        %dma_wait3A_1334 = arith.constant 0 : i32
        %dma_wait3A_1335 = tpu.memref_slice %arg17[%dma_wait3A_1333, %dma_wait3A_1334] : memref<32x129xf32, #tpu.memory_space<vmem>> -> memref<8x128xf32, #tpu.memory_space<vmem>>
        %dma_wait3A_1336 = arith.constant 0 : i32
        %dma_wait3A_1337 = arith.constant 0 : i32
        %dma_wait3A_1338 = tpu.memref_slice %arg5[%sub3A_1331, %dma_wait3A_1332, %add3A, %dma_wait3A_1336, %dma_wait3A_1337] : memref<200x4x32x8x128xf32, #tpu.memory_space<hbm>> -> memref<1x1x1x8x128xf32, #tpu.memory_space<hbm>>
        %dma_wait3A_1339 = tpu.memref_squeeze %dma_wait3A_1338 : memref<1x1x1x8x128xf32, #tpu.memory_space<hbm>> -> memref<8x128xf32, #tpu.memory_space<hbm>>
        %dma_wait3A_1340 = arith.constant 0 : i32
        %dma_wait3A_1341 = arith.constant 0 : i32
        %dma_wait3A_1342 = tpu.memref_slice %arg5[%sub3A_1331, %dma_wait3A_1332, %add3A, %dma_wait3A_1340, %dma_wait3A_1341] : memref<200x4x32x8x128xf32, #tpu.memory_space<hbm>> -> memref<1x1x1x8x128xf32, #tpu.memory_space<hbm>>
        %dma_wait3A_1343 = tpu.memref_squeeze %dma_wait3A_1342 : memref<1x1x1x8x128xf32, #tpu.memory_space<hbm>> -> memref<8x128xf32, #tpu.memory_space<hbm>>
        %dma_wait3A_1344 = arith.constant 0 : i32
        %dma_wait3A_1345 = arith.constant 0 : i32
        %dma_wait3A_1346 = tpu.memref_slice %arg17[%dma_wait3A_1344, %dma_wait3A_1345] : memref<32x129xf32, #tpu.memory_space<vmem>> -> memref<8x128xf32, #tpu.memory_space<vmem>>
        tpu.wait_dma2 semaphore(%arg25 : memref<!tpu.dma_semaphore, #tpu.memory_space<semaphore_mem>>) src(%dma_wait3A_1346 : memref<8x128xf32, #tpu.memory_space<vmem>>) dst(%dma_wait3A_1343 : memref<8x128xf32, #tpu.memory_space<hbm>>)
        %dma_wait3A_1347 = arith.constant 1 : i32
        %dma_wait3A_1348 = arith.constant 8 : i32
        %dma_wait3A_1349 = arith.constant 0 : i32
        %dma_wait3A_1350 = tpu.memref_slice %arg17[%dma_wait3A_1348, %dma_wait3A_1349] : memref<32x129xf32, #tpu.memory_space<vmem>> -> memref<8x128xf32, #tpu.memory_space<vmem>>
        %dma_wait3A_1351 = arith.constant 0 : i32
        %dma_wait3A_1352 = arith.constant 0 : i32
        %dma_wait3A_1353 = tpu.memref_slice %arg5[%sub3A_1331, %dma_wait3A_1347, %add3A, %dma_wait3A_1351, %dma_wait3A_1352] : memref<200x4x32x8x128xf32, #tpu.memory_space<hbm>> -> memref<1x1x1x8x128xf32, #tpu.memory_space<hbm>>
        %dma_wait3A_1354 = tpu.memref_squeeze %dma_wait3A_1353 : memref<1x1x1x8x128xf32, #tpu.memory_space<hbm>> -> memref<8x128xf32, #tpu.memory_space<hbm>>
        %dma_wait3A_1355 = arith.constant 0 : i32
        %dma_wait3A_1356 = arith.constant 0 : i32
        %dma_wait3A_1357 = tpu.memref_slice %arg5[%sub3A_1331, %dma_wait3A_1347, %add3A, %dma_wait3A_1355, %dma_wait3A_1356] : memref<200x4x32x8x128xf32, #tpu.memory_space<hbm>> -> memref<1x1x1x8x128xf32, #tpu.memory_space<hbm>>
        %dma_wait3A_1358 = tpu.memref_squeeze %dma_wait3A_1357 : memref<1x1x1x8x128xf32, #tpu.memory_space<hbm>> -> memref<8x128xf32, #tpu.memory_space<hbm>>
        %dma_wait3A_1359 = arith.constant 8 : i32
        %dma_wait3A_1360 = arith.constant 0 : i32
        %dma_wait3A_1361 = tpu.memref_slice %arg17[%dma_wait3A_1359, %dma_wait3A_1360] : memref<32x129xf32, #tpu.memory_space<vmem>> -> memref<8x128xf32, #tpu.memory_space<vmem>>
        tpu.wait_dma2 semaphore(%arg25 : memref<!tpu.dma_semaphore, #tpu.memory_space<semaphore_mem>>) src(%dma_wait3A_1361 : memref<8x128xf32, #tpu.memory_space<vmem>>) dst(%dma_wait3A_1358 : memref<8x128xf32, #tpu.memory_space<hbm>>)
        %dma_wait3A_1362 = arith.constant 2 : i32
        %dma_wait3A_1363 = arith.constant 16 : i32
        %dma_wait3A_1364 = arith.constant 0 : i32
        %dma_wait3A_1365 = tpu.memref_slice %arg17[%dma_wait3A_1363, %dma_wait3A_1364] : memref<32x129xf32, #tpu.memory_space<vmem>> -> memref<8x128xf32, #tpu.memory_space<vmem>>
        %dma_wait3A_1366 = arith.constant 0 : i32
        %dma_wait3A_1367 = arith.constant 0 : i32
        %dma_wait3A_1368 = tpu.memref_slice %arg5[%sub3A_1331, %dma_wait3A_1362, %add3A, %dma_wait3A_1366, %dma_wait3A_1367] : memref<200x4x32x8x128xf32, #tpu.memory_space<hbm>> -> memref<1x1x1x8x128xf32, #tpu.memory_space<hbm>>
        %dma_wait3A_1369 = tpu.memref_squeeze %dma_wait3A_1368 : memref<1x1x1x8x128xf32, #tpu.memory_space<hbm>> -> memref<8x128xf32, #tpu.memory_space<hbm>>
        %dma_wait3A_1370 = arith.constant 0 : i32
        %dma_wait3A_1371 = arith.constant 0 : i32
        %dma_wait3A_1372 = tpu.memref_slice %arg5[%sub3A_1331, %dma_wait3A_1362, %add3A, %dma_wait3A_1370, %dma_wait3A_1371] : memref<200x4x32x8x128xf32, #tpu.memory_space<hbm>> -> memref<1x1x1x8x128xf32, #tpu.memory_space<hbm>>
        %dma_wait3A_1373 = tpu.memref_squeeze %dma_wait3A_1372 : memref<1x1x1x8x128xf32, #tpu.memory_space<hbm>> -> memref<8x128xf32, #tpu.memory_space<hbm>>
        %dma_wait3A_1374 = arith.constant 16 : i32
        %dma_wait3A_1375 = arith.constant 0 : i32
        %dma_wait3A_1376 = tpu.memref_slice %arg17[%dma_wait3A_1374, %dma_wait3A_1375] : memref<32x129xf32, #tpu.memory_space<vmem>> -> memref<8x128xf32, #tpu.memory_space<vmem>>
        tpu.wait_dma2 semaphore(%arg25 : memref<!tpu.dma_semaphore, #tpu.memory_space<semaphore_mem>>) src(%dma_wait3A_1376 : memref<8x128xf32, #tpu.memory_space<vmem>>) dst(%dma_wait3A_1373 : memref<8x128xf32, #tpu.memory_space<hbm>>)
        %dma_wait3A_1377 = arith.constant 3 : i32
        %dma_wait3A_1378 = arith.constant 24 : i32
        %dma_wait3A_1379 = arith.constant 0 : i32
        %dma_wait3A_1380 = tpu.memref_slice %arg17[%dma_wait3A_1378, %dma_wait3A_1379] : memref<32x129xf32, #tpu.memory_space<vmem>> -> memref<8x128xf32, #tpu.memory_space<vmem>>
        %dma_wait3A_1381 = arith.constant 0 : i32
        %dma_wait3A_1382 = arith.constant 0 : i32
        %dma_wait3A_1383 = tpu.memref_slice %arg5[%sub3A_1331, %dma_wait3A_1377, %add3A, %dma_wait3A_1381, %dma_wait3A_1382] : memref<200x4x32x8x128xf32, #tpu.memory_space<hbm>> -> memref<1x1x1x8x128xf32, #tpu.memory_space<hbm>>
        %dma_wait3A_1384 = tpu.memref_squeeze %dma_wait3A_1383 : memref<1x1x1x8x128xf32, #tpu.memory_space<hbm>> -> memref<8x128xf32, #tpu.memory_space<hbm>>
        %dma_wait3A_1385 = arith.constant 0 : i32
        %dma_wait3A_1386 = arith.constant 0 : i32
        %dma_wait3A_1387 = tpu.memref_slice %arg5[%sub3A_1331, %dma_wait3A_1377, %add3A, %dma_wait3A_1385, %dma_wait3A_1386] : memref<200x4x32x8x128xf32, #tpu.memory_space<hbm>> -> memref<1x1x1x8x128xf32, #tpu.memory_space<hbm>>
        %dma_wait3A_1388 = tpu.memref_squeeze %dma_wait3A_1387 : memref<1x1x1x8x128xf32, #tpu.memory_space<hbm>> -> memref<8x128xf32, #tpu.memory_space<hbm>>
        %dma_wait3A_1389 = arith.constant 24 : i32
        %dma_wait3A_1390 = arith.constant 0 : i32
        %dma_wait3A_1391 = tpu.memref_slice %arg17[%dma_wait3A_1389, %dma_wait3A_1390] : memref<32x129xf32, #tpu.memory_space<vmem>> -> memref<8x128xf32, #tpu.memory_space<vmem>>
        tpu.wait_dma2 semaphore(%arg25 : memref<!tpu.dma_semaphore, #tpu.memory_space<semaphore_mem>>) src(%dma_wait3A_1391 : memref<8x128xf32, #tpu.memory_space<vmem>>) dst(%dma_wait3A_1388 : memref<8x128xf32, #tpu.memory_space<hbm>>)
      } else {
      }
      %get3A_776 = arith.index_cast %add3A_764 : i32 to index
      %get3A_777 = arith.constant 0 : index
      %get3A_778 = tpu.vector_load %arg23[%get3A_776, %get3A_777] {strides = array<i32>} : memref<200x32xf32, #tpu.memory_space<vmem>>, vector<16xf32>,
      %get3A_779 = arith.index_cast %add3A_764 : i32 to index
      %get3A_780 = arith.constant 16 : index
      %get3A_781 = tpu.vector_load %arg23[%get3A_779, %get3A_780] {strides = array<i32>} : memref<200x32xf32, #tpu.memory_space<vmem>>, vector<16xf32>,
      %mul3A_782 = arith.constant 0 : i32
      %mul3A_783 = vector.broadcast %mul3A_782 : i32 to vector<16xi32>
      %mul3A_784 = arith.muli %iota3A, %mul3A_783 : vector<16xi32>
      %parallel_loop3A_785 = arith.constant 0 : i32
      %parallel_loop3A_786 = arith.constant 128 : i32
      %parallel_loop3A_787 = arith.constant 1 : i32
      %parallel_loop3A_788 = scf.for %parallel_loop3A_1331 = %parallel_loop3A_785 to %parallel_loop3A_786 step %parallel_loop3A_787 iter_args(%parallel_loop3A_1332 = %mul3A_784) -> (vector<16xi32>)  : i32 {
        %parallel_loop3A_1333 = arith.index_cast %parallel_loop3A_1331 : i32 to index
        %parallel_loop3A_1334 = arith.constant 0 : index
        %parallel_loop3A_1335 = tpu.vector_load %arg9[%parallel_loop3A_1333, %parallel_loop3A_1334] {strides = array<i32>} : memref<128x32xf32, #tpu.memory_space<vmem>>, vector<16xf32>,
        %parallel_loop3A_1336 = arith.addf %parallel_loop3A_1335, %get3A_778 : vector<16xf32>
        %parallel_loop3A_1337 = arith.index_cast %parallel_loop3A_1331 : i32 to index
        %parallel_loop3A_1338 = arith.constant 16 : index
        %parallel_loop3A_1339 = tpu.vector_load %arg9[%parallel_loop3A_1337, %parallel_loop3A_1338] {strides = array<i32>} : memref<128x32xf32, #tpu.memory_space<vmem>>, vector<16xf32>,
        %parallel_loop3A_1340 = arith.addf %parallel_loop3A_1339, %get3A_781 : vector<16xf32>
        tpu.vector_store_idx %arg17[%iota3A, %parallel_loop3A_1332], %parallel_loop3A_1336 : memref<32x129xf32, #tpu.memory_space<vmem>>[vector<16xi32>, vector<16xi32>], vector<16xf32>,
        tpu.vector_store_idx %arg17[%add3A_3, %parallel_loop3A_1332], %parallel_loop3A_1340 : memref<32x129xf32, #tpu.memory_space<vmem>>[vector<16xi32>, vector<16xi32>], vector<16xf32>,
        %parallel_loop3A_1341 = arith.addi %parallel_loop3A_1332, %broadcast_in_dim3A_4 : vector<16xi32>
        scf.yield %parallel_loop3A_1341 : vector<16xi32>
      } {sc.loop_unroll_factor = 16 : i64, sc.parallel_access}
      %dma_start3A_789 = arith.constant 0 : i32
      %dma_start3A_790 = arith.constant 0 : i32
      %dma_start3A_791 = arith.constant 0 : i32
      %dma_start3A_792 = tpu.memref_slice %arg17[%dma_start3A_790, %dma_start3A_791] : memref<32x129xf32, #tpu.memory_space<vmem>> -> memref<8x128xf32, #tpu.memory_space<vmem>>
      %dma_start3A_793 = arith.constant 0 : i32
      %dma_start3A_794 = arith.constant 0 : i32
      %dma_start3A_795 = tpu.memref_slice %arg5[%add3A_764, %dma_start3A_789, %add3A, %dma_start3A_793, %dma_start3A_794] : memref<200x4x32x8x128xf32, #tpu.memory_space<hbm>> -> memref<1x1x1x8x128xf32, #tpu.memory_space<hbm>>
      %dma_start3A_796 = tpu.memref_squeeze %dma_start3A_795 : memref<1x1x1x8x128xf32, #tpu.memory_space<hbm>> -> memref<8x128xf32, #tpu.memory_space<hbm>>
      %dma_start3A_797 = arith.constant 0 : i32
      %dma_start3A_798 = arith.constant 0 : i32
      %dma_start3A_799 = tpu.memref_slice %arg5[%add3A_764, %dma_start3A_789, %add3A, %dma_start3A_797, %dma_start3A_798] : memref<200x4x32x8x128xf32, #tpu.memory_space<hbm>> -> memref<1x1x1x8x128xf32, #tpu.memory_space<hbm>>
      %dma_start3A_800 = tpu.memref_squeeze %dma_start3A_799 : memref<1x1x1x8x128xf32, #tpu.memory_space<hbm>> -> memref<8x128xf32, #tpu.memory_space<hbm>>
      %dma_start3A_801 = arith.constant 0 : i32
      %dma_start3A_802 = arith.constant 0 : i32
      %dma_start3A_803 = tpu.memref_slice %arg17[%dma_start3A_801, %dma_start3A_802] : memref<32x129xf32, #tpu.memory_space<vmem>> -> memref<8x128xf32, #tpu.memory_space<vmem>>
      tpu.enqueue_dma source(%dma_start3A_803 : memref<8x128xf32, #tpu.memory_space<vmem>>) target(%dma_start3A_800 : memref<8x128xf32, #tpu.memory_space<hbm>>) target_semaphore(%arg25 : memref<!tpu.dma_semaphore, #tpu.memory_space<semaphore_mem>>)
      %dma_start3A_804 = arith.constant 1 : i32
      %dma_start3A_805 = arith.constant 8 : i32
      %dma_start3A_806 = arith.constant 0 : i32
      %dma_start3A_807 = tpu.memref_slice %arg17[%dma_start3A_805, %dma_start3A_806] : memref<32x129xf32, #tpu.memory_space<vmem>> -> memref<8x128xf32, #tpu.memory_space<vmem>>
      %dma_start3A_808 = arith.constant 0 : i32
      %dma_start3A_809 = arith.constant 0 : i32
      %dma_start3A_810 = tpu.memref_slice %arg5[%add3A_764, %dma_start3A_804, %add3A, %dma_start3A_808, %dma_start3A_809] : memref<200x4x32x8x128xf32, #tpu.memory_space<hbm>> -> memref<1x1x1x8x128xf32, #tpu.memory_space<hbm>>
      %dma_start3A_811 = tpu.memref_squeeze %dma_start3A_810 : memref<1x1x1x8x128xf32, #tpu.memory_space<hbm>> -> memref<8x128xf32, #tpu.memory_space<hbm>>
      %dma_start3A_812 = arith.constant 0 : i32
      %dma_start3A_813 = arith.constant 0 : i32
      %dma_start3A_814 = tpu.memref_slice %arg5[%add3A_764, %dma_start3A_804, %add3A, %dma_start3A_812, %dma_start3A_813] : memref<200x4x32x8x128xf32, #tpu.memory_space<hbm>> -> memref<1x1x1x8x128xf32, #tpu.memory_space<hbm>>
      %dma_start3A_815 = tpu.memref_squeeze %dma_start3A_814 : memref<1x1x1x8x128xf32, #tpu.memory_space<hbm>> -> memref<8x128xf32, #tpu.memory_space<hbm>>
      %dma_start3A_816 = arith.constant 8 : i32
      %dma_start3A_817 = arith.constant 0 : i32
      %dma_start3A_818 = tpu.memref_slice %arg17[%dma_start3A_816, %dma_start3A_817] : memref<32x129xf32, #tpu.memory_space<vmem>> -> memref<8x128xf32, #tpu.memory_space<vmem>>
      tpu.enqueue_dma source(%dma_start3A_818 : memref<8x128xf32, #tpu.memory_space<vmem>>) target(%dma_start3A_815 : memref<8x128xf32, #tpu.memory_space<hbm>>) target_semaphore(%arg25 : memref<!tpu.dma_semaphore, #tpu.memory_space<semaphore_mem>>)
      %dma_start3A_819 = arith.constant 2 : i32
      %dma_start3A_820 = arith.constant 16 : i32
      %dma_start3A_821 = arith.constant 0 : i32
      %dma_start3A_822 = tpu.memref_slice %arg17[%dma_start3A_820, %dma_start3A_821] : memref<32x129xf32, #tpu.memory_space<vmem>> -> memref<8x128xf32, #tpu.memory_space<vmem>>
      %dma_start3A_823 = arith.constant 0 : i32
      %dma_start3A_824 = arith.constant 0 : i32
      %dma_start3A_825 = tpu.memref_slice %arg5[%add3A_764, %dma_start3A_819, %add3A, %dma_start3A_823, %dma_start3A_824] : memref<200x4x32x8x128xf32, #tpu.memory_space<hbm>> -> memref<1x1x1x8x128xf32, #tpu.memory_space<hbm>>
      %dma_start3A_826 = tpu.memref_squeeze %dma_start3A_825 : memref<1x1x1x8x128xf32, #tpu.memory_space<hbm>> -> memref<8x128xf32, #tpu.memory_space<hbm>>
      %dma_start3A_827 = arith.constant 0 : i32
      %dma_start3A_828 = arith.constant 0 : i32
      %dma_start3A_829 = tpu.memref_slice %arg5[%add3A_764, %dma_start3A_819, %add3A, %dma_start3A_827, %dma_start3A_828] : memref<200x4x32x8x128xf32, #tpu.memory_space<hbm>> -> memref<1x1x1x8x128xf32, #tpu.memory_space<hbm>>
      %dma_start3A_830 = tpu.memref_squeeze %dma_start3A_829 : memref<1x1x1x8x128xf32, #tpu.memory_space<hbm>> -> memref<8x128xf32, #tpu.memory_space<hbm>>
      %dma_start3A_831 = arith.constant 16 : i32
      %dma_start3A_832 = arith.constant 0 : i32
      %dma_start3A_833 = tpu.memref_slice %arg17[%dma_start3A_831, %dma_start3A_832] : memref<32x129xf32, #tpu.memory_space<vmem>> -> memref<8x128xf32, #tpu.memory_space<vmem>>
      tpu.enqueue_dma source(%dma_start3A_833 : memref<8x128xf32, #tpu.memory_space<vmem>>) target(%dma_start3A_830 : memref<8x128xf32, #tpu.memory_space<hbm>>) target_semaphore(%arg25 : memref<!tpu.dma_semaphore, #tpu.memory_space<semaphore_mem>>)
      %dma_start3A_834 = arith.constant 3 : i32
      %dma_start3A_835 = arith.constant 24 : i32
      %dma_start3A_836 = arith.constant 0 : i32
      %dma_start3A_837 = tpu.memref_slice %arg17[%dma_start3A_835, %dma_start3A_836] : memref<32x129xf32, #tpu.memory_space<vmem>> -> memref<8x128xf32, #tpu.memory_space<vmem>>
      %dma_start3A_838 = arith.constant 0 : i32
      %dma_start3A_839 = arith.constant 0 : i32
      %dma_start3A_840 = tpu.memref_slice %arg5[%add3A_764, %dma_start3A_834, %add3A, %dma_start3A_838, %dma_start3A_839] : memref<200x4x32x8x128xf32, #tpu.memory_space<hbm>> -> memref<1x1x1x8x128xf32, #tpu.memory_space<hbm>>
      %dma_start3A_841 = tpu.memref_squeeze %dma_start3A_840 : memref<1x1x1x8x128xf32, #tpu.memory_space<hbm>> -> memref<8x128xf32, #tpu.memory_space<hbm>>
      %dma_start3A_842 = arith.constant 0 : i32
      %dma_start3A_843 = arith.constant 0 : i32
      %dma_start3A_844 = tpu.memref_slice %arg5[%add3A_764, %dma_start3A_834, %add3A, %dma_start3A_842, %dma_start3A_843] : memref<200x4x32x8x128xf32, #tpu.memory_space<hbm>> -> memref<1x1x1x8x128xf32, #tpu.memory_space<hbm>>
      %dma_start3A_845 = tpu.memref_squeeze %dma_start3A_844 : memref<1x1x1x8x128xf32, #tpu.memory_space<hbm>> -> memref<8x128xf32, #tpu.memory_space<hbm>>
      %dma_start3A_846 = arith.constant 24 : i32
      %dma_start3A_847 = arith.constant 0 : i32
      %dma_start3A_848 = tpu.memref_slice %arg17[%dma_start3A_846, %dma_start3A_847] : memref<32x129xf32, #tpu.memory_space<vmem>> -> memref<8x128xf32, #tpu.memory_space<vmem>>
      tpu.enqueue_dma source(%dma_start3A_848 : memref<8x128xf32, #tpu.memory_space<vmem>>) target(%dma_start3A_845 : memref<8x128xf32, #tpu.memory_space<hbm>>) target_semaphore(%arg25 : memref<!tpu.dma_semaphore, #tpu.memory_space<semaphore_mem>>)
      %add3A_849 = arith.constant 8 : i32
      %add3A_850 = arith.addi %add3A_764, %add3A_849 : i32
      %lt3A_851 = arith.constant 200 : i32
      %lt3A_852 = arith.cmpi slt, %add3A_850, %lt3A_851 : i32
      %convert_element_type3A_853 = arith.extui %lt3A_852 : i1 to i32
      %cond3A_854 = arith.constant 0 : i32
      %cond3A_855 = arith.cmpi ne, %convert_element_type3A_853, %cond3A_854 : i32
      scf.if %cond3A_855 {
        %add3A_1331 = arith.constant 8 : i32
        %add3A_1332 = arith.addi %add3A_764, %add3A_1331 : i32
        %dma_start3A_1333 = arith.constant 0 : i32
        %dma_start3A_1334 = tpu.memref_slice %arg6[%add3A_1332, %dma_start3A_1333] : memref<200x128xi32, #tpu.memory_space<vmem>> -> memref<1x128xi32, #tpu.memory_space<vmem>>
        %dma_start3A_1335 = tpu.memref_squeeze %dma_start3A_1334 : memref<1x128xi32, #tpu.memory_space<vmem>> -> memref<128xi32, #tpu.memory_space<vmem>>
        %dma_start3A_1336 = arith.constant 0 : i32
        %dma_start3A_1337 = arith.constant 0 : i32
        %dma_start3A_1338 = tpu.memref_slice %arg3[%dma_start3A_1336, %dma_start3A_1337] : memref<1000000x32xf32, #tpu.memory_space<hbm>> -> memref<1000000x32xf32, #tpu.memory_space<hbm>>
        tpu.enqueue_indirect_dma source(%dma_start3A_1338 : memref<1000000x32xf32, #tpu.memory_space<hbm>>) target(%arg9 : memref<128x32xf32, #tpu.memory_space<vmem>>) offsets(%dma_start3A_1335 : memref<128xi32, #tpu.memory_space<vmem>>) semaphore(%arg24 : memref<!tpu.dma_semaphore, #tpu.memory_space<semaphore_mem>>)
      } else {
      }
      %mul3A_856 = arith.constant 8 : i32
      %mul3A_857 = arith.muli %mul3A_856, %scan3A_576 : i32
      %add3A_858 = arith.constant 3 : i32
      %add3A_859 = arith.addi %mul3A_857, %add3A_858 : i32
      %dma_wait3A_860 = arith.constant 0 : i32
      %dma_wait3A_861 = tpu.memref_slice %arg6[%add3A_859, %dma_wait3A_860] : memref<200x128xi32, #tpu.memory_space<vmem>> -> memref<1x128xi32, #tpu.memory_space<vmem>>
      %dma_wait3A_862 = tpu.memref_squeeze %dma_wait3A_861 : memref<1x128xi32, #tpu.memory_space<vmem>> -> memref<128xi32, #tpu.memory_space<vmem>>
      %dma_wait3A_863 = arith.constant 0 : i32
      %dma_wait3A_864 = arith.constant 0 : i32
      %dma_wait3A_865 = tpu.memref_slice %arg3[%dma_wait3A_863, %dma_wait3A_864] : memref<1000000x32xf32, #tpu.memory_space<hbm>> -> memref<1000000x32xf32, #tpu.memory_space<hbm>>
      tpu.wait_indirect_dma semaphore(%arg24 : memref<!tpu.dma_semaphore, #tpu.memory_space<semaphore_mem>>) src(%dma_wait3A_865 : memref<1000000x32xf32, #tpu.memory_space<hbm>>) dst(%arg10 : memref<128x32xf32, #tpu.memory_space<vmem>>)
      %ge3A_866 = arith.constant 1 : i32
      %ge3A_867 = arith.cmpi sge, %scan3A_576, %ge3A_866 : i32
      %convert_element_type3A_868 = arith.extui %ge3A_867 : i1 to i32
      %cond3A_869 = arith.constant 0 : i32
      %cond3A_870 = arith.cmpi ne, %convert_element_type3A_868, %cond3A_869 : i32
      scf.if %cond3A_870 {
        %sub3A = arith.constant 8 : i32
        %sub3A_1331 = arith.subi %add3A_859, %sub3A : i32
        %dma_wait3A_1332 = arith.constant 0 : i32
        %dma_wait3A_1333 = arith.constant 0 : i32
        %dma_wait3A_1334 = arith.constant 0 : i32
        %dma_wait3A_1335 = tpu.memref_slice %arg18[%dma_wait3A_1333, %dma_wait3A_1334] : memref<32x129xf32, #tpu.memory_space<vmem>> -> memref<8x128xf32, #tpu.memory_space<vmem>>
        %dma_wait3A_1336 = arith.constant 0 : i32
        %dma_wait3A_1337 = arith.constant 0 : i32
        %dma_wait3A_1338 = tpu.memref_slice %arg5[%sub3A_1331, %dma_wait3A_1332, %add3A, %dma_wait3A_1336, %dma_wait3A_1337] : memref<200x4x32x8x128xf32, #tpu.memory_space<hbm>> -> memref<1x1x1x8x128xf32, #tpu.memory_space<hbm>>
        %dma_wait3A_1339 = tpu.memref_squeeze %dma_wait3A_1338 : memref<1x1x1x8x128xf32, #tpu.memory_space<hbm>> -> memref<8x128xf32, #tpu.memory_space<hbm>>
        %dma_wait3A_1340 = arith.constant 0 : i32
        %dma_wait3A_1341 = arith.constant 0 : i32
        %dma_wait3A_1342 = tpu.memref_slice %arg5[%sub3A_1331, %dma_wait3A_1332, %add3A, %dma_wait3A_1340, %dma_wait3A_1341] : memref<200x4x32x8x128xf32, #tpu.memory_space<hbm>> -> memref<1x1x1x8x128xf32, #tpu.memory_space<hbm>>
        %dma_wait3A_1343 = tpu.memref_squeeze %dma_wait3A_1342 : memref<1x1x1x8x128xf32, #tpu.memory_space<hbm>> -> memref<8x128xf32, #tpu.memory_space<hbm>>
        %dma_wait3A_1344 = arith.constant 0 : i32
        %dma_wait3A_1345 = arith.constant 0 : i32
        %dma_wait3A_1346 = tpu.memref_slice %arg18[%dma_wait3A_1344, %dma_wait3A_1345] : memref<32x129xf32, #tpu.memory_space<vmem>> -> memref<8x128xf32, #tpu.memory_space<vmem>>
        tpu.wait_dma2 semaphore(%arg25 : memref<!tpu.dma_semaphore, #tpu.memory_space<semaphore_mem>>) src(%dma_wait3A_1346 : memref<8x128xf32, #tpu.memory_space<vmem>>) dst(%dma_wait3A_1343 : memref<8x128xf32, #tpu.memory_space<hbm>>)
        %dma_wait3A_1347 = arith.constant 1 : i32
        %dma_wait3A_1348 = arith.constant 8 : i32
        %dma_wait3A_1349 = arith.constant 0 : i32
        %dma_wait3A_1350 = tpu.memref_slice %arg18[%dma_wait3A_1348, %dma_wait3A_1349] : memref<32x129xf32, #tpu.memory_space<vmem>> -> memref<8x128xf32, #tpu.memory_space<vmem>>
        %dma_wait3A_1351 = arith.constant 0 : i32
        %dma_wait3A_1352 = arith.constant 0 : i32
        %dma_wait3A_1353 = tpu.memref_slice %arg5[%sub3A_1331, %dma_wait3A_1347, %add3A, %dma_wait3A_1351, %dma_wait3A_1352] : memref<200x4x32x8x128xf32, #tpu.memory_space<hbm>> -> memref<1x1x1x8x128xf32, #tpu.memory_space<hbm>>
        %dma_wait3A_1354 = tpu.memref_squeeze %dma_wait3A_1353 : memref<1x1x1x8x128xf32, #tpu.memory_space<hbm>> -> memref<8x128xf32, #tpu.memory_space<hbm>>
        %dma_wait3A_1355 = arith.constant 0 : i32
        %dma_wait3A_1356 = arith.constant 0 : i32
        %dma_wait3A_1357 = tpu.memref_slice %arg5[%sub3A_1331, %dma_wait3A_1347, %add3A, %dma_wait3A_1355, %dma_wait3A_1356] : memref<200x4x32x8x128xf32, #tpu.memory_space<hbm>> -> memref<1x1x1x8x128xf32, #tpu.memory_space<hbm>>
        %dma_wait3A_1358 = tpu.memref_squeeze %dma_wait3A_1357 : memref<1x1x1x8x128xf32, #tpu.memory_space<hbm>> -> memref<8x128xf32, #tpu.memory_space<hbm>>
        %dma_wait3A_1359 = arith.constant 8 : i32
        %dma_wait3A_1360 = arith.constant 0 : i32
        %dma_wait3A_1361 = tpu.memref_slice %arg18[%dma_wait3A_1359, %dma_wait3A_1360] : memref<32x129xf32, #tpu.memory_space<vmem>> -> memref<8x128xf32, #tpu.memory_space<vmem>>
        tpu.wait_dma2 semaphore(%arg25 : memref<!tpu.dma_semaphore, #tpu.memory_space<semaphore_mem>>) src(%dma_wait3A_1361 : memref<8x128xf32, #tpu.memory_space<vmem>>) dst(%dma_wait3A_1358 : memref<8x128xf32, #tpu.memory_space<hbm>>)
        %dma_wait3A_1362 = arith.constant 2 : i32
        %dma_wait3A_1363 = arith.constant 16 : i32
        %dma_wait3A_1364 = arith.constant 0 : i32
        %dma_wait3A_1365 = tpu.memref_slice %arg18[%dma_wait3A_1363, %dma_wait3A_1364] : memref<32x129xf32, #tpu.memory_space<vmem>> -> memref<8x128xf32, #tpu.memory_space<vmem>>
        %dma_wait3A_1366 = arith.constant 0 : i32
        %dma_wait3A_1367 = arith.constant 0 : i32
        %dma_wait3A_1368 = tpu.memref_slice %arg5[%sub3A_1331, %dma_wait3A_1362, %add3A, %dma_wait3A_1366, %dma_wait3A_1367] : memref<200x4x32x8x128xf32, #tpu.memory_space<hbm>> -> memref<1x1x1x8x128xf32, #tpu.memory_space<hbm>>
        %dma_wait3A_1369 = tpu.memref_squeeze %dma_wait3A_1368 : memref<1x1x1x8x128xf32, #tpu.memory_space<hbm>> -> memref<8x128xf32, #tpu.memory_space<hbm>>
        %dma_wait3A_1370 = arith.constant 0 : i32
        %dma_wait3A_1371 = arith.constant 0 : i32
        %dma_wait3A_1372 = tpu.memref_slice %arg5[%sub3A_1331, %dma_wait3A_1362, %add3A, %dma_wait3A_1370, %dma_wait3A_1371] : memref<200x4x32x8x128xf32, #tpu.memory_space<hbm>> -> memref<1x1x1x8x128xf32, #tpu.memory_space<hbm>>
        %dma_wait3A_1373 = tpu.memref_squeeze %dma_wait3A_1372 : memref<1x1x1x8x128xf32, #tpu.memory_space<hbm>> -> memref<8x128xf32, #tpu.memory_space<hbm>>
        %dma_wait3A_1374 = arith.constant 16 : i32
        %dma_wait3A_1375 = arith.constant 0 : i32
        %dma_wait3A_1376 = tpu.memref_slice %arg18[%dma_wait3A_1374, %dma_wait3A_1375] : memref<32x129xf32, #tpu.memory_space<vmem>> -> memref<8x128xf32, #tpu.memory_space<vmem>>
        tpu.wait_dma2 semaphore(%arg25 : memref<!tpu.dma_semaphore, #tpu.memory_space<semaphore_mem>>) src(%dma_wait3A_1376 : memref<8x128xf32, #tpu.memory_space<vmem>>) dst(%dma_wait3A_1373 : memref<8x128xf32, #tpu.memory_space<hbm>>)
        %dma_wait3A_1377 = arith.constant 3 : i32
        %dma_wait3A_1378 = arith.constant 24 : i32
        %dma_wait3A_1379 = arith.constant 0 : i32
        %dma_wait3A_1380 = tpu.memref_slice %arg18[%dma_wait3A_1378, %dma_wait3A_1379] : memref<32x129xf32, #tpu.memory_space<vmem>> -> memref<8x128xf32, #tpu.memory_space<vmem>>
        %dma_wait3A_1381 = arith.constant 0 : i32
        %dma_wait3A_1382 = arith.constant 0 : i32
        %dma_wait3A_1383 = tpu.memref_slice %arg5[%sub3A_1331, %dma_wait3A_1377, %add3A, %dma_wait3A_1381, %dma_wait3A_1382] : memref<200x4x32x8x128xf32, #tpu.memory_space<hbm>> -> memref<1x1x1x8x128xf32, #tpu.memory_space<hbm>>
        %dma_wait3A_1384 = tpu.memref_squeeze %dma_wait3A_1383 : memref<1x1x1x8x128xf32, #tpu.memory_space<hbm>> -> memref<8x128xf32, #tpu.memory_space<hbm>>
        %dma_wait3A_1385 = arith.constant 0 : i32
        %dma_wait3A_1386 = arith.constant 0 : i32
        %dma_wait3A_1387 = tpu.memref_slice %arg5[%sub3A_1331, %dma_wait3A_1377, %add3A, %dma_wait3A_1385, %dma_wait3A_1386] : memref<200x4x32x8x128xf32, #tpu.memory_space<hbm>> -> memref<1x1x1x8x128xf32, #tpu.memory_space<hbm>>
        %dma_wait3A_1388 = tpu.memref_squeeze %dma_wait3A_1387 : memref<1x1x1x8x128xf32, #tpu.memory_space<hbm>> -> memref<8x128xf32, #tpu.memory_space<hbm>>
        %dma_wait3A_1389 = arith.constant 24 : i32
        %dma_wait3A_1390 = arith.constant 0 : i32
        %dma_wait3A_1391 = tpu.memref_slice %arg18[%dma_wait3A_1389, %dma_wait3A_1390] : memref<32x129xf32, #tpu.memory_space<vmem>> -> memref<8x128xf32, #tpu.memory_space<vmem>>
        tpu.wait_dma2 semaphore(%arg25 : memref<!tpu.dma_semaphore, #tpu.memory_space<semaphore_mem>>) src(%dma_wait3A_1391 : memref<8x128xf32, #tpu.memory_space<vmem>>) dst(%dma_wait3A_1388 : memref<8x128xf32, #tpu.memory_space<hbm>>)
      } else {
      }
      %get3A_871 = arith.index_cast %add3A_859 : i32 to index
      %get3A_872 = arith.constant 0 : index
      %get3A_873 = tpu.vector_load %arg23[%get3A_871, %get3A_872] {strides = array<i32>} : memref<200x32xf32, #tpu.memory_space<vmem>>, vector<16xf32>,
      %get3A_874 = arith.index_cast %add3A_859 : i32 to index
      %get3A_875 = arith.constant 16 : index
      %get3A_876 = tpu.vector_load %arg23[%get3A_874, %get3A_875] {strides = array<i32>} : memref<200x32xf32, #tpu.memory_space<vmem>>, vector<16xf32>,
      %mul3A_877 = arith.constant 0 : i32
      %mul3A_878 = vector.broadcast %mul3A_877 : i32 to vector<16xi32>
      %mul3A_879 = arith.muli %iota3A, %mul3A_878 : vector<16xi32>
      %parallel_loop3A_880 = arith.constant 0 : i32
      %parallel_loop3A_881 = arith.constant 128 : i32
      %parallel_loop3A_882 = arith.constant 1 : i32
      %parallel_loop3A_883 = scf.for %parallel_loop3A_1331 = %parallel_loop3A_880 to %parallel_loop3A_881 step %parallel_loop3A_882 iter_args(%parallel_loop3A_1332 = %mul3A_879) -> (vector<16xi32>)  : i32 {
        %parallel_loop3A_1333 = arith.index_cast %parallel_loop3A_1331 : i32 to index
        %parallel_loop3A_1334 = arith.constant 0 : index
        %parallel_loop3A_1335 = tpu.vector_load %arg10[%parallel_loop3A_1333, %parallel_loop3A_1334] {strides = array<i32>} : memref<128x32xf32, #tpu.memory_space<vmem>>, vector<16xf32>,
        %parallel_loop3A_1336 = arith.addf %parallel_loop3A_1335, %get3A_873 : vector<16xf32>
        %parallel_loop3A_1337 = arith.index_cast %parallel_loop3A_1331 : i32 to index
        %parallel_loop3A_1338 = arith.constant 16 : index
        %parallel_loop3A_1339 = tpu.vector_load %arg10[%parallel_loop3A_1337, %parallel_loop3A_1338] {strides = array<i32>} : memref<128x32xf32, #tpu.memory_space<vmem>>, vector<16xf32>,
        %parallel_loop3A_1340 = arith.addf %parallel_loop3A_1339, %get3A_876 : vector<16xf32>
        tpu.vector_store_idx %arg18[%iota3A, %parallel_loop3A_1332], %parallel_loop3A_1336 : memref<32x129xf32, #tpu.memory_space<vmem>>[vector<16xi32>, vector<16xi32>], vector<16xf32>,
        tpu.vector_store_idx %arg18[%add3A_3, %parallel_loop3A_1332], %parallel_loop3A_1340 : memref<32x129xf32, #tpu.memory_space<vmem>>[vector<16xi32>, vector<16xi32>], vector<16xf32>,
        %parallel_loop3A_1341 = arith.addi %parallel_loop3A_1332, %broadcast_in_dim3A_4 : vector<16xi32>
        scf.yield %parallel_loop3A_1341 : vector<16xi32>
      } {sc.loop_unroll_factor = 16 : i64, sc.parallel_access}
      %dma_start3A_884 = arith.constant 0 : i32
      %dma_start3A_885 = arith.constant 0 : i32
      %dma_start3A_886 = arith.constant 0 : i32
      %dma_start3A_887 = tpu.memref_slice %arg18[%dma_start3A_885, %dma_start3A_886] : memref<32x129xf32, #tpu.memory_space<vmem>> -> memref<8x128xf32, #tpu.memory_space<vmem>>
      %dma_start3A_888 = arith.constant 0 : i32
      %dma_start3A_889 = arith.constant 0 : i32
      %dma_start3A_890 = tpu.memref_slice %arg5[%add3A_859, %dma_start3A_884, %add3A, %dma_start3A_888, %dma_start3A_889] : memref<200x4x32x8x128xf32, #tpu.memory_space<hbm>> -> memref<1x1x1x8x128xf32, #tpu.memory_space<hbm>>
      %dma_start3A_891 = tpu.memref_squeeze %dma_start3A_890 : memref<1x1x1x8x128xf32, #tpu.memory_space<hbm>> -> memref<8x128xf32, #tpu.memory_space<hbm>>
      %dma_start3A_892 = arith.constant 0 : i32
      %dma_start3A_893 = arith.constant 0 : i32
      %dma_start3A_894 = tpu.memref_slice %arg5[%add3A_859, %dma_start3A_884, %add3A, %dma_start3A_892, %dma_start3A_893] : memref<200x4x32x8x128xf32, #tpu.memory_space<hbm>> -> memref<1x1x1x8x128xf32, #tpu.memory_space<hbm>>
      %dma_start3A_895 = tpu.memref_squeeze %dma_start3A_894 : memref<1x1x1x8x128xf32, #tpu.memory_space<hbm>> -> memref<8x128xf32, #tpu.memory_space<hbm>>
      %dma_start3A_896 = arith.constant 0 : i32
      %dma_start3A_897 = arith.constant 0 : i32
      %dma_start3A_898 = tpu.memref_slice %arg18[%dma_start3A_896, %dma_start3A_897] : memref<32x129xf32, #tpu.memory_space<vmem>> -> memref<8x128xf32, #tpu.memory_space<vmem>>
      tpu.enqueue_dma source(%dma_start3A_898 : memref<8x128xf32, #tpu.memory_space<vmem>>) target(%dma_start3A_895 : memref<8x128xf32, #tpu.memory_space<hbm>>) target_semaphore(%arg25 : memref<!tpu.dma_semaphore, #tpu.memory_space<semaphore_mem>>)
      %dma_start3A_899 = arith.constant 1 : i32
      %dma_start3A_900 = arith.constant 8 : i32
      %dma_start3A_901 = arith.constant 0 : i32
      %dma_start3A_902 = tpu.memref_slice %arg18[%dma_start3A_900, %dma_start3A_901] : memref<32x129xf32, #tpu.memory_space<vmem>> -> memref<8x128xf32, #tpu.memory_space<vmem>>
      %dma_start3A_903 = arith.constant 0 : i32
      %dma_start3A_904 = arith.constant 0 : i32
      %dma_start3A_905 = tpu.memref_slice %arg5[%add3A_859, %dma_start3A_899, %add3A, %dma_start3A_903, %dma_start3A_904] : memref<200x4x32x8x128xf32, #tpu.memory_space<hbm>> -> memref<1x1x1x8x128xf32, #tpu.memory_space<hbm>>
      %dma_start3A_906 = tpu.memref_squeeze %dma_start3A_905 : memref<1x1x1x8x128xf32, #tpu.memory_space<hbm>> -> memref<8x128xf32, #tpu.memory_space<hbm>>
      %dma_start3A_907 = arith.constant 0 : i32
      %dma_start3A_908 = arith.constant 0 : i32
      %dma_start3A_909 = tpu.memref_slice %arg5[%add3A_859, %dma_start3A_899, %add3A, %dma_start3A_907, %dma_start3A_908] : memref<200x4x32x8x128xf32, #tpu.memory_space<hbm>> -> memref<1x1x1x8x128xf32, #tpu.memory_space<hbm>>
      %dma_start3A_910 = tpu.memref_squeeze %dma_start3A_909 : memref<1x1x1x8x128xf32, #tpu.memory_space<hbm>> -> memref<8x128xf32, #tpu.memory_space<hbm>>
      %dma_start3A_911 = arith.constant 8 : i32
      %dma_start3A_912 = arith.constant 0 : i32
      %dma_start3A_913 = tpu.memref_slice %arg18[%dma_start3A_911, %dma_start3A_912] : memref<32x129xf32, #tpu.memory_space<vmem>> -> memref<8x128xf32, #tpu.memory_space<vmem>>
      tpu.enqueue_dma source(%dma_start3A_913 : memref<8x128xf32, #tpu.memory_space<vmem>>) target(%dma_start3A_910 : memref<8x128xf32, #tpu.memory_space<hbm>>) target_semaphore(%arg25 : memref<!tpu.dma_semaphore, #tpu.memory_space<semaphore_mem>>)
      %dma_start3A_914 = arith.constant 2 : i32
      %dma_start3A_915 = arith.constant 16 : i32
      %dma_start3A_916 = arith.constant 0 : i32
      %dma_start3A_917 = tpu.memref_slice %arg18[%dma_start3A_915, %dma_start3A_916] : memref<32x129xf32, #tpu.memory_space<vmem>> -> memref<8x128xf32, #tpu.memory_space<vmem>>
      %dma_start3A_918 = arith.constant 0 : i32
      %dma_start3A_919 = arith.constant 0 : i32
      %dma_start3A_920 = tpu.memref_slice %arg5[%add3A_859, %dma_start3A_914, %add3A, %dma_start3A_918, %dma_start3A_919] : memref<200x4x32x8x128xf32, #tpu.memory_space<hbm>> -> memref<1x1x1x8x128xf32, #tpu.memory_space<hbm>>
      %dma_start3A_921 = tpu.memref_squeeze %dma_start3A_920 : memref<1x1x1x8x128xf32, #tpu.memory_space<hbm>> -> memref<8x128xf32, #tpu.memory_space<hbm>>
      %dma_start3A_922 = arith.constant 0 : i32
      %dma_start3A_923 = arith.constant 0 : i32
      %dma_start3A_924 = tpu.memref_slice %arg5[%add3A_859, %dma_start3A_914, %add3A, %dma_start3A_922, %dma_start3A_923] : memref<200x4x32x8x128xf32, #tpu.memory_space<hbm>> -> memref<1x1x1x8x128xf32, #tpu.memory_space<hbm>>
      %dma_start3A_925 = tpu.memref_squeeze %dma_start3A_924 : memref<1x1x1x8x128xf32, #tpu.memory_space<hbm>> -> memref<8x128xf32, #tpu.memory_space<hbm>>
      %dma_start3A_926 = arith.constant 16 : i32
      %dma_start3A_927 = arith.constant 0 : i32
      %dma_start3A_928 = tpu.memref_slice %arg18[%dma_start3A_926, %dma_start3A_927] : memref<32x129xf32, #tpu.memory_space<vmem>> -> memref<8x128xf32, #tpu.memory_space<vmem>>
      tpu.enqueue_dma source(%dma_start3A_928 : memref<8x128xf32, #tpu.memory_space<vmem>>) target(%dma_start3A_925 : memref<8x128xf32, #tpu.memory_space<hbm>>) target_semaphore(%arg25 : memref<!tpu.dma_semaphore, #tpu.memory_space<semaphore_mem>>)
      %dma_start3A_929 = arith.constant 3 : i32
      %dma_start3A_930 = arith.constant 24 : i32
      %dma_start3A_931 = arith.constant 0 : i32
      %dma_start3A_932 = tpu.memref_slice %arg18[%dma_start3A_930, %dma_start3A_931] : memref<32x129xf32, #tpu.memory_space<vmem>> -> memref<8x128xf32, #tpu.memory_space<vmem>>
      %dma_start3A_933 = arith.constant 0 : i32
      %dma_start3A_934 = arith.constant 0 : i32
      %dma_start3A_935 = tpu.memref_slice %arg5[%add3A_859, %dma_start3A_929, %add3A, %dma_start3A_933, %dma_start3A_934] : memref<200x4x32x8x128xf32, #tpu.memory_space<hbm>> -> memref<1x1x1x8x128xf32, #tpu.memory_space<hbm>>
      %dma_start3A_936 = tpu.memref_squeeze %dma_start3A_935 : memref<1x1x1x8x128xf32, #tpu.memory_space<hbm>> -> memref<8x128xf32, #tpu.memory_space<hbm>>
      %dma_start3A_937 = arith.constant 0 : i32
      %dma_start3A_938 = arith.constant 0 : i32
      %dma_start3A_939 = tpu.memref_slice %arg5[%add3A_859, %dma_start3A_929, %add3A, %dma_start3A_937, %dma_start3A_938] : memref<200x4x32x8x128xf32, #tpu.memory_space<hbm>> -> memref<1x1x1x8x128xf32, #tpu.memory_space<hbm>>
      %dma_start3A_940 = tpu.memref_squeeze %dma_start3A_939 : memref<1x1x1x8x128xf32, #tpu.memory_space<hbm>> -> memref<8x128xf32, #tpu.memory_space<hbm>>
      %dma_start3A_941 = arith.constant 24 : i32
      %dma_start3A_942 = arith.constant 0 : i32
      %dma_start3A_943 = tpu.memref_slice %arg18[%dma_start3A_941, %dma_start3A_942] : memref<32x129xf32, #tpu.memory_space<vmem>> -> memref<8x128xf32, #tpu.memory_space<vmem>>
      tpu.enqueue_dma source(%dma_start3A_943 : memref<8x128xf32, #tpu.memory_space<vmem>>) target(%dma_start3A_940 : memref<8x128xf32, #tpu.memory_space<hbm>>) target_semaphore(%arg25 : memref<!tpu.dma_semaphore, #tpu.memory_space<semaphore_mem>>)
      %add3A_944 = arith.constant 8 : i32
      %add3A_945 = arith.addi %add3A_859, %add3A_944 : i32
      %lt3A_946 = arith.constant 200 : i32
      %lt3A_947 = arith.cmpi slt, %add3A_945, %lt3A_946 : i32
      %convert_element_type3A_948 = arith.extui %lt3A_947 : i1 to i32
      %cond3A_949 = arith.constant 0 : i32
      %cond3A_950 = arith.cmpi ne, %convert_element_type3A_948, %cond3A_949 : i32
      scf.if %cond3A_950 {
        %add3A_1331 = arith.constant 8 : i32
        %add3A_1332 = arith.addi %add3A_859, %add3A_1331 : i32
        %dma_start3A_1333 = arith.constant 0 : i32
        %dma_start3A_1334 = tpu.memref_slice %arg6[%add3A_1332, %dma_start3A_1333] : memref<200x128xi32, #tpu.memory_space<vmem>> -> memref<1x128xi32, #tpu.memory_space<vmem>>
        %dma_start3A_1335 = tpu.memref_squeeze %dma_start3A_1334 : memref<1x128xi32, #tpu.memory_space<vmem>> -> memref<128xi32, #tpu.memory_space<vmem>>
        %dma_start3A_1336 = arith.constant 0 : i32
        %dma_start3A_1337 = arith.constant 0 : i32
        %dma_start3A_1338 = tpu.memref_slice %arg3[%dma_start3A_1336, %dma_start3A_1337] : memref<1000000x32xf32, #tpu.memory_space<hbm>> -> memref<1000000x32xf32, #tpu.memory_space<hbm>>
        tpu.enqueue_indirect_dma source(%dma_start3A_1338 : memref<1000000x32xf32, #tpu.memory_space<hbm>>) target(%arg10 : memref<128x32xf32, #tpu.memory_space<vmem>>) offsets(%dma_start3A_1335 : memref<128xi32, #tpu.memory_space<vmem>>) semaphore(%arg24 : memref<!tpu.dma_semaphore, #tpu.memory_space<semaphore_mem>>)
      } else {
      }
      %mul3A_951 = arith.constant 8 : i32
      %mul3A_952 = arith.muli %mul3A_951, %scan3A_576 : i32
      %add3A_953 = arith.constant 4 : i32
      %add3A_954 = arith.addi %mul3A_952, %add3A_953 : i32
      %dma_wait3A_955 = arith.constant 0 : i32
      %dma_wait3A_956 = tpu.memref_slice %arg6[%add3A_954, %dma_wait3A_955] : memref<200x128xi32, #tpu.memory_space<vmem>> -> memref<1x128xi32, #tpu.memory_space<vmem>>
      %dma_wait3A_957 = tpu.memref_squeeze %dma_wait3A_956 : memref<1x128xi32, #tpu.memory_space<vmem>> -> memref<128xi32, #tpu.memory_space<vmem>>
      %dma_wait3A_958 = arith.constant 0 : i32
      %dma_wait3A_959 = arith.constant 0 : i32
      %dma_wait3A_960 = tpu.memref_slice %arg3[%dma_wait3A_958, %dma_wait3A_959] : memref<1000000x32xf32, #tpu.memory_space<hbm>> -> memref<1000000x32xf32, #tpu.memory_space<hbm>>
      tpu.wait_indirect_dma semaphore(%arg24 : memref<!tpu.dma_semaphore, #tpu.memory_space<semaphore_mem>>) src(%dma_wait3A_960 : memref<1000000x32xf32, #tpu.memory_space<hbm>>) dst(%arg11 : memref<128x32xf32, #tpu.memory_space<vmem>>)
      %ge3A_961 = arith.constant 1 : i32
      %ge3A_962 = arith.cmpi sge, %scan3A_576, %ge3A_961 : i32
      %convert_element_type3A_963 = arith.extui %ge3A_962 : i1 to i32
      %cond3A_964 = arith.constant 0 : i32
      %cond3A_965 = arith.cmpi ne, %convert_element_type3A_963, %cond3A_964 : i32
      scf.if %cond3A_965 {
        %sub3A = arith.constant 8 : i32
        %sub3A_1331 = arith.subi %add3A_954, %sub3A : i32
        %dma_wait3A_1332 = arith.constant 0 : i32
        %dma_wait3A_1333 = arith.constant 0 : i32
        %dma_wait3A_1334 = arith.constant 0 : i32
        %dma_wait3A_1335 = tpu.memref_slice %arg19[%dma_wait3A_1333, %dma_wait3A_1334] : memref<32x129xf32, #tpu.memory_space<vmem>> -> memref<8x128xf32, #tpu.memory_space<vmem>>
        %dma_wait3A_1336 = arith.constant 0 : i32
        %dma_wait3A_1337 = arith.constant 0 : i32
        %dma_wait3A_1338 = tpu.memref_slice %arg5[%sub3A_1331, %dma_wait3A_1332, %add3A, %dma_wait3A_1336, %dma_wait3A_1337] : memref<200x4x32x8x128xf32, #tpu.memory_space<hbm>> -> memref<1x1x1x8x128xf32, #tpu.memory_space<hbm>>
        %dma_wait3A_1339 = tpu.memref_squeeze %dma_wait3A_1338 : memref<1x1x1x8x128xf32, #tpu.memory_space<hbm>> -> memref<8x128xf32, #tpu.memory_space<hbm>>
        %dma_wait3A_1340 = arith.constant 0 : i32
        %dma_wait3A_1341 = arith.constant 0 : i32
        %dma_wait3A_1342 = tpu.memref_slice %arg5[%sub3A_1331, %dma_wait3A_1332, %add3A, %dma_wait3A_1340, %dma_wait3A_1341] : memref<200x4x32x8x128xf32, #tpu.memory_space<hbm>> -> memref<1x1x1x8x128xf32, #tpu.memory_space<hbm>>
        %dma_wait3A_1343 = tpu.memref_squeeze %dma_wait3A_1342 : memref<1x1x1x8x128xf32, #tpu.memory_space<hbm>> -> memref<8x128xf32, #tpu.memory_space<hbm>>
        %dma_wait3A_1344 = arith.constant 0 : i32
        %dma_wait3A_1345 = arith.constant 0 : i32
        %dma_wait3A_1346 = tpu.memref_slice %arg19[%dma_wait3A_1344, %dma_wait3A_1345] : memref<32x129xf32, #tpu.memory_space<vmem>> -> memref<8x128xf32, #tpu.memory_space<vmem>>
        tpu.wait_dma2 semaphore(%arg25 : memref<!tpu.dma_semaphore, #tpu.memory_space<semaphore_mem>>) src(%dma_wait3A_1346 : memref<8x128xf32, #tpu.memory_space<vmem>>) dst(%dma_wait3A_1343 : memref<8x128xf32, #tpu.memory_space<hbm>>)
        %dma_wait3A_1347 = arith.constant 1 : i32
        %dma_wait3A_1348 = arith.constant 8 : i32
        %dma_wait3A_1349 = arith.constant 0 : i32
        %dma_wait3A_1350 = tpu.memref_slice %arg19[%dma_wait3A_1348, %dma_wait3A_1349] : memref<32x129xf32, #tpu.memory_space<vmem>> -> memref<8x128xf32, #tpu.memory_space<vmem>>
        %dma_wait3A_1351 = arith.constant 0 : i32
        %dma_wait3A_1352 = arith.constant 0 : i32
        %dma_wait3A_1353 = tpu.memref_slice %arg5[%sub3A_1331, %dma_wait3A_1347, %add3A, %dma_wait3A_1351, %dma_wait3A_1352] : memref<200x4x32x8x128xf32, #tpu.memory_space<hbm>> -> memref<1x1x1x8x128xf32, #tpu.memory_space<hbm>>
        %dma_wait3A_1354 = tpu.memref_squeeze %dma_wait3A_1353 : memref<1x1x1x8x128xf32, #tpu.memory_space<hbm>> -> memref<8x128xf32, #tpu.memory_space<hbm>>
        %dma_wait3A_1355 = arith.constant 0 : i32
        %dma_wait3A_1356 = arith.constant 0 : i32
        %dma_wait3A_1357 = tpu.memref_slice %arg5[%sub3A_1331, %dma_wait3A_1347, %add3A, %dma_wait3A_1355, %dma_wait3A_1356] : memref<200x4x32x8x128xf32, #tpu.memory_space<hbm>> -> memref<1x1x1x8x128xf32, #tpu.memory_space<hbm>>
        %dma_wait3A_1358 = tpu.memref_squeeze %dma_wait3A_1357 : memref<1x1x1x8x128xf32, #tpu.memory_space<hbm>> -> memref<8x128xf32, #tpu.memory_space<hbm>>
        %dma_wait3A_1359 = arith.constant 8 : i32
        %dma_wait3A_1360 = arith.constant 0 : i32
        %dma_wait3A_1361 = tpu.memref_slice %arg19[%dma_wait3A_1359, %dma_wait3A_1360] : memref<32x129xf32, #tpu.memory_space<vmem>> -> memref<8x128xf32, #tpu.memory_space<vmem>>
        tpu.wait_dma2 semaphore(%arg25 : memref<!tpu.dma_semaphore, #tpu.memory_space<semaphore_mem>>) src(%dma_wait3A_1361 : memref<8x128xf32, #tpu.memory_space<vmem>>) dst(%dma_wait3A_1358 : memref<8x128xf32, #tpu.memory_space<hbm>>)
        %dma_wait3A_1362 = arith.constant 2 : i32
        %dma_wait3A_1363 = arith.constant 16 : i32
        %dma_wait3A_1364 = arith.constant 0 : i32
        %dma_wait3A_1365 = tpu.memref_slice %arg19[%dma_wait3A_1363, %dma_wait3A_1364] : memref<32x129xf32, #tpu.memory_space<vmem>> -> memref<8x128xf32, #tpu.memory_space<vmem>>
        %dma_wait3A_1366 = arith.constant 0 : i32
        %dma_wait3A_1367 = arith.constant 0 : i32
        %dma_wait3A_1368 = tpu.memref_slice %arg5[%sub3A_1331, %dma_wait3A_1362, %add3A, %dma_wait3A_1366, %dma_wait3A_1367] : memref<200x4x32x8x128xf32, #tpu.memory_space<hbm>> -> memref<1x1x1x8x128xf32, #tpu.memory_space<hbm>>
        %dma_wait3A_1369 = tpu.memref_squeeze %dma_wait3A_1368 : memref<1x1x1x8x128xf32, #tpu.memory_space<hbm>> -> memref<8x128xf32, #tpu.memory_space<hbm>>
        %dma_wait3A_1370 = arith.constant 0 : i32
        %dma_wait3A_1371 = arith.constant 0 : i32
        %dma_wait3A_1372 = tpu.memref_slice %arg5[%sub3A_1331, %dma_wait3A_1362, %add3A, %dma_wait3A_1370, %dma_wait3A_1371] : memref<200x4x32x8x128xf32, #tpu.memory_space<hbm>> -> memref<1x1x1x8x128xf32, #tpu.memory_space<hbm>>
        %dma_wait3A_1373 = tpu.memref_squeeze %dma_wait3A_1372 : memref<1x1x1x8x128xf32, #tpu.memory_space<hbm>> -> memref<8x128xf32, #tpu.memory_space<hbm>>
        %dma_wait3A_1374 = arith.constant 16 : i32
        %dma_wait3A_1375 = arith.constant 0 : i32
        %dma_wait3A_1376 = tpu.memref_slice %arg19[%dma_wait3A_1374, %dma_wait3A_1375] : memref<32x129xf32, #tpu.memory_space<vmem>> -> memref<8x128xf32, #tpu.memory_space<vmem>>
        tpu.wait_dma2 semaphore(%arg25 : memref<!tpu.dma_semaphore, #tpu.memory_space<semaphore_mem>>) src(%dma_wait3A_1376 : memref<8x128xf32, #tpu.memory_space<vmem>>) dst(%dma_wait3A_1373 : memref<8x128xf32, #tpu.memory_space<hbm>>)
        %dma_wait3A_1377 = arith.constant 3 : i32
        %dma_wait3A_1378 = arith.constant 24 : i32
        %dma_wait3A_1379 = arith.constant 0 : i32
        %dma_wait3A_1380 = tpu.memref_slice %arg19[%dma_wait3A_1378, %dma_wait3A_1379] : memref<32x129xf32, #tpu.memory_space<vmem>> -> memref<8x128xf32, #tpu.memory_space<vmem>>
        %dma_wait3A_1381 = arith.constant 0 : i32
        %dma_wait3A_1382 = arith.constant 0 : i32
        %dma_wait3A_1383 = tpu.memref_slice %arg5[%sub3A_1331, %dma_wait3A_1377, %add3A, %dma_wait3A_1381, %dma_wait3A_1382] : memref<200x4x32x8x128xf32, #tpu.memory_space<hbm>> -> memref<1x1x1x8x128xf32, #tpu.memory_space<hbm>>
        %dma_wait3A_1384 = tpu.memref_squeeze %dma_wait3A_1383 : memref<1x1x1x8x128xf32, #tpu.memory_space<hbm>> -> memref<8x128xf32, #tpu.memory_space<hbm>>
        %dma_wait3A_1385 = arith.constant 0 : i32
        %dma_wait3A_1386 = arith.constant 0 : i32
        %dma_wait3A_1387 = tpu.memref_slice %arg5[%sub3A_1331, %dma_wait3A_1377, %add3A, %dma_wait3A_1385, %dma_wait3A_1386] : memref<200x4x32x8x128xf32, #tpu.memory_space<hbm>> -> memref<1x1x1x8x128xf32, #tpu.memory_space<hbm>>
        %dma_wait3A_1388 = tpu.memref_squeeze %dma_wait3A_1387 : memref<1x1x1x8x128xf32, #tpu.memory_space<hbm>> -> memref<8x128xf32, #tpu.memory_space<hbm>>
        %dma_wait3A_1389 = arith.constant 24 : i32
        %dma_wait3A_1390 = arith.constant 0 : i32
        %dma_wait3A_1391 = tpu.memref_slice %arg19[%dma_wait3A_1389, %dma_wait3A_1390] : memref<32x129xf32, #tpu.memory_space<vmem>> -> memref<8x128xf32, #tpu.memory_space<vmem>>
        tpu.wait_dma2 semaphore(%arg25 : memref<!tpu.dma_semaphore, #tpu.memory_space<semaphore_mem>>) src(%dma_wait3A_1391 : memref<8x128xf32, #tpu.memory_space<vmem>>) dst(%dma_wait3A_1388 : memref<8x128xf32, #tpu.memory_space<hbm>>)
      } else {
      }
      %get3A_966 = arith.index_cast %add3A_954 : i32 to index
      %get3A_967 = arith.constant 0 : index
      %get3A_968 = tpu.vector_load %arg23[%get3A_966, %get3A_967] {strides = array<i32>} : memref<200x32xf32, #tpu.memory_space<vmem>>, vector<16xf32>,
      %get3A_969 = arith.index_cast %add3A_954 : i32 to index
      %get3A_970 = arith.constant 16 : index
      %get3A_971 = tpu.vector_load %arg23[%get3A_969, %get3A_970] {strides = array<i32>} : memref<200x32xf32, #tpu.memory_space<vmem>>, vector<16xf32>,
      %mul3A_972 = arith.constant 0 : i32
      %mul3A_973 = vector.broadcast %mul3A_972 : i32 to vector<16xi32>
      %mul3A_974 = arith.muli %iota3A, %mul3A_973 : vector<16xi32>
      %parallel_loop3A_975 = arith.constant 0 : i32
      %parallel_loop3A_976 = arith.constant 128 : i32
      %parallel_loop3A_977 = arith.constant 1 : i32
      %parallel_loop3A_978 = scf.for %parallel_loop3A_1331 = %parallel_loop3A_975 to %parallel_loop3A_976 step %parallel_loop3A_977 iter_args(%parallel_loop3A_1332 = %mul3A_974) -> (vector<16xi32>)  : i32 {
        %parallel_loop3A_1333 = arith.index_cast %parallel_loop3A_1331 : i32 to index
        %parallel_loop3A_1334 = arith.constant 0 : index
        %parallel_loop3A_1335 = tpu.vector_load %arg11[%parallel_loop3A_1333, %parallel_loop3A_1334] {strides = array<i32>} : memref<128x32xf32, #tpu.memory_space<vmem>>, vector<16xf32>,
        %parallel_loop3A_1336 = arith.addf %parallel_loop3A_1335, %get3A_968 : vector<16xf32>
        %parallel_loop3A_1337 = arith.index_cast %parallel_loop3A_1331 : i32 to index
        %parallel_loop3A_1338 = arith.constant 16 : index
        %parallel_loop3A_1339 = tpu.vector_load %arg11[%parallel_loop3A_1337, %parallel_loop3A_1338] {strides = array<i32>} : memref<128x32xf32, #tpu.memory_space<vmem>>, vector<16xf32>,
        %parallel_loop3A_1340 = arith.addf %parallel_loop3A_1339, %get3A_971 : vector<16xf32>
        tpu.vector_store_idx %arg19[%iota3A, %parallel_loop3A_1332], %parallel_loop3A_1336 : memref<32x129xf32, #tpu.memory_space<vmem>>[vector<16xi32>, vector<16xi32>], vector<16xf32>,
        tpu.vector_store_idx %arg19[%add3A_3, %parallel_loop3A_1332], %parallel_loop3A_1340 : memref<32x129xf32, #tpu.memory_space<vmem>>[vector<16xi32>, vector<16xi32>], vector<16xf32>,
        %parallel_loop3A_1341 = arith.addi %parallel_loop3A_1332, %broadcast_in_dim3A_4 : vector<16xi32>
        scf.yield %parallel_loop3A_1341 : vector<16xi32>
      } {sc.loop_unroll_factor = 16 : i64, sc.parallel_access}
      %dma_start3A_979 = arith.constant 0 : i32
      %dma_start3A_980 = arith.constant 0 : i32
      %dma_start3A_981 = arith.constant 0 : i32
      %dma_start3A_982 = tpu.memref_slice %arg19[%dma_start3A_980, %dma_start3A_981] : memref<32x129xf32, #tpu.memory_space<vmem>> -> memref<8x128xf32, #tpu.memory_space<vmem>>
      %dma_start3A_983 = arith.constant 0 : i32
      %dma_start3A_984 = arith.constant 0 : i32
      %dma_start3A_985 = tpu.memref_slice %arg5[%add3A_954, %dma_start3A_979, %add3A, %dma_start3A_983, %dma_start3A_984] : memref<200x4x32x8x128xf32, #tpu.memory_space<hbm>> -> memref<1x1x1x8x128xf32, #tpu.memory_space<hbm>>
      %dma_start3A_986 = tpu.memref_squeeze %dma_start3A_985 : memref<1x1x1x8x128xf32, #tpu.memory_space<hbm>> -> memref<8x128xf32, #tpu.memory_space<hbm>>
      %dma_start3A_987 = arith.constant 0 : i32
      %dma_start3A_988 = arith.constant 0 : i32
      %dma_start3A_989 = tpu.memref_slice %arg5[%add3A_954, %dma_start3A_979, %add3A, %dma_start3A_987, %dma_start3A_988] : memref<200x4x32x8x128xf32, #tpu.memory_space<hbm>> -> memref<1x1x1x8x128xf32, #tpu.memory_space<hbm>>
      %dma_start3A_990 = tpu.memref_squeeze %dma_start3A_989 : memref<1x1x1x8x128xf32, #tpu.memory_space<hbm>> -> memref<8x128xf32, #tpu.memory_space<hbm>>
      %dma_start3A_991 = arith.constant 0 : i32
      %dma_start3A_992 = arith.constant 0 : i32
      %dma_start3A_993 = tpu.memref_slice %arg19[%dma_start3A_991, %dma_start3A_992] : memref<32x129xf32, #tpu.memory_space<vmem>> -> memref<8x128xf32, #tpu.memory_space<vmem>>
      tpu.enqueue_dma source(%dma_start3A_993 : memref<8x128xf32, #tpu.memory_space<vmem>>) target(%dma_start3A_990 : memref<8x128xf32, #tpu.memory_space<hbm>>) target_semaphore(%arg25 : memref<!tpu.dma_semaphore, #tpu.memory_space<semaphore_mem>>)
      %dma_start3A_994 = arith.constant 1 : i32
      %dma_start3A_995 = arith.constant 8 : i32
      %dma_start3A_996 = arith.constant 0 : i32
      %dma_start3A_997 = tpu.memref_slice %arg19[%dma_start3A_995, %dma_start3A_996] : memref<32x129xf32, #tpu.memory_space<vmem>> -> memref<8x128xf32, #tpu.memory_space<vmem>>
      %dma_start3A_998 = arith.constant 0 : i32
      %dma_start3A_999 = arith.constant 0 : i32
      %dma_start3A_1000 = tpu.memref_slice %arg5[%add3A_954, %dma_start3A_994, %add3A, %dma_start3A_998, %dma_start3A_999] : memref<200x4x32x8x128xf32, #tpu.memory_space<hbm>> -> memref<1x1x1x8x128xf32, #tpu.memory_space<hbm>>
      %dma_start3A_1001 = tpu.memref_squeeze %dma_start3A_1000 : memref<1x1x1x8x128xf32, #tpu.memory_space<hbm>> -> memref<8x128xf32, #tpu.memory_space<hbm>>
      %dma_start3A_1002 = arith.constant 0 : i32
      %dma_start3A_1003 = arith.constant 0 : i32
      %dma_start3A_1004 = tpu.memref_slice %arg5[%add3A_954, %dma_start3A_994, %add3A, %dma_start3A_1002, %dma_start3A_1003] : memref<200x4x32x8x128xf32, #tpu.memory_space<hbm>> -> memref<1x1x1x8x128xf32, #tpu.memory_space<hbm>>
      %dma_start3A_1005 = tpu.memref_squeeze %dma_start3A_1004 : memref<1x1x1x8x128xf32, #tpu.memory_space<hbm>> -> memref<8x128xf32, #tpu.memory_space<hbm>>
      %dma_start3A_1006 = arith.constant 8 : i32
      %dma_start3A_1007 = arith.constant 0 : i32
      %dma_start3A_1008 = tpu.memref_slice %arg19[%dma_start3A_1006, %dma_start3A_1007] : memref<32x129xf32, #tpu.memory_space<vmem>> -> memref<8x128xf32, #tpu.memory_space<vmem>>
      tpu.enqueue_dma source(%dma_start3A_1008 : memref<8x128xf32, #tpu.memory_space<vmem>>) target(%dma_start3A_1005 : memref<8x128xf32, #tpu.memory_space<hbm>>) target_semaphore(%arg25 : memref<!tpu.dma_semaphore, #tpu.memory_space<semaphore_mem>>)
      %dma_start3A_1009 = arith.constant 2 : i32
      %dma_start3A_1010 = arith.constant 16 : i32
      %dma_start3A_1011 = arith.constant 0 : i32
      %dma_start3A_1012 = tpu.memref_slice %arg19[%dma_start3A_1010, %dma_start3A_1011] : memref<32x129xf32, #tpu.memory_space<vmem>> -> memref<8x128xf32, #tpu.memory_space<vmem>>
      %dma_start3A_1013 = arith.constant 0 : i32
      %dma_start3A_1014 = arith.constant 0 : i32
      %dma_start3A_1015 = tpu.memref_slice %arg5[%add3A_954, %dma_start3A_1009, %add3A, %dma_start3A_1013, %dma_start3A_1014] : memref<200x4x32x8x128xf32, #tpu.memory_space<hbm>> -> memref<1x1x1x8x128xf32, #tpu.memory_space<hbm>>
      %dma_start3A_1016 = tpu.memref_squeeze %dma_start3A_1015 : memref<1x1x1x8x128xf32, #tpu.memory_space<hbm>> -> memref<8x128xf32, #tpu.memory_space<hbm>>
      %dma_start3A_1017 = arith.constant 0 : i32
      %dma_start3A_1018 = arith.constant 0 : i32
      %dma_start3A_1019 = tpu.memref_slice %arg5[%add3A_954, %dma_start3A_1009, %add3A, %dma_start3A_1017, %dma_start3A_1018] : memref<200x4x32x8x128xf32, #tpu.memory_space<hbm>> -> memref<1x1x1x8x128xf32, #tpu.memory_space<hbm>>
      %dma_start3A_1020 = tpu.memref_squeeze %dma_start3A_1019 : memref<1x1x1x8x128xf32, #tpu.memory_space<hbm>> -> memref<8x128xf32, #tpu.memory_space<hbm>>
      %dma_start3A_1021 = arith.constant 16 : i32
      %dma_start3A_1022 = arith.constant 0 : i32
      %dma_start3A_1023 = tpu.memref_slice %arg19[%dma_start3A_1021, %dma_start3A_1022] : memref<32x129xf32, #tpu.memory_space<vmem>> -> memref<8x128xf32, #tpu.memory_space<vmem>>
      tpu.enqueue_dma source(%dma_start3A_1023 : memref<8x128xf32, #tpu.memory_space<vmem>>) target(%dma_start3A_1020 : memref<8x128xf32, #tpu.memory_space<hbm>>) target_semaphore(%arg25 : memref<!tpu.dma_semaphore, #tpu.memory_space<semaphore_mem>>)
      %dma_start3A_1024 = arith.constant 3 : i32
      %dma_start3A_1025 = arith.constant 24 : i32
      %dma_start3A_1026 = arith.constant 0 : i32
      %dma_start3A_1027 = tpu.memref_slice %arg19[%dma_start3A_1025, %dma_start3A_1026] : memref<32x129xf32, #tpu.memory_space<vmem>> -> memref<8x128xf32, #tpu.memory_space<vmem>>
      %dma_start3A_1028 = arith.constant 0 : i32
      %dma_start3A_1029 = arith.constant 0 : i32
      %dma_start3A_1030 = tpu.memref_slice %arg5[%add3A_954, %dma_start3A_1024, %add3A, %dma_start3A_1028, %dma_start3A_1029] : memref<200x4x32x8x128xf32, #tpu.memory_space<hbm>> -> memref<1x1x1x8x128xf32, #tpu.memory_space<hbm>>
      %dma_start3A_1031 = tpu.memref_squeeze %dma_start3A_1030 : memref<1x1x1x8x128xf32, #tpu.memory_space<hbm>> -> memref<8x128xf32, #tpu.memory_space<hbm>>
      %dma_start3A_1032 = arith.constant 0 : i32
      %dma_start3A_1033 = arith.constant 0 : i32
      %dma_start3A_1034 = tpu.memref_slice %arg5[%add3A_954, %dma_start3A_1024, %add3A, %dma_start3A_1032, %dma_start3A_1033] : memref<200x4x32x8x128xf32, #tpu.memory_space<hbm>> -> memref<1x1x1x8x128xf32, #tpu.memory_space<hbm>>
      %dma_start3A_1035 = tpu.memref_squeeze %dma_start3A_1034 : memref<1x1x1x8x128xf32, #tpu.memory_space<hbm>> -> memref<8x128xf32, #tpu.memory_space<hbm>>
      %dma_start3A_1036 = arith.constant 24 : i32
      %dma_start3A_1037 = arith.constant 0 : i32
      %dma_start3A_1038 = tpu.memref_slice %arg19[%dma_start3A_1036, %dma_start3A_1037] : memref<32x129xf32, #tpu.memory_space<vmem>> -> memref<8x128xf32, #tpu.memory_space<vmem>>
      tpu.enqueue_dma source(%dma_start3A_1038 : memref<8x128xf32, #tpu.memory_space<vmem>>) target(%dma_start3A_1035 : memref<8x128xf32, #tpu.memory_space<hbm>>) target_semaphore(%arg25 : memref<!tpu.dma_semaphore, #tpu.memory_space<semaphore_mem>>)
      %add3A_1039 = arith.constant 8 : i32
      %add3A_1040 = arith.addi %add3A_954, %add3A_1039 : i32
      %lt3A_1041 = arith.constant 200 : i32
      %lt3A_1042 = arith.cmpi slt, %add3A_1040, %lt3A_1041 : i32
      %convert_element_type3A_1043 = arith.extui %lt3A_1042 : i1 to i32
      %cond3A_1044 = arith.constant 0 : i32
      %cond3A_1045 = arith.cmpi ne, %convert_element_type3A_1043, %cond3A_1044 : i32
      scf.if %cond3A_1045 {
        %add3A_1331 = arith.constant 8 : i32
        %add3A_1332 = arith.addi %add3A_954, %add3A_1331 : i32
        %dma_start3A_1333 = arith.constant 0 : i32
        %dma_start3A_1334 = tpu.memref_slice %arg6[%add3A_1332, %dma_start3A_1333] : memref<200x128xi32, #tpu.memory_space<vmem>> -> memref<1x128xi32, #tpu.memory_space<vmem>>
        %dma_start3A_1335 = tpu.memref_squeeze %dma_start3A_1334 : memref<1x128xi32, #tpu.memory_space<vmem>> -> memref<128xi32, #tpu.memory_space<vmem>>
        %dma_start3A_1336 = arith.constant 0 : i32
        %dma_start3A_1337 = arith.constant 0 : i32
        %dma_start3A_1338 = tpu.memref_slice %arg3[%dma_start3A_1336, %dma_start3A_1337] : memref<1000000x32xf32, #tpu.memory_space<hbm>> -> memref<1000000x32xf32, #tpu.memory_space<hbm>>
        tpu.enqueue_indirect_dma source(%dma_start3A_1338 : memref<1000000x32xf32, #tpu.memory_space<hbm>>) target(%arg11 : memref<128x32xf32, #tpu.memory_space<vmem>>) offsets(%dma_start3A_1335 : memref<128xi32, #tpu.memory_space<vmem>>) semaphore(%arg24 : memref<!tpu.dma_semaphore, #tpu.memory_space<semaphore_mem>>)
      } else {
      }
      %mul3A_1046 = arith.constant 8 : i32
      %mul3A_1047 = arith.muli %mul3A_1046, %scan3A_576 : i32
      %add3A_1048 = arith.constant 5 : i32
      %add3A_1049 = arith.addi %mul3A_1047, %add3A_1048 : i32
      %dma_wait3A_1050 = arith.constant 0 : i32
      %dma_wait3A_1051 = tpu.memref_slice %arg6[%add3A_1049, %dma_wait3A_1050] : memref<200x128xi32, #tpu.memory_space<vmem>> -> memref<1x128xi32, #tpu.memory_space<vmem>>
      %dma_wait3A_1052 = tpu.memref_squeeze %dma_wait3A_1051 : memref<1x128xi32, #tpu.memory_space<vmem>> -> memref<128xi32, #tpu.memory_space<vmem>>
      %dma_wait3A_1053 = arith.constant 0 : i32
      %dma_wait3A_1054 = arith.constant 0 : i32
      %dma_wait3A_1055 = tpu.memref_slice %arg3[%dma_wait3A_1053, %dma_wait3A_1054] : memref<1000000x32xf32, #tpu.memory_space<hbm>> -> memref<1000000x32xf32, #tpu.memory_space<hbm>>
      tpu.wait_indirect_dma semaphore(%arg24 : memref<!tpu.dma_semaphore, #tpu.memory_space<semaphore_mem>>) src(%dma_wait3A_1055 : memref<1000000x32xf32, #tpu.memory_space<hbm>>) dst(%arg12 : memref<128x32xf32, #tpu.memory_space<vmem>>)
      %ge3A_1056 = arith.constant 1 : i32
      %ge3A_1057 = arith.cmpi sge, %scan3A_576, %ge3A_1056 : i32
      %convert_element_type3A_1058 = arith.extui %ge3A_1057 : i1 to i32
      %cond3A_1059 = arith.constant 0 : i32
      %cond3A_1060 = arith.cmpi ne, %convert_element_type3A_1058, %cond3A_1059 : i32
      scf.if %cond3A_1060 {
        %sub3A = arith.constant 8 : i32
        %sub3A_1331 = arith.subi %add3A_1049, %sub3A : i32
        %dma_wait3A_1332 = arith.constant 0 : i32
        %dma_wait3A_1333 = arith.constant 0 : i32
        %dma_wait3A_1334 = arith.constant 0 : i32
        %dma_wait3A_1335 = tpu.memref_slice %arg20[%dma_wait3A_1333, %dma_wait3A_1334] : memref<32x129xf32, #tpu.memory_space<vmem>> -> memref<8x128xf32, #tpu.memory_space<vmem>>
        %dma_wait3A_1336 = arith.constant 0 : i32
        %dma_wait3A_1337 = arith.constant 0 : i32
        %dma_wait3A_1338 = tpu.memref_slice %arg5[%sub3A_1331, %dma_wait3A_1332, %add3A, %dma_wait3A_1336, %dma_wait3A_1337] : memref<200x4x32x8x128xf32, #tpu.memory_space<hbm>> -> memref<1x1x1x8x128xf32, #tpu.memory_space<hbm>>
        %dma_wait3A_1339 = tpu.memref_squeeze %dma_wait3A_1338 : memref<1x1x1x8x128xf32, #tpu.memory_space<hbm>> -> memref<8x128xf32, #tpu.memory_space<hbm>>
        %dma_wait3A_1340 = arith.constant 0 : i32
        %dma_wait3A_1341 = arith.constant 0 : i32
        %dma_wait3A_1342 = tpu.memref_slice %arg5[%sub3A_1331, %dma_wait3A_1332, %add3A, %dma_wait3A_1340, %dma_wait3A_1341] : memref<200x4x32x8x128xf32, #tpu.memory_space<hbm>> -> memref<1x1x1x8x128xf32, #tpu.memory_space<hbm>>
        %dma_wait3A_1343 = tpu.memref_squeeze %dma_wait3A_1342 : memref<1x1x1x8x128xf32, #tpu.memory_space<hbm>> -> memref<8x128xf32, #tpu.memory_space<hbm>>
        %dma_wait3A_1344 = arith.constant 0 : i32
        %dma_wait3A_1345 = arith.constant 0 : i32
        %dma_wait3A_1346 = tpu.memref_slice %arg20[%dma_wait3A_1344, %dma_wait3A_1345] : memref<32x129xf32, #tpu.memory_space<vmem>> -> memref<8x128xf32, #tpu.memory_space<vmem>>
        tpu.wait_dma2 semaphore(%arg25 : memref<!tpu.dma_semaphore, #tpu.memory_space<semaphore_mem>>) src(%dma_wait3A_1346 : memref<8x128xf32, #tpu.memory_space<vmem>>) dst(%dma_wait3A_1343 : memref<8x128xf32, #tpu.memory_space<hbm>>)
        %dma_wait3A_1347 = arith.constant 1 : i32
        %dma_wait3A_1348 = arith.constant 8 : i32
        %dma_wait3A_1349 = arith.constant 0 : i32
        %dma_wait3A_1350 = tpu.memref_slice %arg20[%dma_wait3A_1348, %dma_wait3A_1349] : memref<32x129xf32, #tpu.memory_space<vmem>> -> memref<8x128xf32, #tpu.memory_space<vmem>>
        %dma_wait3A_1351 = arith.constant 0 : i32
        %dma_wait3A_1352 = arith.constant 0 : i32
        %dma_wait3A_1353 = tpu.memref_slice %arg5[%sub3A_1331, %dma_wait3A_1347, %add3A, %dma_wait3A_1351, %dma_wait3A_1352] : memref<200x4x32x8x128xf32, #tpu.memory_space<hbm>> -> memref<1x1x1x8x128xf32, #tpu.memory_space<hbm>>
        %dma_wait3A_1354 = tpu.memref_squeeze %dma_wait3A_1353 : memref<1x1x1x8x128xf32, #tpu.memory_space<hbm>> -> memref<8x128xf32, #tpu.memory_space<hbm>>
        %dma_wait3A_1355 = arith.constant 0 : i32
        %dma_wait3A_1356 = arith.constant 0 : i32
        %dma_wait3A_1357 = tpu.memref_slice %arg5[%sub3A_1331, %dma_wait3A_1347, %add3A, %dma_wait3A_1355, %dma_wait3A_1356] : memref<200x4x32x8x128xf32, #tpu.memory_space<hbm>> -> memref<1x1x1x8x128xf32, #tpu.memory_space<hbm>>
        %dma_wait3A_1358 = tpu.memref_squeeze %dma_wait3A_1357 : memref<1x1x1x8x128xf32, #tpu.memory_space<hbm>> -> memref<8x128xf32, #tpu.memory_space<hbm>>
        %dma_wait3A_1359 = arith.constant 8 : i32
        %dma_wait3A_1360 = arith.constant 0 : i32
        %dma_wait3A_1361 = tpu.memref_slice %arg20[%dma_wait3A_1359, %dma_wait3A_1360] : memref<32x129xf32, #tpu.memory_space<vmem>> -> memref<8x128xf32, #tpu.memory_space<vmem>>
        tpu.wait_dma2 semaphore(%arg25 : memref<!tpu.dma_semaphore, #tpu.memory_space<semaphore_mem>>) src(%dma_wait3A_1361 : memref<8x128xf32, #tpu.memory_space<vmem>>) dst(%dma_wait3A_1358 : memref<8x128xf32, #tpu.memory_space<hbm>>)
        %dma_wait3A_1362 = arith.constant 2 : i32
        %dma_wait3A_1363 = arith.constant 16 : i32
        %dma_wait3A_1364 = arith.constant 0 : i32
        %dma_wait3A_1365 = tpu.memref_slice %arg20[%dma_wait3A_1363, %dma_wait3A_1364] : memref<32x129xf32, #tpu.memory_space<vmem>> -> memref<8x128xf32, #tpu.memory_space<vmem>>
        %dma_wait3A_1366 = arith.constant 0 : i32
        %dma_wait3A_1367 = arith.constant 0 : i32
        %dma_wait3A_1368 = tpu.memref_slice %arg5[%sub3A_1331, %dma_wait3A_1362, %add3A, %dma_wait3A_1366, %dma_wait3A_1367] : memref<200x4x32x8x128xf32, #tpu.memory_space<hbm>> -> memref<1x1x1x8x128xf32, #tpu.memory_space<hbm>>
        %dma_wait3A_1369 = tpu.memref_squeeze %dma_wait3A_1368 : memref<1x1x1x8x128xf32, #tpu.memory_space<hbm>> -> memref<8x128xf32, #tpu.memory_space<hbm>>
        %dma_wait3A_1370 = arith.constant 0 : i32
        %dma_wait3A_1371 = arith.constant 0 : i32
        %dma_wait3A_1372 = tpu.memref_slice %arg5[%sub3A_1331, %dma_wait3A_1362, %add3A, %dma_wait3A_1370, %dma_wait3A_1371] : memref<200x4x32x8x128xf32, #tpu.memory_space<hbm>> -> memref<1x1x1x8x128xf32, #tpu.memory_space<hbm>>
        %dma_wait3A_1373 = tpu.memref_squeeze %dma_wait3A_1372 : memref<1x1x1x8x128xf32, #tpu.memory_space<hbm>> -> memref<8x128xf32, #tpu.memory_space<hbm>>
        %dma_wait3A_1374 = arith.constant 16 : i32
        %dma_wait3A_1375 = arith.constant 0 : i32
        %dma_wait3A_1376 = tpu.memref_slice %arg20[%dma_wait3A_1374, %dma_wait3A_1375] : memref<32x129xf32, #tpu.memory_space<vmem>> -> memref<8x128xf32, #tpu.memory_space<vmem>>
        tpu.wait_dma2 semaphore(%arg25 : memref<!tpu.dma_semaphore, #tpu.memory_space<semaphore_mem>>) src(%dma_wait3A_1376 : memref<8x128xf32, #tpu.memory_space<vmem>>) dst(%dma_wait3A_1373 : memref<8x128xf32, #tpu.memory_space<hbm>>)
        %dma_wait3A_1377 = arith.constant 3 : i32
        %dma_wait3A_1378 = arith.constant 24 : i32
        %dma_wait3A_1379 = arith.constant 0 : i32
        %dma_wait3A_1380 = tpu.memref_slice %arg20[%dma_wait3A_1378, %dma_wait3A_1379] : memref<32x129xf32, #tpu.memory_space<vmem>> -> memref<8x128xf32, #tpu.memory_space<vmem>>
        %dma_wait3A_1381 = arith.constant 0 : i32
        %dma_wait3A_1382 = arith.constant 0 : i32
        %dma_wait3A_1383 = tpu.memref_slice %arg5[%sub3A_1331, %dma_wait3A_1377, %add3A, %dma_wait3A_1381, %dma_wait3A_1382] : memref<200x4x32x8x128xf32, #tpu.memory_space<hbm>> -> memref<1x1x1x8x128xf32, #tpu.memory_space<hbm>>
        %dma_wait3A_1384 = tpu.memref_squeeze %dma_wait3A_1383 : memref<1x1x1x8x128xf32, #tpu.memory_space<hbm>> -> memref<8x128xf32, #tpu.memory_space<hbm>>
        %dma_wait3A_1385 = arith.constant 0 : i32
        %dma_wait3A_1386 = arith.constant 0 : i32
        %dma_wait3A_1387 = tpu.memref_slice %arg5[%sub3A_1331, %dma_wait3A_1377, %add3A, %dma_wait3A_1385, %dma_wait3A_1386] : memref<200x4x32x8x128xf32, #tpu.memory_space<hbm>> -> memref<1x1x1x8x128xf32, #tpu.memory_space<hbm>>
        %dma_wait3A_1388 = tpu.memref_squeeze %dma_wait3A_1387 : memref<1x1x1x8x128xf32, #tpu.memory_space<hbm>> -> memref<8x128xf32, #tpu.memory_space<hbm>>
        %dma_wait3A_1389 = arith.constant 24 : i32
        %dma_wait3A_1390 = arith.constant 0 : i32
        %dma_wait3A_1391 = tpu.memref_slice %arg20[%dma_wait3A_1389, %dma_wait3A_1390] : memref<32x129xf32, #tpu.memory_space<vmem>> -> memref<8x128xf32, #tpu.memory_space<vmem>>
        tpu.wait_dma2 semaphore(%arg25 : memref<!tpu.dma_semaphore, #tpu.memory_space<semaphore_mem>>) src(%dma_wait3A_1391 : memref<8x128xf32, #tpu.memory_space<vmem>>) dst(%dma_wait3A_1388 : memref<8x128xf32, #tpu.memory_space<hbm>>)
      } else {
      }
      %get3A_1061 = arith.index_cast %add3A_1049 : i32 to index
      %get3A_1062 = arith.constant 0 : index
      %get3A_1063 = tpu.vector_load %arg23[%get3A_1061, %get3A_1062] {strides = array<i32>} : memref<200x32xf32, #tpu.memory_space<vmem>>, vector<16xf32>,
      %get3A_1064 = arith.index_cast %add3A_1049 : i32 to index
      %get3A_1065 = arith.constant 16 : index
      %get3A_1066 = tpu.vector_load %arg23[%get3A_1064, %get3A_1065] {strides = array<i32>} : memref<200x32xf32, #tpu.memory_space<vmem>>, vector<16xf32>,
      %mul3A_1067 = arith.constant 0 : i32
      %mul3A_1068 = vector.broadcast %mul3A_1067 : i32 to vector<16xi32>
      %mul3A_1069 = arith.muli %iota3A, %mul3A_1068 : vector<16xi32>
      %parallel_loop3A_1070 = arith.constant 0 : i32
      %parallel_loop3A_1071 = arith.constant 128 : i32
      %parallel_loop3A_1072 = arith.constant 1 : i32
      %parallel_loop3A_1073 = scf.for %parallel_loop3A_1331 = %parallel_loop3A_1070 to %parallel_loop3A_1071 step %parallel_loop3A_1072 iter_args(%parallel_loop3A_1332 = %mul3A_1069) -> (vector<16xi32>)  : i32 {
        %parallel_loop3A_1333 = arith.index_cast %parallel_loop3A_1331 : i32 to index
        %parallel_loop3A_1334 = arith.constant 0 : index
        %parallel_loop3A_1335 = tpu.vector_load %arg12[%parallel_loop3A_1333, %parallel_loop3A_1334] {strides = array<i32>} : memref<128x32xf32, #tpu.memory_space<vmem>>, vector<16xf32>,
        %parallel_loop3A_1336 = arith.addf %parallel_loop3A_1335, %get3A_1063 : vector<16xf32>
        %parallel_loop3A_1337 = arith.index_cast %parallel_loop3A_1331 : i32 to index
        %parallel_loop3A_1338 = arith.constant 16 : index
        %parallel_loop3A_1339 = tpu.vector_load %arg12[%parallel_loop3A_1337, %parallel_loop3A_1338] {strides = array<i32>} : memref<128x32xf32, #tpu.memory_space<vmem>>, vector<16xf32>,
        %parallel_loop3A_1340 = arith.addf %parallel_loop3A_1339, %get3A_1066 : vector<16xf32>
        tpu.vector_store_idx %arg20[%iota3A, %parallel_loop3A_1332], %parallel_loop3A_1336 : memref<32x129xf32, #tpu.memory_space<vmem>>[vector<16xi32>, vector<16xi32>], vector<16xf32>,
        tpu.vector_store_idx %arg20[%add3A_3, %parallel_loop3A_1332], %parallel_loop3A_1340 : memref<32x129xf32, #tpu.memory_space<vmem>>[vector<16xi32>, vector<16xi32>], vector<16xf32>,
        %parallel_loop3A_1341 = arith.addi %parallel_loop3A_1332, %broadcast_in_dim3A_4 : vector<16xi32>
        scf.yield %parallel_loop3A_1341 : vector<16xi32>
      } {sc.loop_unroll_factor = 16 : i64, sc.parallel_access}
      %dma_start3A_1074 = arith.constant 0 : i32
      %dma_start3A_1075 = arith.constant 0 : i32
      %dma_start3A_1076 = arith.constant 0 : i32
      %dma_start3A_1077 = tpu.memref_slice %arg20[%dma_start3A_1075, %dma_start3A_1076] : memref<32x129xf32, #tpu.memory_space<vmem>> -> memref<8x128xf32, #tpu.memory_space<vmem>>
      %dma_start3A_1078 = arith.constant 0 : i32
      %dma_start3A_1079 = arith.constant 0 : i32
      %dma_start3A_1080 = tpu.memref_slice %arg5[%add3A_1049, %dma_start3A_1074, %add3A, %dma_start3A_1078, %dma_start3A_1079] : memref<200x4x32x8x128xf32, #tpu.memory_space<hbm>> -> memref<1x1x1x8x128xf32, #tpu.memory_space<hbm>>
      %dma_start3A_1081 = tpu.memref_squeeze %dma_start3A_1080 : memref<1x1x1x8x128xf32, #tpu.memory_space<hbm>> -> memref<8x128xf32, #tpu.memory_space<hbm>>
      %dma_start3A_1082 = arith.constant 0 : i32
      %dma_start3A_1083 = arith.constant 0 : i32
      %dma_start3A_1084 = tpu.memref_slice %arg5[%add3A_1049, %dma_start3A_1074, %add3A, %dma_start3A_1082, %dma_start3A_1083] : memref<200x4x32x8x128xf32, #tpu.memory_space<hbm>> -> memref<1x1x1x8x128xf32, #tpu.memory_space<hbm>>
      %dma_start3A_1085 = tpu.memref_squeeze %dma_start3A_1084 : memref<1x1x1x8x128xf32, #tpu.memory_space<hbm>> -> memref<8x128xf32, #tpu.memory_space<hbm>>
      %dma_start3A_1086 = arith.constant 0 : i32
      %dma_start3A_1087 = arith.constant 0 : i32
      %dma_start3A_1088 = tpu.memref_slice %arg20[%dma_start3A_1086, %dma_start3A_1087] : memref<32x129xf32, #tpu.memory_space<vmem>> -> memref<8x128xf32, #tpu.memory_space<vmem>>
      tpu.enqueue_dma source(%dma_start3A_1088 : memref<8x128xf32, #tpu.memory_space<vmem>>) target(%dma_start3A_1085 : memref<8x128xf32, #tpu.memory_space<hbm>>) target_semaphore(%arg25 : memref<!tpu.dma_semaphore, #tpu.memory_space<semaphore_mem>>)
      %dma_start3A_1089 = arith.constant 1 : i32
      %dma_start3A_1090 = arith.constant 8 : i32
      %dma_start3A_1091 = arith.constant 0 : i32
      %dma_start3A_1092 = tpu.memref_slice %arg20[%dma_start3A_1090, %dma_start3A_1091] : memref<32x129xf32, #tpu.memory_space<vmem>> -> memref<8x128xf32, #tpu.memory_space<vmem>>
      %dma_start3A_1093 = arith.constant 0 : i32
      %dma_start3A_1094 = arith.constant 0 : i32
      %dma_start3A_1095 = tpu.memref_slice %arg5[%add3A_1049, %dma_start3A_1089, %add3A, %dma_start3A_1093, %dma_start3A_1094] : memref<200x4x32x8x128xf32, #tpu.memory_space<hbm>> -> memref<1x1x1x8x128xf32, #tpu.memory_space<hbm>>
      %dma_start3A_1096 = tpu.memref_squeeze %dma_start3A_1095 : memref<1x1x1x8x128xf32, #tpu.memory_space<hbm>> -> memref<8x128xf32, #tpu.memory_space<hbm>>
      %dma_start3A_1097 = arith.constant 0 : i32
      %dma_start3A_1098 = arith.constant 0 : i32
      %dma_start3A_1099 = tpu.memref_slice %arg5[%add3A_1049, %dma_start3A_1089, %add3A, %dma_start3A_1097, %dma_start3A_1098] : memref<200x4x32x8x128xf32, #tpu.memory_space<hbm>> -> memref<1x1x1x8x128xf32, #tpu.memory_space<hbm>>
      %dma_start3A_1100 = tpu.memref_squeeze %dma_start3A_1099 : memref<1x1x1x8x128xf32, #tpu.memory_space<hbm>> -> memref<8x128xf32, #tpu.memory_space<hbm>>
      %dma_start3A_1101 = arith.constant 8 : i32
      %dma_start3A_1102 = arith.constant 0 : i32
      %dma_start3A_1103 = tpu.memref_slice %arg20[%dma_start3A_1101, %dma_start3A_1102] : memref<32x129xf32, #tpu.memory_space<vmem>> -> memref<8x128xf32, #tpu.memory_space<vmem>>
      tpu.enqueue_dma source(%dma_start3A_1103 : memref<8x128xf32, #tpu.memory_space<vmem>>) target(%dma_start3A_1100 : memref<8x128xf32, #tpu.memory_space<hbm>>) target_semaphore(%arg25 : memref<!tpu.dma_semaphore, #tpu.memory_space<semaphore_mem>>)
      %dma_start3A_1104 = arith.constant 2 : i32
      %dma_start3A_1105 = arith.constant 16 : i32
      %dma_start3A_1106 = arith.constant 0 : i32
      %dma_start3A_1107 = tpu.memref_slice %arg20[%dma_start3A_1105, %dma_start3A_1106] : memref<32x129xf32, #tpu.memory_space<vmem>> -> memref<8x128xf32, #tpu.memory_space<vmem>>
      %dma_start3A_1108 = arith.constant 0 : i32
      %dma_start3A_1109 = arith.constant 0 : i32
      %dma_start3A_1110 = tpu.memref_slice %arg5[%add3A_1049, %dma_start3A_1104, %add3A, %dma_start3A_1108, %dma_start3A_1109] : memref<200x4x32x8x128xf32, #tpu.memory_space<hbm>> -> memref<1x1x1x8x128xf32, #tpu.memory_space<hbm>>
      %dma_start3A_1111 = tpu.memref_squeeze %dma_start3A_1110 : memref<1x1x1x8x128xf32, #tpu.memory_space<hbm>> -> memref<8x128xf32, #tpu.memory_space<hbm>>
      %dma_start3A_1112 = arith.constant 0 : i32
      %dma_start3A_1113 = arith.constant 0 : i32
      %dma_start3A_1114 = tpu.memref_slice %arg5[%add3A_1049, %dma_start3A_1104, %add3A, %dma_start3A_1112, %dma_start3A_1113] : memref<200x4x32x8x128xf32, #tpu.memory_space<hbm>> -> memref<1x1x1x8x128xf32, #tpu.memory_space<hbm>>
      %dma_start3A_1115 = tpu.memref_squeeze %dma_start3A_1114 : memref<1x1x1x8x128xf32, #tpu.memory_space<hbm>> -> memref<8x128xf32, #tpu.memory_space<hbm>>
      %dma_start3A_1116 = arith.constant 16 : i32
      %dma_start3A_1117 = arith.constant 0 : i32
      %dma_start3A_1118 = tpu.memref_slice %arg20[%dma_start3A_1116, %dma_start3A_1117] : memref<32x129xf32, #tpu.memory_space<vmem>> -> memref<8x128xf32, #tpu.memory_space<vmem>>
      tpu.enqueue_dma source(%dma_start3A_1118 : memref<8x128xf32, #tpu.memory_space<vmem>>) target(%dma_start3A_1115 : memref<8x128xf32, #tpu.memory_space<hbm>>) target_semaphore(%arg25 : memref<!tpu.dma_semaphore, #tpu.memory_space<semaphore_mem>>)
      %dma_start3A_1119 = arith.constant 3 : i32
      %dma_start3A_1120 = arith.constant 24 : i32
      %dma_start3A_1121 = arith.constant 0 : i32
      %dma_start3A_1122 = tpu.memref_slice %arg20[%dma_start3A_1120, %dma_start3A_1121] : memref<32x129xf32, #tpu.memory_space<vmem>> -> memref<8x128xf32, #tpu.memory_space<vmem>>
      %dma_start3A_1123 = arith.constant 0 : i32
      %dma_start3A_1124 = arith.constant 0 : i32
      %dma_start3A_1125 = tpu.memref_slice %arg5[%add3A_1049, %dma_start3A_1119, %add3A, %dma_start3A_1123, %dma_start3A_1124] : memref<200x4x32x8x128xf32, #tpu.memory_space<hbm>> -> memref<1x1x1x8x128xf32, #tpu.memory_space<hbm>>
      %dma_start3A_1126 = tpu.memref_squeeze %dma_start3A_1125 : memref<1x1x1x8x128xf32, #tpu.memory_space<hbm>> -> memref<8x128xf32, #tpu.memory_space<hbm>>
      %dma_start3A_1127 = arith.constant 0 : i32
      %dma_start3A_1128 = arith.constant 0 : i32
      %dma_start3A_1129 = tpu.memref_slice %arg5[%add3A_1049, %dma_start3A_1119, %add3A, %dma_start3A_1127, %dma_start3A_1128] : memref<200x4x32x8x128xf32, #tpu.memory_space<hbm>> -> memref<1x1x1x8x128xf32, #tpu.memory_space<hbm>>
      %dma_start3A_1130 = tpu.memref_squeeze %dma_start3A_1129 : memref<1x1x1x8x128xf32, #tpu.memory_space<hbm>> -> memref<8x128xf32, #tpu.memory_space<hbm>>
      %dma_start3A_1131 = arith.constant 24 : i32
      %dma_start3A_1132 = arith.constant 0 : i32
      %dma_start3A_1133 = tpu.memref_slice %arg20[%dma_start3A_1131, %dma_start3A_1132] : memref<32x129xf32, #tpu.memory_space<vmem>> -> memref<8x128xf32, #tpu.memory_space<vmem>>
      tpu.enqueue_dma source(%dma_start3A_1133 : memref<8x128xf32, #tpu.memory_space<vmem>>) target(%dma_start3A_1130 : memref<8x128xf32, #tpu.memory_space<hbm>>) target_semaphore(%arg25 : memref<!tpu.dma_semaphore, #tpu.memory_space<semaphore_mem>>)
      %add3A_1134 = arith.constant 8 : i32
      %add3A_1135 = arith.addi %add3A_1049, %add3A_1134 : i32
      %lt3A_1136 = arith.constant 200 : i32
      %lt3A_1137 = arith.cmpi slt, %add3A_1135, %lt3A_1136 : i32
      %convert_element_type3A_1138 = arith.extui %lt3A_1137 : i1 to i32
      %cond3A_1139 = arith.constant 0 : i32
      %cond3A_1140 = arith.cmpi ne, %convert_element_type3A_1138, %cond3A_1139 : i32
      scf.if %cond3A_1140 {
        %add3A_1331 = arith.constant 8 : i32
        %add3A_1332 = arith.addi %add3A_1049, %add3A_1331 : i32
        %dma_start3A_1333 = arith.constant 0 : i32
        %dma_start3A_1334 = tpu.memref_slice %arg6[%add3A_1332, %dma_start3A_1333] : memref<200x128xi32, #tpu.memory_space<vmem>> -> memref<1x128xi32, #tpu.memory_space<vmem>>
        %dma_start3A_1335 = tpu.memref_squeeze %dma_start3A_1334 : memref<1x128xi32, #tpu.memory_space<vmem>> -> memref<128xi32, #tpu.memory_space<vmem>>
        %dma_start3A_1336 = arith.constant 0 : i32
        %dma_start3A_1337 = arith.constant 0 : i32
        %dma_start3A_1338 = tpu.memref_slice %arg3[%dma_start3A_1336, %dma_start3A_1337] : memref<1000000x32xf32, #tpu.memory_space<hbm>> -> memref<1000000x32xf32, #tpu.memory_space<hbm>>
        tpu.enqueue_indirect_dma source(%dma_start3A_1338 : memref<1000000x32xf32, #tpu.memory_space<hbm>>) target(%arg12 : memref<128x32xf32, #tpu.memory_space<vmem>>) offsets(%dma_start3A_1335 : memref<128xi32, #tpu.memory_space<vmem>>) semaphore(%arg24 : memref<!tpu.dma_semaphore, #tpu.memory_space<semaphore_mem>>)
      } else {
      }
      %mul3A_1141 = arith.constant 8 : i32
      %mul3A_1142 = arith.muli %mul3A_1141, %scan3A_576 : i32
      %add3A_1143 = arith.constant 6 : i32
      %add3A_1144 = arith.addi %mul3A_1142, %add3A_1143 : i32
      %dma_wait3A_1145 = arith.constant 0 : i32
      %dma_wait3A_1146 = tpu.memref_slice %arg6[%add3A_1144, %dma_wait3A_1145] : memref<200x128xi32, #tpu.memory_space<vmem>> -> memref<1x128xi32, #tpu.memory_space<vmem>>
      %dma_wait3A_1147 = tpu.memref_squeeze %dma_wait3A_1146 : memref<1x128xi32, #tpu.memory_space<vmem>> -> memref<128xi32, #tpu.memory_space<vmem>>
      %dma_wait3A_1148 = arith.constant 0 : i32
      %dma_wait3A_1149 = arith.constant 0 : i32
      %dma_wait3A_1150 = tpu.memref_slice %arg3[%dma_wait3A_1148, %dma_wait3A_1149] : memref<1000000x32xf32, #tpu.memory_space<hbm>> -> memref<1000000x32xf32, #tpu.memory_space<hbm>>
      tpu.wait_indirect_dma semaphore(%arg24 : memref<!tpu.dma_semaphore, #tpu.memory_space<semaphore_mem>>) src(%dma_wait3A_1150 : memref<1000000x32xf32, #tpu.memory_space<hbm>>) dst(%arg13 : memref<128x32xf32, #tpu.memory_space<vmem>>)
      %ge3A_1151 = arith.constant 1 : i32
      %ge3A_1152 = arith.cmpi sge, %scan3A_576, %ge3A_1151 : i32
      %convert_element_type3A_1153 = arith.extui %ge3A_1152 : i1 to i32
      %cond3A_1154 = arith.constant 0 : i32
      %cond3A_1155 = arith.cmpi ne, %convert_element_type3A_1153, %cond3A_1154 : i32
      scf.if %cond3A_1155 {
        %sub3A = arith.constant 8 : i32
        %sub3A_1331 = arith.subi %add3A_1144, %sub3A : i32
        %dma_wait3A_1332 = arith.constant 0 : i32
        %dma_wait3A_1333 = arith.constant 0 : i32
        %dma_wait3A_1334 = arith.constant 0 : i32
        %dma_wait3A_1335 = tpu.memref_slice %arg21[%dma_wait3A_1333, %dma_wait3A_1334] : memref<32x129xf32, #tpu.memory_space<vmem>> -> memref<8x128xf32, #tpu.memory_space<vmem>>
        %dma_wait3A_1336 = arith.constant 0 : i32
        %dma_wait3A_1337 = arith.constant 0 : i32
        %dma_wait3A_1338 = tpu.memref_slice %arg5[%sub3A_1331, %dma_wait3A_1332, %add3A, %dma_wait3A_1336, %dma_wait3A_1337] : memref<200x4x32x8x128xf32, #tpu.memory_space<hbm>> -> memref<1x1x1x8x128xf32, #tpu.memory_space<hbm>>
        %dma_wait3A_1339 = tpu.memref_squeeze %dma_wait3A_1338 : memref<1x1x1x8x128xf32, #tpu.memory_space<hbm>> -> memref<8x128xf32, #tpu.memory_space<hbm>>
        %dma_wait3A_1340 = arith.constant 0 : i32
        %dma_wait3A_1341 = arith.constant 0 : i32
        %dma_wait3A_1342 = tpu.memref_slice %arg5[%sub3A_1331, %dma_wait3A_1332, %add3A, %dma_wait3A_1340, %dma_wait3A_1341] : memref<200x4x32x8x128xf32, #tpu.memory_space<hbm>> -> memref<1x1x1x8x128xf32, #tpu.memory_space<hbm>>
        %dma_wait3A_1343 = tpu.memref_squeeze %dma_wait3A_1342 : memref<1x1x1x8x128xf32, #tpu.memory_space<hbm>> -> memref<8x128xf32, #tpu.memory_space<hbm>>
        %dma_wait3A_1344 = arith.constant 0 : i32
        %dma_wait3A_1345 = arith.constant 0 : i32
        %dma_wait3A_1346 = tpu.memref_slice %arg21[%dma_wait3A_1344, %dma_wait3A_1345] : memref<32x129xf32, #tpu.memory_space<vmem>> -> memref<8x128xf32, #tpu.memory_space<vmem>>
        tpu.wait_dma2 semaphore(%arg25 : memref<!tpu.dma_semaphore, #tpu.memory_space<semaphore_mem>>) src(%dma_wait3A_1346 : memref<8x128xf32, #tpu.memory_space<vmem>>) dst(%dma_wait3A_1343 : memref<8x128xf32, #tpu.memory_space<hbm>>)
        %dma_wait3A_1347 = arith.constant 1 : i32
        %dma_wait3A_1348 = arith.constant 8 : i32
        %dma_wait3A_1349 = arith.constant 0 : i32
        %dma_wait3A_1350 = tpu.memref_slice %arg21[%dma_wait3A_1348, %dma_wait3A_1349] : memref<32x129xf32, #tpu.memory_space<vmem>> -> memref<8x128xf32, #tpu.memory_space<vmem>>
        %dma_wait3A_1351 = arith.constant 0 : i32
        %dma_wait3A_1352 = arith.constant 0 : i32
        %dma_wait3A_1353 = tpu.memref_slice %arg5[%sub3A_1331, %dma_wait3A_1347, %add3A, %dma_wait3A_1351, %dma_wait3A_1352] : memref<200x4x32x8x128xf32, #tpu.memory_space<hbm>> -> memref<1x1x1x8x128xf32, #tpu.memory_space<hbm>>
        %dma_wait3A_1354 = tpu.memref_squeeze %dma_wait3A_1353 : memref<1x1x1x8x128xf32, #tpu.memory_space<hbm>> -> memref<8x128xf32, #tpu.memory_space<hbm>>
        %dma_wait3A_1355 = arith.constant 0 : i32
        %dma_wait3A_1356 = arith.constant 0 : i32
        %dma_wait3A_1357 = tpu.memref_slice %arg5[%sub3A_1331, %dma_wait3A_1347, %add3A, %dma_wait3A_1355, %dma_wait3A_1356] : memref<200x4x32x8x128xf32, #tpu.memory_space<hbm>> -> memref<1x1x1x8x128xf32, #tpu.memory_space<hbm>>
        %dma_wait3A_1358 = tpu.memref_squeeze %dma_wait3A_1357 : memref<1x1x1x8x128xf32, #tpu.memory_space<hbm>> -> memref<8x128xf32, #tpu.memory_space<hbm>>
        %dma_wait3A_1359 = arith.constant 8 : i32
        %dma_wait3A_1360 = arith.constant 0 : i32
        %dma_wait3A_1361 = tpu.memref_slice %arg21[%dma_wait3A_1359, %dma_wait3A_1360] : memref<32x129xf32, #tpu.memory_space<vmem>> -> memref<8x128xf32, #tpu.memory_space<vmem>>
        tpu.wait_dma2 semaphore(%arg25 : memref<!tpu.dma_semaphore, #tpu.memory_space<semaphore_mem>>) src(%dma_wait3A_1361 : memref<8x128xf32, #tpu.memory_space<vmem>>) dst(%dma_wait3A_1358 : memref<8x128xf32, #tpu.memory_space<hbm>>)
        %dma_wait3A_1362 = arith.constant 2 : i32
        %dma_wait3A_1363 = arith.constant 16 : i32
        %dma_wait3A_1364 = arith.constant 0 : i32
        %dma_wait3A_1365 = tpu.memref_slice %arg21[%dma_wait3A_1363, %dma_wait3A_1364] : memref<32x129xf32, #tpu.memory_space<vmem>> -> memref<8x128xf32, #tpu.memory_space<vmem>>
        %dma_wait3A_1366 = arith.constant 0 : i32
        %dma_wait3A_1367 = arith.constant 0 : i32
        %dma_wait3A_1368 = tpu.memref_slice %arg5[%sub3A_1331, %dma_wait3A_1362, %add3A, %dma_wait3A_1366, %dma_wait3A_1367] : memref<200x4x32x8x128xf32, #tpu.memory_space<hbm>> -> memref<1x1x1x8x128xf32, #tpu.memory_space<hbm>>
        %dma_wait3A_1369 = tpu.memref_squeeze %dma_wait3A_1368 : memref<1x1x1x8x128xf32, #tpu.memory_space<hbm>> -> memref<8x128xf32, #tpu.memory_space<hbm>>
        %dma_wait3A_1370 = arith.constant 0 : i32
        %dma_wait3A_1371 = arith.constant 0 : i32
        %dma_wait3A_1372 = tpu.memref_slice %arg5[%sub3A_1331, %dma_wait3A_1362, %add3A, %dma_wait3A_1370, %dma_wait3A_1371] : memref<200x4x32x8x128xf32, #tpu.memory_space<hbm>> -> memref<1x1x1x8x128xf32, #tpu.memory_space<hbm>>
        %dma_wait3A_1373 = tpu.memref_squeeze %dma_wait3A_1372 : memref<1x1x1x8x128xf32, #tpu.memory_space<hbm>> -> memref<8x128xf32, #tpu.memory_space<hbm>>
        %dma_wait3A_1374 = arith.constant 16 : i32
        %dma_wait3A_1375 = arith.constant 0 : i32
        %dma_wait3A_1376 = tpu.memref_slice %arg21[%dma_wait3A_1374, %dma_wait3A_1375] : memref<32x129xf32, #tpu.memory_space<vmem>> -> memref<8x128xf32, #tpu.memory_space<vmem>>
        tpu.wait_dma2 semaphore(%arg25 : memref<!tpu.dma_semaphore, #tpu.memory_space<semaphore_mem>>) src(%dma_wait3A_1376 : memref<8x128xf32, #tpu.memory_space<vmem>>) dst(%dma_wait3A_1373 : memref<8x128xf32, #tpu.memory_space<hbm>>)
        %dma_wait3A_1377 = arith.constant 3 : i32
        %dma_wait3A_1378 = arith.constant 24 : i32
        %dma_wait3A_1379 = arith.constant 0 : i32
        %dma_wait3A_1380 = tpu.memref_slice %arg21[%dma_wait3A_1378, %dma_wait3A_1379] : memref<32x129xf32, #tpu.memory_space<vmem>> -> memref<8x128xf32, #tpu.memory_space<vmem>>
        %dma_wait3A_1381 = arith.constant 0 : i32
        %dma_wait3A_1382 = arith.constant 0 : i32
        %dma_wait3A_1383 = tpu.memref_slice %arg5[%sub3A_1331, %dma_wait3A_1377, %add3A, %dma_wait3A_1381, %dma_wait3A_1382] : memref<200x4x32x8x128xf32, #tpu.memory_space<hbm>> -> memref<1x1x1x8x128xf32, #tpu.memory_space<hbm>>
        %dma_wait3A_1384 = tpu.memref_squeeze %dma_wait3A_1383 : memref<1x1x1x8x128xf32, #tpu.memory_space<hbm>> -> memref<8x128xf32, #tpu.memory_space<hbm>>
        %dma_wait3A_1385 = arith.constant 0 : i32
        %dma_wait3A_1386 = arith.constant 0 : i32
        %dma_wait3A_1387 = tpu.memref_slice %arg5[%sub3A_1331, %dma_wait3A_1377, %add3A, %dma_wait3A_1385, %dma_wait3A_1386] : memref<200x4x32x8x128xf32, #tpu.memory_space<hbm>> -> memref<1x1x1x8x128xf32, #tpu.memory_space<hbm>>
        %dma_wait3A_1388 = tpu.memref_squeeze %dma_wait3A_1387 : memref<1x1x1x8x128xf32, #tpu.memory_space<hbm>> -> memref<8x128xf32, #tpu.memory_space<hbm>>
        %dma_wait3A_1389 = arith.constant 24 : i32
        %dma_wait3A_1390 = arith.constant 0 : i32
        %dma_wait3A_1391 = tpu.memref_slice %arg21[%dma_wait3A_1389, %dma_wait3A_1390] : memref<32x129xf32, #tpu.memory_space<vmem>> -> memref<8x128xf32, #tpu.memory_space<vmem>>
        tpu.wait_dma2 semaphore(%arg25 : memref<!tpu.dma_semaphore, #tpu.memory_space<semaphore_mem>>) src(%dma_wait3A_1391 : memref<8x128xf32, #tpu.memory_space<vmem>>) dst(%dma_wait3A_1388 : memref<8x128xf32, #tpu.memory_space<hbm>>)
      } else {
      }
      %get3A_1156 = arith.index_cast %add3A_1144 : i32 to index
      %get3A_1157 = arith.constant 0 : index
      %get3A_1158 = tpu.vector_load %arg23[%get3A_1156, %get3A_1157] {strides = array<i32>} : memref<200x32xf32, #tpu.memory_space<vmem>>, vector<16xf32>,
      %get3A_1159 = arith.index_cast %add3A_1144 : i32 to index
      %get3A_1160 = arith.constant 16 : index
      %get3A_1161 = tpu.vector_load %arg23[%get3A_1159, %get3A_1160] {strides = array<i32>} : memref<200x32xf32, #tpu.memory_space<vmem>>, vector<16xf32>,
      %mul3A_1162 = arith.constant 0 : i32
      %mul3A_1163 = vector.broadcast %mul3A_1162 : i32 to vector<16xi32>
      %mul3A_1164 = arith.muli %iota3A, %mul3A_1163 : vector<16xi32>
      %parallel_loop3A_1165 = arith.constant 0 : i32
      %parallel_loop3A_1166 = arith.constant 128 : i32
      %parallel_loop3A_1167 = arith.constant 1 : i32
      %parallel_loop3A_1168 = scf.for %parallel_loop3A_1331 = %parallel_loop3A_1165 to %parallel_loop3A_1166 step %parallel_loop3A_1167 iter_args(%parallel_loop3A_1332 = %mul3A_1164) -> (vector<16xi32>)  : i32 {
        %parallel_loop3A_1333 = arith.index_cast %parallel_loop3A_1331 : i32 to index
        %parallel_loop3A_1334 = arith.constant 0 : index
        %parallel_loop3A_1335 = tpu.vector_load %arg13[%parallel_loop3A_1333, %parallel_loop3A_1334] {strides = array<i32>} : memref<128x32xf32, #tpu.memory_space<vmem>>, vector<16xf32>,
        %parallel_loop3A_1336 = arith.addf %parallel_loop3A_1335, %get3A_1158 : vector<16xf32>
        %parallel_loop3A_1337 = arith.index_cast %parallel_loop3A_1331 : i32 to index
        %parallel_loop3A_1338 = arith.constant 16 : index
        %parallel_loop3A_1339 = tpu.vector_load %arg13[%parallel_loop3A_1337, %parallel_loop3A_1338] {strides = array<i32>} : memref<128x32xf32, #tpu.memory_space<vmem>>, vector<16xf32>,
        %parallel_loop3A_1340 = arith.addf %parallel_loop3A_1339, %get3A_1161 : vector<16xf32>
        tpu.vector_store_idx %arg21[%iota3A, %parallel_loop3A_1332], %parallel_loop3A_1336 : memref<32x129xf32, #tpu.memory_space<vmem>>[vector<16xi32>, vector<16xi32>], vector<16xf32>,
        tpu.vector_store_idx %arg21[%add3A_3, %parallel_loop3A_1332], %parallel_loop3A_1340 : memref<32x129xf32, #tpu.memory_space<vmem>>[vector<16xi32>, vector<16xi32>], vector<16xf32>,
        %parallel_loop3A_1341 = arith.addi %parallel_loop3A_1332, %broadcast_in_dim3A_4 : vector<16xi32>
        scf.yield %parallel_loop3A_1341 : vector<16xi32>
      } {sc.loop_unroll_factor = 16 : i64, sc.parallel_access}
      %dma_start3A_1169 = arith.constant 0 : i32
      %dma_start3A_1170 = arith.constant 0 : i32
      %dma_start3A_1171 = arith.constant 0 : i32
      %dma_start3A_1172 = tpu.memref_slice %arg21[%dma_start3A_1170, %dma_start3A_1171] : memref<32x129xf32, #tpu.memory_space<vmem>> -> memref<8x128xf32, #tpu.memory_space<vmem>>
      %dma_start3A_1173 = arith.constant 0 : i32
      %dma_start3A_1174 = arith.constant 0 : i32
      %dma_start3A_1175 = tpu.memref_slice %arg5[%add3A_1144, %dma_start3A_1169, %add3A, %dma_start3A_1173, %dma_start3A_1174] : memref<200x4x32x8x128xf32, #tpu.memory_space<hbm>> -> memref<1x1x1x8x128xf32, #tpu.memory_space<hbm>>
      %dma_start3A_1176 = tpu.memref_squeeze %dma_start3A_1175 : memref<1x1x1x8x128xf32, #tpu.memory_space<hbm>> -> memref<8x128xf32, #tpu.memory_space<hbm>>
      %dma_start3A_1177 = arith.constant 0 : i32
      %dma_start3A_1178 = arith.constant 0 : i32
      %dma_start3A_1179 = tpu.memref_slice %arg5[%add3A_1144, %dma_start3A_1169, %add3A, %dma_start3A_1177, %dma_start3A_1178] : memref<200x4x32x8x128xf32, #tpu.memory_space<hbm>> -> memref<1x1x1x8x128xf32, #tpu.memory_space<hbm>>
      %dma_start3A_1180 = tpu.memref_squeeze %dma_start3A_1179 : memref<1x1x1x8x128xf32, #tpu.memory_space<hbm>> -> memref<8x128xf32, #tpu.memory_space<hbm>>
      %dma_start3A_1181 = arith.constant 0 : i32
      %dma_start3A_1182 = arith.constant 0 : i32
      %dma_start3A_1183 = tpu.memref_slice %arg21[%dma_start3A_1181, %dma_start3A_1182] : memref<32x129xf32, #tpu.memory_space<vmem>> -> memref<8x128xf32, #tpu.memory_space<vmem>>
      tpu.enqueue_dma source(%dma_start3A_1183 : memref<8x128xf32, #tpu.memory_space<vmem>>) target(%dma_start3A_1180 : memref<8x128xf32, #tpu.memory_space<hbm>>) target_semaphore(%arg25 : memref<!tpu.dma_semaphore, #tpu.memory_space<semaphore_mem>>)
      %dma_start3A_1184 = arith.constant 1 : i32
      %dma_start3A_1185 = arith.constant 8 : i32
      %dma_start3A_1186 = arith.constant 0 : i32
      %dma_start3A_1187 = tpu.memref_slice %arg21[%dma_start3A_1185, %dma_start3A_1186] : memref<32x129xf32, #tpu.memory_space<vmem>> -> memref<8x128xf32, #tpu.memory_space<vmem>>
      %dma_start3A_1188 = arith.constant 0 : i32
      %dma_start3A_1189 = arith.constant 0 : i32
      %dma_start3A_1190 = tpu.memref_slice %arg5[%add3A_1144, %dma_start3A_1184, %add3A, %dma_start3A_1188, %dma_start3A_1189] : memref<200x4x32x8x128xf32, #tpu.memory_space<hbm>> -> memref<1x1x1x8x128xf32, #tpu.memory_space<hbm>>
      %dma_start3A_1191 = tpu.memref_squeeze %dma_start3A_1190 : memref<1x1x1x8x128xf32, #tpu.memory_space<hbm>> -> memref<8x128xf32, #tpu.memory_space<hbm>>
      %dma_start3A_1192 = arith.constant 0 : i32
      %dma_start3A_1193 = arith.constant 0 : i32
      %dma_start3A_1194 = tpu.memref_slice %arg5[%add3A_1144, %dma_start3A_1184, %add3A, %dma_start3A_1192, %dma_start3A_1193] : memref<200x4x32x8x128xf32, #tpu.memory_space<hbm>> -> memref<1x1x1x8x128xf32, #tpu.memory_space<hbm>>
      %dma_start3A_1195 = tpu.memref_squeeze %dma_start3A_1194 : memref<1x1x1x8x128xf32, #tpu.memory_space<hbm>> -> memref<8x128xf32, #tpu.memory_space<hbm>>
      %dma_start3A_1196 = arith.constant 8 : i32
      %dma_start3A_1197 = arith.constant 0 : i32
      %dma_start3A_1198 = tpu.memref_slice %arg21[%dma_start3A_1196, %dma_start3A_1197] : memref<32x129xf32, #tpu.memory_space<vmem>> -> memref<8x128xf32, #tpu.memory_space<vmem>>
      tpu.enqueue_dma source(%dma_start3A_1198 : memref<8x128xf32, #tpu.memory_space<vmem>>) target(%dma_start3A_1195 : memref<8x128xf32, #tpu.memory_space<hbm>>) target_semaphore(%arg25 : memref<!tpu.dma_semaphore, #tpu.memory_space<semaphore_mem>>)
      %dma_start3A_1199 = arith.constant 2 : i32
      %dma_start3A_1200 = arith.constant 16 : i32
      %dma_start3A_1201 = arith.constant 0 : i32
      %dma_start3A_1202 = tpu.memref_slice %arg21[%dma_start3A_1200, %dma_start3A_1201] : memref<32x129xf32, #tpu.memory_space<vmem>> -> memref<8x128xf32, #tpu.memory_space<vmem>>
      %dma_start3A_1203 = arith.constant 0 : i32
      %dma_start3A_1204 = arith.constant 0 : i32
      %dma_start3A_1205 = tpu.memref_slice %arg5[%add3A_1144, %dma_start3A_1199, %add3A, %dma_start3A_1203, %dma_start3A_1204] : memref<200x4x32x8x128xf32, #tpu.memory_space<hbm>> -> memref<1x1x1x8x128xf32, #tpu.memory_space<hbm>>
      %dma_start3A_1206 = tpu.memref_squeeze %dma_start3A_1205 : memref<1x1x1x8x128xf32, #tpu.memory_space<hbm>> -> memref<8x128xf32, #tpu.memory_space<hbm>>
      %dma_start3A_1207 = arith.constant 0 : i32
      %dma_start3A_1208 = arith.constant 0 : i32
      %dma_start3A_1209 = tpu.memref_slice %arg5[%add3A_1144, %dma_start3A_1199, %add3A, %dma_start3A_1207, %dma_start3A_1208] : memref<200x4x32x8x128xf32, #tpu.memory_space<hbm>> -> memref<1x1x1x8x128xf32, #tpu.memory_space<hbm>>
      %dma_start3A_1210 = tpu.memref_squeeze %dma_start3A_1209 : memref<1x1x1x8x128xf32, #tpu.memory_space<hbm>> -> memref<8x128xf32, #tpu.memory_space<hbm>>
      %dma_start3A_1211 = arith.constant 16 : i32
      %dma_start3A_1212 = arith.constant 0 : i32
      %dma_start3A_1213 = tpu.memref_slice %arg21[%dma_start3A_1211, %dma_start3A_1212] : memref<32x129xf32, #tpu.memory_space<vmem>> -> memref<8x128xf32, #tpu.memory_space<vmem>>
      tpu.enqueue_dma source(%dma_start3A_1213 : memref<8x128xf32, #tpu.memory_space<vmem>>) target(%dma_start3A_1210 : memref<8x128xf32, #tpu.memory_space<hbm>>) target_semaphore(%arg25 : memref<!tpu.dma_semaphore, #tpu.memory_space<semaphore_mem>>)
      %dma_start3A_1214 = arith.constant 3 : i32
      %dma_start3A_1215 = arith.constant 24 : i32
      %dma_start3A_1216 = arith.constant 0 : i32
      %dma_start3A_1217 = tpu.memref_slice %arg21[%dma_start3A_1215, %dma_start3A_1216] : memref<32x129xf32, #tpu.memory_space<vmem>> -> memref<8x128xf32, #tpu.memory_space<vmem>>
      %dma_start3A_1218 = arith.constant 0 : i32
      %dma_start3A_1219 = arith.constant 0 : i32
      %dma_start3A_1220 = tpu.memref_slice %arg5[%add3A_1144, %dma_start3A_1214, %add3A, %dma_start3A_1218, %dma_start3A_1219] : memref<200x4x32x8x128xf32, #tpu.memory_space<hbm>> -> memref<1x1x1x8x128xf32, #tpu.memory_space<hbm>>
      %dma_start3A_1221 = tpu.memref_squeeze %dma_start3A_1220 : memref<1x1x1x8x128xf32, #tpu.memory_space<hbm>> -> memref<8x128xf32, #tpu.memory_space<hbm>>
      %dma_start3A_1222 = arith.constant 0 : i32
      %dma_start3A_1223 = arith.constant 0 : i32
      %dma_start3A_1224 = tpu.memref_slice %arg5[%add3A_1144, %dma_start3A_1214, %add3A, %dma_start3A_1222, %dma_start3A_1223] : memref<200x4x32x8x128xf32, #tpu.memory_space<hbm>> -> memref<1x1x1x8x128xf32, #tpu.memory_space<hbm>>
      %dma_start3A_1225 = tpu.memref_squeeze %dma_start3A_1224 : memref<1x1x1x8x128xf32, #tpu.memory_space<hbm>> -> memref<8x128xf32, #tpu.memory_space<hbm>>
      %dma_start3A_1226 = arith.constant 24 : i32
      %dma_start3A_1227 = arith.constant 0 : i32
      %dma_start3A_1228 = tpu.memref_slice %arg21[%dma_start3A_1226, %dma_start3A_1227] : memref<32x129xf32, #tpu.memory_space<vmem>> -> memref<8x128xf32, #tpu.memory_space<vmem>>
      tpu.enqueue_dma source(%dma_start3A_1228 : memref<8x128xf32, #tpu.memory_space<vmem>>) target(%dma_start3A_1225 : memref<8x128xf32, #tpu.memory_space<hbm>>) target_semaphore(%arg25 : memref<!tpu.dma_semaphore, #tpu.memory_space<semaphore_mem>>)
      %add3A_1229 = arith.constant 8 : i32
      %add3A_1230 = arith.addi %add3A_1144, %add3A_1229 : i32
      %lt3A_1231 = arith.constant 200 : i32
      %lt3A_1232 = arith.cmpi slt, %add3A_1230, %lt3A_1231 : i32
      %convert_element_type3A_1233 = arith.extui %lt3A_1232 : i1 to i32
      %cond3A_1234 = arith.constant 0 : i32
      %cond3A_1235 = arith.cmpi ne, %convert_element_type3A_1233, %cond3A_1234 : i32
      scf.if %cond3A_1235 {
        %add3A_1331 = arith.constant 8 : i32
        %add3A_1332 = arith.addi %add3A_1144, %add3A_1331 : i32
        %dma_start3A_1333 = arith.constant 0 : i32
        %dma_start3A_1334 = tpu.memref_slice %arg6[%add3A_1332, %dma_start3A_1333] : memref<200x128xi32, #tpu.memory_space<vmem>> -> memref<1x128xi32, #tpu.memory_space<vmem>>
        %dma_start3A_1335 = tpu.memref_squeeze %dma_start3A_1334 : memref<1x128xi32, #tpu.memory_space<vmem>> -> memref<128xi32, #tpu.memory_space<vmem>>
        %dma_start3A_1336 = arith.constant 0 : i32
        %dma_start3A_1337 = arith.constant 0 : i32
        %dma_start3A_1338 = tpu.memref_slice %arg3[%dma_start3A_1336, %dma_start3A_1337] : memref<1000000x32xf32, #tpu.memory_space<hbm>> -> memref<1000000x32xf32, #tpu.memory_space<hbm>>
        tpu.enqueue_indirect_dma source(%dma_start3A_1338 : memref<1000000x32xf32, #tpu.memory_space<hbm>>) target(%arg13 : memref<128x32xf32, #tpu.memory_space<vmem>>) offsets(%dma_start3A_1335 : memref<128xi32, #tpu.memory_space<vmem>>) semaphore(%arg24 : memref<!tpu.dma_semaphore, #tpu.memory_space<semaphore_mem>>)
      } else {
      }
      %mul3A_1236 = arith.constant 8 : i32
      %mul3A_1237 = arith.muli %mul3A_1236, %scan3A_576 : i32
      %add3A_1238 = arith.constant 7 : i32
      %add3A_1239 = arith.addi %mul3A_1237, %add3A_1238 : i32
      %dma_wait3A_1240 = arith.constant 0 : i32
      %dma_wait3A_1241 = tpu.memref_slice %arg6[%add3A_1239, %dma_wait3A_1240] : memref<200x128xi32, #tpu.memory_space<vmem>> -> memref<1x128xi32, #tpu.memory_space<vmem>>
      %dma_wait3A_1242 = tpu.memref_squeeze %dma_wait3A_1241 : memref<1x128xi32, #tpu.memory_space<vmem>> -> memref<128xi32, #tpu.memory_space<vmem>>
      %dma_wait3A_1243 = arith.constant 0 : i32
      %dma_wait3A_1244 = arith.constant 0 : i32
      %dma_wait3A_1245 = tpu.memref_slice %arg3[%dma_wait3A_1243, %dma_wait3A_1244] : memref<1000000x32xf32, #tpu.memory_space<hbm>> -> memref<1000000x32xf32, #tpu.memory_space<hbm>>
      tpu.wait_indirect_dma semaphore(%arg24 : memref<!tpu.dma_semaphore, #tpu.memory_space<semaphore_mem>>) src(%dma_wait3A_1245 : memref<1000000x32xf32, #tpu.memory_space<hbm>>) dst(%arg14 : memref<128x32xf32, #tpu.memory_space<vmem>>)
      %ge3A_1246 = arith.constant 1 : i32
      %ge3A_1247 = arith.cmpi sge, %scan3A_576, %ge3A_1246 : i32
      %convert_element_type3A_1248 = arith.extui %ge3A_1247 : i1 to i32
      %cond3A_1249 = arith.constant 0 : i32
      %cond3A_1250 = arith.cmpi ne, %convert_element_type3A_1248, %cond3A_1249 : i32
      scf.if %cond3A_1250 {
        %sub3A = arith.constant 8 : i32
        %sub3A_1331 = arith.subi %add3A_1239, %sub3A : i32
        %dma_wait3A_1332 = arith.constant 0 : i32
        %dma_wait3A_1333 = arith.constant 0 : i32
        %dma_wait3A_1334 = arith.constant 0 : i32
        %dma_wait3A_1335 = tpu.memref_slice %arg22[%dma_wait3A_1333, %dma_wait3A_1334] : memref<32x129xf32, #tpu.memory_space<vmem>> -> memref<8x128xf32, #tpu.memory_space<vmem>>
        %dma_wait3A_1336 = arith.constant 0 : i32
        %dma_wait3A_1337 = arith.constant 0 : i32
        %dma_wait3A_1338 = tpu.memref_slice %arg5[%sub3A_1331, %dma_wait3A_1332, %add3A, %dma_wait3A_1336, %dma_wait3A_1337] : memref<200x4x32x8x128xf32, #tpu.memory_space<hbm>> -> memref<1x1x1x8x128xf32, #tpu.memory_space<hbm>>
        %dma_wait3A_1339 = tpu.memref_squeeze %dma_wait3A_1338 : memref<1x1x1x8x128xf32, #tpu.memory_space<hbm>> -> memref<8x128xf32, #tpu.memory_space<hbm>>
        %dma_wait3A_1340 = arith.constant 0 : i32
        %dma_wait3A_1341 = arith.constant 0 : i32
        %dma_wait3A_1342 = tpu.memref_slice %arg5[%sub3A_1331, %dma_wait3A_1332, %add3A, %dma_wait3A_1340, %dma_wait3A_1341] : memref<200x4x32x8x128xf32, #tpu.memory_space<hbm>> -> memref<1x1x1x8x128xf32, #tpu.memory_space<hbm>>
        %dma_wait3A_1343 = tpu.memref_squeeze %dma_wait3A_1342 : memref<1x1x1x8x128xf32, #tpu.memory_space<hbm>> -> memref<8x128xf32, #tpu.memory_space<hbm>>
        %dma_wait3A_1344 = arith.constant 0 : i32
        %dma_wait3A_1345 = arith.constant 0 : i32
        %dma_wait3A_1346 = tpu.memref_slice %arg22[%dma_wait3A_1344, %dma_wait3A_1345] : memref<32x129xf32, #tpu.memory_space<vmem>> -> memref<8x128xf32, #tpu.memory_space<vmem>>
        tpu.wait_dma2 semaphore(%arg25 : memref<!tpu.dma_semaphore, #tpu.memory_space<semaphore_mem>>) src(%dma_wait3A_1346 : memref<8x128xf32, #tpu.memory_space<vmem>>) dst(%dma_wait3A_1343 : memref<8x128xf32, #tpu.memory_space<hbm>>)
        %dma_wait3A_1347 = arith.constant 1 : i32
        %dma_wait3A_1348 = arith.constant 8 : i32
        %dma_wait3A_1349 = arith.constant 0 : i32
        %dma_wait3A_1350 = tpu.memref_slice %arg22[%dma_wait3A_1348, %dma_wait3A_1349] : memref<32x129xf32, #tpu.memory_space<vmem>> -> memref<8x128xf32, #tpu.memory_space<vmem>>
        %dma_wait3A_1351 = arith.constant 0 : i32
        %dma_wait3A_1352 = arith.constant 0 : i32
        %dma_wait3A_1353 = tpu.memref_slice %arg5[%sub3A_1331, %dma_wait3A_1347, %add3A, %dma_wait3A_1351, %dma_wait3A_1352] : memref<200x4x32x8x128xf32, #tpu.memory_space<hbm>> -> memref<1x1x1x8x128xf32, #tpu.memory_space<hbm>>
        %dma_wait3A_1354 = tpu.memref_squeeze %dma_wait3A_1353 : memref<1x1x1x8x128xf32, #tpu.memory_space<hbm>> -> memref<8x128xf32, #tpu.memory_space<hbm>>
        %dma_wait3A_1355 = arith.constant 0 : i32
        %dma_wait3A_1356 = arith.constant 0 : i32
        %dma_wait3A_1357 = tpu.memref_slice %arg5[%sub3A_1331, %dma_wait3A_1347, %add3A, %dma_wait3A_1355, %dma_wait3A_1356] : memref<200x4x32x8x128xf32, #tpu.memory_space<hbm>> -> memref<1x1x1x8x128xf32, #tpu.memory_space<hbm>>
        %dma_wait3A_1358 = tpu.memref_squeeze %dma_wait3A_1357 : memref<1x1x1x8x128xf32, #tpu.memory_space<hbm>> -> memref<8x128xf32, #tpu.memory_space<hbm>>
        %dma_wait3A_1359 = arith.constant 8 : i32
        %dma_wait3A_1360 = arith.constant 0 : i32
        %dma_wait3A_1361 = tpu.memref_slice %arg22[%dma_wait3A_1359, %dma_wait3A_1360] : memref<32x129xf32, #tpu.memory_space<vmem>> -> memref<8x128xf32, #tpu.memory_space<vmem>>
        tpu.wait_dma2 semaphore(%arg25 : memref<!tpu.dma_semaphore, #tpu.memory_space<semaphore_mem>>) src(%dma_wait3A_1361 : memref<8x128xf32, #tpu.memory_space<vmem>>) dst(%dma_wait3A_1358 : memref<8x128xf32, #tpu.memory_space<hbm>>)
        %dma_wait3A_1362 = arith.constant 2 : i32
        %dma_wait3A_1363 = arith.constant 16 : i32
        %dma_wait3A_1364 = arith.constant 0 : i32
        %dma_wait3A_1365 = tpu.memref_slice %arg22[%dma_wait3A_1363, %dma_wait3A_1364] : memref<32x129xf32, #tpu.memory_space<vmem>> -> memref<8x128xf32, #tpu.memory_space<vmem>>
        %dma_wait3A_1366 = arith.constant 0 : i32
        %dma_wait3A_1367 = arith.constant 0 : i32
        %dma_wait3A_1368 = tpu.memref_slice %arg5[%sub3A_1331, %dma_wait3A_1362, %add3A, %dma_wait3A_1366, %dma_wait3A_1367] : memref<200x4x32x8x128xf32, #tpu.memory_space<hbm>> -> memref<1x1x1x8x128xf32, #tpu.memory_space<hbm>>
        %dma_wait3A_1369 = tpu.memref_squeeze %dma_wait3A_1368 : memref<1x1x1x8x128xf32, #tpu.memory_space<hbm>> -> memref<8x128xf32, #tpu.memory_space<hbm>>
        %dma_wait3A_1370 = arith.constant 0 : i32
        %dma_wait3A_1371 = arith.constant 0 : i32
        %dma_wait3A_1372 = tpu.memref_slice %arg5[%sub3A_1331, %dma_wait3A_1362, %add3A, %dma_wait3A_1370, %dma_wait3A_1371] : memref<200x4x32x8x128xf32, #tpu.memory_space<hbm>> -> memref<1x1x1x8x128xf32, #tpu.memory_space<hbm>>
        %dma_wait3A_1373 = tpu.memref_squeeze %dma_wait3A_1372 : memref<1x1x1x8x128xf32, #tpu.memory_space<hbm>> -> memref<8x128xf32, #tpu.memory_space<hbm>>
        %dma_wait3A_1374 = arith.constant 16 : i32
        %dma_wait3A_1375 = arith.constant 0 : i32
        %dma_wait3A_1376 = tpu.memref_slice %arg22[%dma_wait3A_1374, %dma_wait3A_1375] : memref<32x129xf32, #tpu.memory_space<vmem>> -> memref<8x128xf32, #tpu.memory_space<vmem>>
        tpu.wait_dma2 semaphore(%arg25 : memref<!tpu.dma_semaphore, #tpu.memory_space<semaphore_mem>>) src(%dma_wait3A_1376 : memref<8x128xf32, #tpu.memory_space<vmem>>) dst(%dma_wait3A_1373 : memref<8x128xf32, #tpu.memory_space<hbm>>)
        %dma_wait3A_1377 = arith.constant 3 : i32
        %dma_wait3A_1378 = arith.constant 24 : i32
        %dma_wait3A_1379 = arith.constant 0 : i32
        %dma_wait3A_1380 = tpu.memref_slice %arg22[%dma_wait3A_1378, %dma_wait3A_1379] : memref<32x129xf32, #tpu.memory_space<vmem>> -> memref<8x128xf32, #tpu.memory_space<vmem>>
        %dma_wait3A_1381 = arith.constant 0 : i32
        %dma_wait3A_1382 = arith.constant 0 : i32
        %dma_wait3A_1383 = tpu.memref_slice %arg5[%sub3A_1331, %dma_wait3A_1377, %add3A, %dma_wait3A_1381, %dma_wait3A_1382] : memref<200x4x32x8x128xf32, #tpu.memory_space<hbm>> -> memref<1x1x1x8x128xf32, #tpu.memory_space<hbm>>
        %dma_wait3A_1384 = tpu.memref_squeeze %dma_wait3A_1383 : memref<1x1x1x8x128xf32, #tpu.memory_space<hbm>> -> memref<8x128xf32, #tpu.memory_space<hbm>>
        %dma_wait3A_1385 = arith.constant 0 : i32
        %dma_wait3A_1386 = arith.constant 0 : i32
        %dma_wait3A_1387 = tpu.memref_slice %arg5[%sub3A_1331, %dma_wait3A_1377, %add3A, %dma_wait3A_1385, %dma_wait3A_1386] : memref<200x4x32x8x128xf32, #tpu.memory_space<hbm>> -> memref<1x1x1x8x128xf32, #tpu.memory_space<hbm>>
        %dma_wait3A_1388 = tpu.memref_squeeze %dma_wait3A_1387 : memref<1x1x1x8x128xf32, #tpu.memory_space<hbm>> -> memref<8x128xf32, #tpu.memory_space<hbm>>
        %dma_wait3A_1389 = arith.constant 24 : i32
        %dma_wait3A_1390 = arith.constant 0 : i32
        %dma_wait3A_1391 = tpu.memref_slice %arg22[%dma_wait3A_1389, %dma_wait3A_1390] : memref<32x129xf32, #tpu.memory_space<vmem>> -> memref<8x128xf32, #tpu.memory_space<vmem>>
        tpu.wait_dma2 semaphore(%arg25 : memref<!tpu.dma_semaphore, #tpu.memory_space<semaphore_mem>>) src(%dma_wait3A_1391 : memref<8x128xf32, #tpu.memory_space<vmem>>) dst(%dma_wait3A_1388 : memref<8x128xf32, #tpu.memory_space<hbm>>)
      } else {
      }
      %get3A_1251 = arith.index_cast %add3A_1239 : i32 to index
      %get3A_1252 = arith.constant 0 : index
      %get3A_1253 = tpu.vector_load %arg23[%get3A_1251, %get3A_1252] {strides = array<i32>} : memref<200x32xf32, #tpu.memory_space<vmem>>, vector<16xf32>,
      %get3A_1254 = arith.index_cast %add3A_1239 : i32 to index
      %get3A_1255 = arith.constant 16 : index
      %get3A_1256 = tpu.vector_load %arg23[%get3A_1254, %get3A_1255] {strides = array<i32>} : memref<200x32xf32, #tpu.memory_space<vmem>>, vector<16xf32>,
      %mul3A_1257 = arith.constant 0 : i32
      %mul3A_1258 = vector.broadcast %mul3A_1257 : i32 to vector<16xi32>
      %mul3A_1259 = arith.muli %iota3A, %mul3A_1258 : vector<16xi32>
      %parallel_loop3A_1260 = arith.constant 0 : i32
      %parallel_loop3A_1261 = arith.constant 128 : i32
      %parallel_loop3A_1262 = arith.constant 1 : i32
      %parallel_loop3A_1263 = scf.for %parallel_loop3A_1331 = %parallel_loop3A_1260 to %parallel_loop3A_1261 step %parallel_loop3A_1262 iter_args(%parallel_loop3A_1332 = %mul3A_1259) -> (vector<16xi32>)  : i32 {
        %parallel_loop3A_1333 = arith.index_cast %parallel_loop3A_1331 : i32 to index
        %parallel_loop3A_1334 = arith.constant 0 : index
        %parallel_loop3A_1335 = tpu.vector_load %arg14[%parallel_loop3A_1333, %parallel_loop3A_1334] {strides = array<i32>} : memref<128x32xf32, #tpu.memory_space<vmem>>, vector<16xf32>,
        %parallel_loop3A_1336 = arith.addf %parallel_loop3A_1335, %get3A_1253 : vector<16xf32>
        %parallel_loop3A_1337 = arith.index_cast %parallel_loop3A_1331 : i32 to index
        %parallel_loop3A_1338 = arith.constant 16 : index
        %parallel_loop3A_1339 = tpu.vector_load %arg14[%parallel_loop3A_1337, %parallel_loop3A_1338] {strides = array<i32>} : memref<128x32xf32, #tpu.memory_space<vmem>>, vector<16xf32>,
        %parallel_loop3A_1340 = arith.addf %parallel_loop3A_1339, %get3A_1256 : vector<16xf32>
        tpu.vector_store_idx %arg22[%iota3A, %parallel_loop3A_1332], %parallel_loop3A_1336 : memref<32x129xf32, #tpu.memory_space<vmem>>[vector<16xi32>, vector<16xi32>], vector<16xf32>,
        tpu.vector_store_idx %arg22[%add3A_3, %parallel_loop3A_1332], %parallel_loop3A_1340 : memref<32x129xf32, #tpu.memory_space<vmem>>[vector<16xi32>, vector<16xi32>], vector<16xf32>,
        %parallel_loop3A_1341 = arith.addi %parallel_loop3A_1332, %broadcast_in_dim3A_4 : vector<16xi32>
        scf.yield %parallel_loop3A_1341 : vector<16xi32>
      } {sc.loop_unroll_factor = 16 : i64, sc.parallel_access}
      %dma_start3A_1264 = arith.constant 0 : i32
      %dma_start3A_1265 = arith.constant 0 : i32
      %dma_start3A_1266 = arith.constant 0 : i32
      %dma_start3A_1267 = tpu.memref_slice %arg22[%dma_start3A_1265, %dma_start3A_1266] : memref<32x129xf32, #tpu.memory_space<vmem>> -> memref<8x128xf32, #tpu.memory_space<vmem>>
      %dma_start3A_1268 = arith.constant 0 : i32
      %dma_start3A_1269 = arith.constant 0 : i32
      %dma_start3A_1270 = tpu.memref_slice %arg5[%add3A_1239, %dma_start3A_1264, %add3A, %dma_start3A_1268, %dma_start3A_1269] : memref<200x4x32x8x128xf32, #tpu.memory_space<hbm>> -> memref<1x1x1x8x128xf32, #tpu.memory_space<hbm>>
      %dma_start3A_1271 = tpu.memref_squeeze %dma_start3A_1270 : memref<1x1x1x8x128xf32, #tpu.memory_space<hbm>> -> memref<8x128xf32, #tpu.memory_space<hbm>>
      %dma_start3A_1272 = arith.constant 0 : i32
      %dma_start3A_1273 = arith.constant 0 : i32
      %dma_start3A_1274 = tpu.memref_slice %arg5[%add3A_1239, %dma_start3A_1264, %add3A, %dma_start3A_1272, %dma_start3A_1273] : memref<200x4x32x8x128xf32, #tpu.memory_space<hbm>> -> memref<1x1x1x8x128xf32, #tpu.memory_space<hbm>>
      %dma_start3A_1275 = tpu.memref_squeeze %dma_start3A_1274 : memref<1x1x1x8x128xf32, #tpu.memory_space<hbm>> -> memref<8x128xf32, #tpu.memory_space<hbm>>
      %dma_start3A_1276 = arith.constant 0 : i32
      %dma_start3A_1277 = arith.constant 0 : i32
      %dma_start3A_1278 = tpu.memref_slice %arg22[%dma_start3A_1276, %dma_start3A_1277] : memref<32x129xf32, #tpu.memory_space<vmem>> -> memref<8x128xf32, #tpu.memory_space<vmem>>
      tpu.enqueue_dma source(%dma_start3A_1278 : memref<8x128xf32, #tpu.memory_space<vmem>>) target(%dma_start3A_1275 : memref<8x128xf32, #tpu.memory_space<hbm>>) target_semaphore(%arg25 : memref<!tpu.dma_semaphore, #tpu.memory_space<semaphore_mem>>)
      %dma_start3A_1279 = arith.constant 1 : i32
      %dma_start3A_1280 = arith.constant 8 : i32
      %dma_start3A_1281 = arith.constant 0 : i32
      %dma_start3A_1282 = tpu.memref_slice %arg22[%dma_start3A_1280, %dma_start3A_1281] : memref<32x129xf32, #tpu.memory_space<vmem>> -> memref<8x128xf32, #tpu.memory_space<vmem>>
      %dma_start3A_1283 = arith.constant 0 : i32
      %dma_start3A_1284 = arith.constant 0 : i32
      %dma_start3A_1285 = tpu.memref_slice %arg5[%add3A_1239, %dma_start3A_1279, %add3A, %dma_start3A_1283, %dma_start3A_1284] : memref<200x4x32x8x128xf32, #tpu.memory_space<hbm>> -> memref<1x1x1x8x128xf32, #tpu.memory_space<hbm>>
      %dma_start3A_1286 = tpu.memref_squeeze %dma_start3A_1285 : memref<1x1x1x8x128xf32, #tpu.memory_space<hbm>> -> memref<8x128xf32, #tpu.memory_space<hbm>>
      %dma_start3A_1287 = arith.constant 0 : i32
      %dma_start3A_1288 = arith.constant 0 : i32
      %dma_start3A_1289 = tpu.memref_slice %arg5[%add3A_1239, %dma_start3A_1279, %add3A, %dma_start3A_1287, %dma_start3A_1288] : memref<200x4x32x8x128xf32, #tpu.memory_space<hbm>> -> memref<1x1x1x8x128xf32, #tpu.memory_space<hbm>>
      %dma_start3A_1290 = tpu.memref_squeeze %dma_start3A_1289 : memref<1x1x1x8x128xf32, #tpu.memory_space<hbm>> -> memref<8x128xf32, #tpu.memory_space<hbm>>
      %dma_start3A_1291 = arith.constant 8 : i32
      %dma_start3A_1292 = arith.constant 0 : i32
      %dma_start3A_1293 = tpu.memref_slice %arg22[%dma_start3A_1291, %dma_start3A_1292] : memref<32x129xf32, #tpu.memory_space<vmem>> -> memref<8x128xf32, #tpu.memory_space<vmem>>
      tpu.enqueue_dma source(%dma_start3A_1293 : memref<8x128xf32, #tpu.memory_space<vmem>>) target(%dma_start3A_1290 : memref<8x128xf32, #tpu.memory_space<hbm>>) target_semaphore(%arg25 : memref<!tpu.dma_semaphore, #tpu.memory_space<semaphore_mem>>)
      %dma_start3A_1294 = arith.constant 2 : i32
      %dma_start3A_1295 = arith.constant 16 : i32
      %dma_start3A_1296 = arith.constant 0 : i32
      %dma_start3A_1297 = tpu.memref_slice %arg22[%dma_start3A_1295, %dma_start3A_1296] : memref<32x129xf32, #tpu.memory_space<vmem>> -> memref<8x128xf32, #tpu.memory_space<vmem>>
      %dma_start3A_1298 = arith.constant 0 : i32
      %dma_start3A_1299 = arith.constant 0 : i32
      %dma_start3A_1300 = tpu.memref_slice %arg5[%add3A_1239, %dma_start3A_1294, %add3A, %dma_start3A_1298, %dma_start3A_1299] : memref<200x4x32x8x128xf32, #tpu.memory_space<hbm>> -> memref<1x1x1x8x128xf32, #tpu.memory_space<hbm>>
      %dma_start3A_1301 = tpu.memref_squeeze %dma_start3A_1300 : memref<1x1x1x8x128xf32, #tpu.memory_space<hbm>> -> memref<8x128xf32, #tpu.memory_space<hbm>>
      %dma_start3A_1302 = arith.constant 0 : i32
      %dma_start3A_1303 = arith.constant 0 : i32
      %dma_start3A_1304 = tpu.memref_slice %arg5[%add3A_1239, %dma_start3A_1294, %add3A, %dma_start3A_1302, %dma_start3A_1303] : memref<200x4x32x8x128xf32, #tpu.memory_space<hbm>> -> memref<1x1x1x8x128xf32, #tpu.memory_space<hbm>>
      %dma_start3A_1305 = tpu.memref_squeeze %dma_start3A_1304 : memref<1x1x1x8x128xf32, #tpu.memory_space<hbm>> -> memref<8x128xf32, #tpu.memory_space<hbm>>
      %dma_start3A_1306 = arith.constant 16 : i32
      %dma_start3A_1307 = arith.constant 0 : i32
      %dma_start3A_1308 = tpu.memref_slice %arg22[%dma_start3A_1306, %dma_start3A_1307] : memref<32x129xf32, #tpu.memory_space<vmem>> -> memref<8x128xf32, #tpu.memory_space<vmem>>
      tpu.enqueue_dma source(%dma_start3A_1308 : memref<8x128xf32, #tpu.memory_space<vmem>>) target(%dma_start3A_1305 : memref<8x128xf32, #tpu.memory_space<hbm>>) target_semaphore(%arg25 : memref<!tpu.dma_semaphore, #tpu.memory_space<semaphore_mem>>)
      %dma_start3A_1309 = arith.constant 3 : i32
      %dma_start3A_1310 = arith.constant 24 : i32
      %dma_start3A_1311 = arith.constant 0 : i32
      %dma_start3A_1312 = tpu.memref_slice %arg22[%dma_start3A_1310, %dma_start3A_1311] : memref<32x129xf32, #tpu.memory_space<vmem>> -> memref<8x128xf32, #tpu.memory_space<vmem>>
      %dma_start3A_1313 = arith.constant 0 : i32
      %dma_start3A_1314 = arith.constant 0 : i32
      %dma_start3A_1315 = tpu.memref_slice %arg5[%add3A_1239, %dma_start3A_1309, %add3A, %dma_start3A_1313, %dma_start3A_1314] : memref<200x4x32x8x128xf32, #tpu.memory_space<hbm>> -> memref<1x1x1x8x128xf32, #tpu.memory_space<hbm>>
      %dma_start3A_1316 = tpu.memref_squeeze %dma_start3A_1315 : memref<1x1x1x8x128xf32, #tpu.memory_space<hbm>> -> memref<8x128xf32, #tpu.memory_space<hbm>>
      %dma_start3A_1317 = arith.constant 0 : i32
      %dma_start3A_1318 = arith.constant 0 : i32
      %dma_start3A_1319 = tpu.memref_slice %arg5[%add3A_1239, %dma_start3A_1309, %add3A, %dma_start3A_1317, %dma_start3A_1318] : memref<200x4x32x8x128xf32, #tpu.memory_space<hbm>> -> memref<1x1x1x8x128xf32, #tpu.memory_space<hbm>>
      %dma_start3A_1320 = tpu.memref_squeeze %dma_start3A_1319 : memref<1x1x1x8x128xf32, #tpu.memory_space<hbm>> -> memref<8x128xf32, #tpu.memory_space<hbm>>
      %dma_start3A_1321 = arith.constant 24 : i32
      %dma_start3A_1322 = arith.constant 0 : i32
      %dma_start3A_1323 = tpu.memref_slice %arg22[%dma_start3A_1321, %dma_start3A_1322] : memref<32x129xf32, #tpu.memory_space<vmem>> -> memref<8x128xf32, #tpu.memory_space<vmem>>
      tpu.enqueue_dma source(%dma_start3A_1323 : memref<8x128xf32, #tpu.memory_space<vmem>>) target(%dma_start3A_1320 : memref<8x128xf32, #tpu.memory_space<hbm>>) target_semaphore(%arg25 : memref<!tpu.dma_semaphore, #tpu.memory_space<semaphore_mem>>)
      %add3A_1324 = arith.constant 8 : i32
      %add3A_1325 = arith.addi %add3A_1239, %add3A_1324 : i32
      %lt3A_1326 = arith.constant 200 : i32
      %lt3A_1327 = arith.cmpi slt, %add3A_1325, %lt3A_1326 : i32
      %convert_element_type3A_1328 = arith.extui %lt3A_1327 : i1 to i32
      %cond3A_1329 = arith.constant 0 : i32
      %cond3A_1330 = arith.cmpi ne, %convert_element_type3A_1328, %cond3A_1329 : i32
      scf.if %cond3A_1330 {
        %add3A_1331 = arith.constant 8 : i32
        %add3A_1332 = arith.addi %add3A_1239, %add3A_1331 : i32
        %dma_start3A_1333 = arith.constant 0 : i32
        %dma_start3A_1334 = tpu.memref_slice %arg6[%add3A_1332, %dma_start3A_1333] : memref<200x128xi32, #tpu.memory_space<vmem>> -> memref<1x128xi32, #tpu.memory_space<vmem>>
        %dma_start3A_1335 = tpu.memref_squeeze %dma_start3A_1334 : memref<1x128xi32, #tpu.memory_space<vmem>> -> memref<128xi32, #tpu.memory_space<vmem>>
        %dma_start3A_1336 = arith.constant 0 : i32
        %dma_start3A_1337 = arith.constant 0 : i32
        %dma_start3A_1338 = tpu.memref_slice %arg3[%dma_start3A_1336, %dma_start3A_1337] : memref<1000000x32xf32, #tpu.memory_space<hbm>> -> memref<1000000x32xf32, #tpu.memory_space<hbm>>
        tpu.enqueue_indirect_dma source(%dma_start3A_1338 : memref<1000000x32xf32, #tpu.memory_space<hbm>>) target(%arg14 : memref<128x32xf32, #tpu.memory_space<vmem>>) offsets(%dma_start3A_1335 : memref<128xi32, #tpu.memory_space<vmem>>) semaphore(%arg24 : memref<!tpu.dma_semaphore, #tpu.memory_space<semaphore_mem>>)
      } else {
      }
    }
    %scan3A_64 = arith.constant 25 : i32
    %dma_wait3A = arith.constant 192 : i32
    %dma_wait3A_65 = arith.constant 0 : i32
    %dma_wait3A_66 = arith.constant 0 : i32
    %dma_wait3A_67 = arith.constant 0 : i32
    %dma_wait3A_68 = tpu.memref_slice %arg15[%dma_wait3A_66, %dma_wait3A_67] : memref<32x129xf32, #tpu.memory_space<vmem>> -> memref<8x128xf32, #tpu.memory_space<vmem>>
    %dma_wait3A_69 = arith.constant 0 : i32
    %dma_wait3A_70 = arith.constant 0 : i32
    %dma_wait3A_71 = tpu.memref_slice %arg5[%dma_wait3A, %dma_wait3A_65, %add3A, %dma_wait3A_69, %dma_wait3A_70] : memref<200x4x32x8x128xf32, #tpu.memory_space<hbm>> -> memref<1x1x1x8x128xf32, #tpu.memory_space<hbm>>
    %dma_wait3A_72 = tpu.memref_squeeze %dma_wait3A_71 : memref<1x1x1x8x128xf32, #tpu.memory_space<hbm>> -> memref<8x128xf32, #tpu.memory_space<hbm>>
    %dma_wait3A_73 = arith.constant 0 : i32
    %dma_wait3A_74 = arith.constant 0 : i32
    %dma_wait3A_75 = tpu.memref_slice %arg5[%dma_wait3A, %dma_wait3A_65, %add3A, %dma_wait3A_73, %dma_wait3A_74] : memref<200x4x32x8x128xf32, #tpu.memory_space<hbm>> -> memref<1x1x1x8x128xf32, #tpu.memory_space<hbm>>
    %dma_wait3A_76 = tpu.memref_squeeze %dma_wait3A_75 : memref<1x1x1x8x128xf32, #tpu.memory_space<hbm>> -> memref<8x128xf32, #tpu.memory_space<hbm>>
    %dma_wait3A_77 = arith.constant 0 : i32
    %dma_wait3A_78 = arith.constant 0 : i32
    %dma_wait3A_79 = tpu.memref_slice %arg15[%dma_wait3A_77, %dma_wait3A_78] : memref<32x129xf32, #tpu.memory_space<vmem>> -> memref<8x128xf32, #tpu.memory_space<vmem>>
    tpu.wait_dma2 semaphore(%arg25 : memref<!tpu.dma_semaphore, #tpu.memory_space<semaphore_mem>>) src(%dma_wait3A_79 : memref<8x128xf32, #tpu.memory_space<vmem>>) dst(%dma_wait3A_76 : memref<8x128xf32, #tpu.memory_space<hbm>>)
    %dma_wait3A_80 = arith.constant 192 : i32
    %dma_wait3A_81 = arith.constant 1 : i32
    %dma_wait3A_82 = arith.constant 8 : i32
    %dma_wait3A_83 = arith.constant 0 : i32
    %dma_wait3A_84 = tpu.memref_slice %arg15[%dma_wait3A_82, %dma_wait3A_83] : memref<32x129xf32, #tpu.memory_space<vmem>> -> memref<8x128xf32, #tpu.memory_space<vmem>>
    %dma_wait3A_85 = arith.constant 0 : i32
    %dma_wait3A_86 = arith.constant 0 : i32
    %dma_wait3A_87 = tpu.memref_slice %arg5[%dma_wait3A_80, %dma_wait3A_81, %add3A, %dma_wait3A_85, %dma_wait3A_86] : memref<200x4x32x8x128xf32, #tpu.memory_space<hbm>> -> memref<1x1x1x8x128xf32, #tpu.memory_space<hbm>>
    %dma_wait3A_88 = tpu.memref_squeeze %dma_wait3A_87 : memref<1x1x1x8x128xf32, #tpu.memory_space<hbm>> -> memref<8x128xf32, #tpu.memory_space<hbm>>
    %dma_wait3A_89 = arith.constant 0 : i32
    %dma_wait3A_90 = arith.constant 0 : i32
    %dma_wait3A_91 = tpu.memref_slice %arg5[%dma_wait3A_80, %dma_wait3A_81, %add3A, %dma_wait3A_89, %dma_wait3A_90] : memref<200x4x32x8x128xf32, #tpu.memory_space<hbm>> -> memref<1x1x1x8x128xf32, #tpu.memory_space<hbm>>
    %dma_wait3A_92 = tpu.memref_squeeze %dma_wait3A_91 : memref<1x1x1x8x128xf32, #tpu.memory_space<hbm>> -> memref<8x128xf32, #tpu.memory_space<hbm>>
    %dma_wait3A_93 = arith.constant 8 : i32
    %dma_wait3A_94 = arith.constant 0 : i32
    %dma_wait3A_95 = tpu.memref_slice %arg15[%dma_wait3A_93, %dma_wait3A_94] : memref<32x129xf32, #tpu.memory_space<vmem>> -> memref<8x128xf32, #tpu.memory_space<vmem>>
    tpu.wait_dma2 semaphore(%arg25 : memref<!tpu.dma_semaphore, #tpu.memory_space<semaphore_mem>>) src(%dma_wait3A_95 : memref<8x128xf32, #tpu.memory_space<vmem>>) dst(%dma_wait3A_92 : memref<8x128xf32, #tpu.memory_space<hbm>>)
    %dma_wait3A_96 = arith.constant 192 : i32
    %dma_wait3A_97 = arith.constant 2 : i32
    %dma_wait3A_98 = arith.constant 16 : i32
    %dma_wait3A_99 = arith.constant 0 : i32
    %dma_wait3A_100 = tpu.memref_slice %arg15[%dma_wait3A_98, %dma_wait3A_99] : memref<32x129xf32, #tpu.memory_space<vmem>> -> memref<8x128xf32, #tpu.memory_space<vmem>>
    %dma_wait3A_101 = arith.constant 0 : i32
    %dma_wait3A_102 = arith.constant 0 : i32
    %dma_wait3A_103 = tpu.memref_slice %arg5[%dma_wait3A_96, %dma_wait3A_97, %add3A, %dma_wait3A_101, %dma_wait3A_102] : memref<200x4x32x8x128xf32, #tpu.memory_space<hbm>> -> memref<1x1x1x8x128xf32, #tpu.memory_space<hbm>>
    %dma_wait3A_104 = tpu.memref_squeeze %dma_wait3A_103 : memref<1x1x1x8x128xf32, #tpu.memory_space<hbm>> -> memref<8x128xf32, #tpu.memory_space<hbm>>
    %dma_wait3A_105 = arith.constant 0 : i32
    %dma_wait3A_106 = arith.constant 0 : i32
    %dma_wait3A_107 = tpu.memref_slice %arg5[%dma_wait3A_96, %dma_wait3A_97, %add3A, %dma_wait3A_105, %dma_wait3A_106] : memref<200x4x32x8x128xf32, #tpu.memory_space<hbm>> -> memref<1x1x1x8x128xf32, #tpu.memory_space<hbm>>
    %dma_wait3A_108 = tpu.memref_squeeze %dma_wait3A_107 : memref<1x1x1x8x128xf32, #tpu.memory_space<hbm>> -> memref<8x128xf32, #tpu.memory_space<hbm>>
    %dma_wait3A_109 = arith.constant 16 : i32
    %dma_wait3A_110 = arith.constant 0 : i32
    %dma_wait3A_111 = tpu.memref_slice %arg15[%dma_wait3A_109, %dma_wait3A_110] : memref<32x129xf32, #tpu.memory_space<vmem>> -> memref<8x128xf32, #tpu.memory_space<vmem>>
    tpu.wait_dma2 semaphore(%arg25 : memref<!tpu.dma_semaphore, #tpu.memory_space<semaphore_mem>>) src(%dma_wait3A_111 : memref<8x128xf32, #tpu.memory_space<vmem>>) dst(%dma_wait3A_108 : memref<8x128xf32, #tpu.memory_space<hbm>>)
    %dma_wait3A_112 = arith.constant 192 : i32
    %dma_wait3A_113 = arith.constant 3 : i32
    %dma_wait3A_114 = arith.constant 24 : i32
    %dma_wait3A_115 = arith.constant 0 : i32
    %dma_wait3A_116 = tpu.memref_slice %arg15[%dma_wait3A_114, %dma_wait3A_115] : memref<32x129xf32, #tpu.memory_space<vmem>> -> memref<8x128xf32, #tpu.memory_space<vmem>>
    %dma_wait3A_117 = arith.constant 0 : i32
    %dma_wait3A_118 = arith.constant 0 : i32
    %dma_wait3A_119 = tpu.memref_slice %arg5[%dma_wait3A_112, %dma_wait3A_113, %add3A, %dma_wait3A_117, %dma_wait3A_118] : memref<200x4x32x8x128xf32, #tpu.memory_space<hbm>> -> memref<1x1x1x8x128xf32, #tpu.memory_space<hbm>>
    %dma_wait3A_120 = tpu.memref_squeeze %dma_wait3A_119 : memref<1x1x1x8x128xf32, #tpu.memory_space<hbm>> -> memref<8x128xf32, #tpu.memory_space<hbm>>
    %dma_wait3A_121 = arith.constant 0 : i32
    %dma_wait3A_122 = arith.constant 0 : i32
    %dma_wait3A_123 = tpu.memref_slice %arg5[%dma_wait3A_112, %dma_wait3A_113, %add3A, %dma_wait3A_121, %dma_wait3A_122] : memref<200x4x32x8x128xf32, #tpu.memory_space<hbm>> -> memref<1x1x1x8x128xf32, #tpu.memory_space<hbm>>
    %dma_wait3A_124 = tpu.memref_squeeze %dma_wait3A_123 : memref<1x1x1x8x128xf32, #tpu.memory_space<hbm>> -> memref<8x128xf32, #tpu.memory_space<hbm>>
    %dma_wait3A_125 = arith.constant 24 : i32
    %dma_wait3A_126 = arith.constant 0 : i32
    %dma_wait3A_127 = tpu.memref_slice %arg15[%dma_wait3A_125, %dma_wait3A_126] : memref<32x129xf32, #tpu.memory_space<vmem>> -> memref<8x128xf32, #tpu.memory_space<vmem>>
    tpu.wait_dma2 semaphore(%arg25 : memref<!tpu.dma_semaphore, #tpu.memory_space<semaphore_mem>>) src(%dma_wait3A_127 : memref<8x128xf32, #tpu.memory_space<vmem>>) dst(%dma_wait3A_124 : memref<8x128xf32, #tpu.memory_space<hbm>>)
    %dma_wait3A_128 = arith.constant 193 : i32
    %dma_wait3A_129 = arith.constant 0 : i32
    %dma_wait3A_130 = arith.constant 0 : i32
    %dma_wait3A_131 = arith.constant 0 : i32
    %dma_wait3A_132 = tpu.memref_slice %arg16[%dma_wait3A_130, %dma_wait3A_131] : memref<32x129xf32, #tpu.memory_space<vmem>> -> memref<8x128xf32, #tpu.memory_space<vmem>>
    %dma_wait3A_133 = arith.constant 0 : i32
    %dma_wait3A_134 = arith.constant 0 : i32
    %dma_wait3A_135 = tpu.memref_slice %arg5[%dma_wait3A_128, %dma_wait3A_129, %add3A, %dma_wait3A_133, %dma_wait3A_134] : memref<200x4x32x8x128xf32, #tpu.memory_space<hbm>> -> memref<1x1x1x8x128xf32, #tpu.memory_space<hbm>>
    %dma_wait3A_136 = tpu.memref_squeeze %dma_wait3A_135 : memref<1x1x1x8x128xf32, #tpu.memory_space<hbm>> -> memref<8x128xf32, #tpu.memory_space<hbm>>
    %dma_wait3A_137 = arith.constant 0 : i32
    %dma_wait3A_138 = arith.constant 0 : i32
    %dma_wait3A_139 = tpu.memref_slice %arg5[%dma_wait3A_128, %dma_wait3A_129, %add3A, %dma_wait3A_137, %dma_wait3A_138] : memref<200x4x32x8x128xf32, #tpu.memory_space<hbm>> -> memref<1x1x1x8x128xf32, #tpu.memory_space<hbm>>
    %dma_wait3A_140 = tpu.memref_squeeze %dma_wait3A_139 : memref<1x1x1x8x128xf32, #tpu.memory_space<hbm>> -> memref<8x128xf32, #tpu.memory_space<hbm>>
    %dma_wait3A_141 = arith.constant 0 : i32
    %dma_wait3A_142 = arith.constant 0 : i32
    %dma_wait3A_143 = tpu.memref_slice %arg16[%dma_wait3A_141, %dma_wait3A_142] : memref<32x129xf32, #tpu.memory_space<vmem>> -> memref<8x128xf32, #tpu.memory_space<vmem>>
    tpu.wait_dma2 semaphore(%arg25 : memref<!tpu.dma_semaphore, #tpu.memory_space<semaphore_mem>>) src(%dma_wait3A_143 : memref<8x128xf32, #tpu.memory_space<vmem>>) dst(%dma_wait3A_140 : memref<8x128xf32, #tpu.memory_space<hbm>>)
    %dma_wait3A_144 = arith.constant 193 : i32
    %dma_wait3A_145 = arith.constant 1 : i32
    %dma_wait3A_146 = arith.constant 8 : i32
    %dma_wait3A_147 = arith.constant 0 : i32
    %dma_wait3A_148 = tpu.memref_slice %arg16[%dma_wait3A_146, %dma_wait3A_147] : memref<32x129xf32, #tpu.memory_space<vmem>> -> memref<8x128xf32, #tpu.memory_space<vmem>>
    %dma_wait3A_149 = arith.constant 0 : i32
    %dma_wait3A_150 = arith.constant 0 : i32
    %dma_wait3A_151 = tpu.memref_slice %arg5[%dma_wait3A_144, %dma_wait3A_145, %add3A, %dma_wait3A_149, %dma_wait3A_150] : memref<200x4x32x8x128xf32, #tpu.memory_space<hbm>> -> memref<1x1x1x8x128xf32, #tpu.memory_space<hbm>>
    %dma_wait3A_152 = tpu.memref_squeeze %dma_wait3A_151 : memref<1x1x1x8x128xf32, #tpu.memory_space<hbm>> -> memref<8x128xf32, #tpu.memory_space<hbm>>
    %dma_wait3A_153 = arith.constant 0 : i32
    %dma_wait3A_154 = arith.constant 0 : i32
    %dma_wait3A_155 = tpu.memref_slice %arg5[%dma_wait3A_144, %dma_wait3A_145, %add3A, %dma_wait3A_153, %dma_wait3A_154] : memref<200x4x32x8x128xf32, #tpu.memory_space<hbm>> -> memref<1x1x1x8x128xf32, #tpu.memory_space<hbm>>
    %dma_wait3A_156 = tpu.memref_squeeze %dma_wait3A_155 : memref<1x1x1x8x128xf32, #tpu.memory_space<hbm>> -> memref<8x128xf32, #tpu.memory_space<hbm>>
    %dma_wait3A_157 = arith.constant 8 : i32
    %dma_wait3A_158 = arith.constant 0 : i32
    %dma_wait3A_159 = tpu.memref_slice %arg16[%dma_wait3A_157, %dma_wait3A_158] : memref<32x129xf32, #tpu.memory_space<vmem>> -> memref<8x128xf32, #tpu.memory_space<vmem>>
    tpu.wait_dma2 semaphore(%arg25 : memref<!tpu.dma_semaphore, #tpu.memory_space<semaphore_mem>>) src(%dma_wait3A_159 : memref<8x128xf32, #tpu.memory_space<vmem>>) dst(%dma_wait3A_156 : memref<8x128xf32, #tpu.memory_space<hbm>>)
    %dma_wait3A_160 = arith.constant 193 : i32
    %dma_wait3A_161 = arith.constant 2 : i32
    %dma_wait3A_162 = arith.constant 16 : i32
    %dma_wait3A_163 = arith.constant 0 : i32
    %dma_wait3A_164 = tpu.memref_slice %arg16[%dma_wait3A_162, %dma_wait3A_163] : memref<32x129xf32, #tpu.memory_space<vmem>> -> memref<8x128xf32, #tpu.memory_space<vmem>>
    %dma_wait3A_165 = arith.constant 0 : i32
    %dma_wait3A_166 = arith.constant 0 : i32
    %dma_wait3A_167 = tpu.memref_slice %arg5[%dma_wait3A_160, %dma_wait3A_161, %add3A, %dma_wait3A_165, %dma_wait3A_166] : memref<200x4x32x8x128xf32, #tpu.memory_space<hbm>> -> memref<1x1x1x8x128xf32, #tpu.memory_space<hbm>>
    %dma_wait3A_168 = tpu.memref_squeeze %dma_wait3A_167 : memref<1x1x1x8x128xf32, #tpu.memory_space<hbm>> -> memref<8x128xf32, #tpu.memory_space<hbm>>
    %dma_wait3A_169 = arith.constant 0 : i32
    %dma_wait3A_170 = arith.constant 0 : i32
    %dma_wait3A_171 = tpu.memref_slice %arg5[%dma_wait3A_160, %dma_wait3A_161, %add3A, %dma_wait3A_169, %dma_wait3A_170] : memref<200x4x32x8x128xf32, #tpu.memory_space<hbm>> -> memref<1x1x1x8x128xf32, #tpu.memory_space<hbm>>
    %dma_wait3A_172 = tpu.memref_squeeze %dma_wait3A_171 : memref<1x1x1x8x128xf32, #tpu.memory_space<hbm>> -> memref<8x128xf32, #tpu.memory_space<hbm>>
    %dma_wait3A_173 = arith.constant 16 : i32
    %dma_wait3A_174 = arith.constant 0 : i32
    %dma_wait3A_175 = tpu.memref_slice %arg16[%dma_wait3A_173, %dma_wait3A_174] : memref<32x129xf32, #tpu.memory_space<vmem>> -> memref<8x128xf32, #tpu.memory_space<vmem>>
    tpu.wait_dma2 semaphore(%arg25 : memref<!tpu.dma_semaphore, #tpu.memory_space<semaphore_mem>>) src(%dma_wait3A_175 : memref<8x128xf32, #tpu.memory_space<vmem>>) dst(%dma_wait3A_172 : memref<8x128xf32, #tpu.memory_space<hbm>>)
    %dma_wait3A_176 = arith.constant 193 : i32
    %dma_wait3A_177 = arith.constant 3 : i32
    %dma_wait3A_178 = arith.constant 24 : i32
    %dma_wait3A_179 = arith.constant 0 : i32
    %dma_wait3A_180 = tpu.memref_slice %arg16[%dma_wait3A_178, %dma_wait3A_179] : memref<32x129xf32, #tpu.memory_space<vmem>> -> memref<8x128xf32, #tpu.memory_space<vmem>>
    %dma_wait3A_181 = arith.constant 0 : i32
    %dma_wait3A_182 = arith.constant 0 : i32
    %dma_wait3A_183 = tpu.memref_slice %arg5[%dma_wait3A_176, %dma_wait3A_177, %add3A, %dma_wait3A_181, %dma_wait3A_182] : memref<200x4x32x8x128xf32, #tpu.memory_space<hbm>> -> memref<1x1x1x8x128xf32, #tpu.memory_space<hbm>>
    %dma_wait3A_184 = tpu.memref_squeeze %dma_wait3A_183 : memref<1x1x1x8x128xf32, #tpu.memory_space<hbm>> -> memref<8x128xf32, #tpu.memory_space<hbm>>
    %dma_wait3A_185 = arith.constant 0 : i32
    %dma_wait3A_186 = arith.constant 0 : i32
    %dma_wait3A_187 = tpu.memref_slice %arg5[%dma_wait3A_176, %dma_wait3A_177, %add3A, %dma_wait3A_185, %dma_wait3A_186] : memref<200x4x32x8x128xf32, #tpu.memory_space<hbm>> -> memref<1x1x1x8x128xf32, #tpu.memory_space<hbm>>
    %dma_wait3A_188 = tpu.memref_squeeze %dma_wait3A_187 : memref<1x1x1x8x128xf32, #tpu.memory_space<hbm>> -> memref<8x128xf32, #tpu.memory_space<hbm>>
    %dma_wait3A_189 = arith.constant 24 : i32
    %dma_wait3A_190 = arith.constant 0 : i32
    %dma_wait3A_191 = tpu.memref_slice %arg16[%dma_wait3A_189, %dma_wait3A_190] : memref<32x129xf32, #tpu.memory_space<vmem>> -> memref<8x128xf32, #tpu.memory_space<vmem>>
    tpu.wait_dma2 semaphore(%arg25 : memref<!tpu.dma_semaphore, #tpu.memory_space<semaphore_mem>>) src(%dma_wait3A_191 : memref<8x128xf32, #tpu.memory_space<vmem>>) dst(%dma_wait3A_188 : memref<8x128xf32, #tpu.memory_space<hbm>>)
    %dma_wait3A_192 = arith.constant 194 : i32
    %dma_wait3A_193 = arith.constant 0 : i32
    %dma_wait3A_194 = arith.constant 0 : i32
    %dma_wait3A_195 = arith.constant 0 : i32
    %dma_wait3A_196 = tpu.memref_slice %arg17[%dma_wait3A_194, %dma_wait3A_195] : memref<32x129xf32, #tpu.memory_space<vmem>> -> memref<8x128xf32, #tpu.memory_space<vmem>>
    %dma_wait3A_197 = arith.constant 0 : i32
    %dma_wait3A_198 = arith.constant 0 : i32
    %dma_wait3A_199 = tpu.memref_slice %arg5[%dma_wait3A_192, %dma_wait3A_193, %add3A, %dma_wait3A_197, %dma_wait3A_198] : memref<200x4x32x8x128xf32, #tpu.memory_space<hbm>> -> memref<1x1x1x8x128xf32, #tpu.memory_space<hbm>>
    %dma_wait3A_200 = tpu.memref_squeeze %dma_wait3A_199 : memref<1x1x1x8x128xf32, #tpu.memory_space<hbm>> -> memref<8x128xf32, #tpu.memory_space<hbm>>
    %dma_wait3A_201 = arith.constant 0 : i32
    %dma_wait3A_202 = arith.constant 0 : i32
    %dma_wait3A_203 = tpu.memref_slice %arg5[%dma_wait3A_192, %dma_wait3A_193, %add3A, %dma_wait3A_201, %dma_wait3A_202] : memref<200x4x32x8x128xf32, #tpu.memory_space<hbm>> -> memref<1x1x1x8x128xf32, #tpu.memory_space<hbm>>
    %dma_wait3A_204 = tpu.memref_squeeze %dma_wait3A_203 : memref<1x1x1x8x128xf32, #tpu.memory_space<hbm>> -> memref<8x128xf32, #tpu.memory_space<hbm>>
    %dma_wait3A_205 = arith.constant 0 : i32
    %dma_wait3A_206 = arith.constant 0 : i32
    %dma_wait3A_207 = tpu.memref_slice %arg17[%dma_wait3A_205, %dma_wait3A_206] : memref<32x129xf32, #tpu.memory_space<vmem>> -> memref<8x128xf32, #tpu.memory_space<vmem>>
    tpu.wait_dma2 semaphore(%arg25 : memref<!tpu.dma_semaphore, #tpu.memory_space<semaphore_mem>>) src(%dma_wait3A_207 : memref<8x128xf32, #tpu.memory_space<vmem>>) dst(%dma_wait3A_204 : memref<8x128xf32, #tpu.memory_space<hbm>>)
    %dma_wait3A_208 = arith.constant 194 : i32
    %dma_wait3A_209 = arith.constant 1 : i32
    %dma_wait3A_210 = arith.constant 8 : i32
    %dma_wait3A_211 = arith.constant 0 : i32
    %dma_wait3A_212 = tpu.memref_slice %arg17[%dma_wait3A_210, %dma_wait3A_211] : memref<32x129xf32, #tpu.memory_space<vmem>> -> memref<8x128xf32, #tpu.memory_space<vmem>>
    %dma_wait3A_213 = arith.constant 0 : i32
    %dma_wait3A_214 = arith.constant 0 : i32
    %dma_wait3A_215 = tpu.memref_slice %arg5[%dma_wait3A_208, %dma_wait3A_209, %add3A, %dma_wait3A_213, %dma_wait3A_214] : memref<200x4x32x8x128xf32, #tpu.memory_space<hbm>> -> memref<1x1x1x8x128xf32, #tpu.memory_space<hbm>>
    %dma_wait3A_216 = tpu.memref_squeeze %dma_wait3A_215 : memref<1x1x1x8x128xf32, #tpu.memory_space<hbm>> -> memref<8x128xf32, #tpu.memory_space<hbm>>
    %dma_wait3A_217 = arith.constant 0 : i32
    %dma_wait3A_218 = arith.constant 0 : i32
    %dma_wait3A_219 = tpu.memref_slice %arg5[%dma_wait3A_208, %dma_wait3A_209, %add3A, %dma_wait3A_217, %dma_wait3A_218] : memref<200x4x32x8x128xf32, #tpu.memory_space<hbm>> -> memref<1x1x1x8x128xf32, #tpu.memory_space<hbm>>
    %dma_wait3A_220 = tpu.memref_squeeze %dma_wait3A_219 : memref<1x1x1x8x128xf32, #tpu.memory_space<hbm>> -> memref<8x128xf32, #tpu.memory_space<hbm>>
    %dma_wait3A_221 = arith.constant 8 : i32
    %dma_wait3A_222 = arith.constant 0 : i32
    %dma_wait3A_223 = tpu.memref_slice %arg17[%dma_wait3A_221, %dma_wait3A_222] : memref<32x129xf32, #tpu.memory_space<vmem>> -> memref<8x128xf32, #tpu.memory_space<vmem>>
    tpu.wait_dma2 semaphore(%arg25 : memref<!tpu.dma_semaphore, #tpu.memory_space<semaphore_mem>>) src(%dma_wait3A_223 : memref<8x128xf32, #tpu.memory_space<vmem>>) dst(%dma_wait3A_220 : memref<8x128xf32, #tpu.memory_space<hbm>>)
    %dma_wait3A_224 = arith.constant 194 : i32
    %dma_wait3A_225 = arith.constant 2 : i32
    %dma_wait3A_226 = arith.constant 16 : i32
    %dma_wait3A_227 = arith.constant 0 : i32
    %dma_wait3A_228 = tpu.memref_slice %arg17[%dma_wait3A_226, %dma_wait3A_227] : memref<32x129xf32, #tpu.memory_space<vmem>> -> memref<8x128xf32, #tpu.memory_space<vmem>>
    %dma_wait3A_229 = arith.constant 0 : i32
    %dma_wait3A_230 = arith.constant 0 : i32
    %dma_wait3A_231 = tpu.memref_slice %arg5[%dma_wait3A_224, %dma_wait3A_225, %add3A, %dma_wait3A_229, %dma_wait3A_230] : memref<200x4x32x8x128xf32, #tpu.memory_space<hbm>> -> memref<1x1x1x8x128xf32, #tpu.memory_space<hbm>>
    %dma_wait3A_232 = tpu.memref_squeeze %dma_wait3A_231 : memref<1x1x1x8x128xf32, #tpu.memory_space<hbm>> -> memref<8x128xf32, #tpu.memory_space<hbm>>
    %dma_wait3A_233 = arith.constant 0 : i32
    %dma_wait3A_234 = arith.constant 0 : i32
    %dma_wait3A_235 = tpu.memref_slice %arg5[%dma_wait3A_224, %dma_wait3A_225, %add3A, %dma_wait3A_233, %dma_wait3A_234] : memref<200x4x32x8x128xf32, #tpu.memory_space<hbm>> -> memref<1x1x1x8x128xf32, #tpu.memory_space<hbm>>
    %dma_wait3A_236 = tpu.memref_squeeze %dma_wait3A_235 : memref<1x1x1x8x128xf32, #tpu.memory_space<hbm>> -> memref<8x128xf32, #tpu.memory_space<hbm>>
    %dma_wait3A_237 = arith.constant 16 : i32
    %dma_wait3A_238 = arith.constant 0 : i32
    %dma_wait3A_239 = tpu.memref_slice %arg17[%dma_wait3A_237, %dma_wait3A_238] : memref<32x129xf32, #tpu.memory_space<vmem>> -> memref<8x128xf32, #tpu.memory_space<vmem>>
    tpu.wait_dma2 semaphore(%arg25 : memref<!tpu.dma_semaphore, #tpu.memory_space<semaphore_mem>>) src(%dma_wait3A_239 : memref<8x128xf32, #tpu.memory_space<vmem>>) dst(%dma_wait3A_236 : memref<8x128xf32, #tpu.memory_space<hbm>>)
    %dma_wait3A_240 = arith.constant 194 : i32
    %dma_wait3A_241 = arith.constant 3 : i32
    %dma_wait3A_242 = arith.constant 24 : i32
    %dma_wait3A_243 = arith.constant 0 : i32
    %dma_wait3A_244 = tpu.memref_slice %arg17[%dma_wait3A_242, %dma_wait3A_243] : memref<32x129xf32, #tpu.memory_space<vmem>> -> memref<8x128xf32, #tpu.memory_space<vmem>>
    %dma_wait3A_245 = arith.constant 0 : i32
    %dma_wait3A_246 = arith.constant 0 : i32
    %dma_wait3A_247 = tpu.memref_slice %arg5[%dma_wait3A_240, %dma_wait3A_241, %add3A, %dma_wait3A_245, %dma_wait3A_246] : memref<200x4x32x8x128xf32, #tpu.memory_space<hbm>> -> memref<1x1x1x8x128xf32, #tpu.memory_space<hbm>>
    %dma_wait3A_248 = tpu.memref_squeeze %dma_wait3A_247 : memref<1x1x1x8x128xf32, #tpu.memory_space<hbm>> -> memref<8x128xf32, #tpu.memory_space<hbm>>
    %dma_wait3A_249 = arith.constant 0 : i32
    %dma_wait3A_250 = arith.constant 0 : i32
    %dma_wait3A_251 = tpu.memref_slice %arg5[%dma_wait3A_240, %dma_wait3A_241, %add3A, %dma_wait3A_249, %dma_wait3A_250] : memref<200x4x32x8x128xf32, #tpu.memory_space<hbm>> -> memref<1x1x1x8x128xf32, #tpu.memory_space<hbm>>
    %dma_wait3A_252 = tpu.memref_squeeze %dma_wait3A_251 : memref<1x1x1x8x128xf32, #tpu.memory_space<hbm>> -> memref<8x128xf32, #tpu.memory_space<hbm>>
    %dma_wait3A_253 = arith.constant 24 : i32
    %dma_wait3A_254 = arith.constant 0 : i32
    %dma_wait3A_255 = tpu.memref_slice %arg17[%dma_wait3A_253, %dma_wait3A_254] : memref<32x129xf32, #tpu.memory_space<vmem>> -> memref<8x128xf32, #tpu.memory_space<vmem>>
    tpu.wait_dma2 semaphore(%arg25 : memref<!tpu.dma_semaphore, #tpu.memory_space<semaphore_mem>>) src(%dma_wait3A_255 : memref<8x128xf32, #tpu.memory_space<vmem>>) dst(%dma_wait3A_252 : memref<8x128xf32, #tpu.memory_space<hbm>>)
    %dma_wait3A_256 = arith.constant 195 : i32
    %dma_wait3A_257 = arith.constant 0 : i32
    %dma_wait3A_258 = arith.constant 0 : i32
    %dma_wait3A_259 = arith.constant 0 : i32
    %dma_wait3A_260 = tpu.memref_slice %arg18[%dma_wait3A_258, %dma_wait3A_259] : memref<32x129xf32, #tpu.memory_space<vmem>> -> memref<8x128xf32, #tpu.memory_space<vmem>>
    %dma_wait3A_261 = arith.constant 0 : i32
    %dma_wait3A_262 = arith.constant 0 : i32
    %dma_wait3A_263 = tpu.memref_slice %arg5[%dma_wait3A_256, %dma_wait3A_257, %add3A, %dma_wait3A_261, %dma_wait3A_262] : memref<200x4x32x8x128xf32, #tpu.memory_space<hbm>> -> memref<1x1x1x8x128xf32, #tpu.memory_space<hbm>>
    %dma_wait3A_264 = tpu.memref_squeeze %dma_wait3A_263 : memref<1x1x1x8x128xf32, #tpu.memory_space<hbm>> -> memref<8x128xf32, #tpu.memory_space<hbm>>
    %dma_wait3A_265 = arith.constant 0 : i32
    %dma_wait3A_266 = arith.constant 0 : i32
    %dma_wait3A_267 = tpu.memref_slice %arg5[%dma_wait3A_256, %dma_wait3A_257, %add3A, %dma_wait3A_265, %dma_wait3A_266] : memref<200x4x32x8x128xf32, #tpu.memory_space<hbm>> -> memref<1x1x1x8x128xf32, #tpu.memory_space<hbm>>
    %dma_wait3A_268 = tpu.memref_squeeze %dma_wait3A_267 : memref<1x1x1x8x128xf32, #tpu.memory_space<hbm>> -> memref<8x128xf32, #tpu.memory_space<hbm>>
    %dma_wait3A_269 = arith.constant 0 : i32
    %dma_wait3A_270 = arith.constant 0 : i32
    %dma_wait3A_271 = tpu.memref_slice %arg18[%dma_wait3A_269, %dma_wait3A_270] : memref<32x129xf32, #tpu.memory_space<vmem>> -> memref<8x128xf32, #tpu.memory_space<vmem>>
    tpu.wait_dma2 semaphore(%arg25 : memref<!tpu.dma_semaphore, #tpu.memory_space<semaphore_mem>>) src(%dma_wait3A_271 : memref<8x128xf32, #tpu.memory_space<vmem>>) dst(%dma_wait3A_268 : memref<8x128xf32, #tpu.memory_space<hbm>>)
    %dma_wait3A_272 = arith.constant 195 : i32
    %dma_wait3A_273 = arith.constant 1 : i32
    %dma_wait3A_274 = arith.constant 8 : i32
    %dma_wait3A_275 = arith.constant 0 : i32
    %dma_wait3A_276 = tpu.memref_slice %arg18[%dma_wait3A_274, %dma_wait3A_275] : memref<32x129xf32, #tpu.memory_space<vmem>> -> memref<8x128xf32, #tpu.memory_space<vmem>>
    %dma_wait3A_277 = arith.constant 0 : i32
    %dma_wait3A_278 = arith.constant 0 : i32
    %dma_wait3A_279 = tpu.memref_slice %arg5[%dma_wait3A_272, %dma_wait3A_273, %add3A, %dma_wait3A_277, %dma_wait3A_278] : memref<200x4x32x8x128xf32, #tpu.memory_space<hbm>> -> memref<1x1x1x8x128xf32, #tpu.memory_space<hbm>>
    %dma_wait3A_280 = tpu.memref_squeeze %dma_wait3A_279 : memref<1x1x1x8x128xf32, #tpu.memory_space<hbm>> -> memref<8x128xf32, #tpu.memory_space<hbm>>
    %dma_wait3A_281 = arith.constant 0 : i32
    %dma_wait3A_282 = arith.constant 0 : i32
    %dma_wait3A_283 = tpu.memref_slice %arg5[%dma_wait3A_272, %dma_wait3A_273, %add3A, %dma_wait3A_281, %dma_wait3A_282] : memref<200x4x32x8x128xf32, #tpu.memory_space<hbm>> -> memref<1x1x1x8x128xf32, #tpu.memory_space<hbm>>
    %dma_wait3A_284 = tpu.memref_squeeze %dma_wait3A_283 : memref<1x1x1x8x128xf32, #tpu.memory_space<hbm>> -> memref<8x128xf32, #tpu.memory_space<hbm>>
    %dma_wait3A_285 = arith.constant 8 : i32
    %dma_wait3A_286 = arith.constant 0 : i32
    %dma_wait3A_287 = tpu.memref_slice %arg18[%dma_wait3A_285, %dma_wait3A_286] : memref<32x129xf32, #tpu.memory_space<vmem>> -> memref<8x128xf32, #tpu.memory_space<vmem>>
    tpu.wait_dma2 semaphore(%arg25 : memref<!tpu.dma_semaphore, #tpu.memory_space<semaphore_mem>>) src(%dma_wait3A_287 : memref<8x128xf32, #tpu.memory_space<vmem>>) dst(%dma_wait3A_284 : memref<8x128xf32, #tpu.memory_space<hbm>>)
    %dma_wait3A_288 = arith.constant 195 : i32
    %dma_wait3A_289 = arith.constant 2 : i32
    %dma_wait3A_290 = arith.constant 16 : i32
    %dma_wait3A_291 = arith.constant 0 : i32
    %dma_wait3A_292 = tpu.memref_slice %arg18[%dma_wait3A_290, %dma_wait3A_291] : memref<32x129xf32, #tpu.memory_space<vmem>> -> memref<8x128xf32, #tpu.memory_space<vmem>>
    %dma_wait3A_293 = arith.constant 0 : i32
    %dma_wait3A_294 = arith.constant 0 : i32
    %dma_wait3A_295 = tpu.memref_slice %arg5[%dma_wait3A_288, %dma_wait3A_289, %add3A, %dma_wait3A_293, %dma_wait3A_294] : memref<200x4x32x8x128xf32, #tpu.memory_space<hbm>> -> memref<1x1x1x8x128xf32, #tpu.memory_space<hbm>>
    %dma_wait3A_296 = tpu.memref_squeeze %dma_wait3A_295 : memref<1x1x1x8x128xf32, #tpu.memory_space<hbm>> -> memref<8x128xf32, #tpu.memory_space<hbm>>
    %dma_wait3A_297 = arith.constant 0 : i32
    %dma_wait3A_298 = arith.constant 0 : i32
    %dma_wait3A_299 = tpu.memref_slice %arg5[%dma_wait3A_288, %dma_wait3A_289, %add3A, %dma_wait3A_297, %dma_wait3A_298] : memref<200x4x32x8x128xf32, #tpu.memory_space<hbm>> -> memref<1x1x1x8x128xf32, #tpu.memory_space<hbm>>
    %dma_wait3A_300 = tpu.memref_squeeze %dma_wait3A_299 : memref<1x1x1x8x128xf32, #tpu.memory_space<hbm>> -> memref<8x128xf32, #tpu.memory_space<hbm>>
    %dma_wait3A_301 = arith.constant 16 : i32
    %dma_wait3A_302 = arith.constant 0 : i32
    %dma_wait3A_303 = tpu.memref_slice %arg18[%dma_wait3A_301, %dma_wait3A_302] : memref<32x129xf32, #tpu.memory_space<vmem>> -> memref<8x128xf32, #tpu.memory_space<vmem>>
    tpu.wait_dma2 semaphore(%arg25 : memref<!tpu.dma_semaphore, #tpu.memory_space<semaphore_mem>>) src(%dma_wait3A_303 : memref<8x128xf32, #tpu.memory_space<vmem>>) dst(%dma_wait3A_300 : memref<8x128xf32, #tpu.memory_space<hbm>>)
    %dma_wait3A_304 = arith.constant 195 : i32
    %dma_wait3A_305 = arith.constant 3 : i32
    %dma_wait3A_306 = arith.constant 24 : i32
    %dma_wait3A_307 = arith.constant 0 : i32
    %dma_wait3A_308 = tpu.memref_slice %arg18[%dma_wait3A_306, %dma_wait3A_307] : memref<32x129xf32, #tpu.memory_space<vmem>> -> memref<8x128xf32, #tpu.memory_space<vmem>>
    %dma_wait3A_309 = arith.constant 0 : i32
    %dma_wait3A_310 = arith.constant 0 : i32
    %dma_wait3A_311 = tpu.memref_slice %arg5[%dma_wait3A_304, %dma_wait3A_305, %add3A, %dma_wait3A_309, %dma_wait3A_310] : memref<200x4x32x8x128xf32, #tpu.memory_space<hbm>> -> memref<1x1x1x8x128xf32, #tpu.memory_space<hbm>>
    %dma_wait3A_312 = tpu.memref_squeeze %dma_wait3A_311 : memref<1x1x1x8x128xf32, #tpu.memory_space<hbm>> -> memref<8x128xf32, #tpu.memory_space<hbm>>
    %dma_wait3A_313 = arith.constant 0 : i32
    %dma_wait3A_314 = arith.constant 0 : i32
    %dma_wait3A_315 = tpu.memref_slice %arg5[%dma_wait3A_304, %dma_wait3A_305, %add3A, %dma_wait3A_313, %dma_wait3A_314] : memref<200x4x32x8x128xf32, #tpu.memory_space<hbm>> -> memref<1x1x1x8x128xf32, #tpu.memory_space<hbm>>
    %dma_wait3A_316 = tpu.memref_squeeze %dma_wait3A_315 : memref<1x1x1x8x128xf32, #tpu.memory_space<hbm>> -> memref<8x128xf32, #tpu.memory_space<hbm>>
    %dma_wait3A_317 = arith.constant 24 : i32
    %dma_wait3A_318 = arith.constant 0 : i32
    %dma_wait3A_319 = tpu.memref_slice %arg18[%dma_wait3A_317, %dma_wait3A_318] : memref<32x129xf32, #tpu.memory_space<vmem>> -> memref<8x128xf32, #tpu.memory_space<vmem>>
    tpu.wait_dma2 semaphore(%arg25 : memref<!tpu.dma_semaphore, #tpu.memory_space<semaphore_mem>>) src(%dma_wait3A_319 : memref<8x128xf32, #tpu.memory_space<vmem>>) dst(%dma_wait3A_316 : memref<8x128xf32, #tpu.memory_space<hbm>>)
    %dma_wait3A_320 = arith.constant 196 : i32
    %dma_wait3A_321 = arith.constant 0 : i32
    %dma_wait3A_322 = arith.constant 0 : i32
    %dma_wait3A_323 = arith.constant 0 : i32
    %dma_wait3A_324 = tpu.memref_slice %arg19[%dma_wait3A_322, %dma_wait3A_323] : memref<32x129xf32, #tpu.memory_space<vmem>> -> memref<8x128xf32, #tpu.memory_space<vmem>>
    %dma_wait3A_325 = arith.constant 0 : i32
    %dma_wait3A_326 = arith.constant 0 : i32
    %dma_wait3A_327 = tpu.memref_slice %arg5[%dma_wait3A_320, %dma_wait3A_321, %add3A, %dma_wait3A_325, %dma_wait3A_326] : memref<200x4x32x8x128xf32, #tpu.memory_space<hbm>> -> memref<1x1x1x8x128xf32, #tpu.memory_space<hbm>>
    %dma_wait3A_328 = tpu.memref_squeeze %dma_wait3A_327 : memref<1x1x1x8x128xf32, #tpu.memory_space<hbm>> -> memref<8x128xf32, #tpu.memory_space<hbm>>
    %dma_wait3A_329 = arith.constant 0 : i32
    %dma_wait3A_330 = arith.constant 0 : i32
    %dma_wait3A_331 = tpu.memref_slice %arg5[%dma_wait3A_320, %dma_wait3A_321, %add3A, %dma_wait3A_329, %dma_wait3A_330] : memref<200x4x32x8x128xf32, #tpu.memory_space<hbm>> -> memref<1x1x1x8x128xf32, #tpu.memory_space<hbm>>
    %dma_wait3A_332 = tpu.memref_squeeze %dma_wait3A_331 : memref<1x1x1x8x128xf32, #tpu.memory_space<hbm>> -> memref<8x128xf32, #tpu.memory_space<hbm>>
    %dma_wait3A_333 = arith.constant 0 : i32
    %dma_wait3A_334 = arith.constant 0 : i32
    %dma_wait3A_335 = tpu.memref_slice %arg19[%dma_wait3A_333, %dma_wait3A_334] : memref<32x129xf32, #tpu.memory_space<vmem>> -> memref<8x128xf32, #tpu.memory_space<vmem>>
    tpu.wait_dma2 semaphore(%arg25 : memref<!tpu.dma_semaphore, #tpu.memory_space<semaphore_mem>>) src(%dma_wait3A_335 : memref<8x128xf32, #tpu.memory_space<vmem>>) dst(%dma_wait3A_332 : memref<8x128xf32, #tpu.memory_space<hbm>>)
    %dma_wait3A_336 = arith.constant 196 : i32
    %dma_wait3A_337 = arith.constant 1 : i32
    %dma_wait3A_338 = arith.constant 8 : i32
    %dma_wait3A_339 = arith.constant 0 : i32
    %dma_wait3A_340 = tpu.memref_slice %arg19[%dma_wait3A_338, %dma_wait3A_339] : memref<32x129xf32, #tpu.memory_space<vmem>> -> memref<8x128xf32, #tpu.memory_space<vmem>>
    %dma_wait3A_341 = arith.constant 0 : i32
    %dma_wait3A_342 = arith.constant 0 : i32
    %dma_wait3A_343 = tpu.memref_slice %arg5[%dma_wait3A_336, %dma_wait3A_337, %add3A, %dma_wait3A_341, %dma_wait3A_342] : memref<200x4x32x8x128xf32, #tpu.memory_space<hbm>> -> memref<1x1x1x8x128xf32, #tpu.memory_space<hbm>>
    %dma_wait3A_344 = tpu.memref_squeeze %dma_wait3A_343 : memref<1x1x1x8x128xf32, #tpu.memory_space<hbm>> -> memref<8x128xf32, #tpu.memory_space<hbm>>
    %dma_wait3A_345 = arith.constant 0 : i32
    %dma_wait3A_346 = arith.constant 0 : i32
    %dma_wait3A_347 = tpu.memref_slice %arg5[%dma_wait3A_336, %dma_wait3A_337, %add3A, %dma_wait3A_345, %dma_wait3A_346] : memref<200x4x32x8x128xf32, #tpu.memory_space<hbm>> -> memref<1x1x1x8x128xf32, #tpu.memory_space<hbm>>
    %dma_wait3A_348 = tpu.memref_squeeze %dma_wait3A_347 : memref<1x1x1x8x128xf32, #tpu.memory_space<hbm>> -> memref<8x128xf32, #tpu.memory_space<hbm>>
    %dma_wait3A_349 = arith.constant 8 : i32
    %dma_wait3A_350 = arith.constant 0 : i32
    %dma_wait3A_351 = tpu.memref_slice %arg19[%dma_wait3A_349, %dma_wait3A_350] : memref<32x129xf32, #tpu.memory_space<vmem>> -> memref<8x128xf32, #tpu.memory_space<vmem>>
    tpu.wait_dma2 semaphore(%arg25 : memref<!tpu.dma_semaphore, #tpu.memory_space<semaphore_mem>>) src(%dma_wait3A_351 : memref<8x128xf32, #tpu.memory_space<vmem>>) dst(%dma_wait3A_348 : memref<8x128xf32, #tpu.memory_space<hbm>>)
    %dma_wait3A_352 = arith.constant 196 : i32
    %dma_wait3A_353 = arith.constant 2 : i32
    %dma_wait3A_354 = arith.constant 16 : i32
    %dma_wait3A_355 = arith.constant 0 : i32
    %dma_wait3A_356 = tpu.memref_slice %arg19[%dma_wait3A_354, %dma_wait3A_355] : memref<32x129xf32, #tpu.memory_space<vmem>> -> memref<8x128xf32, #tpu.memory_space<vmem>>
    %dma_wait3A_357 = arith.constant 0 : i32
    %dma_wait3A_358 = arith.constant 0 : i32
    %dma_wait3A_359 = tpu.memref_slice %arg5[%dma_wait3A_352, %dma_wait3A_353, %add3A, %dma_wait3A_357, %dma_wait3A_358] : memref<200x4x32x8x128xf32, #tpu.memory_space<hbm>> -> memref<1x1x1x8x128xf32, #tpu.memory_space<hbm>>
    %dma_wait3A_360 = tpu.memref_squeeze %dma_wait3A_359 : memref<1x1x1x8x128xf32, #tpu.memory_space<hbm>> -> memref<8x128xf32, #tpu.memory_space<hbm>>
    %dma_wait3A_361 = arith.constant 0 : i32
    %dma_wait3A_362 = arith.constant 0 : i32
    %dma_wait3A_363 = tpu.memref_slice %arg5[%dma_wait3A_352, %dma_wait3A_353, %add3A, %dma_wait3A_361, %dma_wait3A_362] : memref<200x4x32x8x128xf32, #tpu.memory_space<hbm>> -> memref<1x1x1x8x128xf32, #tpu.memory_space<hbm>>
    %dma_wait3A_364 = tpu.memref_squeeze %dma_wait3A_363 : memref<1x1x1x8x128xf32, #tpu.memory_space<hbm>> -> memref<8x128xf32, #tpu.memory_space<hbm>>
    %dma_wait3A_365 = arith.constant 16 : i32
    %dma_wait3A_366 = arith.constant 0 : i32
    %dma_wait3A_367 = tpu.memref_slice %arg19[%dma_wait3A_365, %dma_wait3A_366] : memref<32x129xf32, #tpu.memory_space<vmem>> -> memref<8x128xf32, #tpu.memory_space<vmem>>
    tpu.wait_dma2 semaphore(%arg25 : memref<!tpu.dma_semaphore, #tpu.memory_space<semaphore_mem>>) src(%dma_wait3A_367 : memref<8x128xf32, #tpu.memory_space<vmem>>) dst(%dma_wait3A_364 : memref<8x128xf32, #tpu.memory_space<hbm>>)
    %dma_wait3A_368 = arith.constant 196 : i32
    %dma_wait3A_369 = arith.constant 3 : i32
    %dma_wait3A_370 = arith.constant 24 : i32
    %dma_wait3A_371 = arith.constant 0 : i32
    %dma_wait3A_372 = tpu.memref_slice %arg19[%dma_wait3A_370, %dma_wait3A_371] : memref<32x129xf32, #tpu.memory_space<vmem>> -> memref<8x128xf32, #tpu.memory_space<vmem>>
    %dma_wait3A_373 = arith.constant 0 : i32
    %dma_wait3A_374 = arith.constant 0 : i32
    %dma_wait3A_375 = tpu.memref_slice %arg5[%dma_wait3A_368, %dma_wait3A_369, %add3A, %dma_wait3A_373, %dma_wait3A_374] : memref<200x4x32x8x128xf32, #tpu.memory_space<hbm>> -> memref<1x1x1x8x128xf32, #tpu.memory_space<hbm>>
    %dma_wait3A_376 = tpu.memref_squeeze %dma_wait3A_375 : memref<1x1x1x8x128xf32, #tpu.memory_space<hbm>> -> memref<8x128xf32, #tpu.memory_space<hbm>>
    %dma_wait3A_377 = arith.constant 0 : i32
    %dma_wait3A_378 = arith.constant 0 : i32
    %dma_wait3A_379 = tpu.memref_slice %arg5[%dma_wait3A_368, %dma_wait3A_369, %add3A, %dma_wait3A_377, %dma_wait3A_378] : memref<200x4x32x8x128xf32, #tpu.memory_space<hbm>> -> memref<1x1x1x8x128xf32, #tpu.memory_space<hbm>>
    %dma_wait3A_380 = tpu.memref_squeeze %dma_wait3A_379 : memref<1x1x1x8x128xf32, #tpu.memory_space<hbm>> -> memref<8x128xf32, #tpu.memory_space<hbm>>
    %dma_wait3A_381 = arith.constant 24 : i32
    %dma_wait3A_382 = arith.constant 0 : i32
    %dma_wait3A_383 = tpu.memref_slice %arg19[%dma_wait3A_381, %dma_wait3A_382] : memref<32x129xf32, #tpu.memory_space<vmem>> -> memref<8x128xf32, #tpu.memory_space<vmem>>
    tpu.wait_dma2 semaphore(%arg25 : memref<!tpu.dma_semaphore, #tpu.memory_space<semaphore_mem>>) src(%dma_wait3A_383 : memref<8x128xf32, #tpu.memory_space<vmem>>) dst(%dma_wait3A_380 : memref<8x128xf32, #tpu.memory_space<hbm>>)
    %dma_wait3A_384 = arith.constant 197 : i32
    %dma_wait3A_385 = arith.constant 0 : i32
    %dma_wait3A_386 = arith.constant 0 : i32
    %dma_wait3A_387 = arith.constant 0 : i32
    %dma_wait3A_388 = tpu.memref_slice %arg20[%dma_wait3A_386, %dma_wait3A_387] : memref<32x129xf32, #tpu.memory_space<vmem>> -> memref<8x128xf32, #tpu.memory_space<vmem>>
    %dma_wait3A_389 = arith.constant 0 : i32
    %dma_wait3A_390 = arith.constant 0 : i32
    %dma_wait3A_391 = tpu.memref_slice %arg5[%dma_wait3A_384, %dma_wait3A_385, %add3A, %dma_wait3A_389, %dma_wait3A_390] : memref<200x4x32x8x128xf32, #tpu.memory_space<hbm>> -> memref<1x1x1x8x128xf32, #tpu.memory_space<hbm>>
    %dma_wait3A_392 = tpu.memref_squeeze %dma_wait3A_391 : memref<1x1x1x8x128xf32, #tpu.memory_space<hbm>> -> memref<8x128xf32, #tpu.memory_space<hbm>>
    %dma_wait3A_393 = arith.constant 0 : i32
    %dma_wait3A_394 = arith.constant 0 : i32
    %dma_wait3A_395 = tpu.memref_slice %arg5[%dma_wait3A_384, %dma_wait3A_385, %add3A, %dma_wait3A_393, %dma_wait3A_394] : memref<200x4x32x8x128xf32, #tpu.memory_space<hbm>> -> memref<1x1x1x8x128xf32, #tpu.memory_space<hbm>>
    %dma_wait3A_396 = tpu.memref_squeeze %dma_wait3A_395 : memref<1x1x1x8x128xf32, #tpu.memory_space<hbm>> -> memref<8x128xf32, #tpu.memory_space<hbm>>
    %dma_wait3A_397 = arith.constant 0 : i32
    %dma_wait3A_398 = arith.constant 0 : i32
    %dma_wait3A_399 = tpu.memref_slice %arg20[%dma_wait3A_397, %dma_wait3A_398] : memref<32x129xf32, #tpu.memory_space<vmem>> -> memref<8x128xf32, #tpu.memory_space<vmem>>
    tpu.wait_dma2 semaphore(%arg25 : memref<!tpu.dma_semaphore, #tpu.memory_space<semaphore_mem>>) src(%dma_wait3A_399 : memref<8x128xf32, #tpu.memory_space<vmem>>) dst(%dma_wait3A_396 : memref<8x128xf32, #tpu.memory_space<hbm>>)
    %dma_wait3A_400 = arith.constant 197 : i32
    %dma_wait3A_401 = arith.constant 1 : i32
    %dma_wait3A_402 = arith.constant 8 : i32
    %dma_wait3A_403 = arith.constant 0 : i32
    %dma_wait3A_404 = tpu.memref_slice %arg20[%dma_wait3A_402, %dma_wait3A_403] : memref<32x129xf32, #tpu.memory_space<vmem>> -> memref<8x128xf32, #tpu.memory_space<vmem>>
    %dma_wait3A_405 = arith.constant 0 : i32
    %dma_wait3A_406 = arith.constant 0 : i32
    %dma_wait3A_407 = tpu.memref_slice %arg5[%dma_wait3A_400, %dma_wait3A_401, %add3A, %dma_wait3A_405, %dma_wait3A_406] : memref<200x4x32x8x128xf32, #tpu.memory_space<hbm>> -> memref<1x1x1x8x128xf32, #tpu.memory_space<hbm>>
    %dma_wait3A_408 = tpu.memref_squeeze %dma_wait3A_407 : memref<1x1x1x8x128xf32, #tpu.memory_space<hbm>> -> memref<8x128xf32, #tpu.memory_space<hbm>>
    %dma_wait3A_409 = arith.constant 0 : i32
    %dma_wait3A_410 = arith.constant 0 : i32
    %dma_wait3A_411 = tpu.memref_slice %arg5[%dma_wait3A_400, %dma_wait3A_401, %add3A, %dma_wait3A_409, %dma_wait3A_410] : memref<200x4x32x8x128xf32, #tpu.memory_space<hbm>> -> memref<1x1x1x8x128xf32, #tpu.memory_space<hbm>>
    %dma_wait3A_412 = tpu.memref_squeeze %dma_wait3A_411 : memref<1x1x1x8x128xf32, #tpu.memory_space<hbm>> -> memref<8x128xf32, #tpu.memory_space<hbm>>
    %dma_wait3A_413 = arith.constant 8 : i32
    %dma_wait3A_414 = arith.constant 0 : i32
    %dma_wait3A_415 = tpu.memref_slice %arg20[%dma_wait3A_413, %dma_wait3A_414] : memref<32x129xf32, #tpu.memory_space<vmem>> -> memref<8x128xf32, #tpu.memory_space<vmem>>
    tpu.wait_dma2 semaphore(%arg25 : memref<!tpu.dma_semaphore, #tpu.memory_space<semaphore_mem>>) src(%dma_wait3A_415 : memref<8x128xf32, #tpu.memory_space<vmem>>) dst(%dma_wait3A_412 : memref<8x128xf32, #tpu.memory_space<hbm>>)
    %dma_wait3A_416 = arith.constant 197 : i32
    %dma_wait3A_417 = arith.constant 2 : i32
    %dma_wait3A_418 = arith.constant 16 : i32
    %dma_wait3A_419 = arith.constant 0 : i32
    %dma_wait3A_420 = tpu.memref_slice %arg20[%dma_wait3A_418, %dma_wait3A_419] : memref<32x129xf32, #tpu.memory_space<vmem>> -> memref<8x128xf32, #tpu.memory_space<vmem>>
    %dma_wait3A_421 = arith.constant 0 : i32
    %dma_wait3A_422 = arith.constant 0 : i32
    %dma_wait3A_423 = tpu.memref_slice %arg5[%dma_wait3A_416, %dma_wait3A_417, %add3A, %dma_wait3A_421, %dma_wait3A_422] : memref<200x4x32x8x128xf32, #tpu.memory_space<hbm>> -> memref<1x1x1x8x128xf32, #tpu.memory_space<hbm>>
    %dma_wait3A_424 = tpu.memref_squeeze %dma_wait3A_423 : memref<1x1x1x8x128xf32, #tpu.memory_space<hbm>> -> memref<8x128xf32, #tpu.memory_space<hbm>>
    %dma_wait3A_425 = arith.constant 0 : i32
    %dma_wait3A_426 = arith.constant 0 : i32
    %dma_wait3A_427 = tpu.memref_slice %arg5[%dma_wait3A_416, %dma_wait3A_417, %add3A, %dma_wait3A_425, %dma_wait3A_426] : memref<200x4x32x8x128xf32, #tpu.memory_space<hbm>> -> memref<1x1x1x8x128xf32, #tpu.memory_space<hbm>>
    %dma_wait3A_428 = tpu.memref_squeeze %dma_wait3A_427 : memref<1x1x1x8x128xf32, #tpu.memory_space<hbm>> -> memref<8x128xf32, #tpu.memory_space<hbm>>
    %dma_wait3A_429 = arith.constant 16 : i32
    %dma_wait3A_430 = arith.constant 0 : i32
    %dma_wait3A_431 = tpu.memref_slice %arg20[%dma_wait3A_429, %dma_wait3A_430] : memref<32x129xf32, #tpu.memory_space<vmem>> -> memref<8x128xf32, #tpu.memory_space<vmem>>
    tpu.wait_dma2 semaphore(%arg25 : memref<!tpu.dma_semaphore, #tpu.memory_space<semaphore_mem>>) src(%dma_wait3A_431 : memref<8x128xf32, #tpu.memory_space<vmem>>) dst(%dma_wait3A_428 : memref<8x128xf32, #tpu.memory_space<hbm>>)
    %dma_wait3A_432 = arith.constant 197 : i32
    %dma_wait3A_433 = arith.constant 3 : i32
    %dma_wait3A_434 = arith.constant 24 : i32
    %dma_wait3A_435 = arith.constant 0 : i32
    %dma_wait3A_436 = tpu.memref_slice %arg20[%dma_wait3A_434, %dma_wait3A_435] : memref<32x129xf32, #tpu.memory_space<vmem>> -> memref<8x128xf32, #tpu.memory_space<vmem>>
    %dma_wait3A_437 = arith.constant 0 : i32
    %dma_wait3A_438 = arith.constant 0 : i32
    %dma_wait3A_439 = tpu.memref_slice %arg5[%dma_wait3A_432, %dma_wait3A_433, %add3A, %dma_wait3A_437, %dma_wait3A_438] : memref<200x4x32x8x128xf32, #tpu.memory_space<hbm>> -> memref<1x1x1x8x128xf32, #tpu.memory_space<hbm>>
    %dma_wait3A_440 = tpu.memref_squeeze %dma_wait3A_439 : memref<1x1x1x8x128xf32, #tpu.memory_space<hbm>> -> memref<8x128xf32, #tpu.memory_space<hbm>>
    %dma_wait3A_441 = arith.constant 0 : i32
    %dma_wait3A_442 = arith.constant 0 : i32
    %dma_wait3A_443 = tpu.memref_slice %arg5[%dma_wait3A_432, %dma_wait3A_433, %add3A, %dma_wait3A_441, %dma_wait3A_442] : memref<200x4x32x8x128xf32, #tpu.memory_space<hbm>> -> memref<1x1x1x8x128xf32, #tpu.memory_space<hbm>>
    %dma_wait3A_444 = tpu.memref_squeeze %dma_wait3A_443 : memref<1x1x1x8x128xf32, #tpu.memory_space<hbm>> -> memref<8x128xf32, #tpu.memory_space<hbm>>
    %dma_wait3A_445 = arith.constant 24 : i32
    %dma_wait3A_446 = arith.constant 0 : i32
    %dma_wait3A_447 = tpu.memref_slice %arg20[%dma_wait3A_445, %dma_wait3A_446] : memref<32x129xf32, #tpu.memory_space<vmem>> -> memref<8x128xf32, #tpu.memory_space<vmem>>
    tpu.wait_dma2 semaphore(%arg25 : memref<!tpu.dma_semaphore, #tpu.memory_space<semaphore_mem>>) src(%dma_wait3A_447 : memref<8x128xf32, #tpu.memory_space<vmem>>) dst(%dma_wait3A_444 : memref<8x128xf32, #tpu.memory_space<hbm>>)
    %dma_wait3A_448 = arith.constant 198 : i32
    %dma_wait3A_449 = arith.constant 0 : i32
    %dma_wait3A_450 = arith.constant 0 : i32
    %dma_wait3A_451 = arith.constant 0 : i32
    %dma_wait3A_452 = tpu.memref_slice %arg21[%dma_wait3A_450, %dma_wait3A_451] : memref<32x129xf32, #tpu.memory_space<vmem>> -> memref<8x128xf32, #tpu.memory_space<vmem>>
    %dma_wait3A_453 = arith.constant 0 : i32
    %dma_wait3A_454 = arith.constant 0 : i32
    %dma_wait3A_455 = tpu.memref_slice %arg5[%dma_wait3A_448, %dma_wait3A_449, %add3A, %dma_wait3A_453, %dma_wait3A_454] : memref<200x4x32x8x128xf32, #tpu.memory_space<hbm>> -> memref<1x1x1x8x128xf32, #tpu.memory_space<hbm>>
    %dma_wait3A_456 = tpu.memref_squeeze %dma_wait3A_455 : memref<1x1x1x8x128xf32, #tpu.memory_space<hbm>> -> memref<8x128xf32, #tpu.memory_space<hbm>>
    %dma_wait3A_457 = arith.constant 0 : i32
    %dma_wait3A_458 = arith.constant 0 : i32
    %dma_wait3A_459 = tpu.memref_slice %arg5[%dma_wait3A_448, %dma_wait3A_449, %add3A, %dma_wait3A_457, %dma_wait3A_458] : memref<200x4x32x8x128xf32, #tpu.memory_space<hbm>> -> memref<1x1x1x8x128xf32, #tpu.memory_space<hbm>>
    %dma_wait3A_460 = tpu.memref_squeeze %dma_wait3A_459 : memref<1x1x1x8x128xf32, #tpu.memory_space<hbm>> -> memref<8x128xf32, #tpu.memory_space<hbm>>
    %dma_wait3A_461 = arith.constant 0 : i32
    %dma_wait3A_462 = arith.constant 0 : i32
    %dma_wait3A_463 = tpu.memref_slice %arg21[%dma_wait3A_461, %dma_wait3A_462] : memref<32x129xf32, #tpu.memory_space<vmem>> -> memref<8x128xf32, #tpu.memory_space<vmem>>
    tpu.wait_dma2 semaphore(%arg25 : memref<!tpu.dma_semaphore, #tpu.memory_space<semaphore_mem>>) src(%dma_wait3A_463 : memref<8x128xf32, #tpu.memory_space<vmem>>) dst(%dma_wait3A_460 : memref<8x128xf32, #tpu.memory_space<hbm>>)
    %dma_wait3A_464 = arith.constant 198 : i32
    %dma_wait3A_465 = arith.constant 1 : i32
    %dma_wait3A_466 = arith.constant 8 : i32
    %dma_wait3A_467 = arith.constant 0 : i32
    %dma_wait3A_468 = tpu.memref_slice %arg21[%dma_wait3A_466, %dma_wait3A_467] : memref<32x129xf32, #tpu.memory_space<vmem>> -> memref<8x128xf32, #tpu.memory_space<vmem>>
    %dma_wait3A_469 = arith.constant 0 : i32
    %dma_wait3A_470 = arith.constant 0 : i32
    %dma_wait3A_471 = tpu.memref_slice %arg5[%dma_wait3A_464, %dma_wait3A_465, %add3A, %dma_wait3A_469, %dma_wait3A_470] : memref<200x4x32x8x128xf32, #tpu.memory_space<hbm>> -> memref<1x1x1x8x128xf32, #tpu.memory_space<hbm>>
    %dma_wait3A_472 = tpu.memref_squeeze %dma_wait3A_471 : memref<1x1x1x8x128xf32, #tpu.memory_space<hbm>> -> memref<8x128xf32, #tpu.memory_space<hbm>>
    %dma_wait3A_473 = arith.constant 0 : i32
    %dma_wait3A_474 = arith.constant 0 : i32
    %dma_wait3A_475 = tpu.memref_slice %arg5[%dma_wait3A_464, %dma_wait3A_465, %add3A, %dma_wait3A_473, %dma_wait3A_474] : memref<200x4x32x8x128xf32, #tpu.memory_space<hbm>> -> memref<1x1x1x8x128xf32, #tpu.memory_space<hbm>>
    %dma_wait3A_476 = tpu.memref_squeeze %dma_wait3A_475 : memref<1x1x1x8x128xf32, #tpu.memory_space<hbm>> -> memref<8x128xf32, #tpu.memory_space<hbm>>
    %dma_wait3A_477 = arith.constant 8 : i32
    %dma_wait3A_478 = arith.constant 0 : i32
    %dma_wait3A_479 = tpu.memref_slice %arg21[%dma_wait3A_477, %dma_wait3A_478] : memref<32x129xf32, #tpu.memory_space<vmem>> -> memref<8x128xf32, #tpu.memory_space<vmem>>
    tpu.wait_dma2 semaphore(%arg25 : memref<!tpu.dma_semaphore, #tpu.memory_space<semaphore_mem>>) src(%dma_wait3A_479 : memref<8x128xf32, #tpu.memory_space<vmem>>) dst(%dma_wait3A_476 : memref<8x128xf32, #tpu.memory_space<hbm>>)
    %dma_wait3A_480 = arith.constant 198 : i32
    %dma_wait3A_481 = arith.constant 2 : i32
    %dma_wait3A_482 = arith.constant 16 : i32
    %dma_wait3A_483 = arith.constant 0 : i32
    %dma_wait3A_484 = tpu.memref_slice %arg21[%dma_wait3A_482, %dma_wait3A_483] : memref<32x129xf32, #tpu.memory_space<vmem>> -> memref<8x128xf32, #tpu.memory_space<vmem>>
    %dma_wait3A_485 = arith.constant 0 : i32
    %dma_wait3A_486 = arith.constant 0 : i32
    %dma_wait3A_487 = tpu.memref_slice %arg5[%dma_wait3A_480, %dma_wait3A_481, %add3A, %dma_wait3A_485, %dma_wait3A_486] : memref<200x4x32x8x128xf32, #tpu.memory_space<hbm>> -> memref<1x1x1x8x128xf32, #tpu.memory_space<hbm>>
    %dma_wait3A_488 = tpu.memref_squeeze %dma_wait3A_487 : memref<1x1x1x8x128xf32, #tpu.memory_space<hbm>> -> memref<8x128xf32, #tpu.memory_space<hbm>>
    %dma_wait3A_489 = arith.constant 0 : i32
    %dma_wait3A_490 = arith.constant 0 : i32
    %dma_wait3A_491 = tpu.memref_slice %arg5[%dma_wait3A_480, %dma_wait3A_481, %add3A, %dma_wait3A_489, %dma_wait3A_490] : memref<200x4x32x8x128xf32, #tpu.memory_space<hbm>> -> memref<1x1x1x8x128xf32, #tpu.memory_space<hbm>>
    %dma_wait3A_492 = tpu.memref_squeeze %dma_wait3A_491 : memref<1x1x1x8x128xf32, #tpu.memory_space<hbm>> -> memref<8x128xf32, #tpu.memory_space<hbm>>
    %dma_wait3A_493 = arith.constant 16 : i32
    %dma_wait3A_494 = arith.constant 0 : i32
    %dma_wait3A_495 = tpu.memref_slice %arg21[%dma_wait3A_493, %dma_wait3A_494] : memref<32x129xf32, #tpu.memory_space<vmem>> -> memref<8x128xf32, #tpu.memory_space<vmem>>
    tpu.wait_dma2 semaphore(%arg25 : memref<!tpu.dma_semaphore, #tpu.memory_space<semaphore_mem>>) src(%dma_wait3A_495 : memref<8x128xf32, #tpu.memory_space<vmem>>) dst(%dma_wait3A_492 : memref<8x128xf32, #tpu.memory_space<hbm>>)
    %dma_wait3A_496 = arith.constant 198 : i32
    %dma_wait3A_497 = arith.constant 3 : i32
    %dma_wait3A_498 = arith.constant 24 : i32
    %dma_wait3A_499 = arith.constant 0 : i32
    %dma_wait3A_500 = tpu.memref_slice %arg21[%dma_wait3A_498, %dma_wait3A_499] : memref<32x129xf32, #tpu.memory_space<vmem>> -> memref<8x128xf32, #tpu.memory_space<vmem>>
    %dma_wait3A_501 = arith.constant 0 : i32
    %dma_wait3A_502 = arith.constant 0 : i32
    %dma_wait3A_503 = tpu.memref_slice %arg5[%dma_wait3A_496, %dma_wait3A_497, %add3A, %dma_wait3A_501, %dma_wait3A_502] : memref<200x4x32x8x128xf32, #tpu.memory_space<hbm>> -> memref<1x1x1x8x128xf32, #tpu.memory_space<hbm>>
    %dma_wait3A_504 = tpu.memref_squeeze %dma_wait3A_503 : memref<1x1x1x8x128xf32, #tpu.memory_space<hbm>> -> memref<8x128xf32, #tpu.memory_space<hbm>>
    %dma_wait3A_505 = arith.constant 0 : i32
    %dma_wait3A_506 = arith.constant 0 : i32
    %dma_wait3A_507 = tpu.memref_slice %arg5[%dma_wait3A_496, %dma_wait3A_497, %add3A, %dma_wait3A_505, %dma_wait3A_506] : memref<200x4x32x8x128xf32, #tpu.memory_space<hbm>> -> memref<1x1x1x8x128xf32, #tpu.memory_space<hbm>>
    %dma_wait3A_508 = tpu.memref_squeeze %dma_wait3A_507 : memref<1x1x1x8x128xf32, #tpu.memory_space<hbm>> -> memref<8x128xf32, #tpu.memory_space<hbm>>
    %dma_wait3A_509 = arith.constant 24 : i32
    %dma_wait3A_510 = arith.constant 0 : i32
    %dma_wait3A_511 = tpu.memref_slice %arg21[%dma_wait3A_509, %dma_wait3A_510] : memref<32x129xf32, #tpu.memory_space<vmem>> -> memref<8x128xf32, #tpu.memory_space<vmem>>
    tpu.wait_dma2 semaphore(%arg25 : memref<!tpu.dma_semaphore, #tpu.memory_space<semaphore_mem>>) src(%dma_wait3A_511 : memref<8x128xf32, #tpu.memory_space<vmem>>) dst(%dma_wait3A_508 : memref<8x128xf32, #tpu.memory_space<hbm>>)
    %dma_wait3A_512 = arith.constant 199 : i32
    %dma_wait3A_513 = arith.constant 0 : i32
    %dma_wait3A_514 = arith.constant 0 : i32
    %dma_wait3A_515 = arith.constant 0 : i32
    %dma_wait3A_516 = tpu.memref_slice %arg22[%dma_wait3A_514, %dma_wait3A_515] : memref<32x129xf32, #tpu.memory_space<vmem>> -> memref<8x128xf32, #tpu.memory_space<vmem>>
    %dma_wait3A_517 = arith.constant 0 : i32
    %dma_wait3A_518 = arith.constant 0 : i32
    %dma_wait3A_519 = tpu.memref_slice %arg5[%dma_wait3A_512, %dma_wait3A_513, %add3A, %dma_wait3A_517, %dma_wait3A_518] : memref<200x4x32x8x128xf32, #tpu.memory_space<hbm>> -> memref<1x1x1x8x128xf32, #tpu.memory_space<hbm>>
    %dma_wait3A_520 = tpu.memref_squeeze %dma_wait3A_519 : memref<1x1x1x8x128xf32, #tpu.memory_space<hbm>> -> memref<8x128xf32, #tpu.memory_space<hbm>>
    %dma_wait3A_521 = arith.constant 0 : i32
    %dma_wait3A_522 = arith.constant 0 : i32
    %dma_wait3A_523 = tpu.memref_slice %arg5[%dma_wait3A_512, %dma_wait3A_513, %add3A, %dma_wait3A_521, %dma_wait3A_522] : memref<200x4x32x8x128xf32, #tpu.memory_space<hbm>> -> memref<1x1x1x8x128xf32, #tpu.memory_space<hbm>>
    %dma_wait3A_524 = tpu.memref_squeeze %dma_wait3A_523 : memref<1x1x1x8x128xf32, #tpu.memory_space<hbm>> -> memref<8x128xf32, #tpu.memory_space<hbm>>
    %dma_wait3A_525 = arith.constant 0 : i32
    %dma_wait3A_526 = arith.constant 0 : i32
    %dma_wait3A_527 = tpu.memref_slice %arg22[%dma_wait3A_525, %dma_wait3A_526] : memref<32x129xf32, #tpu.memory_space<vmem>> -> memref<8x128xf32, #tpu.memory_space<vmem>>
    tpu.wait_dma2 semaphore(%arg25 : memref<!tpu.dma_semaphore, #tpu.memory_space<semaphore_mem>>) src(%dma_wait3A_527 : memref<8x128xf32, #tpu.memory_space<vmem>>) dst(%dma_wait3A_524 : memref<8x128xf32, #tpu.memory_space<hbm>>)
    %dma_wait3A_528 = arith.constant 199 : i32
    %dma_wait3A_529 = arith.constant 1 : i32
    %dma_wait3A_530 = arith.constant 8 : i32
    %dma_wait3A_531 = arith.constant 0 : i32
    %dma_wait3A_532 = tpu.memref_slice %arg22[%dma_wait3A_530, %dma_wait3A_531] : memref<32x129xf32, #tpu.memory_space<vmem>> -> memref<8x128xf32, #tpu.memory_space<vmem>>
    %dma_wait3A_533 = arith.constant 0 : i32
    %dma_wait3A_534 = arith.constant 0 : i32
    %dma_wait3A_535 = tpu.memref_slice %arg5[%dma_wait3A_528, %dma_wait3A_529, %add3A, %dma_wait3A_533, %dma_wait3A_534] : memref<200x4x32x8x128xf32, #tpu.memory_space<hbm>> -> memref<1x1x1x8x128xf32, #tpu.memory_space<hbm>>
    %dma_wait3A_536 = tpu.memref_squeeze %dma_wait3A_535 : memref<1x1x1x8x128xf32, #tpu.memory_space<hbm>> -> memref<8x128xf32, #tpu.memory_space<hbm>>
    %dma_wait3A_537 = arith.constant 0 : i32
    %dma_wait3A_538 = arith.constant 0 : i32
    %dma_wait3A_539 = tpu.memref_slice %arg5[%dma_wait3A_528, %dma_wait3A_529, %add3A, %dma_wait3A_537, %dma_wait3A_538] : memref<200x4x32x8x128xf32, #tpu.memory_space<hbm>> -> memref<1x1x1x8x128xf32, #tpu.memory_space<hbm>>
    %dma_wait3A_540 = tpu.memref_squeeze %dma_wait3A_539 : memref<1x1x1x8x128xf32, #tpu.memory_space<hbm>> -> memref<8x128xf32, #tpu.memory_space<hbm>>
    %dma_wait3A_541 = arith.constant 8 : i32
    %dma_wait3A_542 = arith.constant 0 : i32
    %dma_wait3A_543 = tpu.memref_slice %arg22[%dma_wait3A_541, %dma_wait3A_542] : memref<32x129xf32, #tpu.memory_space<vmem>> -> memref<8x128xf32, #tpu.memory_space<vmem>>
    tpu.wait_dma2 semaphore(%arg25 : memref<!tpu.dma_semaphore, #tpu.memory_space<semaphore_mem>>) src(%dma_wait3A_543 : memref<8x128xf32, #tpu.memory_space<vmem>>) dst(%dma_wait3A_540 : memref<8x128xf32, #tpu.memory_space<hbm>>)
    %dma_wait3A_544 = arith.constant 199 : i32
    %dma_wait3A_545 = arith.constant 2 : i32
    %dma_wait3A_546 = arith.constant 16 : i32
    %dma_wait3A_547 = arith.constant 0 : i32
    %dma_wait3A_548 = tpu.memref_slice %arg22[%dma_wait3A_546, %dma_wait3A_547] : memref<32x129xf32, #tpu.memory_space<vmem>> -> memref<8x128xf32, #tpu.memory_space<vmem>>
    %dma_wait3A_549 = arith.constant 0 : i32
    %dma_wait3A_550 = arith.constant 0 : i32
    %dma_wait3A_551 = tpu.memref_slice %arg5[%dma_wait3A_544, %dma_wait3A_545, %add3A, %dma_wait3A_549, %dma_wait3A_550] : memref<200x4x32x8x128xf32, #tpu.memory_space<hbm>> -> memref<1x1x1x8x128xf32, #tpu.memory_space<hbm>>
    %dma_wait3A_552 = tpu.memref_squeeze %dma_wait3A_551 : memref<1x1x1x8x128xf32, #tpu.memory_space<hbm>> -> memref<8x128xf32, #tpu.memory_space<hbm>>
    %dma_wait3A_553 = arith.constant 0 : i32
    %dma_wait3A_554 = arith.constant 0 : i32
    %dma_wait3A_555 = tpu.memref_slice %arg5[%dma_wait3A_544, %dma_wait3A_545, %add3A, %dma_wait3A_553, %dma_wait3A_554] : memref<200x4x32x8x128xf32, #tpu.memory_space<hbm>> -> memref<1x1x1x8x128xf32, #tpu.memory_space<hbm>>
    %dma_wait3A_556 = tpu.memref_squeeze %dma_wait3A_555 : memref<1x1x1x8x128xf32, #tpu.memory_space<hbm>> -> memref<8x128xf32, #tpu.memory_space<hbm>>
    %dma_wait3A_557 = arith.constant 16 : i32
    %dma_wait3A_558 = arith.constant 0 : i32
    %dma_wait3A_559 = tpu.memref_slice %arg22[%dma_wait3A_557, %dma_wait3A_558] : memref<32x129xf32, #tpu.memory_space<vmem>> -> memref<8x128xf32, #tpu.memory_space<vmem>>
    tpu.wait_dma2 semaphore(%arg25 : memref<!tpu.dma_semaphore, #tpu.memory_space<semaphore_mem>>) src(%dma_wait3A_559 : memref<8x128xf32, #tpu.memory_space<vmem>>) dst(%dma_wait3A_556 : memref<8x128xf32, #tpu.memory_space<hbm>>)
    %dma_wait3A_560 = arith.constant 199 : i32
    %dma_wait3A_561 = arith.constant 3 : i32
    %dma_wait3A_562 = arith.constant 24 : i32
    %dma_wait3A_563 = arith.constant 0 : i32
    %dma_wait3A_564 = tpu.memref_slice %arg22[%dma_wait3A_562, %dma_wait3A_563] : memref<32x129xf32, #tpu.memory_space<vmem>> -> memref<8x128xf32, #tpu.memory_space<vmem>>
    %dma_wait3A_565 = arith.constant 0 : i32
    %dma_wait3A_566 = arith.constant 0 : i32
    %dma_wait3A_567 = tpu.memref_slice %arg5[%dma_wait3A_560, %dma_wait3A_561, %add3A, %dma_wait3A_565, %dma_wait3A_566] : memref<200x4x32x8x128xf32, #tpu.memory_space<hbm>> -> memref<1x1x1x8x128xf32, #tpu.memory_space<hbm>>
    %dma_wait3A_568 = tpu.memref_squeeze %dma_wait3A_567 : memref<1x1x1x8x128xf32, #tpu.memory_space<hbm>> -> memref<8x128xf32, #tpu.memory_space<hbm>>
    %dma_wait3A_569 = arith.constant 0 : i32
    %dma_wait3A_570 = arith.constant 0 : i32
    %dma_wait3A_571 = tpu.memref_slice %arg5[%dma_wait3A_560, %dma_wait3A_561, %add3A, %dma_wait3A_569, %dma_wait3A_570] : memref<200x4x32x8x128xf32, #tpu.memory_space<hbm>> -> memref<1x1x1x8x128xf32, #tpu.memory_space<hbm>>
    %dma_wait3A_572 = tpu.memref_squeeze %dma_wait3A_571 : memref<1x1x1x8x128xf32, #tpu.memory_space<hbm>> -> memref<8x128xf32, #tpu.memory_space<hbm>>
    %dma_wait3A_573 = arith.constant 24 : i32
    %dma_wait3A_574 = arith.constant 0 : i32
    %dma_wait3A_575 = tpu.memref_slice %arg22[%dma_wait3A_573, %dma_wait3A_574] : memref<32x129xf32, #tpu.memory_space<vmem>> -> memref<8x128xf32, #tpu.memory_space<vmem>>
    tpu.wait_dma2 semaphore(%arg25 : memref<!tpu.dma_semaphore, #tpu.memory_space<semaphore_mem>>) src(%dma_wait3A_575 : memref<8x128xf32, #tpu.memory_space<vmem>>) dst(%dma_wait3A_572 : memref<8x128xf32, #tpu.memory_space<hbm>>)
    return
  }
}

</mosaic_0001>

<sc_bundles>
// kernel: kernel.3.cloned.1.call-start
scs
__scs_entry_jumppad:
0x0: {  	(pc) =	sbr.rel $0x88, $3  }
0x1: {  	(tag) =	ssettag $0x0;
	lr =	simm.s32 $0x1  }
0x2: {  	[smem:$0x3F9E] =	sst lr;
	_ =	strace $0xD0000000  }
0x3: {  	_ = 	snop  }
0x4: {  	_ = 	snop  }
0x5: {  	_ = 	snop  }
0x6: {  	_ = 	snop  }
0x7: {  	_ = 	snop  }
__scs_overlays_trampoline_lowered:
0x8: {  	[smem:$0x3FAD] =	sst s0  }
0x9: {  	[smem:$0x3FAE] =	sst s1  }
0xa: {  	[smem:$0x3FAF] =	sst s2  }
0xb: {  	[smem:$0x3FB0] =	sst s3  }
0xc: {  	[smem:$0x3FB1] =	sst s4  }
0xd: {  	[smem:$0x3FB2] =	sst s5  }
0xe: {  	[smem:$0x3FB3] =	sst s6  }
0xf: {  	[smem:$0x3FB4] =	sst s7  }
0x10: {  	[smem:$0x3FB5] =	sst s8  }
0x11: {  	[smem:$0x3FB6] =	sst s9;
	s0 =	simm.s32 @!p0 $0x0  }
0x12: {  	s1 =	sld [smem:$0x3F9C];
	s0 =	simm.s32 @p0 $0x1  }
0x13: {  	[smem:$0x3FB7] =	sst s0;
	s0 =	simm.s32 @!p1 $0x0  }
0x14: {  	s2 =	sld [smem:$0x3F9B];
	s0 =	simm.s32 @p1 $0x1  }
0x15: {  	[smem:$0x3FB8] =	sst s0;
	s0 =	simm.s32 @!p2 $0x0  }
0x16: {  	s3 =	sld [smem:$0x3FDB];
	s0 =	simm.s32 @p2 $0x1  }
0x17: {  	s4 =	simm.s32 $0x1BF5;
	[smem:$0x3FBA] =	sst s0  }
0x18: {  	s0 =	sld [smem:$0x3F9D];
	_ =	swait.ge [sflag:s4], $0x0  }
0x19: {  	s7 =	sld [smem:$0x3F9E]  }
0x1a: {  	s8 =	sadd.s32 $0xFFFFE003, lr  }
0x1b: {  	s9 =	sadd.s32 $0xFFFFFEF7, lr;
	s5 =	simm.s32 $0xFFFFFFFF;
	p2 =	slt.u32 s8, $0xFFFFF086  }
0x1c: {  	p1 =	slt.u32 s9, $0xF7A;
	s5 =	simm.s32 @!p2 $0x0  }
0x1d: {  	s5 =	simm.s32 @p1 $0x1;
	p0 =	seq.s32 s7, s2  }
0x1e: {  	s7 =	smul.u32 @!p0 $0xF7A, s2;
	p2 =	seq.s32 @!p0 s5, $0x0  }
0x1f: {  	s9 =	smul.u32 $0xF7A, s1;
	s8 =	simm.s32 @!p0 $0x1BF5;
	p2 =	por !p2, p0  }
0x20: {  	[sflag:s8] =	ssyncset.s32 @!p0 $0xFFFFF086;
	s6 =	sadd.s32 @!p0 s3, s7;
	s7 =	simm.s32 @!p0 $0x108  }
0x21: {  	s3 =	sadd.s32 s3, s9;
	s6 =	sadd.s32 @!p0 $0x88, s6;
	s7 =	simm.s32 @p2 $0x1082  }
0x22: {  	[simem:s7], [sflag:s8] =	dma.local @!p0 [hbm:s6], $0xF7A  }
0x23: {  	s9 =	sor.u32 $0xD0000000, s2;
	s6 =	simm.s32 $0x108;
	_ =	swait.ge @!p0 [sflag:s8], $0x0  }
0x24: {  	s3 =	sadd.s32 $0x88, s3;
	s6 =	simm.s32 @!p1 $0x1082;
	[sflag:s4] =	ssyncset.s32 $0xFFFFF086  }
0x25: {  	[simem:s6], [sflag:s4] =	dma.local [hbm:s3], $0xF7A  }
0x26: {  	[smem:$0x3F9E] =	sst s1;
	(tag) =	ssettag s2;
	_ =	strace s9  }
0x27: {  	s1 =	sld [smem:$0x3FAE]  }
0x28: {  	s2 =	sld [smem:$0x3FAF]  }
0x29: {  	s4 =	sld [smem:$0x3FB1]  }
0x2a: {  	p0 =	seq.s32 s5, $0x0;
	s5 =	sld [smem:$0x3FB2]  }
0x2b: {  	s6 =	sld [smem:$0x3FB3]  }
0x2c: {  	s7 =	sld [smem:$0x3FB4]  }
0x2d: {  	s3 =	simm.s32 $0x108;
	s8 =	sld [smem:$0x3FB5]  }
0x2e: {  	s3 =	simm.s32 @!p0 $0x1082;
	s9 =	sld [smem:$0x3FB6]  }
0x2f: {  	lr =	sadd.s32 s0, s3;
	s0 =	sld [smem:$0x3FAD]  }
0x30: {  	s3 =	sld [smem:$0x3FB0]  }
0x31: {  	[smem:$0x3FB9] =	sst s10  }
0x32: {  	s10 =	sld [smem:$0x3FB7];
	_ =	sdelay $0x3  }
0x33: {  	p0 =	seq.s32 s10, $0x1;
	s10 =	sld [smem:$0x3FB9];
	_ =	sdelay $0x3  }
0x34: {  	[smem:$0x3FB9] =	sst s10  }
0x35: {  	s10 =	sld [smem:$0x3FB8];
	_ =	sdelay $0x3  }
0x36: {  	p1 =	seq.s32 s10, $0x1;
	s10 =	sld [smem:$0x3FB9];
	_ =	sdelay $0x3  }
0x37: {  	[smem:$0x3FB9] =	sst s10  }
0x38: {  	s10 =	sld [smem:$0x3FBA]  }
0x39: {  	_ = 	snop;
	(pc) =	sbr.ind lr, $3  }
0x3a: {  	_ = 	snop  }
0x3b: {  	_ = 	snop  }
0x3c: {  	p2 =	seq.s32 s10, $0x1;
	s10 =	sld [smem:$0x3FB9]  }
0x3d: {  	_ =	shalt  }
0x3e: {  	_ =	shalt  }
0x3f: {  	_ =	shalt  }
0x40: {  	_ =	shalt  }
0x41: {  	_ =	shalt  }
0x42: {  	_ =	shalt  }
0x43: {  	_ =	shalt  }
0x44: {  	_ =	shalt  }
0x45: {  	_ =	shalt  }
0x46: {  	_ =	shalt  }
0x47: {  	_ =	shalt  }
0x48: {  	_ =	shalt  }
0x49: {  	_ =	shalt  }
0x4a: {  	_ =	shalt  }
0x4b: {  	_ =	shalt  }
0x4c: {  	_ =	shalt  }
0x4d: {  	_ =	shalt  }
0x4e: {  	_ =	shalt  }
0x4f: {  	_ =	shalt  }
0x50: {  	_ =	shalt  }
0x51: {  	_ =	shalt  }
0x52: {  	_ =	shalt  }
0x53: {  	_ =	shalt  }
0x54: {  	_ =	shalt  }
0x55: {  	_ =	shalt  }
0x56: {  	_ =	shalt  }
0x57: {  	_ =	shalt  }
0x58: {  	_ =	shalt  }
0x59: {  	_ =	shalt  }
0x5a: {  	_ =	shalt  }
0x5b: {  	_ =	shalt  }
0x5c: {  	_ =	shalt  }
0x5d: {  	_ =	shalt  }
0x5e: {  	_ =	shalt  }
0x5f: {  	_ =	shalt  }
0x60: {  	_ =	shalt  }
0x61: {  	_ =	shalt  }
0x62: {  	_ =	shalt  }
0x63: {  	_ =	shalt  }
0x64: {  	_ =	shalt  }
0x65: {  	_ =	shalt  }
0x66: {  	_ =	shalt  }
0x67: {  	_ =	shalt  }
0x68: {  	_ =	shalt  }
0x69: {  	_ =	shalt  }
0x6a: {  	_ =	shalt  }
0x6b: {  	_ =	shalt  }
0x6c: {  	_ =	shalt  }
0x6d: {  	_ =	shalt  }
0x6e: {  	_ =	shalt  }
0x6f: {  	_ =	shalt  }
0x70: {  	_ =	shalt  }
0x71: {  	_ =	shalt  }
0x72: {  	_ =	shalt  }
0x73: {  	_ =	shalt  }
0x74: {  	_ =	shalt  }
0x75: {  	_ =	shalt  }
0x76: {  	_ =	shalt  }
0x77: {  	_ =	shalt  }
0x78: {  	_ =	shalt  }
0x79: {  	_ =	shalt  }
0x7a: {  	_ =	shalt  }
0x7b: {  	_ =	shalt  }
0x7c: {  	_ =	shalt  }
0x7d: {  	_ =	shalt  }
0x7e: {  	_ =	shalt  }
0x7f: {  	_ =	shalt  }
0x80: {  	_ =	shalt  }
0x81: {  	_ =	shalt  }
0x82: {  	_ =	shalt  }
0x83: {  	_ =	shalt  }
0x84: {  	_ =	shalt  }
0x85: {  	_ =	shalt  }
0x86: {  	_ =	shalt  }
0x87: {  	_ =	shalt  }
.Lfunc_end0:
.L_simem_size_0:
called_computation_lowered:
.L_overlay_start_0:
0x88: {  	s2 =	sld [smem:$0x3FD9]  }
0x89: {  	s3 =	sld [smem:$0x3FFE];
	_ =	sdelay $0x1  }
0x8a: {  	s1 =	srdreg.scid  }
0x8b: {  	s0 =	sand.u32 $0x1, s1  }
0x8c: {  	s17 =	sshll.u32 s0, $0xA;
	s2 =	sadd.s32 s3, s2  }
0x8d: {  	s2 =	sadd.s32 s2, s17  }
0x8e: {  	[smem:$0x3FC5] =	sst s2  }
0x8f: {  	_ = 	snop  }
0x90: {  	s2 =	sld [smem:$0x3FD0];
	(tm) =	ssettm $0x1  }
0x91: {  	s18 =	sld [smem:$0x3FFB];
	_ =	sdelay $0x3  }
0x92: {  	_ =	strace s18  }
0x93: {  	s3 =	sld [smem:$0x3FFC];
	_ =	sdelay $0x3  }
0x94: {  	_ =	strace s3  }
0x95: {  	s3 =	sld [smem:$0x3FFD];
	_ =	sdelay $0x3  }
0x96: {  	_ =	strace s3  }
0x97: {  	_ =	strace $0x8FFFFFFF  }
0x98: {  	s19 =	sld [smem:$0x3FDB];
	_ =	sdelay $0x1  }
0x99: {  	s4 =	simm.s32 $_scs_section_size  }
0x9a: {  	s5 =	simm.s32 $_size__tile_overlayer_lowered;
	s6 =	simm.s32 $_tile_overlayer_lowered  }
0x9b: {  	s22 =	simm.s32 $0x1BFF;
	s21 =	sshll.u32 s6, $0x1;
	s3 =	sadd.s32 s4, s19  }
0x9c: {  	s7 =	simm.s32 $0x0;
	s20 =	sshll.u32 s5, $0x1;
	s5 =	sadd.s32 s21, s3  }
0x9d: {  	[timem:s7], [sflag:s22] =	dma.local [hbm:s5], s20  }
0x9e: {  	_ =	swait.ge [sflag:s22], s20  }
0x9f: {  	s4 =	ssub.s32 $0x0, s20;
	[sflag:s22] =	ssyncset.done $0x0  }
0xa0: {  	[sflag:s22] =	ssyncadd.s32 s4;
	_ =	sdelay $0x1  }
0xa1: {  	s23 =	simm.s32 $0x1B8B  }
0xa2: {  	_ =	swait.ge [sflag:s23], $0x1  }
0xa3: {  	[sflag:s23] =	ssyncset.done $0x0  }
0xa4: {  	s25 =	simm.s32 $0x1B8E;
	s24 =	sld [smem:$0x3FFE];
	[sflag:s23] =	ssyncadd.s32 $0xFFFFFFFF  }
0xa5: {  	s26 =	simm.s32 $execute0_lowered;
	[smem:$0x3FD2] =	sst s25  }
0xa6: {  	s5 =	sshll.u32 s26, $0x1;
	_ =	strace $0x80000046;
	[dreg:$0x1] =	wrdreg $0xFFFFFFFF  }
0xa7: {  	s28 =	simm.s32 $_size_execute0_lowered;
	s3 =	sadd.s32 s3, s5;
	[dreg:$0x0] =	wrdreg $0x0  }
0xa8: {  	s5 =	sshll.u32 s28, $0x1;
	[dreg:$0x2] =	wrdreg s3  }
0xa9: {  	[dreg:$0x3] =	wrdreg s5  }
0xaa: {  	[dreg:$0x4] =	wrdreg $0xC0  }
0xab: {  	_ =	task [dreg:s7], $0x5FFFF  }
0xac: {  	[dreg:$0x1] =	wrdreg $0xFFFFFFFF  }
0xad: {  	[dreg:$0x0] =	wrdreg $0x60  }
0xae: {  	[dreg:$0x2] =	wrdreg s24  }
0xaf: {  	[dreg:$0x3] =	wrdreg s2  }
0xb0: {  	[dreg:$0x4] =	wrdreg $0x9  }
0xb1: {  	_ =	task.clear_ibuf [dreg:s7], $0x5FFFF;
	_ =	strace $0x90000046  }
0xb2: {  	s29 =	simm.s32 $0x9;
	_ =	strace $0x80000048  }
0xb3: {  	_ =	swait.ge [sflag:s29], $0x1  }
0xb4: {  	[sflag:s29] =	ssyncadd.s32 $0xFFFFFFFF  }
0xb5: {  	_ =	strace $0x90000048  }
0xb6: {  	_ =	sfence  }
0xb7: {  	s30 =	sld [smem:$0x0];
	_ =	sdelay $0x2  }
0xb8: {  	s31 =	sshll.u32 s1, $0xD;
	s1 =	sshrl.u32 s1, $0x2  }
0xb9: {  	s3 =	sand.u32 $0x4000, s31;
	s1 =	sadd.s32 s1, s30  }
0xba: {  	s0 =	sor.u32 s3, s0;
	s1 =	sshll.u32 s1, $0x11  }
0xbb: {  	s0 =	sor.u32 s1, s0  }
0xbc: {  	s0 =	sadd.s32 $0x8F2B, s0  }
0xbd: {  	[sflag:s0] =	ssyncadd.remote.s32 $0x1  }
0xbe: {  	_ =	sfence.sel $0xFFFF  }
0xbf: {  	[dreg:$0x0] =	wrdreg $0xFFFFFFFF;
	(pc) =	sbr.abs _section_cstart, $3  }
0xc0: {  	[dreg:$0x1] =	wrdreg $0xFFFFFFFF  }
0xc1: {  	_ =	task.clear_ibuf [dreg:s7], $0x2FFFF;
	_ =	strace $0x9FFFFFFF  }
0xc2: {  	(tm) =	ssettm $0x7FFFFFFF  }
0xc3: {  	_ =	shalt  }
tec
execute0_lowered:
.L_overlay_start_1:
0x0: {  	(tag) =	ssettag $0x1  }
0x1: {  	v0 =	vlaneseq.u32  }
0x2: {  	s5 =	rddreg [dreg:$0x0];
	s3 =	simm.s32 $0x0;
	v61 =	vmul.u32 $0x88, v0  }
0x3: {  	[smem:$0x7FF] =	sst s3  }
0x4: {  	s2 =	rddreg [dreg:$0x1];
	_ =	strace $0x80000047;
	v0 =	vadd.s32 $0x887, v61;
	[tilespmem:$0x1FF00] =	vst v61  }
0x5: {  	v3 =	vadd.s32 $0x880, v61;
	[tilespmem:$0x1FEF0] =	vst v0  }
0x6: {  	s0 =	srdreg.scid;
	v19 =	vor.u32 $0x1, v61;
	[tilespmem:$0x1FF10] =	vst v3  }
0x7: {  	s1 =	stileid.u32;
	s14 =	simm.s32 $0x80;
	s25 =	simm.s32 $0xF500;
	v9 =	vadd.s32 $0x881, v61;
	[tilespmem:$0x1FF20] =	vst v19  }
0x8: {  	s16 =	simm.s32 $0x10600;
	s24 =	simm.s32 $0x12800;
	s21 =	simm.s32 $0x13900;
	v10 =	vor.u32 $0x2, v61;
	[tilespmem:$0x1FF30] =	vst v9  }
0x9: {  	s20 =	simm.s32 $0x14A00;
	s15 =	simm.s32 $0x158E0;
	s17 =	simm.s32 $0x15968;
	v15 =	vadd.s32 $0x882, v61;
	[tilespmem:$0x1FF40] =	vst v10  }
0xa: {  	s18 =	simm.s32 $0x159F0;
	s19 =	simm.s32 $0x15A78;
	s22 =	simm.s32 $0x15B00;
	v12 =	vor.u32 $0x3, v61;
	[tilespmem:$0x1FF50] =	vst v15  }
0xb: {  	s23 =	simm.s32 $0x15B88;
	s0 =	sand.u32 $0x1, s0;
	s1 =	sshll.u32 s1, $0x1;
	v14 =	vadd.s32 $0x883, v61;
	[tilespmem:$0x1FF60] =	vst v12  }
0xc: {  	s26 =	simm.s32 $0x16B78;
	s28 =	simm.s32 $0x2;
	s1 =	sor.u32 s0, s1;
	v17 =	vor.u32 $0x4, v61;
	[tilespmem:$0x1FF70] =	vst v14  }
0xd: {  	s7 =	simm.s32 $0x0;
	s0 =	ssub.s32 $0x2, s0;
	s4 =	smul.u32 $0x6400, s1;
	v13 =	vadd.s32 $0x884, v61;
	[tilespmem:$0x1FF80] =	vst v17  }
0xe: {  	s9 =	sadd.s32 $0x1000, s2;
	s10 =	sadd.s32 $0x2000, s2;
	s29 =	sshrl.u32 s0, $0x1;
	v2 =	vor.u32 $0x5, v61;
	v18 =	vadd.s32 $0x885, v61;
	v1 =	vor.u32 $0x6, v61;
	[tilespmem:$0x1FF90] =	vst v13  }
0xf: {  	s11 =	sadd.s32 $0x3000, s2;
	v62 =	vadd.s32 $0x886, v61;
	v45 =	vadd.s32 $0x888, v61;
	v5 =	vadd.s32 $0x9, v61;
	s0 =	ssub.s32 s0, s29;
	[tilespmem:$0x1FFA0] =	vst v18;
	s4 =	sshrl.u32 s4, $0x3  }
.Ltmp0:
0x10: {  	v20 =	vadd.s32 $0x889, v61;
	v21 =	vadd.s32 $0xA, v61;
	v22 =	vadd.s32 $0x88A, v61;
	[tilespmem:$0x1FFC0] =	vst v45;
	s0 =	smax.u32 s0, $0x1;
	s6 =	sadd.s32 s4, s5;
	(pc) =	sbr.rel .LBB2_1-.Ltmp0, $4  }
0x11: {  	v63 =	vor.u32 $0x7, v61;
	v23 =	vadd.s32 $0xB, v61;
	v24 =	vadd.s32 $0x88B, v61;
	[tilespmem:$0x1FFD0] =	vst v2;
	s4 =	sadd.s32 $0xF42C00, s5;
	s5 =	sadd.s32 $0x19800, s5;
	[dreg:$0x6] =	wrdreg s0  }
0x12: {  	s8 =	sshll.u32 s1, $0xA;
	v25 =	vadd.s32 $0xC, v61;
	v26 =	vadd.s32 $0x88C, v61;
	v27 =	vadd.s32 $0xD, v61;
	[tilespmem:$0x1FFE0] =	vst v5;
	[dreg:$0x3] =	wrdreg s5;
	s30 =	sadd.s32 $0x800, s6  }
0x13: {  	s1 =	simm.s32 $0x1;
	v28 =	vadd.s32 $0x88D, v61;
	v29 =	vadd.s32 $0xE, v61;
	v0 =	vadd.s32 $0x8, v61;
	[tilespmem:$0x1FFF0] =	vst v63;
	s31 =	sadd.s32 $0x880, s6;
	[dreg:$0x4] =	wrdreg s30  }
0x14: {  	v30 =	vadd.s32 $0x88E, v61;
	v31 =	vadd.s32 $0xF, v61;
	v4 =	vadd.s32 $0x88F, v61;
	[tilespmem:$0x1FFB0] =	vst v0;
	s0 =	simm.s32 $0xE400;
	s5 =	simm.s32 $0x11700;
	[dreg:$0x5] =	wrdreg s31  }
.LBB2_20:
0x15: {  	_ =	swait.ge [sflag:s28], $0x400  }
0x16: {  	[sflag:s28] =	ssyncset.done $0x0  }
0x17: {  	[sflag:s28] =	ssyncadd.s32 $0xFFFFFC00  }
0x18: {  	_ =	swait.ge [sflag:s28], $0x400  }
0x19: {  	[sflag:s28] =	ssyncset.done $0x0  }
0x1a: {  	[sflag:s28] =	ssyncadd.s32 $0xFFFFFC00  }
0x1b: {  	_ =	swait.ge [sflag:s28], $0x400  }
0x1c: {  	[sflag:s28] =	ssyncset.done $0x0  }
0x1d: {  	[sflag:s28] =	ssyncadd.s32 $0xFFFFFC00  }
0x1e: {  	_ =	swait.ge [sflag:s28], $0x400  }
0x1f: {  	[sflag:s28] =	ssyncset.done $0x0  }
0x20: {  	[sflag:s28] =	ssyncadd.s32 $0xFFFFFC00  }
0x21: {  	_ =	swait.ge [sflag:s28], $0x400  }
0x22: {  	[sflag:s28] =	ssyncset.done $0x0  }
0x23: {  	[sflag:s28] =	ssyncadd.s32 $0xFFFFFC00  }
0x24: {  	_ =	swait.ge [sflag:s28], $0x400  }
0x25: {  	[sflag:s28] =	ssyncset.done $0x0  }
0x26: {  	[sflag:s28] =	ssyncadd.s32 $0xFFFFFC00  }
0x27: {  	_ =	swait.ge [sflag:s28], $0x400  }
0x28: {  	[sflag:s28] =	ssyncset.done $0x0  }
0x29: {  	[sflag:s28] =	ssyncadd.s32 $0xFFFFFC00  }
0x2a: {  	_ =	swait.ge [sflag:s28], $0x400  }
0x2b: {  	[sflag:s28] =	ssyncset.done $0x0  }
0x2c: {  	[sflag:s28] =	ssyncadd.s32 $0xFFFFFC00  }
0x2d: {  	_ =	swait.ge [sflag:s28], $0x400  }
0x2e: {  	[sflag:s28] =	ssyncset.done $0x0  }
0x2f: {  	[sflag:s28] =	ssyncadd.s32 $0xFFFFFC00  }
0x30: {  	_ =	swait.ge [sflag:s28], $0x400  }
0x31: {  	[sflag:s28] =	ssyncset.done $0x0  }
0x32: {  	[sflag:s28] =	ssyncadd.s32 $0xFFFFFC00  }
0x33: {  	_ =	swait.ge [sflag:s28], $0x400  }
0x34: {  	[sflag:s28] =	ssyncset.done $0x0  }
0x35: {  	[sflag:s28] =	ssyncadd.s32 $0xFFFFFC00  }
0x36: {  	_ =	swait.ge [sflag:s28], $0x400  }
0x37: {  	[sflag:s28] =	ssyncset.done $0x0  }
0x38: {  	[sflag:s28] =	ssyncadd.s32 $0xFFFFFC00  }
0x39: {  	_ =	swait.ge [sflag:s28], $0x400  }
0x3a: {  	[sflag:s28] =	ssyncset.done $0x0  }
0x3b: {  	[sflag:s28] =	ssyncadd.s32 $0xFFFFFC00  }
0x3c: {  	_ =	swait.ge [sflag:s28], $0x400  }
0x3d: {  	[sflag:s28] =	ssyncset.done $0x0  }
0x3e: {  	[sflag:s28] =	ssyncadd.s32 $0xFFFFFC00  }
0x3f: {  	_ =	swait.ge [sflag:s28], $0x400  }
0x40: {  	[sflag:s28] =	ssyncset.done $0x0  }
0x41: {  	[sflag:s28] =	ssyncadd.s32 $0xFFFFFC00  }
0x42: {  	_ =	swait.ge [sflag:s28], $0x400  }
0x43: {  	[sflag:s28] =	ssyncset.done $0x0  }
0x44: {  	[sflag:s28] =	ssyncadd.s32 $0xFFFFFC00  }
0x45: {  	_ =	swait.ge [sflag:s28], $0x400  }
0x46: {  	[sflag:s28] =	ssyncset.done $0x0  }
0x47: {  	[sflag:s28] =	ssyncadd.s32 $0xFFFFFC00  }
0x48: {  	_ =	swait.ge [sflag:s28], $0x400  }
0x49: {  	[sflag:s28] =	ssyncset.done $0x0  }
0x4a: {  	[sflag:s28] =	ssyncadd.s32 $0xFFFFFC00  }
0x4b: {  	_ =	swait.ge [sflag:s28], $0x400  }
0x4c: {  	[sflag:s28] =	ssyncset.done $0x0  }
0x4d: {  	[sflag:s28] =	ssyncadd.s32 $0xFFFFFC00  }
0x4e: {  	_ =	swait.ge [sflag:s28], $0x400  }
0x4f: {  	[sflag:s28] =	ssyncset.done $0x0  }
0x50: {  	[sflag:s28] =	ssyncadd.s32 $0xFFFFFC00  }
0x51: {  	_ =	swait.ge [sflag:s28], $0x400  }
0x52: {  	[sflag:s28] =	ssyncset.done $0x0  }
0x53: {  	[sflag:s28] =	ssyncadd.s32 $0xFFFFFC00  }
0x54: {  	_ =	swait.ge [sflag:s28], $0x400  }
0x55: {  	[sflag:s28] =	ssyncset.done $0x0  }
0x56: {  	[sflag:s28] =	ssyncadd.s32 $0xFFFFFC00  }
0x57: {  	_ =	swait.ge [sflag:s28], $0x400  }
0x58: {  	[sflag:s28] =	ssyncset.done $0x0  }
0x59: {  	[sflag:s28] =	ssyncadd.s32 $0xFFFFFC00  }
0x5a: {  	_ =	swait.ge [sflag:s28], $0x400  }
0x5b: {  	[sflag:s28] =	ssyncset.done $0x0  }
0x5c: {  	[sflag:s28] =	ssyncadd.s32 $0xFFFFFC00  }
0x5d: {  	_ =	swait.ge [sflag:s28], $0x400  }
0x5e: {  	[sflag:s28] =	ssyncset.done $0x0  }
0x5f: {  	[sflag:s28] =	ssyncadd.s32 $0xFFFFFC00  }
0x60: {  	_ =	swait.ge [sflag:s28], $0x400  }
0x61: {  	[sflag:s28] =	ssyncset.done $0x0  }
0x62: {  	[sflag:s28] =	ssyncadd.s32 $0xFFFFFC00  }
0x63: {  	_ =	swait.ge [sflag:s28], $0x400  }
0x64: {  	[sflag:s28] =	ssyncset.done $0x0  }
0x65: {  	[sflag:s28] =	ssyncadd.s32 $0xFFFFFC00  }
0x66: {  	_ =	swait.ge [sflag:s28], $0x400  }
0x67: {  	[sflag:s28] =	ssyncset.done $0x0  }
0x68: {  	[sflag:s28] =	ssyncadd.s32 $0xFFFFFC00  }
0x69: {  	_ =	swait.ge [sflag:s28], $0x400  }
0x6a: {  	[sflag:s28] =	ssyncset.done $0x0  }
0x6b: {  	[sflag:s28] =	ssyncadd.s32 $0xFFFFFC00  }
0x6c: {  	_ =	swait.ge [sflag:s28], $0x400  }
0x6d: {  	[sflag:s28] =	ssyncset.done $0x0  }
0x6e: {  	[sflag:s28] =	ssyncadd.s32 $0xFFFFFC00  }
0x6f: {  	_ =	swait.ge [sflag:s28], $0x400  }
0x70: {  	[sflag:s28] =	ssyncset.done $0x0  }
0x71: {  	[sflag:s28] =	ssyncadd.s32 $0xFFFFFC00  }
0x72: {  	_ =	swait.ge [sflag:s28], $0x400  }
0x73: {  	s7 =	rddreg [dreg:$0x7]  }
0x74: {  	s6 =	rddreg [dreg:$0x6];
	s7 =	sadd.s32 $0x1, s7  }
0x75: {  	p0 =	sne.s32 s7, s6  }
.Ltmp1:
0x76: {  	_ = 	snop;
	(pc) =	sbr.rel @!p0 .LBB2_21-.Ltmp1, $3  }
0x77: {  	_ =	sdelay $0x1  }
0x78: {  	[sflag:s28] =	ssyncset.done $0x0  }
0x79: {  	v0 =	vmov v39;
	v1 =	vmov v6;
	v2 =	vld [tilespmem:$0x1FFD0];
	[sflag:s28] =	ssyncadd.s32 $0xFFFFFC00  }
.LBB2_1:
0x7a: {  	[dreg:$0x7] =	wrdreg s7  }
0x7b: {  	s6 =	rddreg [dreg:$0x4];
	s7 =	simm.s32 $0x3  }
0x7c: {  	[tilespmem:s3], [sflag:$0x3] =	stream.linear.gather [hbm4b:s6+s3], $0x400, $0x38;
	[tilespmem:$0x18500] =	vst v63  }
0x7d: {  	_ =	swait.ge [sflag:s7], $0x400  }
0x7e: {  	[sflag:s7] =	ssyncset.done $0x0  }
0x7f: {  	s31 =	simm.s32 $0x6400;
	[sflag:s7] =	ssyncadd.s32 $0xFFFFFC00  }
0x80: {  	[tilespmem:s31], [sflag:$0x1] =	stream.indirect.gather [hbm4b:s4+s14], $0x20, s3, s14, $0xb8;
	[tilespmem:$0x18500] =	vst v63  }
0x81: {  	s12 =	simm.s32 $0x7400  }
0x82: {  	[tilespmem:s12], [sflag:$0x1] =	stream.indirect.gather [hbm4b:s4+s14], $0x20, s14, s14, $0xb8;
	[tilespmem:$0x18500] =	vst v63  }
0x83: {  	s13 =	simm.s32 $0x100;
	s12 =	simm.s32 $0x8400  }
0x84: {  	[tilespmem:s12], [sflag:$0x1] =	stream.indirect.gather [hbm4b:s4+s14], $0x20, s13, s14, $0xb8;
	[tilespmem:$0x18500] =	vst v63  }
0x85: {  	s29 =	simm.s32 $0x180;
	s31 =	simm.s32 $0x9400  }
0x86: {  	[tilespmem:s31], [sflag:$0x1] =	stream.indirect.gather [hbm4b:s4+s14], $0x20, s29, s14, $0xb8;
	[tilespmem:$0x18500] =	vst v63  }
0x87: {  	s12 =	simm.s32 $0x200;
	s13 =	simm.s32 $0xA400  }
0x88: {  	[tilespmem:s13], [sflag:$0x1] =	stream.indirect.gather [hbm4b:s4+s14], $0x20, s12, s14, $0xb8;
	[tilespmem:$0x18500] =	vst v63  }
0x89: {  	s29 =	simm.s32 $0x280;
	s31 =	simm.s32 $0xB400  }
0x8a: {  	[tilespmem:s31], [sflag:$0x1] =	stream.indirect.gather [hbm4b:s4+s14], $0x20, s29, s14, $0xb8;
	[tilespmem:$0x18500] =	vst v63  }
0x8b: {  	s12 =	simm.s32 $0x300;
	s13 =	simm.s32 $0xC400  }
0x8c: {  	[tilespmem:s13], [sflag:$0x1] =	stream.indirect.gather [hbm4b:s4+s14], $0x20, s12, s14, $0xb8;
	[tilespmem:$0x18500] =	vst v63  }
0x8d: {  	s29 =	simm.s32 $0x380;
	s31 =	simm.s32 $0xD400  }
0x8e: {  	[tilespmem:s31], [sflag:$0x1] =	stream.indirect.gather [hbm4b:s4+s14], $0x20, s29, s14, $0xb8;
	[tilespmem:$0x18500] =	vst v63  }
0x8f: {  	s12 =	rddreg [dreg:$0x5];
	s13 =	simm.s32 $0x400  }
0x90: {  	[tilespmem:s13], [sflag:$0x3] =	stream.linear.gather [hbm4b:s12+s3], $0x6000, $0x38;
	[tilespmem:$0x18500] =	vst v63  }
0x91: {  	_ =	swait.ge [sflag:s7], $0x6000  }
0x92: {  	[sflag:s7] =	ssyncset.done $0x0  }
0x93: {  	s31 =	simm.s32 $0x16C00;
	s29 =	rddreg [dreg:$0x3];
	[sflag:s7] =	ssyncadd.s32 $0xFFFFA000  }
0x94: {  	[tilespmem:s31], [sflag:$0x3] =	stream.linear.gather [hbm4b:s29+s3], $0x1900, $0x38;
	[tilespmem:$0x18500] =	vst v63  }
0x95: {  	_ =	swait.ge [sflag:s7], $0x1900  }
0x96: {  	[sflag:s7] =	ssyncset.done $0x0  }
0x97: {  	s30 =	simm.s32 $0x0;
	[sflag:s7] =	ssyncadd.s32 $0xFFFFE700  }
.LBB2_2:
0x98: {  	_ =	swait.ge [sflag:s1], $0x1000  }
0x99: {  	p0 =	seq.s32 s30, $0x0;
	[sflag:s1] =	ssyncset.done $0x0  }
0x9a: {  	s6 =	simm.s32 @!p0 $0x2;
	[sflag:s1] =	ssyncadd.s32 $0xFFFFF000  }
0x9b: {  	_ =	swait.ge @!p0 [sflag:s6], $0x400  }
0x9c: {  	[sflag:s6] =	ssyncset.done @!p0 $0x0  }
0x9d: {  	[sflag:s6] =	ssyncadd.s32 @!p0 $0xFFFFFC00  }
0x9e: {  	_ =	swait.ge @!p0 [sflag:s6], $0x400  }
0x9f: {  	[sflag:s6] =	ssyncset.done @!p0 $0x0  }
0xa0: {  	[sflag:s6] =	ssyncadd.s32 @!p0 $0xFFFFFC00  }
0xa1: {  	_ =	swait.ge @!p0 [sflag:s6], $0x400  }
0xa2: {  	[sflag:s6] =	ssyncset.done @!p0 $0x0  }
0xa3: {  	[sflag:s6] =	ssyncadd.s32 @!p0 $0xFFFFFC00  }
0xa4: {  	_ =	swait.ge @!p0 [sflag:s6], $0x400  }
0xa5: {  	s7 =	sshll.u32 s30, $0x8;
	[sflag:s6] =	ssyncset.done @!p0 $0x0  }
0xa6: {  	s13 =	sand.u32 $0x3FFFFF00, s7;
	[sflag:s6] =	ssyncadd.s32 @!p0 $0xFFFFFC00  }
0xa7: {  	v34 =	vld [tilespmem:s13+$0x16C00]  }
0xa8: {  	s29 =	simm.s32 $0x6500;
	v32 =	vld [tilespmem:s13+$0x16C10]  }
0xa9: {  	v6 =	vld [tilespmem:s29+$0x50]  }
0xaa: {  	v3 =	vld [tilespmem:s29+$0x10]  }
0xab: {  	v42 =	vld [tilespmem:s29+$0x70]  }
0xac: {  	v43 =	vld [tilespmem:s29+$0xB0]  }
0xad: {  	v7 =	vld [tilespmem:s29+$0x30]  }
0xae: {  	v44 =	vld [tilespmem:s29+$0xF0]  }
0xaf: {  	v46 =	vld [tilespmem:s29+$0x90]  }
0xb0: {  	v47 =	vld [tilespmem:s29+$0xD0]  }
0xb1: {  	v37 =	vld [tilespmem:s29+$0xFFFFFFF0]  }
0xb2: {  	v36 =	vld [tilespmem:s29+$0xFFFFFF00]  }
0xb3: {  	v48 =	vld [tilespmem:s29+$0xE0]  }
0xb4: {  	v49 =	vld [tilespmem:s29+$0xC0]  }
0xb5: {  	v33 =	vimm.s32 $0x0;
	v50 =	vld [tilespmem:s29+$0xA0]  }
0xb6: {  	v51 =	vadd.s32 v31, v33;
	v57 =	vld [tilespmem:s29+$0x60]  }
0xb7: {  	v35 =	vadd.s32 v62, v33;
	v54 =	vadd.s32 v29, v33;
	v52 =	vld [tilespmem:s29+$0x80]  }
0xb8: {  	v39 =	vadd.s32 v63, v33;
	v55 =	vadd.s32 v23, v33;
	v56 =	vadd.s32 v25, v33;
	v60 =	vld [tilespmem:s29+$0x40]  }
0xb9: {  	v58 =	vadd.s32 v4, v33;
	v59 =	vadd.s32 v28, v33;
	v63 =	vld [tilespmem:s29+$0x20];
	v48 =	vadd.f32 v48, v34  }
0xba: {  	v11 =	vmovc v62;
	v61 =	vadd.s32 v27, v33;
	v62 =	vadd.s32 v30, v33;
	v40 =	vld [tilespmem:s29+$0x0];
	v49 =	vadd.f32 v49, v34  }
0xbb: {  	v41 =	vadd.s32 v26, v33;
	v57 =	vadd.f32 v57, v34;
	[tilespmem:v51+s0+$0x0] =	vst.idx.msk $0xffff, v48;
	v48 =	vld [tilespmem:s29+$0xFFFFFFE0]  }
0xbc: {  	v44 =	vadd.f32 v44, v32;
	v50 =	vadd.f32 v50, v34;
	[tilespmem:v54+s0+$0x0] =	vst.idx.msk $0xffff, v49;
	v49 =	vld [tilespmem:s29+$0xFFFFFFC0]  }
0xbd: {  	v47 =	vadd.f32 v47, v32;
	v43 =	vadd.f32 v43, v32;
	[tilespmem:v55+s0+$0x0] =	vst.idx.msk $0xffff, v57;
	v55 =	vld [tilespmem:s29+$0xFFFFFF90]  }
0xbe: {  	v53 =	vadd.f32 v63, v34;
	v63 =	vadd.s32 v24, v33;
	[tilespmem:v58+s0+$0x0] =	vst.idx.msk $0xffff, v44;
	v44 =	vld [tilespmem:s29+$0xFFFFFFA0]  }
0xbf: {  	v9 =	vadd.f32 v40, v34;
	[tilespmem:v61+s0+$0x0] =	vst.idx.msk $0xffff, v50;
	v58 =	vadd.f32 v60, v34;
	v60 =	vld [tilespmem:s29+$0xFFFFFF80]  }
0xc0: {  	v40 =	vadd.s32 v5, v33;
	v51 =	vadd.f32 v52, v34;
	[tilespmem:v62+s0+$0x0] =	vst.idx.msk $0xffff, v47;
	v47 =	vld [tilespmem:s29+$0xFFFFFF60]  }
0xc1: {  	v46 =	vadd.f32 v46, v32;
	v62 =	vadd.s32 v21, v33;
	[tilespmem:v59+s0+$0x0] =	vst.idx.msk $0xffff, v43;
	v59 =	vld [tilespmem:s29+$0xFFFFFF40]  }
0xc2: {  	v8 =	vadd.s32 v22, v33;
	v42 =	vadd.f32 v42, v32;
	v43 =	vld [tilespmem:s29+$0xFFFFFF30];
	[tilespmem:v56+s0+$0x0] =	vst.idx.msk $0xffff, v51  }
0xc3: {  	v38 =	vadd.s32 v45, v33;
	v45 =	vadd.s32 v20, v33;
	v56 =	vld [tilespmem:s29+$0xFFFFFF20];
	[tilespmem:v41+s0+$0x0] =	vst.idx.msk $0xffff, v46  }
0xc4: {  	v61 =	vadd.s32 v0, v33;
	v51 =	vld [tilespmem:s29+$0xFFFFFFB0];
	[tilespmem:v63+s0+$0x0] =	vst.idx.msk $0xffff, v42;
	v54 =	vadd.f32 v48, v34  }
0xc5: {  	v41 =	vld [tilespmem:s29+$0xFFFFFF10];
	[tilespmem:v40+s0+$0x0] =	vst.idx.msk $0xffff, v53;
	v48 =	vadd.f32 v60, v34;
	v60 =	vadd.f32 v6, v32  }
0xc6: {  	v53 =	vld [tilespmem:s29+$0xFFFFFF70];
	[tilespmem:v62+s0+$0x0] =	vst.idx.msk $0xffff, v58;
	v62 =	vadd.f32 v7, v32  }
0xc7: {  	v52 =	vadd.f32 v49, v34;
	v49 =	vld [tilespmem:s29+$0xFFFFFF50];
	[tilespmem:v8+s0+$0x0] =	vst.idx.msk $0xffff, v60  }
0xc8: {  	v63 =	vld [tilespmem:$0x1FEF0];
	[tilespmem:v45+s0+$0x0] =	vst.idx.msk $0xffff, v62  }
0xc9: {  	v42 =	vadd.f32 v56, v34;
	v56 =	vld [tilespmem:s29+$0xFFFFFFD0];
	[tilespmem:v61+s0+$0x0] =	vst.idx.msk $0xffff, v9  }
0xca: {  	v16 =	vld [tilespmem:$0x1FF00]  }
0xcb: {  	v5 =	vld [tilespmem:$0x1FF10]  }
0xcc: {  	v7 =	vld [tilespmem:$0x1FF20]  }
0xcd: {  	v15 =	vld [tilespmem:$0x1FF30]  }
0xce: {  	v14 =	vld [tilespmem:$0x1FF40]  }
0xcf: {  	v9 =	vld [tilespmem:$0x1FF50]  }
0xd0: {  	v17 =	vld [tilespmem:$0x1FF60]  }
0xd1: {  	v18 =	vld [tilespmem:$0x1FF70]  }
0xd2: {  	v57 =	vadd.s32 v1, v33;
	v40 =	vadd.s32 $0x10, v33;
	v50 =	vadd.f32 v44, v34;
	v19 =	vld [tilespmem:$0x1FF80]  }
0xd3: {  	v12 =	vmovc v1;
	v47 =	vadd.f32 v47, v34;
	v44 =	vadd.f32 v59, v34;
	v59 =	vadd.s32 v2, v33;
	v13 =	vld [tilespmem:$0x1FF90]  }
0xd4: {  	s31 =	sshll.u32 s30, $0x3;
	v10 =	vmovc v2;
	s7 =	simm.s32 $0x6700;
	s6 =	simm.s32 $0x0;
	v46 =	vadd.f32 v41, v32;
	v60 =	vadd.f32 v3, v32;
	v6 =	vld [tilespmem:$0x1FFA0];
	v58 =	vadd.s32 v63, v33  }
.LBB2_3:
0xd5: {  	_ = 	snop  }
0xd6: {  	v45 =	vld [tilespmem:s7+$0x50]  }
0xd7: {  	v41 =	vld [tilespmem:s7+$0x10]  }
0xd8: {  	[tilespmem:v57+s0+$0x0] =	vst.idx.msk $0xffff, v52;
	v52 =	vld [tilespmem:s7+$0xB0];
	v57 =	vadd.s32 v19, v33  }
0xd9: {  	[tilespmem:v59+s0+$0x0] =	vst.idx.msk $0xffff, v50;
	v50 =	vld [tilespmem:s7+$0xF0];
	v59 =	vadd.s32 v17, v33  }
0xda: {  	v0 =	vld [tilespmem:s7+$0xD0]  }
0xdb: {  	[tilespmem:v39+s0+$0x0] =	vst.idx.msk $0xffff, v54;
	v1 =	vadd.s32 v16, v33;
	v8 =	vld [tilespmem:$0x1FFE0]  }
0xdc: {  	[tilespmem:v38+s0+$0x0] =	vst.idx.msk $0xffff, v60;
	v60 =	vld [tilespmem:s7+$0x70]  }
0xdd: {  	v37 =	vadd.f32 v37, v32;
	[tilespmem:v57+s0+$0x0] =	vst.idx.msk $0xffff, v48;
	v57 =	vld [tilespmem:s7+$0xE0]  }
0xde: {  	v36 =	vadd.f32 v36, v34;
	v63 =	vadd.s32 v13, v33;
	[tilespmem:v59+s0+$0x0] =	vst.idx.msk $0xffff, v47;
	v59 =	vld [tilespmem:s7+$0xC0]  }
0xdf: {  	v54 =	vadd.s32 v5, v33;
	v38 =	vadd.s32 v6, v33;
	[tilespmem:v58+s0+$0x0] =	vst.idx.msk $0xffff, v37;
	v58 =	vld [tilespmem:s7+$0x30]  }
0xe0: {  	v2 =	vadd.f32 v56, v32;
	[tilespmem:v1+s0+$0x0] =	vst.idx.msk $0xffff, v36;
	v37 =	vadd.f32 v51, v32;
	v51 =	vld [tilespmem:s7+$0x90]  }
0xe1: {  	v61 =	vadd.s32 v11, v40;
	v56 =	vadd.s32 v7, v33;
	v39 =	vadd.f32 v55, v32;
	v36 =	vld [tilespmem:s7+$0xFFFFFF00]  }
0xe2: {  	v62 =	vadd.s32 v15, v33;
	v1 =	vadd.s32 v14, v33;
	[tilespmem:v35+s0+$0x0] =	vst.idx.msk $0xffff, v2;
	v2 =	vld [tilespmem:$0x1FFC0]  }
0xe3: {  	v3 =	vadd.s32 v4, v40;
	v35 =	vmov v61;
	v61 =	vadd.s32 v18, v33;
	[tilespmem:v63+s0+$0x0] =	vst.idx.msk $0xffff, v39;
	v39 =	vld [tilespmem:$0x1FFF0]  }
0xe4: {  	v49 =	vadd.f32 v49, v32;
	v55 =	vadd.s32 v9, v33;
	[tilespmem:v54+s0+$0x0] =	vst.idx.msk $0xffff, v46;
	v46 =	vld [tilespmem:s7+$0x40]  }
0xe5: {  	v43 =	vadd.f32 v43, v32;
	v48 =	vadd.f32 v53, v32;
	[tilespmem:v38+s0+$0x0] =	vst.idx.msk $0xffff, v37;
	v37 =	vld [tilespmem:s7+$0xFFFFFFF0]  }
0xe6: {  	v53 =	vadd.s32 v22, v40;
	v63 =	vadd.s32 v31, v40;
	[tilespmem:v56+s0+$0x0] =	vst.idx.msk $0xffff, v42;
	v42 =	vld [tilespmem:s7+$0x20]  }
0xe7: {  	v47 =	vadd.s32 v23, v40;
	v50 =	vadd.f32 v50, v32;
	[tilespmem:v1+s0+$0x0] =	vst.idx.msk $0xffff, v44;
	v1 =	vld [tilespmem:s7+$0x80]  }
0xe8: {  	v0 =	vadd.f32 v0, v32;
	v57 =	vadd.f32 v57, v34;
	[tilespmem:v61+s0+$0x0] =	vst.idx.msk $0xffff, v48;
	v61 =	vld [tilespmem:s7+$0xA0]  }
0xe9: {  	v38 =	vadd.s32 v2, v40;
	v2 =	vadd.s32 v29, v40;
	[tilespmem:v55+s0+$0x0] =	vst.idx.msk $0xffff, v49;
	v49 =	vld [tilespmem:s7+$0x60]  }
0xea: {  	v52 =	vadd.f32 v52, v32;
	[tilespmem:v62+s0+$0x0] =	vst.idx.msk $0xffff, v43;
	v43 =	vld [tilespmem:s7+$0x0];
	v55 =	vadd.s32 v30, v40  }
0xeb: {  	v54 =	vadd.s32 v27, v40;
	v44 =	vadd.s32 v28, v40;
	[tilespmem:v63+s0+$0x0] =	vst.idx.msk $0xffff, v57;
	v57 =	vld [tilespmem:s7+$0xFFFFFFE0]  }
0xec: {  	v56 =	vadd.f32 v59, v34;
	v39 =	vadd.s32 v39, v40;
	v48 =	vadd.s32 v25, v40;
	v63 =	vld [tilespmem:$0x1FEF0]  }
0xed: {  	[tilespmem:v3+s0+$0x0] =	vst.idx.msk $0xffff, v50;
	v3 =	vld [tilespmem:s7+$0xFFFFFFA0];
	v50 =	vadd.f32 v51, v32;
	v1 =	vadd.f32 v1, v34  }
0xee: {  	v51 =	vld [tilespmem:s7+$0xFFFFFF80];
	v59 =	vadd.f32 v61, v34;
	[tilespmem:v2+s0+$0x0] =	vst.idx.msk $0xffff, v56;
	v49 =	vadd.f32 v49, v34  }
0xef: {  	v2 =	vld [tilespmem:s7+$0xFFFFFFC0];
	v56 =	vadd.s32 v26, v40;
	[tilespmem:v55+s0+$0x0] =	vst.idx.msk $0xffff, v0;
	v55 =	vadd.s32 v21, v40  }
0xf0: {  	[tilespmem:v54+s0+$0x0] =	vst.idx.msk $0xffff, v59;
	v54 =	vadd.f32 v57, v34;
	v57 =	vadd.s32 v8, v40;
	v8 =	vld [tilespmem:$0x1FFB0]  }
0xf1: {  	v46 =	vadd.f32 v46, v34;
	v0 =	vld [tilespmem:s7+$0xFFFFFF60];
	[tilespmem:v48+s0+$0x0] =	vst.idx.msk $0xffff, v1;
	v59 =	vadd.s32 v24, v40  }
0xf2: {  	v61 =	vadd.f32 v43, v34;
	v43 =	vadd.f32 v60, v32;
	v60 =	vld [tilespmem:s7+$0xFFFFFF10];
	[tilespmem:v47+s0+$0x0] =	vst.idx.msk $0xffff, v49  }
0xf3: {  	v42 =	vadd.f32 v42, v34;
	v1 =	vld [tilespmem:s7+$0xFFFFFF20];
	v48 =	vadd.f32 v51, v34;
	[tilespmem:v44+s0+$0x0] =	vst.idx.msk $0xffff, v52  }
0xf4: {  	s6 =	sadd.s32 $0x10, s6;
	v51 =	vld [tilespmem:s7+$0xFFFFFFB0];
	[tilespmem:v56+s0+$0x0] =	vst.idx.msk $0xffff, v50;
	v50 =	vadd.f32 v3, v34;
	v3 =	vadd.s32 v20, v40  }
0xf5: {  	p1 =	slt.u32 s6, $0x70;
	v44 =	vld [tilespmem:s7+$0xFFFFFF40];
	v52 =	vadd.f32 v2, v34;
	[tilespmem:v55+s0+$0x0] =	vst.idx.msk $0xffff, v46;
	v62 =	vadd.s32 v8, v40  }
.Ltmp2:
0xf6: {  	v49 =	vld [tilespmem:s7+$0xFFFFFF50];
	v47 =	vadd.f32 v0, v34;
	v0 =	vadd.f32 v45, v32;
	[tilespmem:v59+s0+$0x0] =	vst.idx.msk $0xffff, v43;
	(pc) =	sbr.rel @p1 .LBB2_3-.Ltmp2, $4  }
0xf7: {  	v2 =	vadd.f32 v58, v32;
	v56 =	vld [tilespmem:s7+$0xFFFFFFD0];
	v58 =	vadd.s32 v63, v40;
	[tilespmem:v57+s0+$0x0] =	vst.idx.msk $0xffff, v42  }
0xf8: {  	v46 =	vadd.f32 v60, v32;
	v55 =	vld [tilespmem:s7+$0xFFFFFF90];
	v60 =	vadd.f32 v41, v32;
	[tilespmem:v53+s0+$0x0] =	vst.idx.msk $0xffff, v0  }
0xf9: {  	v33 =	vmov v40;
	v43 =	vld [tilespmem:s7+$0xFFFFFF30];
	v42 =	vadd.f32 v1, v34;
	v57 =	vadd.s32 v12, v40;
	[tilespmem:v3+s0+$0x0] =	vst.idx.msk $0xffff, v2  }
0xfa: {  	v59 =	vadd.s32 v10, v33;
	v40 =	vadd.s32 $0x10, v40;
	v44 =	vadd.f32 v44, v34;
	v53 =	vld [tilespmem:s7+$0xFFFFFF70];
	s7 =	sadd.s32 $0x200, s7;
	[tilespmem:v62+s0+$0x0] =	vst.idx.msk $0xffff, v61  }
0xfb: {  	_ =	sdelay $0x3  }
0xfc: {  	[tilespmem:v39+s0+$0x0] =	vst.idx.msk $0xffff, v54  }
0xfd: {  	v0 =	vadd.s32 v16, v33;
	[tilespmem:v38+s0+$0x0] =	vst.idx.msk $0xffff, v60  }
0xfe: {  	v1 =	vadd.f32 v37, v32;
	v2 =	vadd.s32 v6, v33;
	[tilespmem:v57+s0+$0x0] =	vst.idx.msk $0xffff, v52  }
0xff: {  	v60 =	vadd.s32 v19, v33;
	[tilespmem:v59+s0+$0x0] =	vst.idx.msk $0xffff, v50;
	v3 =	vadd.f32 v56, v32  }
0x100: {  	v61 =	vadd.f32 v36, v34;
	v40 =	vadd.s32 v17, v33;
	[tilespmem:v58+s0+$0x0] =	vst.idx.msk $0xffff, v1  }
0x101: {  	v62 =	vadd.s32 v13, v33;
	v41 =	vadd.f32 v51, v32;
	[tilespmem:v35+s0+$0x0] =	vst.idx.msk $0xffff, v3  }
0x102: {  	v50 =	vadd.s32 v14, v33;
	[tilespmem:v0+s0+$0x0] =	vst.idx.msk $0xffff, v61  }
0x103: {  	v45 =	vadd.s32 v18, v33;
	[tilespmem:v2+s0+$0x0] =	vst.idx.msk $0xffff, v41  }
0x104: {  	v51 =	vadd.s32 v9, v33;
	v3 =	vadd.f32 v55, v32;
	[tilespmem:v60+s0+$0x0] =	vst.idx.msk $0xffff, v48  }
0x105: {  	v52 =	vadd.s32 v5, v33;
	[tilespmem:v40+s0+$0x0] =	vst.idx.msk $0xffff, v47  }
0x106: {  	v54 =	vadd.f32 v53, v32;
	[tilespmem:v62+s0+$0x0] =	vst.idx.msk $0xffff, v3;
	v3 =	vadd.s32 v7, v33  }
0x107: {  	v56 =	vadd.f32 v49, v32;
	v55 =	vadd.s32 v15, v33;
	[tilespmem:v50+s0+$0x0] =	vst.idx.msk $0xffff, v44  }
0x108: {  	[tilespmem:v45+s0+$0x0] =	vst.idx.msk $0xffff, v54  }
0x109: {  	s6 =	sshll.u32 s30, $0x14;
	[tilespmem:v51+s0+$0x0] =	vst.idx.msk $0xffff, v56  }
0x10a: {  	s6 =	sor.u32 s8, s6;
	v57 =	vadd.f32 v43, v32;
	[tilespmem:v52+s0+$0x0] =	vst.idx.msk $0xffff, v46  }
0x10b: {  	s6 =	sshrl.u32 s6, $0x3;
	[tilespmem:v3+s0+$0x0] =	vst.idx.msk $0xffff, v42  }
0x10c: {  	s7 =	sadd.s32 s2, s6;
	[tilespmem:v55+s0+$0x0] =	vst.idx.msk $0xffff, v57  }
0x10d: {  	[hbm4b:s7+s3] =	stream.linear.scatter [tilespmem:s0], [sflag:$0x2], $0x80, $0x38;
	[tilespmem:$0x18500] =	vst v63  }
0x10e: {  	s13 =	simm.s32 $0xE488;
	s12 =	sadd.s32 $0x10, s7  }
0x10f: {  	[hbm4b:s12+s3] =	stream.linear.scatter [tilespmem:s13], [sflag:$0x2], $0x80, $0x38;
	[tilespmem:$0x18500] =	vst v63  }
0x110: {  	s29 =	simm.s32 $0xE510;
	s13 =	sadd.s32 $0x20, s7  }
0x111: {  	[hbm4b:s13+s3] =	stream.linear.scatter [tilespmem:s29], [sflag:$0x2], $0x80, $0x38;
	[tilespmem:$0x18500] =	vst v63  }
0x112: {  	s13 =	sadd.s32 $0x30, s7;
	s29 =	simm.s32 $0xE598  }
0x113: {  	[hbm4b:s13+s3] =	stream.linear.scatter [tilespmem:s29], [sflag:$0x2], $0x80, $0x38;
	[tilespmem:$0x18500] =	vst v63  }
0x114: {  	s13 =	sadd.s32 $0x40, s7;
	s29 =	simm.s32 $0xE620  }
0x115: {  	[hbm4b:s13+s3] =	stream.linear.scatter [tilespmem:s29], [sflag:$0x2], $0x80, $0x38;
	[tilespmem:$0x18500] =	vst v63  }
0x116: {  	s13 =	sadd.s32 $0x50, s7;
	s29 =	simm.s32 $0xE6A8  }
0x117: {  	[hbm4b:s13+s3] =	stream.linear.scatter [tilespmem:s29], [sflag:$0x2], $0x80, $0x38;
	[tilespmem:$0x18500] =	vst v63  }
0x118: {  	s13 =	sadd.s32 $0x60, s7;
	s29 =	simm.s32 $0xE730  }
0x119: {  	[hbm4b:s13+s3] =	stream.linear.scatter [tilespmem:s29], [sflag:$0x2], $0x80, $0x38;
	[tilespmem:$0x18500] =	vst v63  }
0x11a: {  	s7 =	sadd.s32 $0x70, s7;
	s13 =	simm.s32 $0xE7B8  }
0x11b: {  	[hbm4b:s7+s3] =	stream.linear.scatter [tilespmem:s13], [sflag:$0x2], $0x80, $0x38;
	[tilespmem:$0x18500] =	vst v63  }
0x11c: {  	s29 =	simm.s32 $0xE840;
	s7 =	sadd.s32 s6, s9  }
0x11d: {  	[hbm4b:s7+s3] =	stream.linear.scatter [tilespmem:s29], [sflag:$0x2], $0x80, $0x38;
	[tilespmem:$0x18500] =	vst v63  }
0x11e: {  	s13 =	sadd.s32 $0x10, s7;
	s29 =	simm.s32 $0xE8C8  }
0x11f: {  	[hbm4b:s13+s3] =	stream.linear.scatter [tilespmem:s29], [sflag:$0x2], $0x80, $0x38;
	[tilespmem:$0x18500] =	vst v63  }
0x120: {  	s13 =	sadd.s32 $0x20, s7;
	s29 =	simm.s32 $0xE950  }
0x121: {  	[hbm4b:s13+s3] =	stream.linear.scatter [tilespmem:s29], [sflag:$0x2], $0x80, $0x38;
	[tilespmem:$0x18500] =	vst v63  }
0x122: {  	s13 =	sadd.s32 $0x30, s7;
	s29 =	simm.s32 $0xE9D8  }
0x123: {  	[hbm4b:s13+s3] =	stream.linear.scatter [tilespmem:s29], [sflag:$0x2], $0x80, $0x38;
	[tilespmem:$0x18500] =	vst v63  }
0x124: {  	s13 =	sadd.s32 $0x40, s7;
	s29 =	simm.s32 $0xEA60  }
0x125: {  	[hbm4b:s13+s3] =	stream.linear.scatter [tilespmem:s29], [sflag:$0x2], $0x80, $0x38;
	[tilespmem:$0x18500] =	vst v63  }
0x126: {  	s13 =	sadd.s32 $0x50, s7;
	s29 =	simm.s32 $0xEAE8  }
0x127: {  	[hbm4b:s13+s3] =	stream.linear.scatter [tilespmem:s29], [sflag:$0x2], $0x80, $0x38;
	[tilespmem:$0x18500] =	vst v63  }
0x128: {  	s13 =	sadd.s32 $0x60, s7;
	s29 =	simm.s32 $0xEB70  }
0x129: {  	[hbm4b:s13+s3] =	stream.linear.scatter [tilespmem:s29], [sflag:$0x2], $0x80, $0x38;
	[tilespmem:$0x18500] =	vst v63  }
0x12a: {  	s7 =	sadd.s32 $0x70, s7;
	s13 =	simm.s32 $0xEBF8  }
0x12b: {  	[hbm4b:s7+s3] =	stream.linear.scatter [tilespmem:s13], [sflag:$0x2], $0x80, $0x38;
	[tilespmem:$0x18500] =	vst v63  }
0x12c: {  	s29 =	simm.s32 $0xEC80;
	s7 =	sadd.s32 s6, s10  }
0x12d: {  	[hbm4b:s7+s3] =	stream.linear.scatter [tilespmem:s29], [sflag:$0x2], $0x80, $0x38;
	[tilespmem:$0x18500] =	vst v63  }
0x12e: {  	s13 =	sadd.s32 $0x10, s7;
	s29 =	simm.s32 $0xED08  }
0x12f: {  	[hbm4b:s13+s3] =	stream.linear.scatter [tilespmem:s29], [sflag:$0x2], $0x80, $0x38;
	[tilespmem:$0x18500] =	vst v63  }
0x130: {  	s13 =	sadd.s32 $0x20, s7;
	s29 =	simm.s32 $0xED90  }
0x131: {  	[hbm4b:s13+s3] =	stream.linear.scatter [tilespmem:s29], [sflag:$0x2], $0x80, $0x38;
	[tilespmem:$0x18500] =	vst v63  }
0x132: {  	s13 =	sadd.s32 $0x30, s7;
	s29 =	simm.s32 $0xEE18  }
0x133: {  	[hbm4b:s13+s3] =	stream.linear.scatter [tilespmem:s29], [sflag:$0x2], $0x80, $0x38;
	[tilespmem:$0x18500] =	vst v63  }
0x134: {  	s13 =	sadd.s32 $0x40, s7;
	s29 =	simm.s32 $0xEEA0  }
0x135: {  	[hbm4b:s13+s3] =	stream.linear.scatter [tilespmem:s29], [sflag:$0x2], $0x80, $0x38;
	[tilespmem:$0x18500] =	vst v63  }
0x136: {  	s13 =	sadd.s32 $0x50, s7;
	s29 =	simm.s32 $0xEF28  }
0x137: {  	[hbm4b:s13+s3] =	stream.linear.scatter [tilespmem:s29], [sflag:$0x2], $0x80, $0x38;
	[tilespmem:$0x18500] =	vst v63  }
0x138: {  	s13 =	sadd.s32 $0x60, s7;
	s29 =	simm.s32 $0xEFB0  }
0x139: {  	[hbm4b:s13+s3] =	stream.linear.scatter [tilespmem:s29], [sflag:$0x2], $0x80, $0x38;
	[tilespmem:$0x18500] =	vst v63  }
0x13a: {  	s7 =	sadd.s32 $0x70, s7;
	s29 =	simm.s32 $0xF038  }
0x13b: {  	[hbm4b:s7+s3] =	stream.linear.scatter [tilespmem:s29], [sflag:$0x2], $0x80, $0x38;
	[tilespmem:$0x18500] =	vst v63  }
0x13c: {  	s12 =	simm.s32 $0xF0C0;
	s6 =	sadd.s32 s6, s11  }
0x13d: {  	[hbm4b:s6+s3] =	stream.linear.scatter [tilespmem:s12], [sflag:$0x2], $0x80, $0x38;
	[tilespmem:$0x18500] =	vst v63  }
0x13e: {  	s13 =	sadd.s32 $0x10, s6;
	s29 =	simm.s32 $0xF148  }
0x13f: {  	[hbm4b:s13+s3] =	stream.linear.scatter [tilespmem:s29], [sflag:$0x2], $0x80, $0x38;
	[tilespmem:$0x18500] =	vst v63  }
0x140: {  	s13 =	sadd.s32 $0x20, s6;
	s29 =	simm.s32 $0xF1D0  }
0x141: {  	[hbm4b:s13+s3] =	stream.linear.scatter [tilespmem:s29], [sflag:$0x2], $0x80, $0x38;
	[tilespmem:$0x18500] =	vst v63  }
0x142: {  	s13 =	sadd.s32 $0x30, s6;
	s29 =	simm.s32 $0xF258  }
0x143: {  	[hbm4b:s13+s3] =	stream.linear.scatter [tilespmem:s29], [sflag:$0x2], $0x80, $0x38;
	[tilespmem:$0x18500] =	vst v63  }
0x144: {  	s13 =	sadd.s32 $0x40, s6;
	s29 =	simm.s32 $0xF2E0  }
0x145: {  	[hbm4b:s13+s3] =	stream.linear.scatter [tilespmem:s29], [sflag:$0x2], $0x80, $0x38;
	[tilespmem:$0x18500] =	vst v63  }
0x146: {  	s13 =	sadd.s32 $0x50, s6;
	s29 =	simm.s32 $0xF368  }
0x147: {  	[hbm4b:s13+s3] =	stream.linear.scatter [tilespmem:s29], [sflag:$0x2], $0x80, $0x38;
	[tilespmem:$0x18500] =	vst v63  }
0x148: {  	s13 =	sadd.s32 $0x60, s6;
	s29 =	simm.s32 $0xF3F0  }
0x149: {  	[hbm4b:s13+s3] =	stream.linear.scatter [tilespmem:s29], [sflag:$0x2], $0x80, $0x38;
	[tilespmem:$0x18500] =	vst v63  }
0x14a: {  	p1 =	seq.s32 s30, $0x18;
	s6 =	sadd.s32 $0x70, s6;
	s13 =	simm.s32 $0xF478  }
0x14b: {  	[hbm4b:s6+s3] =	stream.linear.scatter [tilespmem:s13], [sflag:$0x2], $0x80, $0x38;
	[tilespmem:$0x18500] =	vst v63  }
0x14c: {  	s6 =	sshll.u32 @!p1 s30, $0xA  }
0x14d: {  	s6 =	sand.u32 @!p1 $0x3FFFFC00, s6  }
0x14e: {  	s12 =	simm.s32 @!p1 $0x80;
	s13 =	simm.s32 @!p1 $0x6400;
	s7 =	sadd.s32 @!p1 $0x400, s6  }
0x14f: {  	[tilespmem:s13], [sflag:$0x1] =	stream.indirect.gather @!p1 [hbm4b:s4+s12], $0x20, s7, s12, $0xb8;
	[tilespmem:$0x18500] =	vst v63  }
0x150: {  	_ =	swait.ge [sflag:s1], $0x1000  }
0x151: {  	[sflag:s1] =	ssyncset.done $0x0  }
0x152: {  	s12 =	simm.s32 @!p0 $0x2;
	[sflag:s1] =	ssyncadd.s32 $0xFFFFF000  }
0x153: {  	_ =	swait.ge @!p0 [sflag:s12], $0x400  }
0x154: {  	[sflag:s12] =	ssyncset.done @!p0 $0x0  }
0x155: {  	[sflag:s12] =	ssyncadd.s32 @!p0 $0xFFFFFC00  }
0x156: {  	_ =	swait.ge @!p0 [sflag:s12], $0x400  }
0x157: {  	[sflag:s12] =	ssyncset.done @!p0 $0x0  }
0x158: {  	[sflag:s12] =	ssyncadd.s32 @!p0 $0xFFFFFC00  }
0x159: {  	_ =	swait.ge @!p0 [sflag:s12], $0x400  }
0x15a: {  	[sflag:s12] =	ssyncset.done @!p0 $0x0  }
0x15b: {  	[sflag:s12] =	ssyncadd.s32 @!p0 $0xFFFFFC00  }
0x15c: {  	s7 =	sor.u32 $0x1, s31;
	_ =	swait.ge @!p0 [sflag:s12], $0x400  }
0x15d: {  	s29 =	sshll.u32 s7, $0x5;
	[sflag:s12] =	ssyncset.done @!p0 $0x0  }
0x15e: {  	s13 =	sand.u32 $0x3FFFFFE0, s29;
	v8 =	vld [tilespmem:$0x1FFC0];
	[sflag:s12] =	ssyncadd.s32 @!p0 $0xFFFFFC00  }
0x15f: {  	v34 =	vld [tilespmem:s13+$0x16C00]  }
0x160: {  	s29 =	simm.s32 $0x7500;
	v32 =	vld [tilespmem:s13+$0x16C10]  }
0x161: {  	v0 =	vld [tilespmem:s29+$0x50]  }
0x162: {  	v1 =	vld [tilespmem:s29+$0x10]  }
0x163: {  	v2 =	vld [tilespmem:s29+$0x70]  }
0x164: {  	v3 =	vld [tilespmem:s29+$0xB0]  }
0x165: {  	v39 =	vld [tilespmem:s29+$0x30]  }
0x166: {  	v40 =	vld [tilespmem:s29+$0xF0]  }
0x167: {  	v58 =	vld [tilespmem:s29+$0xE0]  }
0x168: {  	v33 =	vimm.s32 $0x0;
	v59 =	vld [tilespmem:s29+$0xC0]  }
0x169: {  	v44 =	vadd.s32 v31, v33;
	v45 =	vld [tilespmem:s29+$0xA0]  }
0x16a: {  	v46 =	vadd.s32 v29, v33;
	v42 =	vld [tilespmem:s29+$0xD0]  }
0x16b: {  	v47 =	vadd.s32 v4, v33;
	v48 =	vld [tilespmem:s29+$0x80]  }
0x16c: {  	v60 =	vadd.s32 v27, v33;
	v41 =	vld [tilespmem:s29+$0x90];
	v61 =	vadd.f32 v58, v34  }
0x16d: {  	v57 =	vld [tilespmem:s29+$0x60];
	v43 =	vadd.f32 v59, v34;
	v58 =	vadd.s32 v30, v33;
	v40 =	vadd.f32 v40, v32  }
0x16e: {  	v50 =	vld [tilespmem:s29+$0x20];
	v45 =	vadd.f32 v45, v34;
	[tilespmem:v44+s25+$0x0] =	vst.idx.msk $0xffff, v61;
	v44 =	vadd.s32 v28, v33  }
0x16f: {  	v59 =	vld [tilespmem:s29+$0x40];
	v42 =	vadd.f32 v42, v32;
	[tilespmem:v46+s25+$0x0] =	vst.idx.msk $0xffff, v43;
	v43 =	vadd.s32 v25, v33  }
0x170: {  	v46 =	vld [tilespmem:s29+$0x0];
	[tilespmem:v47+s25+$0x0] =	vst.idx.msk $0xffff, v40;
	v47 =	vadd.f32 v48, v34;
	v48 =	vadd.s32 v26, v33  }
0x171: {  	v3 =	vadd.f32 v3, v32;
	[tilespmem:v60+s25+$0x0] =	vst.idx.msk $0xffff, v45;
	v45 =	vadd.s32 v23, v33;
	v60 =	vld [tilespmem:s29+$0xFFFFFFC0]  }
0x172: {  	v56 =	vadd.s32 v24, v33;
	v61 =	vld [tilespmem:s29+$0xFFFFFFA0];
	[tilespmem:v58+s25+$0x0] =	vst.idx.msk $0xffff, v42  }
0x173: {  	v41 =	vadd.f32 v41, v32;
	v40 =	vld [tilespmem:s29+$0xFFFFFFE0];
	[tilespmem:v44+s25+$0x0] =	vst.idx.msk $0xffff, v3  }
0x174: {  	v51 =	vadd.f32 v57, v34;
	v3 =	vld [tilespmem:s29+$0xFFFFFF80];
	v44 =	vadd.s32 v21, v33;
	[tilespmem:v43+s25+$0x0] =	vst.idx.msk $0xffff, v47  }
0x175: {  	v2 =	vadd.f32 v2, v32;
	v47 =	vld [tilespmem:s29+$0xFFFFFF60];
	[tilespmem:v48+s25+$0x0] =	vst.idx.msk $0xffff, v41  }
0x176: {  	v38 =	vadd.s32 v8, v33;
	v8 =	vld [tilespmem:$0x1FFE0];
	[tilespmem:v45+s25+$0x0] =	vst.idx.msk $0xffff, v51  }
0x177: {  	v55 =	vadd.f32 v59, v34;
	v59 =	vadd.f32 v46, v34;
	v46 =	vld [tilespmem:s29+$0xFFFFFF40];
	[tilespmem:v56+s25+$0x0] =	vst.idx.msk $0xffff, v2  }
0x178: {  	v2 =	vld [tilespmem:$0x1FFB0]  }
0x179: {  	v35 =	vadd.s32 v11, v33;
	v53 =	vadd.f32 v60, v34;
	v60 =	vld [tilespmem:s29+$0xFFFFFF10];
	[tilespmem:v44+s25+$0x0] =	vst.idx.msk $0xffff, v55  }
0x17a: {  	v62 =	vmovc v11;
	v52 =	vadd.s32 v22, v33;
	v57 =	vadd.f32 v50, v34;
	v0 =	vadd.f32 v0, v32;
	v11 =	vld [tilespmem:$0x1FFF0]  }
0x17b: {  	v37 =	vld [tilespmem:s29+$0xFFFFFFF0];
	v50 =	vadd.f32 v61, v34;
	v54 =	vadd.f32 v40, v34;
	v41 =	vadd.s32 v8, v33  }
0x17c: {  	v61 =	vadd.s32 v20, v33;
	v40 =	vld [tilespmem:s29+$0xFFFFFF20];
	v48 =	vadd.f32 v3, v34;
	v47 =	vadd.f32 v47, v34  }
0x17d: {  	v36 =	vld [tilespmem:s29+$0xFFFFFF00];
	v45 =	vmovc v19;
	v44 =	vadd.f32 v46, v34;
	v3 =	vadd.f32 v39, v32;
	v2 =	vadd.s32 v2, v33  }
0x17e: {  	v49 =	vld [tilespmem:s29+$0xFFFFFF50];
	v58 =	vadd.s32 v63, v33;
	v19 =	vmovc v7;
	v46 =	vadd.f32 v60, v32;
	v60 =	vadd.f32 v1, v32  }
0x17f: {  	v42 =	vld [tilespmem:s29+$0xFFFFFF30];
	v7 =	vmovc v9;
	v39 =	vadd.s32 $0x10, v33;
	[tilespmem:v52+s25+$0x0] =	vst.idx.msk $0xffff, v0;
	v8 =	vmov v5;
	v43 =	vadd.s32 v11, v33  }
0x180: {  	v51 =	vld [tilespmem:s29+$0xFFFFFFB0];
	v0 =	vmovc v11;
	v11 =	vmovc v14;
	v14 =	vmov v17;
	v17 =	vmov v45;
	v45 =	vmov v12;
	[tilespmem:v41+s25+$0x0] =	vst.idx.msk $0xffff, v57  }
0x181: {  	v56 =	vld [tilespmem:s29+$0xFFFFFFD0];
	v41 =	vadd.f32 v40, v34;
	v57 =	vadd.s32 v12, v33;
	v40 =	vmov v15;
	[tilespmem:v61+s25+$0x0] =	vst.idx.msk $0xffff, v3  }
0x182: {  	v55 =	vld [tilespmem:s29+$0xFFFFFF90];
	v12 =	vmovc v13;
	v15 =	vmovc v63;
	v63 =	vmov v0;
	v61 =	vmov v16;
	[tilespmem:v2+s25+$0x0] =	vst.idx.msk $0xffff, v59;
	v2 =	vmov v10  }
0x183: {  	s12 =	simm.s32 $0x0;
	s13 =	simm.s32 $0x7700;
	v52 =	vld [tilespmem:s29+$0xFFFFFF70];
	v59 =	vadd.s32 v10, v33;
	v10 =	vmovc v18;
	v18 =	vmovc v6;
	v6 =	vmov v45;
	v5 =	vmov v2  }
.LBB2_5:
0x184: {  	_ = 	snop  }
0x185: {  	v45 =	vld [tilespmem:s13+$0x50];
	[tilespmem:v43+s25+$0x0] =	vst.idx.msk $0xffff, v54;
	v43 =	vadd.s32 v17, v33  }
0x186: {  	v1 =	vadd.s32 v40, v33;
	v9 =	vmov v40;
	v40 =	vld [tilespmem:s13+$0x10];
	[tilespmem:v57+s25+$0x0] =	vst.idx.msk $0xffff, v53;
	v57 =	vadd.s32 v14, v33  }
0x187: {  	v53 =	vld [tilespmem:s13+$0xB0];
	v54 =	vadd.s32 v19, v33  }
0x188: {  	v13 =	vld [tilespmem:$0x1FFC0];
	[tilespmem:v38+s25+$0x0] =	vst.idx.msk $0xffff, v60  }
0x189: {  	v60 =	vld [tilespmem:s13+$0x70];
	[tilespmem:v59+s25+$0x0] =	vst.idx.msk $0xffff, v50  }
0x18a: {  	v0 =	vadd.s32 v62, v39;
	v50 =	vld [tilespmem:s13+$0xF0];
	[tilespmem:v43+s25+$0x0] =	vst.idx.msk $0xffff, v48  }
0x18b: {  	v59 =	vld [tilespmem:s13+$0xD0];
	v2 =	vadd.s32 v61, v33;
	v3 =	vadd.f32 v37, v32;
	[tilespmem:v57+s25+$0x0] =	vst.idx.msk $0xffff, v47  }
0x18c: {  	v61 =	vadd.f32 v56, v32;
	v56 =	vadd.s32 v12, v33;
	v57 =	vld [tilespmem:s13+$0xA0];
	[tilespmem:v54+s25+$0x0] =	vst.idx.msk $0xffff, v41  }
0x18d: {  	v37 =	vadd.s32 v18, v33;
	v42 =	vadd.f32 v42, v32;
	v41 =	vld [tilespmem:s13+$0x20];
	[tilespmem:v58+s25+$0x0] =	vst.idx.msk $0xffff, v3  }
0x18e: {  	v36 =	vadd.f32 v36, v34;
	v3 =	vld [tilespmem:s13+$0x30];
	[tilespmem:v35+s25+$0x0] =	vst.idx.msk $0xffff, v61;
	v58 =	vadd.s32 v10, v33  }
0x18f: {  	v55 =	vadd.f32 v55, v32;
	v35 =	vmov v0;
	v0 =	vld [tilespmem:s13+$0x90];
	[tilespmem:v1+s25+$0x0] =	vst.idx.msk $0xffff, v42  }
0x190: {  	v51 =	vadd.f32 v51, v32;
	v1 =	vld [tilespmem:s13+$0x0];
	[tilespmem:v2+s25+$0x0] =	vst.idx.msk $0xffff, v36  }
0x191: {  	v48 =	vadd.f32 v52, v32;
	v61 =	vadd.s32 v11, v33;
	[tilespmem:v56+s25+$0x0] =	vst.idx.msk $0xffff, v55;
	v55 =	vld [tilespmem:s13+$0xE0]  }
0x192: {  	[tilespmem:v37+s25+$0x0] =	vst.idx.msk $0xffff, v51;
	v37 =	vld [tilespmem:s13+$0xFFFFFFF0];
	v51 =	vadd.s32 v7, v33  }
0x193: {  	v49 =	vadd.f32 v49, v32;
	v56 =	vld [tilespmem:s13+$0xC0];
	[tilespmem:v58+s25+$0x0] =	vst.idx.msk $0xffff, v48;
	v58 =	vadd.s32 v31, v39  }
0x194: {  	v38 =	vadd.s32 v13, v39;
	v43 =	vadd.s32 v63, v39;
	v2 =	vadd.s32 v8, v33;
	v36 =	vld [tilespmem:s13+$0xFFFFFF00]  }
0x195: {  	v52 =	vadd.s32 v22, v39;
	v13 =	vmovc v62;
	v62 =	vadd.s32 v29, v39;
	v42 =	vadd.f32 v57, v34;
	v57 =	vld [tilespmem:s13+$0xFFFFFFC0]  }
0x196: {  	v16 =	vmov v63;
	v63 =	vadd.s32 v4, v39;
	[tilespmem:v61+s25+$0x0] =	vst.idx.msk $0xffff, v44;
	v44 =	vld [tilespmem:s13+$0x80];
	v55 =	vadd.f32 v55, v34  }
0x197: {  	v47 =	vadd.s32 v23, v39;
	v53 =	vadd.f32 v53, v32;
	[tilespmem:v51+s25+$0x0] =	vst.idx.msk $0xffff, v49;
	v49 =	vld [tilespmem:s13+$0x60]  }
0x198: {  	v48 =	vadd.s32 v25, v39;
	v54 =	vadd.f32 v56, v34;
	[tilespmem:v58+s25+$0x0] =	vst.idx.msk $0xffff, v55;
	v55 =	vld [tilespmem:s13+$0xFFFFFFE0]  }
0x199: {  	v50 =	vadd.f32 v50, v32;
	[tilespmem:v2+s25+$0x0] =	vst.idx.msk $0xffff, v46;
	v2 =	vld [tilespmem:s13+$0x40];
	v46 =	vadd.s32 v27, v39  }
0x19a: {  	v45 =	vadd.f32 v45, v32;
	v51 =	vadd.s32 v30, v39;
	[tilespmem:v62+s25+$0x0] =	vst.idx.msk $0xffff, v54;
	v62 =	vld [tilespmem:s13+$0xFFFFFF20]  }
0x19b: {  	v61 =	vadd.s32 v28, v39;
	v44 =	vadd.f32 v44, v34;
	[tilespmem:v63+s25+$0x0] =	vst.idx.msk $0xffff, v50;
	v50 =	vld [tilespmem:s13+$0xFFFFFFA0]  }
0x19c: {  	v41 =	vadd.f32 v41, v34;
	v0 =	vadd.f32 v0, v32;
	v58 =	vadd.s32 v26, v39;
	v63 =	vld [tilespmem:$0x1FFB0]  }
0x19d: {  	v56 =	vadd.f32 v59, v32;
	[tilespmem:v48+s25+$0x0] =	vst.idx.msk $0xffff, v44;
	v54 =	vadd.f32 v55, v34;
	v55 =	vld [tilespmem:$0x1FFE0]  }
0x19e: {  	v1 =	vadd.f32 v1, v34;
	v59 =	vadd.s32 v21, v39;
	[tilespmem:v46+s25+$0x0] =	vst.idx.msk $0xffff, v42;
	v42 =	vld [tilespmem:s13+$0xFFFFFF80]  }
0x19f: {  	v49 =	vadd.f32 v49, v34;
	v2 =	vadd.f32 v2, v34;
	[tilespmem:v51+s25+$0x0] =	vst.idx.msk $0xffff, v56;
	v56 =	vld [tilespmem:s13+$0xFFFFFF60]  }
0x1a0: {  	v46 =	vadd.s32 v24, v39;
	v51 =	vld [tilespmem:s13+$0xFFFFFFB0];
	[tilespmem:v61+s25+$0x0] =	vst.idx.msk $0xffff, v53;
	v53 =	vadd.f32 v57, v34  }
0x1a1: {  	v61 =	vld [tilespmem:s13+$0xFFFFFF40];
	v57 =	vadd.f32 v60, v32;
	[tilespmem:v58+s25+$0x0] =	vst.idx.msk $0xffff, v0;
	v63 =	vadd.s32 v63, v39  }
0x1a2: {  	s12 =	sadd.s32 $0x10, s12;
	v60 =	vadd.s32 v20, v39;
	v0 =	vld [tilespmem:s13+$0xFFFFFF10];
	[tilespmem:v47+s25+$0x0] =	vst.idx.msk $0xffff, v49;
	v55 =	vadd.s32 v55, v39  }
0x1a3: {  	p2 =	slt.u32 s12, $0x70;
	v33 =	vmov v39;
	[tilespmem:v59+s25+$0x0] =	vst.idx.msk $0xffff, v2;
	v49 =	vld [tilespmem:s13+$0xFFFFFF50];
	v2 =	vadd.f32 v3, v32;
	v58 =	vadd.s32 v15, v39  }
.Ltmp3:
0x1a4: {  	v59 =	vadd.s32 v5, v33;
	v50 =	vadd.f32 v50, v34;
	[tilespmem:v52+s25+$0x0] =	vst.idx.msk $0xffff, v45;
	v52 =	vld [tilespmem:s13+$0xFFFFFF70];
	(pc) =	sbr.rel @p2 .LBB2_5-.Ltmp3, $4  }
0x1a5: {  	v48 =	vadd.f32 v42, v34;
	[tilespmem:v46+s25+$0x0] =	vst.idx.msk $0xffff, v57;
	v42 =	vld [tilespmem:s13+$0xFFFFFF30];
	v47 =	vadd.f32 v56, v34  }
0x1a6: {  	v56 =	vld [tilespmem:s13+$0xFFFFFFD0];
	v57 =	vadd.s32 v6, v39;
	v44 =	vadd.f32 v61, v34;
	[tilespmem:v63+s25+$0x0] =	vst.idx.msk $0xffff, v1  }
0x1a7: {  	v61 =	vld [tilespmem:$0x1FF00];
	v46 =	vadd.f32 v0, v32;
	v39 =	vadd.s32 $0x10, v39;
	[tilespmem:v55+s25+$0x0] =	vst.idx.msk $0xffff, v41;
	v41 =	vadd.f32 v62, v34  }
0x1a8: {  	v63 =	vmovc v16;
	v62 =	vmov v13;
	v55 =	vld [tilespmem:s13+$0xFFFFFF90];
	s13 =	sadd.s32 $0x200, s13;
	[tilespmem:v60+s25+$0x0] =	vst.idx.msk $0xffff, v2;
	v60 =	vadd.f32 v40, v32;
	v40 =	vmov v9  }
0x1a9: {  	_ =	sdelay $0x3  }
0x1aa: {  	[tilespmem:v43+s25+$0x0] =	vst.idx.msk $0xffff, v54  }
0x1ab: {  	v2 =	vadd.s32 v18, v33;
	[tilespmem:v57+s25+$0x0] =	vst.idx.msk $0xffff, v53  }
0x1ac: {  	v1 =	vadd.f32 v37, v32;
	[tilespmem:v59+s25+$0x0] =	vst.idx.msk $0xffff, v50;
	v50 =	vadd.s32 v11, v33  }
0x1ad: {  	[tilespmem:v38+s25+$0x0] =	vst.idx.msk $0xffff, v60;
	v60 =	vadd.s32 v14, v33;
	v3 =	vadd.f32 v56, v32  }
0x1ae: {  	v43 =	vadd.f32 v51, v32;
	v56 =	vadd.s32 v17, v33;
	[tilespmem:v58+s25+$0x0] =	vst.idx.msk $0xffff, v1  }
0x1af: {  	v58 =	vadd.s32 v12, v33;
	[tilespmem:v35+s25+$0x0] =	vst.idx.msk $0xffff, v3  }
0x1b0: {  	v45 =	vadd.s32 v10, v33;
	[tilespmem:v2+s25+$0x0] =	vst.idx.msk $0xffff, v43  }
0x1b1: {  	v0 =	vadd.s32 v61, v33;
	[tilespmem:v50+s25+$0x0] =	vst.idx.msk $0xffff, v44  }
0x1b2: {  	v51 =	vadd.s32 v7, v33;
	v3 =	vadd.f32 v55, v32;
	[tilespmem:v60+s25+$0x0] =	vst.idx.msk $0xffff, v47  }
0x1b3: {  	v53 =	vadd.s32 v8, v33;
	v54 =	vadd.f32 v52, v32;
	[tilespmem:v56+s25+$0x0] =	vst.idx.msk $0xffff, v48  }
0x1b4: {  	v57 =	vadd.f32 v36, v34;
	[tilespmem:v58+s25+$0x0] =	vst.idx.msk $0xffff, v3;
	v3 =	vadd.s32 v19, v33  }
0x1b5: {  	v55 =	vadd.s32 v40, v33;
	v56 =	vadd.f32 v49, v32;
	[tilespmem:v45+s25+$0x0] =	vst.idx.msk $0xffff, v54  }
0x1b6: {  	[tilespmem:v0+s25+$0x0] =	vst.idx.msk $0xffff, v57  }
0x1b7: {  	s7 =	sshll.u32 s7, $0x11;
	[tilespmem:v51+s25+$0x0] =	vst.idx.msk $0xffff, v56  }
0x1b8: {  	s7 =	sor.u32 s8, s7;
	v57 =	vadd.f32 v42, v32;
	[tilespmem:v53+s25+$0x0] =	vst.idx.msk $0xffff, v46  }
0x1b9: {  	s7 =	sshrl.u32 s7, $0x3;
	[tilespmem:v3+s25+$0x0] =	vst.idx.msk $0xffff, v41  }
0x1ba: {  	s12 =	sadd.s32 s2, s7;
	[tilespmem:v55+s25+$0x0] =	vst.idx.msk $0xffff, v57  }
0x1bb: {  	[hbm4b:s12+s3] =	stream.linear.scatter [tilespmem:s25], [sflag:$0x2], $0x80, $0x38;
	[tilespmem:$0x18500] =	vst v63  }
0x1bc: {  	s29 =	simm.s32 $0xF588;
	s13 =	sadd.s32 $0x10, s12  }
0x1bd: {  	[hbm4b:s13+s3] =	stream.linear.scatter [tilespmem:s29], [sflag:$0x2], $0x80, $0x38;
	[tilespmem:$0x18500] =	vst v63  }
0x1be: {  	s13 =	sadd.s32 $0x20, s12;
	s29 =	simm.s32 $0xF610  }
0x1bf: {  	[hbm4b:s13+s3] =	stream.linear.scatter [tilespmem:s29], [sflag:$0x2], $0x80, $0x38;
	[tilespmem:$0x18500] =	vst v63  }
0x1c0: {  	s13 =	sadd.s32 $0x30, s12;
	s29 =	simm.s32 $0xF698  }
0x1c1: {  	[hbm4b:s13+s3] =	stream.linear.scatter [tilespmem:s29], [sflag:$0x2], $0x80, $0x38;
	[tilespmem:$0x18500] =	vst v63  }
0x1c2: {  	s13 =	sadd.s32 $0x40, s12;
	s29 =	simm.s32 $0xF720  }
0x1c3: {  	[hbm4b:s13+s3] =	stream.linear.scatter [tilespmem:s29], [sflag:$0x2], $0x80, $0x38;
	[tilespmem:$0x18500] =	vst v63  }
0x1c4: {  	s13 =	sadd.s32 $0x50, s12;
	s29 =	simm.s32 $0xF7A8  }
0x1c5: {  	[hbm4b:s13+s3] =	stream.linear.scatter [tilespmem:s29], [sflag:$0x2], $0x80, $0x38;
	[tilespmem:$0x18500] =	vst v63  }
0x1c6: {  	s13 =	sadd.s32 $0x60, s12;
	s29 =	simm.s32 $0xF830  }
0x1c7: {  	[hbm4b:s13+s3] =	stream.linear.scatter [tilespmem:s29], [sflag:$0x2], $0x80, $0x38;
	[tilespmem:$0x18500] =	vst v63  }
0x1c8: {  	s12 =	sadd.s32 $0x70, s12;
	s29 =	simm.s32 $0xF8B8  }
0x1c9: {  	[hbm4b:s12+s3] =	stream.linear.scatter [tilespmem:s29], [sflag:$0x2], $0x80, $0x38;
	[tilespmem:$0x18500] =	vst v63  }
0x1ca: {  	s12 =	sadd.s32 s7, s9;
	s29 =	simm.s32 $0xF940  }
0x1cb: {  	[hbm4b:s12+s3] =	stream.linear.scatter [tilespmem:s29], [sflag:$0x2], $0x80, $0x38;
	[tilespmem:$0x18500] =	vst v63  }
0x1cc: {  	s13 =	sadd.s32 $0x10, s12;
	s29 =	simm.s32 $0xF9C8  }
0x1cd: {  	[hbm4b:s13+s3] =	stream.linear.scatter [tilespmem:s29], [sflag:$0x2], $0x80, $0x38;
	[tilespmem:$0x18500] =	vst v63  }
0x1ce: {  	s13 =	sadd.s32 $0x20, s12;
	s29 =	simm.s32 $0xFA50  }
0x1cf: {  	[hbm4b:s13+s3] =	stream.linear.scatter [tilespmem:s29], [sflag:$0x2], $0x80, $0x38;
	[tilespmem:$0x18500] =	vst v63  }
0x1d0: {  	s13 =	sadd.s32 $0x30, s12;
	s29 =	simm.s32 $0xFAD8  }
0x1d1: {  	[hbm4b:s13+s3] =	stream.linear.scatter [tilespmem:s29], [sflag:$0x2], $0x80, $0x38;
	[tilespmem:$0x18500] =	vst v63  }
0x1d2: {  	s13 =	sadd.s32 $0x40, s12;
	s29 =	simm.s32 $0xFB60  }
0x1d3: {  	[hbm4b:s13+s3] =	stream.linear.scatter [tilespmem:s29], [sflag:$0x2], $0x80, $0x38;
	[tilespmem:$0x18500] =	vst v63  }
0x1d4: {  	s13 =	sadd.s32 $0x50, s12;
	s29 =	simm.s32 $0xFBE8  }
0x1d5: {  	[hbm4b:s13+s3] =	stream.linear.scatter [tilespmem:s29], [sflag:$0x2], $0x80, $0x38;
	[tilespmem:$0x18500] =	vst v63  }
0x1d6: {  	s13 =	sadd.s32 $0x60, s12;
	s29 =	simm.s32 $0xFC70  }
0x1d7: {  	[hbm4b:s13+s3] =	stream.linear.scatter [tilespmem:s29], [sflag:$0x2], $0x80, $0x38;
	[tilespmem:$0x18500] =	vst v63  }
0x1d8: {  	s12 =	sadd.s32 $0x70, s12;
	s29 =	simm.s32 $0xFCF8  }
0x1d9: {  	[hbm4b:s12+s3] =	stream.linear.scatter [tilespmem:s29], [sflag:$0x2], $0x80, $0x38;
	[tilespmem:$0x18500] =	vst v63  }
0x1da: {  	s12 =	sadd.s32 s7, s10;
	s29 =	simm.s32 $0xFD80  }
0x1db: {  	[hbm4b:s12+s3] =	stream.linear.scatter [tilespmem:s29], [sflag:$0x2], $0x80, $0x38;
	[tilespmem:$0x18500] =	vst v63  }
0x1dc: {  	s13 =	sadd.s32 $0x10, s12;
	s29 =	simm.s32 $0xFE08  }
0x1dd: {  	[hbm4b:s13+s3] =	stream.linear.scatter [tilespmem:s29], [sflag:$0x2], $0x80, $0x38;
	[tilespmem:$0x18500] =	vst v63  }
0x1de: {  	s13 =	sadd.s32 $0x20, s12;
	s29 =	simm.s32 $0xFE90  }
0x1df: {  	[hbm4b:s13+s3] =	stream.linear.scatter [tilespmem:s29], [sflag:$0x2], $0x80, $0x38;
	[tilespmem:$0x18500] =	vst v63  }
0x1e0: {  	s13 =	sadd.s32 $0x30, s12;
	s29 =	simm.s32 $0xFF18  }
0x1e1: {  	[hbm4b:s13+s3] =	stream.linear.scatter [tilespmem:s29], [sflag:$0x2], $0x80, $0x38;
	[tilespmem:$0x18500] =	vst v63  }
0x1e2: {  	s13 =	sadd.s32 $0x40, s12;
	s29 =	simm.s32 $0xFFA0  }
0x1e3: {  	[hbm4b:s13+s3] =	stream.linear.scatter [tilespmem:s29], [sflag:$0x2], $0x80, $0x38;
	[tilespmem:$0x18500] =	vst v63  }
0x1e4: {  	s13 =	sadd.s32 $0x50, s12;
	s29 =	simm.s32 $0x10028  }
0x1e5: {  	[hbm4b:s13+s3] =	stream.linear.scatter [tilespmem:s29], [sflag:$0x2], $0x80, $0x38;
	[tilespmem:$0x18500] =	vst v63  }
0x1e6: {  	s13 =	sadd.s32 $0x60, s12;
	s29 =	simm.s32 $0x100B0  }
0x1e7: {  	[hbm4b:s13+s3] =	stream.linear.scatter [tilespmem:s29], [sflag:$0x2], $0x80, $0x38;
	[tilespmem:$0x18500] =	vst v63  }
0x1e8: {  	s12 =	sadd.s32 $0x70, s12;
	s29 =	simm.s32 $0x10138  }
0x1e9: {  	[hbm4b:s12+s3] =	stream.linear.scatter [tilespmem:s29], [sflag:$0x2], $0x80, $0x38;
	[tilespmem:$0x18500] =	vst v63  }
0x1ea: {  	s7 =	sadd.s32 s7, s11;
	s29 =	simm.s32 $0x101C0  }
0x1eb: {  	[hbm4b:s7+s3] =	stream.linear.scatter [tilespmem:s29], [sflag:$0x2], $0x80, $0x38;
	[tilespmem:$0x18500] =	vst v63  }
0x1ec: {  	s13 =	sadd.s32 $0x10, s7;
	s29 =	simm.s32 $0x10248  }
0x1ed: {  	[hbm4b:s13+s3] =	stream.linear.scatter [tilespmem:s29], [sflag:$0x2], $0x80, $0x38;
	[tilespmem:$0x18500] =	vst v63  }
0x1ee: {  	s13 =	sadd.s32 $0x20, s7;
	s29 =	simm.s32 $0x102D0  }
0x1ef: {  	[hbm4b:s13+s3] =	stream.linear.scatter [tilespmem:s29], [sflag:$0x2], $0x80, $0x38;
	[tilespmem:$0x18500] =	vst v63  }
0x1f0: {  	s13 =	sadd.s32 $0x30, s7;
	s29 =	simm.s32 $0x10358  }
0x1f1: {  	[hbm4b:s13+s3] =	stream.linear.scatter [tilespmem:s29], [sflag:$0x2], $0x80, $0x38;
	[tilespmem:$0x18500] =	vst v63  }
0x1f2: {  	s13 =	sadd.s32 $0x40, s7;
	s29 =	simm.s32 $0x103E0  }
0x1f3: {  	[hbm4b:s13+s3] =	stream.linear.scatter [tilespmem:s29], [sflag:$0x2], $0x80, $0x38;
	[tilespmem:$0x18500] =	vst v63  }
0x1f4: {  	s13 =	sadd.s32 $0x50, s7;
	s29 =	simm.s32 $0x10468  }
0x1f5: {  	[hbm4b:s13+s3] =	stream.linear.scatter [tilespmem:s29], [sflag:$0x2], $0x80, $0x38;
	[tilespmem:$0x18500] =	vst v63  }
0x1f6: {  	s13 =	sadd.s32 $0x60, s7;
	s29 =	simm.s32 $0x104F0  }
0x1f7: {  	[hbm4b:s13+s3] =	stream.linear.scatter [tilespmem:s29], [sflag:$0x2], $0x80, $0x38;
	[tilespmem:$0x18500] =	vst v63  }
0x1f8: {  	s7 =	sadd.s32 $0x70, s7;
	s13 =	simm.s32 $0x10578  }
0x1f9: {  	[hbm4b:s7+s3] =	stream.linear.scatter [tilespmem:s13], [sflag:$0x2], $0x80, $0x38;
	[tilespmem:$0x18500] =	vst v63  }
0x1fa: {  	s12 =	simm.s32 @!p1 $0x80;
	s7 =	sadd.s32 @!p1 $0x480, s6;
	s13 =	simm.s32 @!p1 $0x7400  }
0x1fb: {  	[tilespmem:s13], [sflag:$0x1] =	stream.indirect.gather @!p1 [hbm4b:s4+s12], $0x20, s7, s12, $0xb8;
	[tilespmem:$0x18500] =	vst v63  }
0x1fc: {  	_ =	swait.ge [sflag:s1], $0x1000  }
0x1fd: {  	[sflag:s1] =	ssyncset.done $0x0  }
0x1fe: {  	s12 =	simm.s32 @!p0 $0x2;
	[sflag:s1] =	ssyncadd.s32 $0xFFFFF000  }
0x1ff: {  	_ =	swait.ge @!p0 [sflag:s12], $0x400  }
0x200: {  	[sflag:s12] =	ssyncset.done @!p0 $0x0  }
0x201: {  	[sflag:s12] =	ssyncadd.s32 @!p0 $0xFFFFFC00  }
0x202: {  	_ =	swait.ge @!p0 [sflag:s12], $0x400  }
0x203: {  	[sflag:s12] =	ssyncset.done @!p0 $0x0  }
0x204: {  	[sflag:s12] =	ssyncadd.s32 @!p0 $0xFFFFFC00  }
0x205: {  	_ =	swait.ge @!p0 [sflag:s12], $0x400  }
0x206: {  	[sflag:s12] =	ssyncset.done @!p0 $0x0  }
0x207: {  	[sflag:s12] =	ssyncadd.s32 @!p0 $0xFFFFFC00  }
0x208: {  	s7 =	sor.u32 $0x2, s31;
	_ =	swait.ge @!p0 [sflag:s12], $0x400  }
0x209: {  	s29 =	sshll.u32 s7, $0x5;
	[sflag:s12] =	ssyncset.done @!p0 $0x0  }
0x20a: {  	s13 =	sand.u32 $0x3FFFFFE0, s29;
	v56 =	vld [tilespmem:$0x1FFC0];
	[sflag:s12] =	ssyncadd.s32 @!p0 $0xFFFFFC00  }
0x20b: {  	v34 =	vld [tilespmem:s13+$0x16C00]  }
0x20c: {  	s29 =	simm.s32 $0x8500;
	v32 =	vld [tilespmem:s13+$0x16C10]  }
0x20d: {  	v0 =	vld [tilespmem:s29+$0x50]  }
0x20e: {  	v1 =	vld [tilespmem:s29+$0x10]  }
0x20f: {  	v2 =	vld [tilespmem:s29+$0x70]  }
0x210: {  	v3 =	vld [tilespmem:s29+$0xB0]  }
0x211: {  	v39 =	vld [tilespmem:s29+$0x30]  }
0x212: {  	v9 =	vmov v40;
	v40 =	vld [tilespmem:s29+$0xF0]  }
0x213: {  	v58 =	vld [tilespmem:s29+$0xE0]  }
0x214: {  	v33 =	vimm.s32 $0x0;
	v59 =	vld [tilespmem:s29+$0xC0]  }
0x215: {  	v44 =	vadd.s32 v31, v33;
	v45 =	vld [tilespmem:s29+$0xA0]  }
0x216: {  	v46 =	vadd.s32 v29, v33;
	v42 =	vld [tilespmem:s29+$0xD0]  }
0x217: {  	v47 =	vadd.s32 v4, v33;
	v48 =	vld [tilespmem:s29+$0x80]  }
0x218: {  	v49 =	vadd.s32 v27, v33;
	v41 =	vld [tilespmem:s29+$0x90];
	v60 =	vadd.f32 v58, v34  }
0x219: {  	v37 =	vld [tilespmem:s29+$0xFFFFFFF0];
	v43 =	vadd.f32 v59, v34;
	v58 =	vadd.s32 v30, v33;
	v40 =	vadd.f32 v40, v32  }
0x21a: {  	v36 =	vld [tilespmem:s29+$0xFFFFFF00];
	v45 =	vadd.f32 v45, v34;
	[tilespmem:v44+s16+$0x0] =	vst.idx.msk $0xffff, v60;
	v44 =	vadd.s32 v28, v33  }
0x21b: {  	v57 =	vld [tilespmem:s29+$0x60];
	v42 =	vadd.f32 v42, v32;
	[tilespmem:v46+s16+$0x0] =	vst.idx.msk $0xffff, v43;
	v43 =	vadd.s32 v25, v33  }
0x21c: {  	v50 =	vld [tilespmem:s29+$0x20];
	[tilespmem:v47+s16+$0x0] =	vst.idx.msk $0xffff, v40;
	v47 =	vadd.f32 v48, v34;
	v48 =	vadd.s32 v26, v33  }
0x21d: {  	v59 =	vld [tilespmem:s29+$0x40];
	v3 =	vadd.f32 v3, v32;
	[tilespmem:v49+s16+$0x0] =	vst.idx.msk $0xffff, v45;
	v45 =	vadd.s32 v23, v33  }
0x21e: {  	v38 =	vadd.s32 v56, v33;
	v56 =	vadd.s32 v24, v33;
	v46 =	vld [tilespmem:s29+$0x0];
	[tilespmem:v58+s16+$0x0] =	vst.idx.msk $0xffff, v42  }
0x21f: {  	v41 =	vadd.f32 v41, v32;
	v49 =	vld [tilespmem:s29+$0xFFFFFFC0];
	[tilespmem:v44+s16+$0x0] =	vst.idx.msk $0xffff, v3  }
0x220: {  	v51 =	vadd.f32 v57, v34;
	v60 =	vld [tilespmem:s29+$0xFFFFFFA0];
	[tilespmem:v43+s16+$0x0] =	vst.idx.msk $0xffff, v47  }
0x221: {  	v2 =	vadd.f32 v2, v32;
	v40 =	vld [tilespmem:s29+$0xFFFFFFE0];
	[tilespmem:v48+s16+$0x0] =	vst.idx.msk $0xffff, v41  }
0x222: {  	v41 =	vld [tilespmem:$0x1FFE0];
	[tilespmem:v45+s16+$0x0] =	vst.idx.msk $0xffff, v51  }
0x223: {  	v3 =	vld [tilespmem:s29+$0xFFFFFF80];
	[tilespmem:v56+s16+$0x0] =	vst.idx.msk $0xffff, v2  }
0x224: {  	v2 =	vld [tilespmem:$0x1FFB0]  }
0x225: {  	v35 =	vadd.s32 v62, v33;
	v44 =	vadd.s32 v21, v33;
	v47 =	vld [tilespmem:s29+$0xFFFFFF60]  }
0x226: {  	v52 =	vadd.s32 v22, v33;
	v55 =	vadd.f32 v59, v34;
	v59 =	vadd.f32 v46, v34;
	v46 =	vld [tilespmem:s29+$0xFFFFFF40]  }
0x227: {  	v57 =	vadd.f32 v50, v34;
	v54 =	vadd.f32 v40, v34;
	v40 =	vld [tilespmem:s29+$0xFFFFFF20];
	v41 =	vadd.s32 v41, v33  }
0x228: {  	v0 =	vadd.f32 v0, v32;
	v50 =	vadd.f32 v60, v34;
	v60 =	vadd.s32 v20, v33;
	v45 =	vld [tilespmem:s29+$0xFFFFFF10]  }
0x229: {  	v42 =	vld [tilespmem:s29+$0xFFFFFF30];
	v58 =	vadd.s32 v15, v33;
	v53 =	vadd.f32 v49, v34;
	v2 =	vadd.s32 v2, v33  }
0x22a: {  	v43 =	vadd.s32 v63, v33;
	v49 =	vld [tilespmem:s29+$0xFFFFFF50];
	v48 =	vadd.f32 v3, v34;
	[tilespmem:v44+s16+$0x0] =	vst.idx.msk $0xffff, v55  }
0x22b: {  	v51 =	vld [tilespmem:s29+$0xFFFFFFB0];
	v47 =	vadd.f32 v47, v34;
	v3 =	vadd.f32 v39, v32;
	[tilespmem:v52+s16+$0x0] =	vst.idx.msk $0xffff, v0  }
0x22c: {  	v56 =	vld [tilespmem:s29+$0xFFFFFFD0];
	v44 =	vadd.f32 v46, v34;
	[tilespmem:v41+s16+$0x0] =	vst.idx.msk $0xffff, v57;
	v57 =	vadd.s32 v6, v33  }
0x22d: {  	v55 =	vld [tilespmem:s29+$0xFFFFFF90];
	v46 =	vadd.f32 v45, v32;
	v41 =	vadd.f32 v40, v34;
	[tilespmem:v60+s16+$0x0] =	vst.idx.msk $0xffff, v3  }
0x22e: {  	s12 =	simm.s32 $0x0;
	s13 =	simm.s32 $0x8700;
	v39 =	vadd.s32 $0x10, v33;
	v52 =	vld [tilespmem:s29+$0xFFFFFF70];
	v60 =	vadd.f32 v1, v32;
	[tilespmem:v2+s16+$0x0] =	vst.idx.msk $0xffff, v59;
	v59 =	vadd.s32 v5, v33  }
.LBB2_7:
0x22f: {  	_ = 	snop  }
0x230: {  	v45 =	vld [tilespmem:s13+$0x50];
	[tilespmem:v43+s16+$0x0] =	vst.idx.msk $0xffff, v54;
	v43 =	vadd.s32 v17, v33  }
0x231: {  	v40 =	vld [tilespmem:s13+$0x10];
	[tilespmem:v57+s16+$0x0] =	vst.idx.msk $0xffff, v53;
	v57 =	vadd.s32 v14, v33  }
0x232: {  	v53 =	vld [tilespmem:s13+$0xB0];
	v54 =	vadd.s32 v19, v33  }
0x233: {  	[tilespmem:v38+s16+$0x0] =	vst.idx.msk $0xffff, v60;
	v60 =	vld [tilespmem:s13+$0x70]  }
0x234: {  	[tilespmem:v59+s16+$0x0] =	vst.idx.msk $0xffff, v50;
	v50 =	vld [tilespmem:s13+$0xF0]  }
0x235: {  	v0 =	vadd.s32 v62, v39;
	v1 =	vadd.s32 v9, v33;
	v59 =	vld [tilespmem:s13+$0xD0];
	[tilespmem:v43+s16+$0x0] =	vst.idx.msk $0xffff, v48  }
0x236: {  	v2 =	vadd.s32 v61, v33;
	v3 =	vadd.f32 v37, v32;
	v48 =	vld [tilespmem:$0x1FFC0];
	[tilespmem:v57+s16+$0x0] =	vst.idx.msk $0xffff, v47  }
0x237: {  	v62 =	vadd.f32 v56, v32;
	v56 =	vadd.s32 v12, v33;
	v57 =	vld [tilespmem:s13+$0xA0];
	[tilespmem:v54+s16+$0x0] =	vst.idx.msk $0xffff, v41  }
0x238: {  	v37 =	vadd.s32 v18, v33;
	v42 =	vadd.f32 v42, v32;
	v41 =	vld [tilespmem:s13+$0x20];
	[tilespmem:v58+s16+$0x0] =	vst.idx.msk $0xffff, v3  }
0x239: {  	v36 =	vadd.f32 v36, v34;
	v3 =	vld [tilespmem:s13+$0x30];
	[tilespmem:v35+s16+$0x0] =	vst.idx.msk $0xffff, v62;
	v58 =	vadd.s32 v10, v33  }
0x23a: {  	v61 =	vadd.s32 v11, v33;
	v55 =	vadd.f32 v55, v32;
	v35 =	vmov v0;
	v0 =	vld [tilespmem:s13+$0x90];
	[tilespmem:v1+s16+$0x0] =	vst.idx.msk $0xffff, v42  }
0x23b: {  	v51 =	vadd.f32 v51, v32;
	v1 =	vld [tilespmem:s13+$0x0];
	[tilespmem:v2+s16+$0x0] =	vst.idx.msk $0xffff, v36  }
0x23c: {  	v62 =	vadd.f32 v52, v32;
	[tilespmem:v56+s16+$0x0] =	vst.idx.msk $0xffff, v55;
	v55 =	vld [tilespmem:s13+$0xE0]  }
0x23d: {  	[tilespmem:v37+s16+$0x0] =	vst.idx.msk $0xffff, v51;
	v37 =	vld [tilespmem:s13+$0xFFFFFFF0];
	v51 =	vadd.s32 v7, v33  }
0x23e: {  	v49 =	vadd.f32 v49, v32;
	v56 =	vld [tilespmem:s13+$0xC0];
	[tilespmem:v58+s16+$0x0] =	vst.idx.msk $0xffff, v62;
	v58 =	vadd.s32 v31, v39  }
0x23f: {  	v43 =	vadd.s32 v63, v39;
	v2 =	vadd.s32 v8, v33;
	[tilespmem:v61+s16+$0x0] =	vst.idx.msk $0xffff, v44;
	v44 =	vld [tilespmem:s13+$0x80]  }
0x240: {  	v47 =	vadd.s32 v23, v39;
	v53 =	vadd.f32 v53, v32;
	v36 =	vld [tilespmem:s13+$0xFFFFFF00];
	v62 =	vadd.s32 v29, v39  }
0x241: {  	v63 =	vadd.s32 v4, v39;
	v42 =	vadd.f32 v57, v34;
	v57 =	vld [tilespmem:s13+$0xFFFFFFC0];
	v55 =	vadd.f32 v55, v34  }
0x242: {  	v45 =	vadd.f32 v45, v32;
	v38 =	vadd.s32 v48, v39;
	[tilespmem:v51+s16+$0x0] =	vst.idx.msk $0xffff, v49;
	v49 =	vld [tilespmem:s13+$0x60]  }
0x243: {  	v48 =	vadd.s32 v25, v39;
	v54 =	vadd.f32 v56, v34;
	[tilespmem:v58+s16+$0x0] =	vst.idx.msk $0xffff, v55;
	v55 =	vld [tilespmem:s13+$0xFFFFFFE0]  }
0x244: {  	v50 =	vadd.f32 v50, v32;
	[tilespmem:v2+s16+$0x0] =	vst.idx.msk $0xffff, v46;
	v2 =	vld [tilespmem:s13+$0x40];
	v46 =	vadd.s32 v27, v39  }
0x245: {  	v52 =	vadd.s32 v22, v39;
	v51 =	vadd.s32 v30, v39;
	[tilespmem:v62+s16+$0x0] =	vst.idx.msk $0xffff, v54;
	v62 =	vld [tilespmem:s13+$0xFFFFFF20]  }
0x246: {  	v61 =	vadd.s32 v28, v39;
	v44 =	vadd.f32 v44, v34;
	[tilespmem:v63+s16+$0x0] =	vst.idx.msk $0xffff, v50;
	v50 =	vld [tilespmem:s13+$0xFFFFFFA0]  }
0x247: {  	v41 =	vadd.f32 v41, v34;
	v0 =	vadd.f32 v0, v32;
	v58 =	vadd.s32 v26, v39;
	v63 =	vld [tilespmem:$0x1FFB0]  }
0x248: {  	v56 =	vadd.f32 v59, v32;
	[tilespmem:v48+s16+$0x0] =	vst.idx.msk $0xffff, v44;
	v54 =	vadd.f32 v55, v34;
	v55 =	vld [tilespmem:$0x1FFE0]  }
0x249: {  	v1 =	vadd.f32 v1, v34;
	v59 =	vadd.s32 v21, v39;
	[tilespmem:v46+s16+$0x0] =	vst.idx.msk $0xffff, v42;
	v42 =	vld [tilespmem:s13+$0xFFFFFF80]  }
0x24a: {  	v49 =	vadd.f32 v49, v34;
	v2 =	vadd.f32 v2, v34;
	[tilespmem:v51+s16+$0x0] =	vst.idx.msk $0xffff, v56;
	v56 =	vld [tilespmem:s13+$0xFFFFFF60]  }
0x24b: {  	v46 =	vadd.s32 v24, v39;
	v51 =	vld [tilespmem:s13+$0xFFFFFFB0];
	[tilespmem:v61+s16+$0x0] =	vst.idx.msk $0xffff, v53;
	v53 =	vadd.f32 v57, v34  }
0x24c: {  	v61 =	vld [tilespmem:s13+$0xFFFFFF40];
	v57 =	vadd.f32 v60, v32;
	[tilespmem:v58+s16+$0x0] =	vst.idx.msk $0xffff, v0;
	v63 =	vadd.s32 v63, v39  }
0x24d: {  	s12 =	sadd.s32 $0x10, s12;
	v60 =	vadd.s32 v20, v39;
	v0 =	vld [tilespmem:s13+$0xFFFFFF10];
	[tilespmem:v47+s16+$0x0] =	vst.idx.msk $0xffff, v49;
	v55 =	vadd.s32 v55, v39  }
0x24e: {  	p2 =	slt.u32 s12, $0x70;
	v33 =	vmov v39;
	[tilespmem:v59+s16+$0x0] =	vst.idx.msk $0xffff, v2;
	v49 =	vld [tilespmem:s13+$0xFFFFFF50];
	v2 =	vadd.f32 v3, v32;
	v58 =	vadd.s32 v15, v39  }
.Ltmp4:
0x24f: {  	v59 =	vadd.s32 v5, v33;
	v50 =	vadd.f32 v50, v34;
	[tilespmem:v52+s16+$0x0] =	vst.idx.msk $0xffff, v45;
	v52 =	vld [tilespmem:s13+$0xFFFFFF70];
	(pc) =	sbr.rel @p2 .LBB2_7-.Ltmp4, $4  }
0x250: {  	v48 =	vadd.f32 v42, v34;
	[tilespmem:v46+s16+$0x0] =	vst.idx.msk $0xffff, v57;
	v42 =	vld [tilespmem:s13+$0xFFFFFF30];
	v47 =	vadd.f32 v56, v34  }
0x251: {  	v56 =	vld [tilespmem:s13+$0xFFFFFFD0];
	v57 =	vadd.s32 v6, v39;
	v44 =	vadd.f32 v61, v34;
	[tilespmem:v63+s16+$0x0] =	vst.idx.msk $0xffff, v1  }
0x252: {  	v61 =	vld [tilespmem:$0x1FF00];
	v46 =	vadd.f32 v0, v32;
	v39 =	vadd.s32 $0x10, v39;
	v63 =	vmov v16;
	[tilespmem:v55+s16+$0x0] =	vst.idx.msk $0xffff, v41  }
0x253: {  	v41 =	vadd.f32 v62, v34;
	v62 =	vmov v13;
	v55 =	vld [tilespmem:s13+$0xFFFFFF90];
	s13 =	sadd.s32 $0x200, s13;
	[tilespmem:v60+s16+$0x0] =	vst.idx.msk $0xffff, v2;
	v60 =	vadd.f32 v40, v32  }
0x254: {  	_ =	sdelay $0x3  }
0x255: {  	[tilespmem:v43+s16+$0x0] =	vst.idx.msk $0xffff, v54  }
0x256: {  	v2 =	vadd.s32 v18, v33;
	[tilespmem:v57+s16+$0x0] =	vst.idx.msk $0xffff, v53  }
0x257: {  	v1 =	vadd.f32 v37, v32;
	v57 =	vadd.s32 v17, v33;
	[tilespmem:v59+s16+$0x0] =	vst.idx.msk $0xffff, v50  }
0x258: {  	v40 =	vadd.s32 v14, v33;
	[tilespmem:v38+s16+$0x0] =	vst.idx.msk $0xffff, v60;
	v3 =	vadd.f32 v56, v32  }
0x259: {  	v43 =	vadd.f32 v51, v32;
	v50 =	vadd.s32 v11, v33;
	[tilespmem:v58+s16+$0x0] =	vst.idx.msk $0xffff, v1  }
0x25a: {  	v60 =	vadd.s32 v12, v33;
	[tilespmem:v35+s16+$0x0] =	vst.idx.msk $0xffff, v3  }
0x25b: {  	v45 =	vadd.s32 v10, v33;
	[tilespmem:v2+s16+$0x0] =	vst.idx.msk $0xffff, v43  }
0x25c: {  	v51 =	vadd.s32 v7, v33;
	[tilespmem:v57+s16+$0x0] =	vst.idx.msk $0xffff, v48  }
0x25d: {  	v0 =	vadd.s32 v61, v33;
	v3 =	vadd.f32 v55, v32;
	[tilespmem:v40+s16+$0x0] =	vst.idx.msk $0xffff, v47  }
0x25e: {  	v53 =	vadd.s32 v8, v33;
	v54 =	vadd.f32 v52, v32;
	[tilespmem:v50+s16+$0x0] =	vst.idx.msk $0xffff, v44  }
0x25f: {  	v56 =	vadd.f32 v49, v32;
	[tilespmem:v60+s16+$0x0] =	vst.idx.msk $0xffff, v3;
	v3 =	vadd.s32 v19, v33  }
0x260: {  	v58 =	vadd.f32 v36, v34;
	v55 =	vadd.s32 v9, v33;
	[tilespmem:v45+s16+$0x0] =	vst.idx.msk $0xffff, v54  }
0x261: {  	[tilespmem:v51+s16+$0x0] =	vst.idx.msk $0xffff, v56  }
0x262: {  	s7 =	sshll.u32 s7, $0x11;
	[tilespmem:v0+s16+$0x0] =	vst.idx.msk $0xffff, v58  }
0x263: {  	s7 =	sor.u32 s8, s7;
	v57 =	vadd.f32 v42, v32;
	[tilespmem:v53+s16+$0x0] =	vst.idx.msk $0xffff, v46  }
0x264: {  	s7 =	sshrl.u32 s7, $0x3;
	[tilespmem:v3+s16+$0x0] =	vst.idx.msk $0xffff, v41  }
0x265: {  	s12 =	sadd.s32 s2, s7;
	[tilespmem:v55+s16+$0x0] =	vst.idx.msk $0xffff, v57  }
0x266: {  	[hbm4b:s12+s3] =	stream.linear.scatter [tilespmem:s16], [sflag:$0x2], $0x80, $0x38;
	[tilespmem:$0x18500] =	vst v63  }
0x267: {  	s29 =	simm.s32 $0x10688;
	s13 =	sadd.s32 $0x10, s12  }
0x268: {  	[hbm4b:s13+s3] =	stream.linear.scatter [tilespmem:s29], [sflag:$0x2], $0x80, $0x38;
	[tilespmem:$0x18500] =	vst v63  }
0x269: {  	s13 =	sadd.s32 $0x20, s12;
	s29 =	simm.s32 $0x10710  }
0x26a: {  	[hbm4b:s13+s3] =	stream.linear.scatter [tilespmem:s29], [sflag:$0x2], $0x80, $0x38;
	[tilespmem:$0x18500] =	vst v63  }
0x26b: {  	s13 =	sadd.s32 $0x30, s12;
	s29 =	simm.s32 $0x10798  }
0x26c: {  	[hbm4b:s13+s3] =	stream.linear.scatter [tilespmem:s29], [sflag:$0x2], $0x80, $0x38;
	[tilespmem:$0x18500] =	vst v63  }
0x26d: {  	s13 =	sadd.s32 $0x40, s12;
	s29 =	simm.s32 $0x10820  }
0x26e: {  	[hbm4b:s13+s3] =	stream.linear.scatter [tilespmem:s29], [sflag:$0x2], $0x80, $0x38;
	[tilespmem:$0x18500] =	vst v63  }
0x26f: {  	s13 =	sadd.s32 $0x50, s12;
	s29 =	simm.s32 $0x108A8  }
0x270: {  	[hbm4b:s13+s3] =	stream.linear.scatter [tilespmem:s29], [sflag:$0x2], $0x80, $0x38;
	[tilespmem:$0x18500] =	vst v63  }
0x271: {  	s13 =	sadd.s32 $0x60, s12;
	s29 =	simm.s32 $0x10930  }
0x272: {  	[hbm4b:s13+s3] =	stream.linear.scatter [tilespmem:s29], [sflag:$0x2], $0x80, $0x38;
	[tilespmem:$0x18500] =	vst v63  }
0x273: {  	s12 =	sadd.s32 $0x70, s12;
	s29 =	simm.s32 $0x109B8  }
0x274: {  	[hbm4b:s12+s3] =	stream.linear.scatter [tilespmem:s29], [sflag:$0x2], $0x80, $0x38;
	[tilespmem:$0x18500] =	vst v63  }
0x275: {  	s12 =	sadd.s32 s7, s9;
	s29 =	simm.s32 $0x10A40  }
0x276: {  	[hbm4b:s12+s3] =	stream.linear.scatter [tilespmem:s29], [sflag:$0x2], $0x80, $0x38;
	[tilespmem:$0x18500] =	vst v63  }
0x277: {  	s13 =	sadd.s32 $0x10, s12;
	s29 =	simm.s32 $0x10AC8  }
0x278: {  	[hbm4b:s13+s3] =	stream.linear.scatter [tilespmem:s29], [sflag:$0x2], $0x80, $0x38;
	[tilespmem:$0x18500] =	vst v63  }
0x279: {  	s13 =	sadd.s32 $0x20, s12;
	s29 =	simm.s32 $0x10B50  }
0x27a: {  	[hbm4b:s13+s3] =	stream.linear.scatter [tilespmem:s29], [sflag:$0x2], $0x80, $0x38;
	[tilespmem:$0x18500] =	vst v63  }
0x27b: {  	s13 =	sadd.s32 $0x30, s12;
	s29 =	simm.s32 $0x10BD8  }
0x27c: {  	[hbm4b:s13+s3] =	stream.linear.scatter [tilespmem:s29], [sflag:$0x2], $0x80, $0x38;
	[tilespmem:$0x18500] =	vst v63  }
0x27d: {  	s13 =	sadd.s32 $0x40, s12;
	s29 =	simm.s32 $0x10C60  }
0x27e: {  	[hbm4b:s13+s3] =	stream.linear.scatter [tilespmem:s29], [sflag:$0x2], $0x80, $0x38;
	[tilespmem:$0x18500] =	vst v63  }
0x27f: {  	s13 =	sadd.s32 $0x50, s12;
	s29 =	simm.s32 $0x10CE8  }
0x280: {  	[hbm4b:s13+s3] =	stream.linear.scatter [tilespmem:s29], [sflag:$0x2], $0x80, $0x38;
	[tilespmem:$0x18500] =	vst v63  }
0x281: {  	s13 =	sadd.s32 $0x60, s12;
	s29 =	simm.s32 $0x10D70  }
0x282: {  	[hbm4b:s13+s3] =	stream.linear.scatter [tilespmem:s29], [sflag:$0x2], $0x80, $0x38;
	[tilespmem:$0x18500] =	vst v63  }
0x283: {  	s12 =	sadd.s32 $0x70, s12;
	s29 =	simm.s32 $0x10DF8  }
0x284: {  	[hbm4b:s12+s3] =	stream.linear.scatter [tilespmem:s29], [sflag:$0x2], $0x80, $0x38;
	[tilespmem:$0x18500] =	vst v63  }
0x285: {  	s12 =	sadd.s32 s7, s10;
	s29 =	simm.s32 $0x10E80  }
0x286: {  	[hbm4b:s12+s3] =	stream.linear.scatter [tilespmem:s29], [sflag:$0x2], $0x80, $0x38;
	[tilespmem:$0x18500] =	vst v63  }
0x287: {  	s13 =	sadd.s32 $0x10, s12;
	s29 =	simm.s32 $0x10F08  }
0x288: {  	[hbm4b:s13+s3] =	stream.linear.scatter [tilespmem:s29], [sflag:$0x2], $0x80, $0x38;
	[tilespmem:$0x18500] =	vst v63  }
0x289: {  	s13 =	sadd.s32 $0x20, s12;
	s29 =	simm.s32 $0x10F90  }
0x28a: {  	[hbm4b:s13+s3] =	stream.linear.scatter [tilespmem:s29], [sflag:$0x2], $0x80, $0x38;
	[tilespmem:$0x18500] =	vst v63  }
0x28b: {  	s13 =	sadd.s32 $0x30, s12;
	s29 =	simm.s32 $0x11018  }
0x28c: {  	[hbm4b:s13+s3] =	stream.linear.scatter [tilespmem:s29], [sflag:$0x2], $0x80, $0x38;
	[tilespmem:$0x18500] =	vst v63  }
0x28d: {  	s13 =	sadd.s32 $0x40, s12;
	s29 =	simm.s32 $0x110A0  }
0x28e: {  	[hbm4b:s13+s3] =	stream.linear.scatter [tilespmem:s29], [sflag:$0x2], $0x80, $0x38;
	[tilespmem:$0x18500] =	vst v63  }
0x28f: {  	s13 =	sadd.s32 $0x50, s12;
	s29 =	simm.s32 $0x11128  }
0x290: {  	[hbm4b:s13+s3] =	stream.linear.scatter [tilespmem:s29], [sflag:$0x2], $0x80, $0x38;
	[tilespmem:$0x18500] =	vst v63  }
0x291: {  	s13 =	sadd.s32 $0x60, s12;
	s29 =	simm.s32 $0x111B0  }
0x292: {  	[hbm4b:s13+s3] =	stream.linear.scatter [tilespmem:s29], [sflag:$0x2], $0x80, $0x38;
	[tilespmem:$0x18500] =	vst v63  }
0x293: {  	s12 =	sadd.s32 $0x70, s12;
	s29 =	simm.s32 $0x11238  }
0x294: {  	[hbm4b:s12+s3] =	stream.linear.scatter [tilespmem:s29], [sflag:$0x2], $0x80, $0x38;
	[tilespmem:$0x18500] =	vst v63  }
0x295: {  	s7 =	sadd.s32 s7, s11;
	s29 =	simm.s32 $0x112C0  }
0x296: {  	[hbm4b:s7+s3] =	stream.linear.scatter [tilespmem:s29], [sflag:$0x2], $0x80, $0x38;
	[tilespmem:$0x18500] =	vst v63  }
0x297: {  	s13 =	sadd.s32 $0x10, s7;
	s29 =	simm.s32 $0x11348  }
0x298: {  	[hbm4b:s13+s3] =	stream.linear.scatter [tilespmem:s29], [sflag:$0x2], $0x80, $0x38;
	[tilespmem:$0x18500] =	vst v63  }
0x299: {  	s13 =	sadd.s32 $0x20, s7;
	s29 =	simm.s32 $0x113D0  }
0x29a: {  	[hbm4b:s13+s3] =	stream.linear.scatter [tilespmem:s29], [sflag:$0x2], $0x80, $0x38;
	[tilespmem:$0x18500] =	vst v63  }
0x29b: {  	s13 =	sadd.s32 $0x30, s7;
	s29 =	simm.s32 $0x11458  }
0x29c: {  	[hbm4b:s13+s3] =	stream.linear.scatter [tilespmem:s29], [sflag:$0x2], $0x80, $0x38;
	[tilespmem:$0x18500] =	vst v63  }
0x29d: {  	s13 =	sadd.s32 $0x40, s7;
	s29 =	simm.s32 $0x114E0  }
0x29e: {  	[hbm4b:s13+s3] =	stream.linear.scatter [tilespmem:s29], [sflag:$0x2], $0x80, $0x38;
	[tilespmem:$0x18500] =	vst v63  }
0x29f: {  	s13 =	sadd.s32 $0x50, s7;
	s29 =	simm.s32 $0x11568  }
0x2a0: {  	[hbm4b:s13+s3] =	stream.linear.scatter [tilespmem:s29], [sflag:$0x2], $0x80, $0x38;
	[tilespmem:$0x18500] =	vst v63  }
0x2a1: {  	s13 =	sadd.s32 $0x60, s7;
	s29 =	simm.s32 $0x115F0  }
0x2a2: {  	[hbm4b:s13+s3] =	stream.linear.scatter [tilespmem:s29], [sflag:$0x2], $0x80, $0x38;
	[tilespmem:$0x18500] =	vst v63  }
0x2a3: {  	s7 =	sadd.s32 $0x70, s7;
	s13 =	simm.s32 $0x11678  }
0x2a4: {  	[hbm4b:s7+s3] =	stream.linear.scatter [tilespmem:s13], [sflag:$0x2], $0x80, $0x38;
	[tilespmem:$0x18500] =	vst v63  }
0x2a5: {  	s12 =	simm.s32 @!p1 $0x80;
	s7 =	sadd.s32 @!p1 $0x500, s6;
	s13 =	simm.s32 @!p1 $0x8400  }
0x2a6: {  	[tilespmem:s13], [sflag:$0x1] =	stream.indirect.gather @!p1 [hbm4b:s4+s12], $0x20, s7, s12, $0xb8;
	[tilespmem:$0x18500] =	vst v63  }
0x2a7: {  	_ =	swait.ge [sflag:s1], $0x1000  }
0x2a8: {  	[sflag:s1] =	ssyncset.done $0x0  }
0x2a9: {  	s12 =	simm.s32 @!p0 $0x2;
	[sflag:s1] =	ssyncadd.s32 $0xFFFFF000  }
0x2aa: {  	_ =	swait.ge @!p0 [sflag:s12], $0x400  }
0x2ab: {  	[sflag:s12] =	ssyncset.done @!p0 $0x0  }
0x2ac: {  	[sflag:s12] =	ssyncadd.s32 @!p0 $0xFFFFFC00  }
0x2ad: {  	_ =	swait.ge @!p0 [sflag:s12], $0x400  }
0x2ae: {  	[sflag:s12] =	ssyncset.done @!p0 $0x0  }
0x2af: {  	[sflag:s12] =	ssyncadd.s32 @!p0 $0xFFFFFC00  }
0x2b0: {  	_ =	swait.ge @!p0 [sflag:s12], $0x400  }
0x2b1: {  	[sflag:s12] =	ssyncset.done @!p0 $0x0  }
0x2b2: {  	[sflag:s12] =	ssyncadd.s32 @!p0 $0xFFFFFC00  }
0x2b3: {  	s7 =	sor.u32 $0x3, s31;
	_ =	swait.ge @!p0 [sflag:s12], $0x400  }
0x2b4: {  	s29 =	sshll.u32 s7, $0x5;
	[sflag:s12] =	ssyncset.done @!p0 $0x0  }
0x2b5: {  	s13 =	sand.u32 $0x3FFFFFE0, s29;
	v56 =	vld [tilespmem:$0x1FFC0];
	[sflag:s12] =	ssyncadd.s32 @!p0 $0xFFFFFC00  }
0x2b6: {  	v34 =	vld [tilespmem:s13+$0x16C00]  }
0x2b7: {  	s29 =	simm.s32 $0x9500;
	v32 =	vld [tilespmem:s13+$0x16C10]  }
0x2b8: {  	v0 =	vld [tilespmem:s29+$0x50]  }
0x2b9: {  	v1 =	vld [tilespmem:s29+$0x10]  }
0x2ba: {  	v2 =	vld [tilespmem:s29+$0x70]  }
0x2bb: {  	v3 =	vld [tilespmem:s29+$0xB0]  }
0x2bc: {  	v39 =	vld [tilespmem:s29+$0x30]  }
0x2bd: {  	v40 =	vld [tilespmem:s29+$0xF0]  }
0x2be: {  	v58 =	vld [tilespmem:s29+$0xE0]  }
0x2bf: {  	v33 =	vimm.s32 $0x0;
	v59 =	vld [tilespmem:s29+$0xC0]  }
0x2c0: {  	v44 =	vadd.s32 v31, v33;
	v45 =	vld [tilespmem:s29+$0xA0]  }
0x2c1: {  	v46 =	vadd.s32 v29, v33;
	v42 =	vld [tilespmem:s29+$0xD0]  }
0x2c2: {  	v47 =	vadd.s32 v4, v33;
	v48 =	vld [tilespmem:s29+$0x80]  }
0x2c3: {  	v49 =	vadd.s32 v27, v33;
	v41 =	vld [tilespmem:s29+$0x90];
	v60 =	vadd.f32 v58, v34  }
0x2c4: {  	v37 =	vld [tilespmem:s29+$0xFFFFFFF0];
	v43 =	vadd.f32 v59, v34;
	v58 =	vadd.s32 v30, v33;
	v40 =	vadd.f32 v40, v32  }
0x2c5: {  	v36 =	vld [tilespmem:s29+$0xFFFFFF00];
	v45 =	vadd.f32 v45, v34;
	[tilespmem:v44+s5+$0x0] =	vst.idx.msk $0xffff, v60;
	v44 =	vadd.s32 v28, v33  }
0x2c6: {  	v57 =	vld [tilespmem:s29+$0x60];
	v42 =	vadd.f32 v42, v32;
	[tilespmem:v46+s5+$0x0] =	vst.idx.msk $0xffff, v43;
	v43 =	vadd.s32 v25, v33  }
0x2c7: {  	v50 =	vld [tilespmem:s29+$0x20];
	[tilespmem:v47+s5+$0x0] =	vst.idx.msk $0xffff, v40;
	v47 =	vadd.f32 v48, v34;
	v48 =	vadd.s32 v26, v33  }
0x2c8: {  	v59 =	vld [tilespmem:s29+$0x40];
	v3 =	vadd.f32 v3, v32;
	[tilespmem:v49+s5+$0x0] =	vst.idx.msk $0xffff, v45;
	v45 =	vadd.s32 v23, v33  }
0x2c9: {  	v38 =	vadd.s32 v56, v33;
	v56 =	vadd.s32 v24, v33;
	v46 =	vld [tilespmem:s29+$0x0];
	[tilespmem:v58+s5+$0x0] =	vst.idx.msk $0xffff, v42  }
0x2ca: {  	v41 =	vadd.f32 v41, v32;
	v49 =	vld [tilespmem:s29+$0xFFFFFFC0];
	[tilespmem:v44+s5+$0x0] =	vst.idx.msk $0xffff, v3  }
0x2cb: {  	v51 =	vadd.f32 v57, v34;
	v60 =	vld [tilespmem:s29+$0xFFFFFFA0];
	[tilespmem:v43+s5+$0x0] =	vst.idx.msk $0xffff, v47  }
0x2cc: {  	v2 =	vadd.f32 v2, v32;
	v40 =	vld [tilespmem:s29+$0xFFFFFFE0];
	[tilespmem:v48+s5+$0x0] =	vst.idx.msk $0xffff, v41  }
0x2cd: {  	v41 =	vld [tilespmem:$0x1FFE0];
	[tilespmem:v45+s5+$0x0] =	vst.idx.msk $0xffff, v51  }
0x2ce: {  	v3 =	vld [tilespmem:s29+$0xFFFFFF80];
	[tilespmem:v56+s5+$0x0] =	vst.idx.msk $0xffff, v2  }
0x2cf: {  	v2 =	vld [tilespmem:$0x1FFB0]  }
0x2d0: {  	v35 =	vadd.s32 v62, v33;
	v44 =	vadd.s32 v21, v33;
	v47 =	vld [tilespmem:s29+$0xFFFFFF60]  }
0x2d1: {  	v52 =	vadd.s32 v22, v33;
	v55 =	vadd.f32 v59, v34;
	v59 =	vadd.f32 v46, v34;
	v46 =	vld [tilespmem:s29+$0xFFFFFF40]  }
0x2d2: {  	v57 =	vadd.f32 v50, v34;
	v54 =	vadd.f32 v40, v34;
	v40 =	vld [tilespmem:s29+$0xFFFFFF20];
	v41 =	vadd.s32 v41, v33  }
0x2d3: {  	v0 =	vadd.f32 v0, v32;
	v50 =	vadd.f32 v60, v34;
	v60 =	vadd.s32 v20, v33;
	v45 =	vld [tilespmem:s29+$0xFFFFFF10]  }
0x2d4: {  	v42 =	vld [tilespmem:s29+$0xFFFFFF30];
	v58 =	vadd.s32 v15, v33;
	v53 =	vadd.f32 v49, v34;
	v2 =	vadd.s32 v2, v33  }
0x2d5: {  	v43 =	vadd.s32 v63, v33;
	v49 =	vld [tilespmem:s29+$0xFFFFFF50];
	v48 =	vadd.f32 v3, v34;
	[tilespmem:v44+s5+$0x0] =	vst.idx.msk $0xffff, v55  }
0x2d6: {  	v51 =	vld [tilespmem:s29+$0xFFFFFFB0];
	v47 =	vadd.f32 v47, v34;
	v3 =	vadd.f32 v39, v32;
	[tilespmem:v52+s5+$0x0] =	vst.idx.msk $0xffff, v0  }
0x2d7: {  	v56 =	vld [tilespmem:s29+$0xFFFFFFD0];
	v44 =	vadd.f32 v46, v34;
	[tilespmem:v41+s5+$0x0] =	vst.idx.msk $0xffff, v57;
	v57 =	vadd.s32 v6, v33  }
0x2d8: {  	v55 =	vld [tilespmem:s29+$0xFFFFFF90];
	v46 =	vadd.f32 v45, v32;
	v41 =	vadd.f32 v40, v34;
	[tilespmem:v60+s5+$0x0] =	vst.idx.msk $0xffff, v3  }
0x2d9: {  	s12 =	simm.s32 $0x0;
	s13 =	simm.s32 $0x9700;
	v39 =	vadd.s32 $0x10, v33;
	v52 =	vld [tilespmem:s29+$0xFFFFFF70];
	v60 =	vadd.f32 v1, v32;
	[tilespmem:v2+s5+$0x0] =	vst.idx.msk $0xffff, v59;
	v59 =	vadd.s32 v5, v33  }
.LBB2_9:
0x2da: {  	_ = 	snop  }
0x2db: {  	v45 =	vld [tilespmem:s13+$0x50];
	[tilespmem:v43+s5+$0x0] =	vst.idx.msk $0xffff, v54;
	v43 =	vadd.s32 v17, v33  }
0x2dc: {  	v40 =	vld [tilespmem:s13+$0x10];
	[tilespmem:v57+s5+$0x0] =	vst.idx.msk $0xffff, v53;
	v57 =	vadd.s32 v14, v33  }
0x2dd: {  	v53 =	vld [tilespmem:s13+$0xB0];
	v54 =	vadd.s32 v19, v33  }
0x2de: {  	[tilespmem:v38+s5+$0x0] =	vst.idx.msk $0xffff, v60;
	v60 =	vld [tilespmem:s13+$0x70]  }
0x2df: {  	[tilespmem:v59+s5+$0x0] =	vst.idx.msk $0xffff, v50;
	v50 =	vld [tilespmem:s13+$0xF0]  }
0x2e0: {  	v0 =	vadd.s32 v62, v39;
	v1 =	vadd.s32 v9, v33;
	v59 =	vld [tilespmem:s13+$0xD0];
	[tilespmem:v43+s5+$0x0] =	vst.idx.msk $0xffff, v48  }
0x2e1: {  	v2 =	vadd.s32 v61, v33;
	v3 =	vadd.f32 v37, v32;
	v48 =	vld [tilespmem:$0x1FFC0];
	[tilespmem:v57+s5+$0x0] =	vst.idx.msk $0xffff, v47  }
0x2e2: {  	v62 =	vadd.f32 v56, v32;
	v56 =	vadd.s32 v12, v33;
	v57 =	vld [tilespmem:s13+$0xA0];
	[tilespmem:v54+s5+$0x0] =	vst.idx.msk $0xffff, v41  }
0x2e3: {  	v37 =	vadd.s32 v18, v33;
	v42 =	vadd.f32 v42, v32;
	v41 =	vld [tilespmem:s13+$0x20];
	[tilespmem:v58+s5+$0x0] =	vst.idx.msk $0xffff, v3  }
0x2e4: {  	v36 =	vadd.f32 v36, v34;
	v3 =	vld [tilespmem:s13+$0x30];
	[tilespmem:v35+s5+$0x0] =	vst.idx.msk $0xffff, v62;
	v58 =	vadd.s32 v10, v33  }
0x2e5: {  	v61 =	vadd.s32 v11, v33;
	v55 =	vadd.f32 v55, v32;
	v35 =	vmov v0;
	v0 =	vld [tilespmem:s13+$0x90];
	[tilespmem:v1+s5+$0x0] =	vst.idx.msk $0xffff, v42  }
0x2e6: {  	v51 =	vadd.f32 v51, v32;
	v1 =	vld [tilespmem:s13+$0x0];
	[tilespmem:v2+s5+$0x0] =	vst.idx.msk $0xffff, v36  }
0x2e7: {  	v62 =	vadd.f32 v52, v32;
	[tilespmem:v56+s5+$0x0] =	vst.idx.msk $0xffff, v55;
	v55 =	vld [tilespmem:s13+$0xE0]  }
0x2e8: {  	[tilespmem:v37+s5+$0x0] =	vst.idx.msk $0xffff, v51;
	v37 =	vld [tilespmem:s13+$0xFFFFFFF0];
	v51 =	vadd.s32 v7, v33  }
0x2e9: {  	v49 =	vadd.f32 v49, v32;
	v56 =	vld [tilespmem:s13+$0xC0];
	[tilespmem:v58+s5+$0x0] =	vst.idx.msk $0xffff, v62;
	v58 =	vadd.s32 v31, v39  }
0x2ea: {  	v43 =	vadd.s32 v63, v39;
	v2 =	vadd.s32 v8, v33;
	[tilespmem:v61+s5+$0x0] =	vst.idx.msk $0xffff, v44;
	v44 =	vld [tilespmem:s13+$0x80]  }
0x2eb: {  	v47 =	vadd.s32 v23, v39;
	v53 =	vadd.f32 v53, v32;
	v36 =	vld [tilespmem:s13+$0xFFFFFF00];
	v62 =	vadd.s32 v29, v39  }
0x2ec: {  	v63 =	vadd.s32 v4, v39;
	v42 =	vadd.f32 v57, v34;
	v57 =	vld [tilespmem:s13+$0xFFFFFFC0];
	v55 =	vadd.f32 v55, v34  }
0x2ed: {  	v45 =	vadd.f32 v45, v32;
	v38 =	vadd.s32 v48, v39;
	[tilespmem:v51+s5+$0x0] =	vst.idx.msk $0xffff, v49;
	v49 =	vld [tilespmem:s13+$0x60]  }
0x2ee: {  	v48 =	vadd.s32 v25, v39;
	v54 =	vadd.f32 v56, v34;
	[tilespmem:v58+s5+$0x0] =	vst.idx.msk $0xffff, v55;
	v55 =	vld [tilespmem:s13+$0xFFFFFFE0]  }
0x2ef: {  	v50 =	vadd.f32 v50, v32;
	[tilespmem:v2+s5+$0x0] =	vst.idx.msk $0xffff, v46;
	v2 =	vld [tilespmem:s13+$0x40];
	v46 =	vadd.s32 v27, v39  }
0x2f0: {  	v52 =	vadd.s32 v22, v39;
	v51 =	vadd.s32 v30, v39;
	[tilespmem:v62+s5+$0x0] =	vst.idx.msk $0xffff, v54;
	v62 =	vld [tilespmem:s13+$0xFFFFFF20]  }
0x2f1: {  	v61 =	vadd.s32 v28, v39;
	v44 =	vadd.f32 v44, v34;
	[tilespmem:v63+s5+$0x0] =	vst.idx.msk $0xffff, v50;
	v50 =	vld [tilespmem:s13+$0xFFFFFFA0]  }
0x2f2: {  	v41 =	vadd.f32 v41, v34;
	v0 =	vadd.f32 v0, v32;
	v58 =	vadd.s32 v26, v39;
	v63 =	vld [tilespmem:$0x1FFB0]  }
0x2f3: {  	v56 =	vadd.f32 v59, v32;
	[tilespmem:v48+s5+$0x0] =	vst.idx.msk $0xffff, v44;
	v54 =	vadd.f32 v55, v34;
	v55 =	vld [tilespmem:$0x1FFE0]  }
0x2f4: {  	v1 =	vadd.f32 v1, v34;
	v59 =	vadd.s32 v21, v39;
	[tilespmem:v46+s5+$0x0] =	vst.idx.msk $0xffff, v42;
	v42 =	vld [tilespmem:s13+$0xFFFFFF80]  }
0x2f5: {  	v49 =	vadd.f32 v49, v34;
	v2 =	vadd.f32 v2, v34;
	[tilespmem:v51+s5+$0x0] =	vst.idx.msk $0xffff, v56;
	v56 =	vld [tilespmem:s13+$0xFFFFFF60]  }
0x2f6: {  	v46 =	vadd.s32 v24, v39;
	v51 =	vld [tilespmem:s13+$0xFFFFFFB0];
	[tilespmem:v61+s5+$0x0] =	vst.idx.msk $0xffff, v53;
	v53 =	vadd.f32 v57, v34  }
0x2f7: {  	v61 =	vld [tilespmem:s13+$0xFFFFFF40];
	v57 =	vadd.f32 v60, v32;
	[tilespmem:v58+s5+$0x0] =	vst.idx.msk $0xffff, v0;
	v63 =	vadd.s32 v63, v39  }
0x2f8: {  	s12 =	sadd.s32 $0x10, s12;
	v60 =	vadd.s32 v20, v39;
	v0 =	vld [tilespmem:s13+$0xFFFFFF10];
	[tilespmem:v47+s5+$0x0] =	vst.idx.msk $0xffff, v49;
	v55 =	vadd.s32 v55, v39  }
0x2f9: {  	p2 =	slt.u32 s12, $0x70;
	v33 =	vmov v39;
	[tilespmem:v59+s5+$0x0] =	vst.idx.msk $0xffff, v2;
	v49 =	vld [tilespmem:s13+$0xFFFFFF50];
	v2 =	vadd.f32 v3, v32;
	v58 =	vadd.s32 v15, v39  }
.Ltmp5:
0x2fa: {  	v59 =	vadd.s32 v5, v33;
	v50 =	vadd.f32 v50, v34;
	[tilespmem:v52+s5+$0x0] =	vst.idx.msk $0xffff, v45;
	v52 =	vld [tilespmem:s13+$0xFFFFFF70];
	(pc) =	sbr.rel @p2 .LBB2_9-.Ltmp5, $4  }
0x2fb: {  	v48 =	vadd.f32 v42, v34;
	[tilespmem:v46+s5+$0x0] =	vst.idx.msk $0xffff, v57;
	v42 =	vld [tilespmem:s13+$0xFFFFFF30];
	v47 =	vadd.f32 v56, v34  }
0x2fc: {  	v56 =	vld [tilespmem:s13+$0xFFFFFFD0];
	v57 =	vadd.s32 v6, v39;
	v44 =	vadd.f32 v61, v34;
	[tilespmem:v63+s5+$0x0] =	vst.idx.msk $0xffff, v1  }
0x2fd: {  	v61 =	vld [tilespmem:$0x1FF00];
	v46 =	vadd.f32 v0, v32;
	v39 =	vadd.s32 $0x10, v39;
	v63 =	vmov v16;
	[tilespmem:v55+s5+$0x0] =	vst.idx.msk $0xffff, v41  }
0x2fe: {  	v41 =	vadd.f32 v62, v34;
	v62 =	vmov v13;
	v55 =	vld [tilespmem:s13+$0xFFFFFF90];
	s13 =	sadd.s32 $0x200, s13;
	[tilespmem:v60+s5+$0x0] =	vst.idx.msk $0xffff, v2;
	v60 =	vadd.f32 v40, v32  }
0x2ff: {  	_ =	sdelay $0x3  }
0x300: {  	[tilespmem:v43+s5+$0x0] =	vst.idx.msk $0xffff, v54  }
0x301: {  	v2 =	vadd.s32 v18, v33;
	[tilespmem:v57+s5+$0x0] =	vst.idx.msk $0xffff, v53  }
0x302: {  	v1 =	vadd.f32 v37, v32;
	v57 =	vadd.s32 v17, v33;
	[tilespmem:v59+s5+$0x0] =	vst.idx.msk $0xffff, v50  }
0x303: {  	v40 =	vadd.s32 v14, v33;
	[tilespmem:v38+s5+$0x0] =	vst.idx.msk $0xffff, v60;
	v3 =	vadd.f32 v56, v32  }
0x304: {  	v43 =	vadd.f32 v51, v32;
	v50 =	vadd.s32 v11, v33;
	[tilespmem:v58+s5+$0x0] =	vst.idx.msk $0xffff, v1  }
0x305: {  	v60 =	vadd.s32 v12, v33;
	[tilespmem:v35+s5+$0x0] =	vst.idx.msk $0xffff, v3  }
0x306: {  	v45 =	vadd.s32 v10, v33;
	[tilespmem:v2+s5+$0x0] =	vst.idx.msk $0xffff, v43  }
0x307: {  	v51 =	vadd.s32 v7, v33;
	[tilespmem:v57+s5+$0x0] =	vst.idx.msk $0xffff, v48  }
0x308: {  	v0 =	vadd.s32 v61, v33;
	v3 =	vadd.f32 v55, v32;
	[tilespmem:v40+s5+$0x0] =	vst.idx.msk $0xffff, v47  }
0x309: {  	v53 =	vadd.s32 v8, v33;
	v54 =	vadd.f32 v52, v32;
	[tilespmem:v50+s5+$0x0] =	vst.idx.msk $0xffff, v44  }
0x30a: {  	v56 =	vadd.f32 v49, v32;
	[tilespmem:v60+s5+$0x0] =	vst.idx.msk $0xffff, v3;
	v3 =	vadd.s32 v19, v33  }
0x30b: {  	v58 =	vadd.f32 v36, v34;
	v55 =	vadd.s32 v9, v33;
	[tilespmem:v45+s5+$0x0] =	vst.idx.msk $0xffff, v54  }
0x30c: {  	[tilespmem:v51+s5+$0x0] =	vst.idx.msk $0xffff, v56  }
0x30d: {  	s7 =	sshll.u32 s7, $0x11;
	[tilespmem:v0+s5+$0x0] =	vst.idx.msk $0xffff, v58  }
0x30e: {  	s7 =	sor.u32 s8, s7;
	v57 =	vadd.f32 v42, v32;
	[tilespmem:v53+s5+$0x0] =	vst.idx.msk $0xffff, v46  }
0x30f: {  	s7 =	sshrl.u32 s7, $0x3;
	[tilespmem:v3+s5+$0x0] =	vst.idx.msk $0xffff, v41  }
0x310: {  	s12 =	sadd.s32 s2, s7;
	[tilespmem:v55+s5+$0x0] =	vst.idx.msk $0xffff, v57  }
0x311: {  	[hbm4b:s12+s3] =	stream.linear.scatter [tilespmem:s5], [sflag:$0x2], $0x80, $0x38;
	[tilespmem:$0x18500] =	vst v63  }
0x312: {  	s29 =	simm.s32 $0x11788;
	s13 =	sadd.s32 $0x10, s12  }
0x313: {  	[hbm4b:s13+s3] =	stream.linear.scatter [tilespmem:s29], [sflag:$0x2], $0x80, $0x38;
	[tilespmem:$0x18500] =	vst v63  }
0x314: {  	s13 =	sadd.s32 $0x20, s12;
	s29 =	simm.s32 $0x11810  }
0x315: {  	[hbm4b:s13+s3] =	stream.linear.scatter [tilespmem:s29], [sflag:$0x2], $0x80, $0x38;
	[tilespmem:$0x18500] =	vst v63  }
0x316: {  	s13 =	sadd.s32 $0x30, s12;
	s29 =	simm.s32 $0x11898  }
0x317: {  	[hbm4b:s13+s3] =	stream.linear.scatter [tilespmem:s29], [sflag:$0x2], $0x80, $0x38;
	[tilespmem:$0x18500] =	vst v63  }
0x318: {  	s13 =	sadd.s32 $0x40, s12;
	s29 =	simm.s32 $0x11920  }
0x319: {  	[hbm4b:s13+s3] =	stream.linear.scatter [tilespmem:s29], [sflag:$0x2], $0x80, $0x38;
	[tilespmem:$0x18500] =	vst v63  }
0x31a: {  	s13 =	sadd.s32 $0x50, s12;
	s29 =	simm.s32 $0x119A8  }
0x31b: {  	[hbm4b:s13+s3] =	stream.linear.scatter [tilespmem:s29], [sflag:$0x2], $0x80, $0x38;
	[tilespmem:$0x18500] =	vst v63  }
0x31c: {  	s13 =	sadd.s32 $0x60, s12;
	s29 =	simm.s32 $0x11A30  }
0x31d: {  	[hbm4b:s13+s3] =	stream.linear.scatter [tilespmem:s29], [sflag:$0x2], $0x80, $0x38;
	[tilespmem:$0x18500] =	vst v63  }
0x31e: {  	s12 =	sadd.s32 $0x70, s12;
	s29 =	simm.s32 $0x11AB8  }
0x31f: {  	[hbm4b:s12+s3] =	stream.linear.scatter [tilespmem:s29], [sflag:$0x2], $0x80, $0x38;
	[tilespmem:$0x18500] =	vst v63  }
0x320: {  	s12 =	sadd.s32 s7, s9;
	s29 =	simm.s32 $0x11B40  }
0x321: {  	[hbm4b:s12+s3] =	stream.linear.scatter [tilespmem:s29], [sflag:$0x2], $0x80, $0x38;
	[tilespmem:$0x18500] =	vst v63  }
0x322: {  	s13 =	sadd.s32 $0x10, s12;
	s29 =	simm.s32 $0x11BC8  }
0x323: {  	[hbm4b:s13+s3] =	stream.linear.scatter [tilespmem:s29], [sflag:$0x2], $0x80, $0x38;
	[tilespmem:$0x18500] =	vst v63  }
0x324: {  	s13 =	sadd.s32 $0x20, s12;
	s29 =	simm.s32 $0x11C50  }
0x325: {  	[hbm4b:s13+s3] =	stream.linear.scatter [tilespmem:s29], [sflag:$0x2], $0x80, $0x38;
	[tilespmem:$0x18500] =	vst v63  }
0x326: {  	s13 =	sadd.s32 $0x30, s12;
	s29 =	simm.s32 $0x11CD8  }
0x327: {  	[hbm4b:s13+s3] =	stream.linear.scatter [tilespmem:s29], [sflag:$0x2], $0x80, $0x38;
	[tilespmem:$0x18500] =	vst v63  }
0x328: {  	s13 =	sadd.s32 $0x40, s12;
	s29 =	simm.s32 $0x11D60  }
0x329: {  	[hbm4b:s13+s3] =	stream.linear.scatter [tilespmem:s29], [sflag:$0x2], $0x80, $0x38;
	[tilespmem:$0x18500] =	vst v63  }
0x32a: {  	s13 =	sadd.s32 $0x50, s12;
	s29 =	simm.s32 $0x11DE8  }
0x32b: {  	[hbm4b:s13+s3] =	stream.linear.scatter [tilespmem:s29], [sflag:$0x2], $0x80, $0x38;
	[tilespmem:$0x18500] =	vst v63  }
0x32c: {  	s13 =	sadd.s32 $0x60, s12;
	s29 =	simm.s32 $0x11E70  }
0x32d: {  	[hbm4b:s13+s3] =	stream.linear.scatter [tilespmem:s29], [sflag:$0x2], $0x80, $0x38;
	[tilespmem:$0x18500] =	vst v63  }
0x32e: {  	s12 =	sadd.s32 $0x70, s12;
	s29 =	simm.s32 $0x11EF8  }
0x32f: {  	[hbm4b:s12+s3] =	stream.linear.scatter [tilespmem:s29], [sflag:$0x2], $0x80, $0x38;
	[tilespmem:$0x18500] =	vst v63  }
0x330: {  	s12 =	sadd.s32 s7, s10;
	s29 =	simm.s32 $0x11F80  }
0x331: {  	[hbm4b:s12+s3] =	stream.linear.scatter [tilespmem:s29], [sflag:$0x2], $0x80, $0x38;
	[tilespmem:$0x18500] =	vst v63  }
0x332: {  	s13 =	sadd.s32 $0x10, s12;
	s29 =	simm.s32 $0x12008  }
0x333: {  	[hbm4b:s13+s3] =	stream.linear.scatter [tilespmem:s29], [sflag:$0x2], $0x80, $0x38;
	[tilespmem:$0x18500] =	vst v63  }
0x334: {  	s13 =	sadd.s32 $0x20, s12;
	s29 =	simm.s32 $0x12090  }
0x335: {  	[hbm4b:s13+s3] =	stream.linear.scatter [tilespmem:s29], [sflag:$0x2], $0x80, $0x38;
	[tilespmem:$0x18500] =	vst v63  }
0x336: {  	s13 =	sadd.s32 $0x30, s12;
	s29 =	simm.s32 $0x12118  }
0x337: {  	[hbm4b:s13+s3] =	stream.linear.scatter [tilespmem:s29], [sflag:$0x2], $0x80, $0x38;
	[tilespmem:$0x18500] =	vst v63  }
0x338: {  	s13 =	sadd.s32 $0x40, s12;
	s29 =	simm.s32 $0x121A0  }
0x339: {  	[hbm4b:s13+s3] =	stream.linear.scatter [tilespmem:s29], [sflag:$0x2], $0x80, $0x38;
	[tilespmem:$0x18500] =	vst v63  }
0x33a: {  	s13 =	sadd.s32 $0x50, s12;
	s29 =	simm.s32 $0x12228  }
0x33b: {  	[hbm4b:s13+s3] =	stream.linear.scatter [tilespmem:s29], [sflag:$0x2], $0x80, $0x38;
	[tilespmem:$0x18500] =	vst v63  }
0x33c: {  	s13 =	sadd.s32 $0x60, s12;
	s29 =	simm.s32 $0x122B0  }
0x33d: {  	[hbm4b:s13+s3] =	stream.linear.scatter [tilespmem:s29], [sflag:$0x2], $0x80, $0x38;
	[tilespmem:$0x18500] =	vst v63  }
0x33e: {  	s12 =	sadd.s32 $0x70, s12;
	s29 =	simm.s32 $0x12338  }
0x33f: {  	[hbm4b:s12+s3] =	stream.linear.scatter [tilespmem:s29], [sflag:$0x2], $0x80, $0x38;
	[tilespmem:$0x18500] =	vst v63  }
0x340: {  	s7 =	sadd.s32 s7, s11;
	s29 =	simm.s32 $0x123C0  }
0x341: {  	[hbm4b:s7+s3] =	stream.linear.scatter [tilespmem:s29], [sflag:$0x2], $0x80, $0x38;
	[tilespmem:$0x18500] =	vst v63  }
0x342: {  	s13 =	sadd.s32 $0x10, s7;
	s29 =	simm.s32 $0x12448  }
0x343: {  	[hbm4b:s13+s3] =	stream.linear.scatter [tilespmem:s29], [sflag:$0x2], $0x80, $0x38;
	[tilespmem:$0x18500] =	vst v63  }
0x344: {  	s13 =	sadd.s32 $0x20, s7;
	s29 =	simm.s32 $0x124D0  }
0x345: {  	[hbm4b:s13+s3] =	stream.linear.scatter [tilespmem:s29], [sflag:$0x2], $0x80, $0x38;
	[tilespmem:$0x18500] =	vst v63  }
0x346: {  	s13 =	sadd.s32 $0x30, s7;
	s29 =	simm.s32 $0x12558  }
0x347: {  	[hbm4b:s13+s3] =	stream.linear.scatter [tilespmem:s29], [sflag:$0x2], $0x80, $0x38;
	[tilespmem:$0x18500] =	vst v63  }
0x348: {  	s13 =	sadd.s32 $0x40, s7;
	s29 =	simm.s32 $0x125E0  }
0x349: {  	[hbm4b:s13+s3] =	stream.linear.scatter [tilespmem:s29], [sflag:$0x2], $0x80, $0x38;
	[tilespmem:$0x18500] =	vst v63  }
0x34a: {  	s13 =	sadd.s32 $0x50, s7;
	s29 =	simm.s32 $0x12668  }
0x34b: {  	[hbm4b:s13+s3] =	stream.linear.scatter [tilespmem:s29], [sflag:$0x2], $0x80, $0x38;
	[tilespmem:$0x18500] =	vst v63  }
0x34c: {  	s13 =	sadd.s32 $0x60, s7;
	s29 =	simm.s32 $0x126F0  }
0x34d: {  	[hbm4b:s13+s3] =	stream.linear.scatter [tilespmem:s29], [sflag:$0x2], $0x80, $0x38;
	[tilespmem:$0x18500] =	vst v63  }
0x34e: {  	s7 =	sadd.s32 $0x70, s7;
	s13 =	simm.s32 $0x12778  }
0x34f: {  	[hbm4b:s7+s3] =	stream.linear.scatter [tilespmem:s13], [sflag:$0x2], $0x80, $0x38;
	[tilespmem:$0x18500] =	vst v63  }
0x350: {  	s12 =	simm.s32 @!p1 $0x80;
	s7 =	sadd.s32 @!p1 $0x580, s6;
	s13 =	simm.s32 @!p1 $0x9400  }
0x351: {  	[tilespmem:s13], [sflag:$0x1] =	stream.indirect.gather @!p1 [hbm4b:s4+s12], $0x20, s7, s12, $0xb8;
	[tilespmem:$0x18500] =	vst v63  }
0x352: {  	_ =	swait.ge [sflag:s1], $0x1000  }
0x353: {  	[sflag:s1] =	ssyncset.done $0x0  }
0x354: {  	s12 =	simm.s32 @!p0 $0x2;
	[sflag:s1] =	ssyncadd.s32 $0xFFFFF000  }
0x355: {  	_ =	swait.ge @!p0 [sflag:s12], $0x400  }
0x356: {  	[sflag:s12] =	ssyncset.done @!p0 $0x0  }
0x357: {  	[sflag:s12] =	ssyncadd.s32 @!p0 $0xFFFFFC00  }
0x358: {  	_ =	swait.ge @!p0 [sflag:s12], $0x400  }
0x359: {  	[sflag:s12] =	ssyncset.done @!p0 $0x0  }
0x35a: {  	[sflag:s12] =	ssyncadd.s32 @!p0 $0xFFFFFC00  }
0x35b: {  	_ =	swait.ge @!p0 [sflag:s12], $0x400  }
0x35c: {  	[sflag:s12] =	ssyncset.done @!p0 $0x0  }
0x35d: {  	[sflag:s12] =	ssyncadd.s32 @!p0 $0xFFFFFC00  }
0x35e: {  	s7 =	sor.u32 $0x4, s31;
	_ =	swait.ge @!p0 [sflag:s12], $0x400  }
0x35f: {  	s29 =	sshll.u32 s7, $0x5;
	[sflag:s12] =	ssyncset.done @!p0 $0x0  }
0x360: {  	s13 =	sand.u32 $0x3FFFFFE0, s29;
	v56 =	vld [tilespmem:$0x1FFC0];
	[sflag:s12] =	ssyncadd.s32 @!p0 $0xFFFFFC00  }
0x361: {  	v34 =	vld [tilespmem:s13+$0x16C00]  }
0x362: {  	s29 =	simm.s32 $0xA500;
	v32 =	vld [tilespmem:s13+$0x16C10]  }
0x363: {  	v0 =	vld [tilespmem:s29+$0x50]  }
0x364: {  	v1 =	vld [tilespmem:s29+$0x10]  }
0x365: {  	v2 =	vld [tilespmem:s29+$0x70]  }
0x366: {  	v3 =	vld [tilespmem:s29+$0xB0]  }
0x367: {  	v39 =	vld [tilespmem:s29+$0x30]  }
0x368: {  	v40 =	vld [tilespmem:s29+$0xF0]  }
0x369: {  	v58 =	vld [tilespmem:s29+$0xE0]  }
0x36a: {  	v33 =	vimm.s32 $0x0;
	v59 =	vld [tilespmem:s29+$0xC0]  }
0x36b: {  	v44 =	vadd.s32 v31, v33;
	v45 =	vld [tilespmem:s29+$0xA0]  }
0x36c: {  	v46 =	vadd.s32 v29, v33;
	v42 =	vld [tilespmem:s29+$0xD0]  }
0x36d: {  	v47 =	vadd.s32 v4, v33;
	v48 =	vld [tilespmem:s29+$0x80]  }
0x36e: {  	v49 =	vadd.s32 v27, v33;
	v41 =	vld [tilespmem:s29+$0x90];
	v60 =	vadd.f32 v58, v34  }
0x36f: {  	v37 =	vld [tilespmem:s29+$0xFFFFFFF0];
	v43 =	vadd.f32 v59, v34;
	v58 =	vadd.s32 v30, v33;
	v40 =	vadd.f32 v40, v32  }
0x370: {  	v36 =	vld [tilespmem:s29+$0xFFFFFF00];
	v45 =	vadd.f32 v45, v34;
	[tilespmem:v44+s24+$0x0] =	vst.idx.msk $0xffff, v60;
	v44 =	vadd.s32 v28, v33  }
0x371: {  	v57 =	vld [tilespmem:s29+$0x60];
	v42 =	vadd.f32 v42, v32;
	[tilespmem:v46+s24+$0x0] =	vst.idx.msk $0xffff, v43;
	v43 =	vadd.s32 v25, v33  }
0x372: {  	v50 =	vld [tilespmem:s29+$0x20];
	[tilespmem:v47+s24+$0x0] =	vst.idx.msk $0xffff, v40;
	v47 =	vadd.f32 v48, v34;
	v48 =	vadd.s32 v26, v33  }
0x373: {  	v59 =	vld [tilespmem:s29+$0x40];
	v3 =	vadd.f32 v3, v32;
	[tilespmem:v49+s24+$0x0] =	vst.idx.msk $0xffff, v45;
	v45 =	vadd.s32 v23, v33  }
0x374: {  	v38 =	vadd.s32 v56, v33;
	v56 =	vadd.s32 v24, v33;
	v46 =	vld [tilespmem:s29+$0x0];
	[tilespmem:v58+s24+$0x0] =	vst.idx.msk $0xffff, v42  }
0x375: {  	v41 =	vadd.f32 v41, v32;
	v49 =	vld [tilespmem:s29+$0xFFFFFFC0];
	[tilespmem:v44+s24+$0x0] =	vst.idx.msk $0xffff, v3  }
0x376: {  	v51 =	vadd.f32 v57, v34;
	v60 =	vld [tilespmem:s29+$0xFFFFFFA0];
	[tilespmem:v43+s24+$0x0] =	vst.idx.msk $0xffff, v47  }
0x377: {  	v2 =	vadd.f32 v2, v32;
	v40 =	vld [tilespmem:s29+$0xFFFFFFE0];
	[tilespmem:v48+s24+$0x0] =	vst.idx.msk $0xffff, v41  }
0x378: {  	v41 =	vld [tilespmem:$0x1FFE0];
	[tilespmem:v45+s24+$0x0] =	vst.idx.msk $0xffff, v51  }
0x379: {  	v3 =	vld [tilespmem:s29+$0xFFFFFF80];
	[tilespmem:v56+s24+$0x0] =	vst.idx.msk $0xffff, v2  }
0x37a: {  	v2 =	vld [tilespmem:$0x1FFB0]  }
0x37b: {  	v35 =	vadd.s32 v62, v33;
	v44 =	vadd.s32 v21, v33;
	v47 =	vld [tilespmem:s29+$0xFFFFFF60]  }
0x37c: {  	v52 =	vadd.s32 v22, v33;
	v55 =	vadd.f32 v59, v34;
	v59 =	vadd.f32 v46, v34;
	v46 =	vld [tilespmem:s29+$0xFFFFFF40]  }
0x37d: {  	v57 =	vadd.f32 v50, v34;
	v54 =	vadd.f32 v40, v34;
	v40 =	vld [tilespmem:s29+$0xFFFFFF20];
	v41 =	vadd.s32 v41, v33  }
0x37e: {  	v0 =	vadd.f32 v0, v32;
	v50 =	vadd.f32 v60, v34;
	v60 =	vadd.s32 v20, v33;
	v45 =	vld [tilespmem:s29+$0xFFFFFF10]  }
0x37f: {  	v42 =	vld [tilespmem:s29+$0xFFFFFF30];
	v58 =	vadd.s32 v15, v33;
	v53 =	vadd.f32 v49, v34;
	v2 =	vadd.s32 v2, v33  }
0x380: {  	v43 =	vadd.s32 v63, v33;
	v49 =	vld [tilespmem:s29+$0xFFFFFF50];
	v48 =	vadd.f32 v3, v34;
	[tilespmem:v44+s24+$0x0] =	vst.idx.msk $0xffff, v55  }
0x381: {  	v51 =	vld [tilespmem:s29+$0xFFFFFFB0];
	v47 =	vadd.f32 v47, v34;
	v3 =	vadd.f32 v39, v32;
	[tilespmem:v52+s24+$0x0] =	vst.idx.msk $0xffff, v0  }
0x382: {  	v56 =	vld [tilespmem:s29+$0xFFFFFFD0];
	v44 =	vadd.f32 v46, v34;
	[tilespmem:v41+s24+$0x0] =	vst.idx.msk $0xffff, v57;
	v57 =	vadd.s32 v6, v33  }
0x383: {  	v55 =	vld [tilespmem:s29+$0xFFFFFF90];
	v46 =	vadd.f32 v45, v32;
	v41 =	vadd.f32 v40, v34;
	[tilespmem:v60+s24+$0x0] =	vst.idx.msk $0xffff, v3  }
0x384: {  	s12 =	simm.s32 $0x0;
	s13 =	simm.s32 $0xA700;
	v39 =	vadd.s32 $0x10, v33;
	v52 =	vld [tilespmem:s29+$0xFFFFFF70];
	v60 =	vadd.f32 v1, v32;
	[tilespmem:v2+s24+$0x0] =	vst.idx.msk $0xffff, v59;
	v59 =	vadd.s32 v5, v33  }
.LBB2_11:
0x385: {  	_ = 	snop  }
0x386: {  	v45 =	vld [tilespmem:s13+$0x50];
	[tilespmem:v43+s24+$0x0] =	vst.idx.msk $0xffff, v54;
	v43 =	vadd.s32 v17, v33  }
0x387: {  	v40 =	vld [tilespmem:s13+$0x10];
	[tilespmem:v57+s24+$0x0] =	vst.idx.msk $0xffff, v53;
	v57 =	vadd.s32 v14, v33  }
0x388: {  	v53 =	vld [tilespmem:s13+$0xB0];
	v54 =	vadd.s32 v19, v33  }
0x389: {  	[tilespmem:v38+s24+$0x0] =	vst.idx.msk $0xffff, v60;
	v60 =	vld [tilespmem:s13+$0x70]  }
0x38a: {  	[tilespmem:v59+s24+$0x0] =	vst.idx.msk $0xffff, v50;
	v50 =	vld [tilespmem:s13+$0xF0]  }
0x38b: {  	v0 =	vadd.s32 v62, v39;
	v1 =	vadd.s32 v9, v33;
	v59 =	vld [tilespmem:s13+$0xD0];
	[tilespmem:v43+s24+$0x0] =	vst.idx.msk $0xffff, v48  }
0x38c: {  	v2 =	vadd.s32 v61, v33;
	v3 =	vadd.f32 v37, v32;
	v48 =	vld [tilespmem:$0x1FFC0];
	[tilespmem:v57+s24+$0x0] =	vst.idx.msk $0xffff, v47  }
0x38d: {  	v62 =	vadd.f32 v56, v32;
	v56 =	vadd.s32 v12, v33;
	v57 =	vld [tilespmem:s13+$0xA0];
	[tilespmem:v54+s24+$0x0] =	vst.idx.msk $0xffff, v41  }
0x38e: {  	v37 =	vadd.s32 v18, v33;
	v42 =	vadd.f32 v42, v32;
	v41 =	vld [tilespmem:s13+$0x20];
	[tilespmem:v58+s24+$0x0] =	vst.idx.msk $0xffff, v3  }
0x38f: {  	v36 =	vadd.f32 v36, v34;
	v3 =	vld [tilespmem:s13+$0x30];
	[tilespmem:v35+s24+$0x0] =	vst.idx.msk $0xffff, v62;
	v58 =	vadd.s32 v10, v33  }
0x390: {  	v61 =	vadd.s32 v11, v33;
	v55 =	vadd.f32 v55, v32;
	v35 =	vmov v0;
	v0 =	vld [tilespmem:s13+$0x90];
	[tilespmem:v1+s24+$0x0] =	vst.idx.msk $0xffff, v42  }
0x391: {  	v51 =	vadd.f32 v51, v32;
	v1 =	vld [tilespmem:s13+$0x0];
	[tilespmem:v2+s24+$0x0] =	vst.idx.msk $0xffff, v36  }
0x392: {  	v62 =	vadd.f32 v52, v32;
	[tilespmem:v56+s24+$0x0] =	vst.idx.msk $0xffff, v55;
	v55 =	vld [tilespmem:s13+$0xE0]  }
0x393: {  	[tilespmem:v37+s24+$0x0] =	vst.idx.msk $0xffff, v51;
	v37 =	vld [tilespmem:s13+$0xFFFFFFF0];
	v51 =	vadd.s32 v7, v33  }
0x394: {  	v49 =	vadd.f32 v49, v32;
	v56 =	vld [tilespmem:s13+$0xC0];
	[tilespmem:v58+s24+$0x0] =	vst.idx.msk $0xffff, v62;
	v58 =	vadd.s32 v31, v39  }
0x395: {  	v43 =	vadd.s32 v63, v39;
	v2 =	vadd.s32 v8, v33;
	[tilespmem:v61+s24+$0x0] =	vst.idx.msk $0xffff, v44;
	v44 =	vld [tilespmem:s13+$0x80]  }
0x396: {  	v47 =	vadd.s32 v23, v39;
	v53 =	vadd.f32 v53, v32;
	v36 =	vld [tilespmem:s13+$0xFFFFFF00];
	v62 =	vadd.s32 v29, v39  }
0x397: {  	v63 =	vadd.s32 v4, v39;
	v42 =	vadd.f32 v57, v34;
	v57 =	vld [tilespmem:s13+$0xFFFFFFC0];
	v55 =	vadd.f32 v55, v34  }
0x398: {  	v45 =	vadd.f32 v45, v32;
	v38 =	vadd.s32 v48, v39;
	[tilespmem:v51+s24+$0x0] =	vst.idx.msk $0xffff, v49;
	v49 =	vld [tilespmem:s13+$0x60]  }
0x399: {  	v48 =	vadd.s32 v25, v39;
	v54 =	vadd.f32 v56, v34;
	[tilespmem:v58+s24+$0x0] =	vst.idx.msk $0xffff, v55;
	v55 =	vld [tilespmem:s13+$0xFFFFFFE0]  }
0x39a: {  	v50 =	vadd.f32 v50, v32;
	[tilespmem:v2+s24+$0x0] =	vst.idx.msk $0xffff, v46;
	v2 =	vld [tilespmem:s13+$0x40];
	v46 =	vadd.s32 v27, v39  }
0x39b: {  	v52 =	vadd.s32 v22, v39;
	v51 =	vadd.s32 v30, v39;
	[tilespmem:v62+s24+$0x0] =	vst.idx.msk $0xffff, v54;
	v62 =	vld [tilespmem:s13+$0xFFFFFF20]  }
0x39c: {  	v61 =	vadd.s32 v28, v39;
	v44 =	vadd.f32 v44, v34;
	[tilespmem:v63+s24+$0x0] =	vst.idx.msk $0xffff, v50;
	v50 =	vld [tilespmem:s13+$0xFFFFFFA0]  }
0x39d: {  	v41 =	vadd.f32 v41, v34;
	v0 =	vadd.f32 v0, v32;
	v58 =	vadd.s32 v26, v39;
	v63 =	vld [tilespmem:$0x1FFB0]  }
0x39e: {  	v56 =	vadd.f32 v59, v32;
	[tilespmem:v48+s24+$0x0] =	vst.idx.msk $0xffff, v44;
	v54 =	vadd.f32 v55, v34;
	v55 =	vld [tilespmem:$0x1FFE0]  }
0x39f: {  	v1 =	vadd.f32 v1, v34;
	v59 =	vadd.s32 v21, v39;
	[tilespmem:v46+s24+$0x0] =	vst.idx.msk $0xffff, v42;
	v42 =	vld [tilespmem:s13+$0xFFFFFF80]  }
0x3a0: {  	v49 =	vadd.f32 v49, v34;
	v2 =	vadd.f32 v2, v34;
	[tilespmem:v51+s24+$0x0] =	vst.idx.msk $0xffff, v56;
	v56 =	vld [tilespmem:s13+$0xFFFFFF60]  }
0x3a1: {  	v46 =	vadd.s32 v24, v39;
	v51 =	vld [tilespmem:s13+$0xFFFFFFB0];
	[tilespmem:v61+s24+$0x0] =	vst.idx.msk $0xffff, v53;
	v53 =	vadd.f32 v57, v34  }
0x3a2: {  	v61 =	vld [tilespmem:s13+$0xFFFFFF40];
	v57 =	vadd.f32 v60, v32;
	[tilespmem:v58+s24+$0x0] =	vst.idx.msk $0xffff, v0;
	v63 =	vadd.s32 v63, v39  }
0x3a3: {  	s12 =	sadd.s32 $0x10, s12;
	v60 =	vadd.s32 v20, v39;
	v0 =	vld [tilespmem:s13+$0xFFFFFF10];
	[tilespmem:v47+s24+$0x0] =	vst.idx.msk $0xffff, v49;
	v55 =	vadd.s32 v55, v39  }
0x3a4: {  	p2 =	slt.u32 s12, $0x70;
	v33 =	vmov v39;
	[tilespmem:v59+s24+$0x0] =	vst.idx.msk $0xffff, v2;
	v49 =	vld [tilespmem:s13+$0xFFFFFF50];
	v2 =	vadd.f32 v3, v32;
	v58 =	vadd.s32 v15, v39  }
.Ltmp6:
0x3a5: {  	v59 =	vadd.s32 v5, v33;
	v50 =	vadd.f32 v50, v34;
	[tilespmem:v52+s24+$0x0] =	vst.idx.msk $0xffff, v45;
	v52 =	vld [tilespmem:s13+$0xFFFFFF70];
	(pc) =	sbr.rel @p2 .LBB2_11-.Ltmp6, $4  }
0x3a6: {  	v48 =	vadd.f32 v42, v34;
	[tilespmem:v46+s24+$0x0] =	vst.idx.msk $0xffff, v57;
	v42 =	vld [tilespmem:s13+$0xFFFFFF30];
	v47 =	vadd.f32 v56, v34  }
0x3a7: {  	v56 =	vld [tilespmem:s13+$0xFFFFFFD0];
	v57 =	vadd.s32 v6, v39;
	v44 =	vadd.f32 v61, v34;
	[tilespmem:v63+s24+$0x0] =	vst.idx.msk $0xffff, v1  }
0x3a8: {  	v61 =	vld [tilespmem:$0x1FF00];
	v46 =	vadd.f32 v0, v32;
	v39 =	vadd.s32 $0x10, v39;
	v63 =	vmov v16;
	[tilespmem:v55+s24+$0x0] =	vst.idx.msk $0xffff, v41  }
0x3a9: {  	v41 =	vadd.f32 v62, v34;
	v62 =	vmov v13;
	v55 =	vld [tilespmem:s13+$0xFFFFFF90];
	s13 =	sadd.s32 $0x200, s13;
	[tilespmem:v60+s24+$0x0] =	vst.idx.msk $0xffff, v2;
	v60 =	vadd.f32 v40, v32  }
0x3aa: {  	_ =	sdelay $0x3  }
0x3ab: {  	[tilespmem:v43+s24+$0x0] =	vst.idx.msk $0xffff, v54  }
0x3ac: {  	v2 =	vadd.s32 v18, v33;
	[tilespmem:v57+s24+$0x0] =	vst.idx.msk $0xffff, v53  }
0x3ad: {  	v1 =	vadd.f32 v37, v32;
	v57 =	vadd.s32 v17, v33;
	[tilespmem:v59+s24+$0x0] =	vst.idx.msk $0xffff, v50  }
0x3ae: {  	v40 =	vadd.s32 v14, v33;
	[tilespmem:v38+s24+$0x0] =	vst.idx.msk $0xffff, v60;
	v3 =	vadd.f32 v56, v32  }
0x3af: {  	v43 =	vadd.f32 v51, v32;
	v50 =	vadd.s32 v11, v33;
	[tilespmem:v58+s24+$0x0] =	vst.idx.msk $0xffff, v1  }
0x3b0: {  	v60 =	vadd.s32 v12, v33;
	[tilespmem:v35+s24+$0x0] =	vst.idx.msk $0xffff, v3  }
0x3b1: {  	v45 =	vadd.s32 v10, v33;
	[tilespmem:v2+s24+$0x0] =	vst.idx.msk $0xffff, v43  }
0x3b2: {  	v51 =	vadd.s32 v7, v33;
	[tilespmem:v57+s24+$0x0] =	vst.idx.msk $0xffff, v48  }
0x3b3: {  	v0 =	vadd.s32 v61, v33;
	v3 =	vadd.f32 v55, v32;
	[tilespmem:v40+s24+$0x0] =	vst.idx.msk $0xffff, v47  }
0x3b4: {  	v53 =	vadd.s32 v8, v33;
	v54 =	vadd.f32 v52, v32;
	[tilespmem:v50+s24+$0x0] =	vst.idx.msk $0xffff, v44  }
0x3b5: {  	v56 =	vadd.f32 v49, v32;
	[tilespmem:v60+s24+$0x0] =	vst.idx.msk $0xffff, v3;
	v3 =	vadd.s32 v19, v33  }
0x3b6: {  	v58 =	vadd.f32 v36, v34;
	v55 =	vadd.s32 v9, v33;
	[tilespmem:v45+s24+$0x0] =	vst.idx.msk $0xffff, v54  }
0x3b7: {  	[tilespmem:v51+s24+$0x0] =	vst.idx.msk $0xffff, v56  }
0x3b8: {  	s7 =	sshll.u32 s7, $0x11;
	[tilespmem:v0+s24+$0x0] =	vst.idx.msk $0xffff, v58  }
0x3b9: {  	s7 =	sor.u32 s8, s7;
	v57 =	vadd.f32 v42, v32;
	[tilespmem:v53+s24+$0x0] =	vst.idx.msk $0xffff, v46  }
0x3ba: {  	s7 =	sshrl.u32 s7, $0x3;
	[tilespmem:v3+s24+$0x0] =	vst.idx.msk $0xffff, v41  }
0x3bb: {  	s12 =	sadd.s32 s2, s7;
	[tilespmem:v55+s24+$0x0] =	vst.idx.msk $0xffff, v57  }
0x3bc: {  	[hbm4b:s12+s3] =	stream.linear.scatter [tilespmem:s24], [sflag:$0x2], $0x80, $0x38;
	[tilespmem:$0x18500] =	vst v63  }
0x3bd: {  	s29 =	simm.s32 $0x12888;
	s13 =	sadd.s32 $0x10, s12  }
0x3be: {  	[hbm4b:s13+s3] =	stream.linear.scatter [tilespmem:s29], [sflag:$0x2], $0x80, $0x38;
	[tilespmem:$0x18500] =	vst v63  }
0x3bf: {  	s13 =	sadd.s32 $0x20, s12;
	s29 =	simm.s32 $0x12910  }
0x3c0: {  	[hbm4b:s13+s3] =	stream.linear.scatter [tilespmem:s29], [sflag:$0x2], $0x80, $0x38;
	[tilespmem:$0x18500] =	vst v63  }
0x3c1: {  	s13 =	sadd.s32 $0x30, s12;
	s29 =	simm.s32 $0x12998  }
0x3c2: {  	[hbm4b:s13+s3] =	stream.linear.scatter [tilespmem:s29], [sflag:$0x2], $0x80, $0x38;
	[tilespmem:$0x18500] =	vst v63  }
0x3c3: {  	s13 =	sadd.s32 $0x40, s12;
	s29 =	simm.s32 $0x12A20  }
0x3c4: {  	[hbm4b:s13+s3] =	stream.linear.scatter [tilespmem:s29], [sflag:$0x2], $0x80, $0x38;
	[tilespmem:$0x18500] =	vst v63  }
0x3c5: {  	s13 =	sadd.s32 $0x50, s12;
	s29 =	simm.s32 $0x12AA8  }
0x3c6: {  	[hbm4b:s13+s3] =	stream.linear.scatter [tilespmem:s29], [sflag:$0x2], $0x80, $0x38;
	[tilespmem:$0x18500] =	vst v63  }
0x3c7: {  	s13 =	sadd.s32 $0x60, s12;
	s29 =	simm.s32 $0x12B30  }
0x3c8: {  	[hbm4b:s13+s3] =	stream.linear.scatter [tilespmem:s29], [sflag:$0x2], $0x80, $0x38;
	[tilespmem:$0x18500] =	vst v63  }
0x3c9: {  	s12 =	sadd.s32 $0x70, s12;
	s29 =	simm.s32 $0x12BB8  }
0x3ca: {  	[hbm4b:s12+s3] =	stream.linear.scatter [tilespmem:s29], [sflag:$0x2], $0x80, $0x38;
	[tilespmem:$0x18500] =	vst v63  }
0x3cb: {  	s12 =	sadd.s32 s7, s9;
	s29 =	simm.s32 $0x12C40  }
0x3cc: {  	[hbm4b:s12+s3] =	stream.linear.scatter [tilespmem:s29], [sflag:$0x2], $0x80, $0x38;
	[tilespmem:$0x18500] =	vst v63  }
0x3cd: {  	s13 =	sadd.s32 $0x10, s12;
	s29 =	simm.s32 $0x12CC8  }
0x3ce: {  	[hbm4b:s13+s3] =	stream.linear.scatter [tilespmem:s29], [sflag:$0x2], $0x80, $0x38;
	[tilespmem:$0x18500] =	vst v63  }
0x3cf: {  	s13 =	sadd.s32 $0x20, s12;
	s29 =	simm.s32 $0x12D50  }
0x3d0: {  	[hbm4b:s13+s3] =	stream.linear.scatter [tilespmem:s29], [sflag:$0x2], $0x80, $0x38;
	[tilespmem:$0x18500] =	vst v63  }
0x3d1: {  	s13 =	sadd.s32 $0x30, s12;
	s29 =	simm.s32 $0x12DD8  }
0x3d2: {  	[hbm4b:s13+s3] =	stream.linear.scatter [tilespmem:s29], [sflag:$0x2], $0x80, $0x38;
	[tilespmem:$0x18500] =	vst v63  }
0x3d3: {  	s13 =	sadd.s32 $0x40, s12;
	s29 =	simm.s32 $0x12E60  }
0x3d4: {  	[hbm4b:s13+s3] =	stream.linear.scatter [tilespmem:s29], [sflag:$0x2], $0x80, $0x38;
	[tilespmem:$0x18500] =	vst v63  }
0x3d5: {  	s13 =	sadd.s32 $0x50, s12;
	s29 =	simm.s32 $0x12EE8  }
0x3d6: {  	[hbm4b:s13+s3] =	stream.linear.scatter [tilespmem:s29], [sflag:$0x2], $0x80, $0x38;
	[tilespmem:$0x18500] =	vst v63  }
0x3d7: {  	s13 =	sadd.s32 $0x60, s12;
	s29 =	simm.s32 $0x12F70  }
0x3d8: {  	[hbm4b:s13+s3] =	stream.linear.scatter [tilespmem:s29], [sflag:$0x2], $0x80, $0x38;
	[tilespmem:$0x18500] =	vst v63  }
0x3d9: {  	s12 =	sadd.s32 $0x70, s12;
	s29 =	simm.s32 $0x12FF8  }
0x3da: {  	[hbm4b:s12+s3] =	stream.linear.scatter [tilespmem:s29], [sflag:$0x2], $0x80, $0x38;
	[tilespmem:$0x18500] =	vst v63  }
0x3db: {  	s12 =	sadd.s32 s7, s10;
	s29 =	simm.s32 $0x13080  }
0x3dc: {  	[hbm4b:s12+s3] =	stream.linear.scatter [tilespmem:s29], [sflag:$0x2], $0x80, $0x38;
	[tilespmem:$0x18500] =	vst v63  }
0x3dd: {  	s13 =	sadd.s32 $0x10, s12;
	s29 =	simm.s32 $0x13108  }
0x3de: {  	[hbm4b:s13+s3] =	stream.linear.scatter [tilespmem:s29], [sflag:$0x2], $0x80, $0x38;
	[tilespmem:$0x18500] =	vst v63  }
0x3df: {  	s13 =	sadd.s32 $0x20, s12;
	s29 =	simm.s32 $0x13190  }
0x3e0: {  	[hbm4b:s13+s3] =	stream.linear.scatter [tilespmem:s29], [sflag:$0x2], $0x80, $0x38;
	[tilespmem:$0x18500] =	vst v63  }
0x3e1: {  	s13 =	sadd.s32 $0x30, s12;
	s29 =	simm.s32 $0x13218  }
0x3e2: {  	[hbm4b:s13+s3] =	stream.linear.scatter [tilespmem:s29], [sflag:$0x2], $0x80, $0x38;
	[tilespmem:$0x18500] =	vst v63  }
0x3e3: {  	s13 =	sadd.s32 $0x40, s12;
	s29 =	simm.s32 $0x132A0  }
0x3e4: {  	[hbm4b:s13+s3] =	stream.linear.scatter [tilespmem:s29], [sflag:$0x2], $0x80, $0x38;
	[tilespmem:$0x18500] =	vst v63  }
0x3e5: {  	s13 =	sadd.s32 $0x50, s12;
	s29 =	simm.s32 $0x13328  }
0x3e6: {  	[hbm4b:s13+s3] =	stream.linear.scatter [tilespmem:s29], [sflag:$0x2], $0x80, $0x38;
	[tilespmem:$0x18500] =	vst v63  }
0x3e7: {  	s13 =	sadd.s32 $0x60, s12;
	s29 =	simm.s32 $0x133B0  }
0x3e8: {  	[hbm4b:s13+s3] =	stream.linear.scatter [tilespmem:s29], [sflag:$0x2], $0x80, $0x38;
	[tilespmem:$0x18500] =	vst v63  }
0x3e9: {  	s12 =	sadd.s32 $0x70, s12;
	s29 =	simm.s32 $0x13438  }
0x3ea: {  	[hbm4b:s12+s3] =	stream.linear.scatter [tilespmem:s29], [sflag:$0x2], $0x80, $0x38;
	[tilespmem:$0x18500] =	vst v63  }
0x3eb: {  	s7 =	sadd.s32 s7, s11;
	s29 =	simm.s32 $0x134C0  }
0x3ec: {  	[hbm4b:s7+s3] =	stream.linear.scatter [tilespmem:s29], [sflag:$0x2], $0x80, $0x38;
	[tilespmem:$0x18500] =	vst v63  }
0x3ed: {  	s13 =	sadd.s32 $0x10, s7;
	s29 =	simm.s32 $0x13548  }
0x3ee: {  	[hbm4b:s13+s3] =	stream.linear.scatter [tilespmem:s29], [sflag:$0x2], $0x80, $0x38;
	[tilespmem:$0x18500] =	vst v63  }
0x3ef: {  	s13 =	sadd.s32 $0x20, s7;
	s29 =	simm.s32 $0x135D0  }
0x3f0: {  	[hbm4b:s13+s3] =	stream.linear.scatter [tilespmem:s29], [sflag:$0x2], $0x80, $0x38;
	[tilespmem:$0x18500] =	vst v63  }
0x3f1: {  	s13 =	sadd.s32 $0x30, s7;
	s29 =	simm.s32 $0x13658  }
0x3f2: {  	[hbm4b:s13+s3] =	stream.linear.scatter [tilespmem:s29], [sflag:$0x2], $0x80, $0x38;
	[tilespmem:$0x18500] =	vst v63  }
0x3f3: {  	s13 =	sadd.s32 $0x40, s7;
	s29 =	simm.s32 $0x136E0  }
0x3f4: {  	[hbm4b:s13+s3] =	stream.linear.scatter [tilespmem:s29], [sflag:$0x2], $0x80, $0x38;
	[tilespmem:$0x18500] =	vst v63  }
0x3f5: {  	s13 =	sadd.s32 $0x50, s7;
	s29 =	simm.s32 $0x13768  }
0x3f6: {  	[hbm4b:s13+s3] =	stream.linear.scatter [tilespmem:s29], [sflag:$0x2], $0x80, $0x38;
	[tilespmem:$0x18500] =	vst v63  }
0x3f7: {  	s13 =	sadd.s32 $0x60, s7;
	s29 =	simm.s32 $0x137F0  }
0x3f8: {  	[hbm4b:s13+s3] =	stream.linear.scatter [tilespmem:s29], [sflag:$0x2], $0x80, $0x38;
	[tilespmem:$0x18500] =	vst v63  }
0x3f9: {  	s7 =	sadd.s32 $0x70, s7;
	s13 =	simm.s32 $0x13878  }
0x3fa: {  	[hbm4b:s7+s3] =	stream.linear.scatter [tilespmem:s13], [sflag:$0x2], $0x80, $0x38;
	[tilespmem:$0x18500] =	vst v63  }
0x3fb: {  	s12 =	simm.s32 @!p1 $0x80;
	s7 =	sadd.s32 @!p1 $0x600, s6;
	s13 =	simm.s32 @!p1 $0xA400  }
0x3fc: {  	[tilespmem:s13], [sflag:$0x1] =	stream.indirect.gather @!p1 [hbm4b:s4+s12], $0x20, s7, s12, $0xb8;
	[tilespmem:$0x18500] =	vst v63  }
0x3fd: {  	_ =	swait.ge [sflag:s1], $0x1000  }
0x3fe: {  	[sflag:s1] =	ssyncset.done $0x0  }
0x3ff: {  	s12 =	simm.s32 @!p0 $0x2;
	[sflag:s1] =	ssyncadd.s32 $0xFFFFF000  }
0x400: {  	_ =	swait.ge @!p0 [sflag:s12], $0x400  }
0x401: {  	[sflag:s12] =	ssyncset.done @!p0 $0x0  }
0x402: {  	[sflag:s12] =	ssyncadd.s32 @!p0 $0xFFFFFC00  }
0x403: {  	_ =	swait.ge @!p0 [sflag:s12], $0x400  }
0x404: {  	[sflag:s12] =	ssyncset.done @!p0 $0x0  }
0x405: {  	[sflag:s12] =	ssyncadd.s32 @!p0 $0xFFFFFC00  }
0x406: {  	_ =	swait.ge @!p0 [sflag:s12], $0x400  }
0x407: {  	[sflag:s12] =	ssyncset.done @!p0 $0x0  }
0x408: {  	[sflag:s12] =	ssyncadd.s32 @!p0 $0xFFFFFC00  }
0x409: {  	s7 =	sor.u32 $0x5, s31;
	_ =	swait.ge @!p0 [sflag:s12], $0x400  }
0x40a: {  	s29 =	sshll.u32 s7, $0x5;
	[sflag:s12] =	ssyncset.done @!p0 $0x0  }
0x40b: {  	s13 =	sand.u32 $0x3FFFFFE0, s29;
	v56 =	vld [tilespmem:$0x1FFC0];
	[sflag:s12] =	ssyncadd.s32 @!p0 $0xFFFFFC00  }
0x40c: {  	v34 =	vld [tilespmem:s13+$0x16C00]  }
0x40d: {  	s29 =	simm.s32 $0xB500;
	v32 =	vld [tilespmem:s13+$0x16C10]  }
0x40e: {  	v0 =	vld [tilespmem:s29+$0x50]  }
0x40f: {  	v1 =	vld [tilespmem:s29+$0x10]  }
0x410: {  	v2 =	vld [tilespmem:s29+$0x70]  }
0x411: {  	v3 =	vld [tilespmem:s29+$0xB0]  }
0x412: {  	v39 =	vld [tilespmem:s29+$0x30]  }
0x413: {  	v40 =	vld [tilespmem:s29+$0xF0]  }
0x414: {  	v58 =	vld [tilespmem:s29+$0xE0]  }
0x415: {  	v33 =	vimm.s32 $0x0;
	v59 =	vld [tilespmem:s29+$0xC0]  }
0x416: {  	v44 =	vadd.s32 v31, v33;
	v45 =	vld [tilespmem:s29+$0xA0]  }
0x417: {  	v46 =	vadd.s32 v29, v33;
	v42 =	vld [tilespmem:s29+$0xD0]  }
0x418: {  	v47 =	vadd.s32 v4, v33;
	v48 =	vld [tilespmem:s29+$0x80]  }
0x419: {  	v49 =	vadd.s32 v27, v33;
	v41 =	vld [tilespmem:s29+$0x90];
	v60 =	vadd.f32 v58, v34  }
0x41a: {  	v37 =	vld [tilespmem:s29+$0xFFFFFFF0];
	v43 =	vadd.f32 v59, v34;
	v58 =	vadd.s32 v30, v33;
	v40 =	vadd.f32 v40, v32  }
0x41b: {  	v36 =	vld [tilespmem:s29+$0xFFFFFF00];
	v45 =	vadd.f32 v45, v34;
	[tilespmem:v44+s21+$0x0] =	vst.idx.msk $0xffff, v60;
	v44 =	vadd.s32 v28, v33  }
0x41c: {  	v57 =	vld [tilespmem:s29+$0x60];
	v42 =	vadd.f32 v42, v32;
	[tilespmem:v46+s21+$0x0] =	vst.idx.msk $0xffff, v43;
	v43 =	vadd.s32 v25, v33  }
0x41d: {  	v50 =	vld [tilespmem:s29+$0x20];
	[tilespmem:v47+s21+$0x0] =	vst.idx.msk $0xffff, v40;
	v47 =	vadd.f32 v48, v34;
	v48 =	vadd.s32 v26, v33  }
0x41e: {  	v59 =	vld [tilespmem:s29+$0x40];
	v3 =	vadd.f32 v3, v32;
	[tilespmem:v49+s21+$0x0] =	vst.idx.msk $0xffff, v45;
	v45 =	vadd.s32 v23, v33  }
0x41f: {  	v38 =	vadd.s32 v56, v33;
	v56 =	vadd.s32 v24, v33;
	v46 =	vld [tilespmem:s29+$0x0];
	[tilespmem:v58+s21+$0x0] =	vst.idx.msk $0xffff, v42  }
0x420: {  	v41 =	vadd.f32 v41, v32;
	v49 =	vld [tilespmem:s29+$0xFFFFFFC0];
	[tilespmem:v44+s21+$0x0] =	vst.idx.msk $0xffff, v3  }
0x421: {  	v51 =	vadd.f32 v57, v34;
	v60 =	vld [tilespmem:s29+$0xFFFFFFA0];
	[tilespmem:v43+s21+$0x0] =	vst.idx.msk $0xffff, v47  }
0x422: {  	v2 =	vadd.f32 v2, v32;
	v40 =	vld [tilespmem:s29+$0xFFFFFFE0];
	[tilespmem:v48+s21+$0x0] =	vst.idx.msk $0xffff, v41  }
0x423: {  	v41 =	vld [tilespmem:$0x1FFE0];
	[tilespmem:v45+s21+$0x0] =	vst.idx.msk $0xffff, v51  }
0x424: {  	v3 =	vld [tilespmem:s29+$0xFFFFFF80];
	[tilespmem:v56+s21+$0x0] =	vst.idx.msk $0xffff, v2  }
0x425: {  	v2 =	vld [tilespmem:$0x1FFB0]  }
0x426: {  	v35 =	vadd.s32 v62, v33;
	v44 =	vadd.s32 v21, v33;
	v47 =	vld [tilespmem:s29+$0xFFFFFF60]  }
0x427: {  	v52 =	vadd.s32 v22, v33;
	v55 =	vadd.f32 v59, v34;
	v59 =	vadd.f32 v46, v34;
	v46 =	vld [tilespmem:s29+$0xFFFFFF40]  }
0x428: {  	v57 =	vadd.f32 v50, v34;
	v54 =	vadd.f32 v40, v34;
	v40 =	vld [tilespmem:s29+$0xFFFFFF20];
	v41 =	vadd.s32 v41, v33  }
0x429: {  	v0 =	vadd.f32 v0, v32;
	v50 =	vadd.f32 v60, v34;
	v60 =	vadd.s32 v20, v33;
	v45 =	vld [tilespmem:s29+$0xFFFFFF10]  }
0x42a: {  	v42 =	vld [tilespmem:s29+$0xFFFFFF30];
	v58 =	vadd.s32 v15, v33;
	v53 =	vadd.f32 v49, v34;
	v2 =	vadd.s32 v2, v33  }
0x42b: {  	v43 =	vadd.s32 v63, v33;
	v49 =	vld [tilespmem:s29+$0xFFFFFF50];
	v48 =	vadd.f32 v3, v34;
	[tilespmem:v44+s21+$0x0] =	vst.idx.msk $0xffff, v55  }
0x42c: {  	v51 =	vld [tilespmem:s29+$0xFFFFFFB0];
	v47 =	vadd.f32 v47, v34;
	v3 =	vadd.f32 v39, v32;
	[tilespmem:v52+s21+$0x0] =	vst.idx.msk $0xffff, v0  }
0x42d: {  	v56 =	vld [tilespmem:s29+$0xFFFFFFD0];
	v44 =	vadd.f32 v46, v34;
	[tilespmem:v41+s21+$0x0] =	vst.idx.msk $0xffff, v57;
	v57 =	vadd.s32 v6, v33  }
0x42e: {  	v55 =	vld [tilespmem:s29+$0xFFFFFF90];
	v46 =	vadd.f32 v45, v32;
	v41 =	vadd.f32 v40, v34;
	[tilespmem:v60+s21+$0x0] =	vst.idx.msk $0xffff, v3  }
0x42f: {  	s12 =	simm.s32 $0x0;
	s13 =	simm.s32 $0xB700;
	v39 =	vadd.s32 $0x10, v33;
	v52 =	vld [tilespmem:s29+$0xFFFFFF70];
	v60 =	vadd.f32 v1, v32;
	[tilespmem:v2+s21+$0x0] =	vst.idx.msk $0xffff, v59;
	v59 =	vadd.s32 v5, v33  }
.LBB2_13:
0x430: {  	_ = 	snop  }
0x431: {  	v45 =	vld [tilespmem:s13+$0x50];
	[tilespmem:v43+s21+$0x0] =	vst.idx.msk $0xffff, v54;
	v43 =	vadd.s32 v17, v33  }
0x432: {  	v40 =	vld [tilespmem:s13+$0x10];
	[tilespmem:v57+s21+$0x0] =	vst.idx.msk $0xffff, v53;
	v57 =	vadd.s32 v14, v33  }
0x433: {  	v53 =	vld [tilespmem:s13+$0xB0];
	v54 =	vadd.s32 v19, v33  }
0x434: {  	[tilespmem:v38+s21+$0x0] =	vst.idx.msk $0xffff, v60;
	v60 =	vld [tilespmem:s13+$0x70]  }
0x435: {  	[tilespmem:v59+s21+$0x0] =	vst.idx.msk $0xffff, v50;
	v50 =	vld [tilespmem:s13+$0xF0]  }
0x436: {  	v0 =	vadd.s32 v62, v39;
	v1 =	vadd.s32 v9, v33;
	v59 =	vld [tilespmem:s13+$0xD0];
	[tilespmem:v43+s21+$0x0] =	vst.idx.msk $0xffff, v48  }
0x437: {  	v2 =	vadd.s32 v61, v33;
	v3 =	vadd.f32 v37, v32;
	v48 =	vld [tilespmem:$0x1FFC0];
	[tilespmem:v57+s21+$0x0] =	vst.idx.msk $0xffff, v47  }
0x438: {  	v62 =	vadd.f32 v56, v32;
	v56 =	vadd.s32 v12, v33;
	v57 =	vld [tilespmem:s13+$0xA0];
	[tilespmem:v54+s21+$0x0] =	vst.idx.msk $0xffff, v41  }
0x439: {  	v37 =	vadd.s32 v18, v33;
	v42 =	vadd.f32 v42, v32;
	v41 =	vld [tilespmem:s13+$0x20];
	[tilespmem:v58+s21+$0x0] =	vst.idx.msk $0xffff, v3  }
0x43a: {  	v36 =	vadd.f32 v36, v34;
	v3 =	vld [tilespmem:s13+$0x30];
	[tilespmem:v35+s21+$0x0] =	vst.idx.msk $0xffff, v62;
	v58 =	vadd.s32 v10, v33  }
0x43b: {  	v61 =	vadd.s32 v11, v33;
	v55 =	vadd.f32 v55, v32;
	v35 =	vmov v0;
	v0 =	vld [tilespmem:s13+$0x90];
	[tilespmem:v1+s21+$0x0] =	vst.idx.msk $0xffff, v42  }
0x43c: {  	v51 =	vadd.f32 v51, v32;
	v1 =	vld [tilespmem:s13+$0x0];
	[tilespmem:v2+s21+$0x0] =	vst.idx.msk $0xffff, v36  }
0x43d: {  	v62 =	vadd.f32 v52, v32;
	[tilespmem:v56+s21+$0x0] =	vst.idx.msk $0xffff, v55;
	v55 =	vld [tilespmem:s13+$0xE0]  }
0x43e: {  	[tilespmem:v37+s21+$0x0] =	vst.idx.msk $0xffff, v51;
	v37 =	vld [tilespmem:s13+$0xFFFFFFF0];
	v51 =	vadd.s32 v7, v33  }
0x43f: {  	v49 =	vadd.f32 v49, v32;
	v56 =	vld [tilespmem:s13+$0xC0];
	[tilespmem:v58+s21+$0x0] =	vst.idx.msk $0xffff, v62;
	v58 =	vadd.s32 v31, v39  }
0x440: {  	v43 =	vadd.s32 v63, v39;
	v2 =	vadd.s32 v8, v33;
	[tilespmem:v61+s21+$0x0] =	vst.idx.msk $0xffff, v44;
	v44 =	vld [tilespmem:s13+$0x80]  }
0x441: {  	v47 =	vadd.s32 v23, v39;
	v53 =	vadd.f32 v53, v32;
	v36 =	vld [tilespmem:s13+$0xFFFFFF00];
	v62 =	vadd.s32 v29, v39  }
0x442: {  	v63 =	vadd.s32 v4, v39;
	v42 =	vadd.f32 v57, v34;
	v57 =	vld [tilespmem:s13+$0xFFFFFFC0];
	v55 =	vadd.f32 v55, v34  }
0x443: {  	v45 =	vadd.f32 v45, v32;
	v38 =	vadd.s32 v48, v39;
	[tilespmem:v51+s21+$0x0] =	vst.idx.msk $0xffff, v49;
	v49 =	vld [tilespmem:s13+$0x60]  }
0x444: {  	v48 =	vadd.s32 v25, v39;
	v54 =	vadd.f32 v56, v34;
	[tilespmem:v58+s21+$0x0] =	vst.idx.msk $0xffff, v55;
	v55 =	vld [tilespmem:s13+$0xFFFFFFE0]  }
0x445: {  	v50 =	vadd.f32 v50, v32;
	[tilespmem:v2+s21+$0x0] =	vst.idx.msk $0xffff, v46;
	v2 =	vld [tilespmem:s13+$0x40];
	v46 =	vadd.s32 v27, v39  }
0x446: {  	v52 =	vadd.s32 v22, v39;
	v51 =	vadd.s32 v30, v39;
	[tilespmem:v62+s21+$0x0] =	vst.idx.msk $0xffff, v54;
	v62 =	vld [tilespmem:s13+$0xFFFFFF20]  }
0x447: {  	v61 =	vadd.s32 v28, v39;
	v44 =	vadd.f32 v44, v34;
	[tilespmem:v63+s21+$0x0] =	vst.idx.msk $0xffff, v50;
	v50 =	vld [tilespmem:s13+$0xFFFFFFA0]  }
0x448: {  	v41 =	vadd.f32 v41, v34;
	v0 =	vadd.f32 v0, v32;
	v58 =	vadd.s32 v26, v39;
	v63 =	vld [tilespmem:$0x1FFB0]  }
0x449: {  	v56 =	vadd.f32 v59, v32;
	[tilespmem:v48+s21+$0x0] =	vst.idx.msk $0xffff, v44;
	v54 =	vadd.f32 v55, v34;
	v55 =	vld [tilespmem:$0x1FFE0]  }
0x44a: {  	v1 =	vadd.f32 v1, v34;
	v59 =	vadd.s32 v21, v39;
	[tilespmem:v46+s21+$0x0] =	vst.idx.msk $0xffff, v42;
	v42 =	vld [tilespmem:s13+$0xFFFFFF80]  }
0x44b: {  	v49 =	vadd.f32 v49, v34;
	v2 =	vadd.f32 v2, v34;
	[tilespmem:v51+s21+$0x0] =	vst.idx.msk $0xffff, v56;
	v56 =	vld [tilespmem:s13+$0xFFFFFF60]  }
0x44c: {  	v46 =	vadd.s32 v24, v39;
	v51 =	vld [tilespmem:s13+$0xFFFFFFB0];
	[tilespmem:v61+s21+$0x0] =	vst.idx.msk $0xffff, v53;
	v53 =	vadd.f32 v57, v34  }
0x44d: {  	v61 =	vld [tilespmem:s13+$0xFFFFFF40];
	v57 =	vadd.f32 v60, v32;
	[tilespmem:v58+s21+$0x0] =	vst.idx.msk $0xffff, v0;
	v63 =	vadd.s32 v63, v39  }
0x44e: {  	s12 =	sadd.s32 $0x10, s12;
	v60 =	vadd.s32 v20, v39;
	v0 =	vld [tilespmem:s13+$0xFFFFFF10];
	[tilespmem:v47+s21+$0x0] =	vst.idx.msk $0xffff, v49;
	v55 =	vadd.s32 v55, v39  }
0x44f: {  	p2 =	slt.u32 s12, $0x70;
	v33 =	vmov v39;
	[tilespmem:v59+s21+$0x0] =	vst.idx.msk $0xffff, v2;
	v49 =	vld [tilespmem:s13+$0xFFFFFF50];
	v2 =	vadd.f32 v3, v32;
	v58 =	vadd.s32 v15, v39  }
.Ltmp7:
0x450: {  	v59 =	vadd.s32 v5, v33;
	v50 =	vadd.f32 v50, v34;
	[tilespmem:v52+s21+$0x0] =	vst.idx.msk $0xffff, v45;
	v52 =	vld [tilespmem:s13+$0xFFFFFF70];
	(pc) =	sbr.rel @p2 .LBB2_13-.Ltmp7, $4  }
0x451: {  	v48 =	vadd.f32 v42, v34;
	[tilespmem:v46+s21+$0x0] =	vst.idx.msk $0xffff, v57;
	v42 =	vld [tilespmem:s13+$0xFFFFFF30];
	v47 =	vadd.f32 v56, v34  }
0x452: {  	v56 =	vld [tilespmem:s13+$0xFFFFFFD0];
	v57 =	vadd.s32 v6, v39;
	v44 =	vadd.f32 v61, v34;
	[tilespmem:v63+s21+$0x0] =	vst.idx.msk $0xffff, v1  }
0x453: {  	v61 =	vld [tilespmem:$0x1FF00];
	v46 =	vadd.f32 v0, v32;
	v39 =	vadd.s32 $0x10, v39;
	v63 =	vmov v16;
	[tilespmem:v55+s21+$0x0] =	vst.idx.msk $0xffff, v41  }
0x454: {  	v41 =	vadd.f32 v62, v34;
	v62 =	vmov v13;
	v55 =	vld [tilespmem:s13+$0xFFFFFF90];
	s13 =	sadd.s32 $0x200, s13;
	[tilespmem:v60+s21+$0x0] =	vst.idx.msk $0xffff, v2;
	v60 =	vadd.f32 v40, v32  }
0x455: {  	_ =	sdelay $0x3  }
0x456: {  	[tilespmem:v43+s21+$0x0] =	vst.idx.msk $0xffff, v54  }
0x457: {  	v2 =	vadd.s32 v18, v33;
	[tilespmem:v57+s21+$0x0] =	vst.idx.msk $0xffff, v53  }
0x458: {  	v1 =	vadd.f32 v37, v32;
	v57 =	vadd.s32 v17, v33;
	[tilespmem:v59+s21+$0x0] =	vst.idx.msk $0xffff, v50  }
0x459: {  	v40 =	vadd.s32 v14, v33;
	[tilespmem:v38+s21+$0x0] =	vst.idx.msk $0xffff, v60;
	v3 =	vadd.f32 v56, v32  }
0x45a: {  	v43 =	vadd.f32 v51, v32;
	v50 =	vadd.s32 v11, v33;
	[tilespmem:v58+s21+$0x0] =	vst.idx.msk $0xffff, v1  }
0x45b: {  	v60 =	vadd.s32 v12, v33;
	[tilespmem:v35+s21+$0x0] =	vst.idx.msk $0xffff, v3  }
0x45c: {  	v45 =	vadd.s32 v10, v33;
	[tilespmem:v2+s21+$0x0] =	vst.idx.msk $0xffff, v43  }
0x45d: {  	v51 =	vadd.s32 v7, v33;
	[tilespmem:v57+s21+$0x0] =	vst.idx.msk $0xffff, v48  }
0x45e: {  	v0 =	vadd.s32 v61, v33;
	v3 =	vadd.f32 v55, v32;
	[tilespmem:v40+s21+$0x0] =	vst.idx.msk $0xffff, v47  }
0x45f: {  	v53 =	vadd.s32 v8, v33;
	v54 =	vadd.f32 v52, v32;
	[tilespmem:v50+s21+$0x0] =	vst.idx.msk $0xffff, v44  }
0x460: {  	v56 =	vadd.f32 v49, v32;
	[tilespmem:v60+s21+$0x0] =	vst.idx.msk $0xffff, v3;
	v3 =	vadd.s32 v19, v33  }
0x461: {  	v58 =	vadd.f32 v36, v34;
	v55 =	vadd.s32 v9, v33;
	[tilespmem:v45+s21+$0x0] =	vst.idx.msk $0xffff, v54  }
0x462: {  	[tilespmem:v51+s21+$0x0] =	vst.idx.msk $0xffff, v56  }
0x463: {  	s7 =	sshll.u32 s7, $0x11;
	[tilespmem:v0+s21+$0x0] =	vst.idx.msk $0xffff, v58  }
0x464: {  	s7 =	sor.u32 s8, s7;
	v57 =	vadd.f32 v42, v32;
	[tilespmem:v53+s21+$0x0] =	vst.idx.msk $0xffff, v46  }
0x465: {  	s7 =	sshrl.u32 s7, $0x3;
	[tilespmem:v3+s21+$0x0] =	vst.idx.msk $0xffff, v41  }
0x466: {  	s12 =	sadd.s32 s2, s7;
	[tilespmem:v55+s21+$0x0] =	vst.idx.msk $0xffff, v57  }
0x467: {  	[hbm4b:s12+s3] =	stream.linear.scatter [tilespmem:s21], [sflag:$0x2], $0x80, $0x38;
	[tilespmem:$0x18500] =	vst v63  }
0x468: {  	s29 =	simm.s32 $0x13988;
	s13 =	sadd.s32 $0x10, s12  }
0x469: {  	[hbm4b:s13+s3] =	stream.linear.scatter [tilespmem:s29], [sflag:$0x2], $0x80, $0x38;
	[tilespmem:$0x18500] =	vst v63  }
0x46a: {  	s13 =	sadd.s32 $0x20, s12;
	s29 =	simm.s32 $0x13A10  }
0x46b: {  	[hbm4b:s13+s3] =	stream.linear.scatter [tilespmem:s29], [sflag:$0x2], $0x80, $0x38;
	[tilespmem:$0x18500] =	vst v63  }
0x46c: {  	s13 =	sadd.s32 $0x30, s12;
	s29 =	simm.s32 $0x13A98  }
0x46d: {  	[hbm4b:s13+s3] =	stream.linear.scatter [tilespmem:s29], [sflag:$0x2], $0x80, $0x38;
	[tilespmem:$0x18500] =	vst v63  }
0x46e: {  	s13 =	sadd.s32 $0x40, s12;
	s29 =	simm.s32 $0x13B20  }
0x46f: {  	[hbm4b:s13+s3] =	stream.linear.scatter [tilespmem:s29], [sflag:$0x2], $0x80, $0x38;
	[tilespmem:$0x18500] =	vst v63  }
0x470: {  	s13 =	sadd.s32 $0x50, s12;
	s29 =	simm.s32 $0x13BA8  }
0x471: {  	[hbm4b:s13+s3] =	stream.linear.scatter [tilespmem:s29], [sflag:$0x2], $0x80, $0x38;
	[tilespmem:$0x18500] =	vst v63  }
0x472: {  	s13 =	sadd.s32 $0x60, s12;
	s29 =	simm.s32 $0x13C30  }
0x473: {  	[hbm4b:s13+s3] =	stream.linear.scatter [tilespmem:s29], [sflag:$0x2], $0x80, $0x38;
	[tilespmem:$0x18500] =	vst v63  }
0x474: {  	s12 =	sadd.s32 $0x70, s12;
	s29 =	simm.s32 $0x13CB8  }
0x475: {  	[hbm4b:s12+s3] =	stream.linear.scatter [tilespmem:s29], [sflag:$0x2], $0x80, $0x38;
	[tilespmem:$0x18500] =	vst v63  }
0x476: {  	s12 =	sadd.s32 s7, s9;
	s29 =	simm.s32 $0x13D40  }
0x477: {  	[hbm4b:s12+s3] =	stream.linear.scatter [tilespmem:s29], [sflag:$0x2], $0x80, $0x38;
	[tilespmem:$0x18500] =	vst v63  }
0x478: {  	s13 =	sadd.s32 $0x10, s12;
	s29 =	simm.s32 $0x13DC8  }
0x479: {  	[hbm4b:s13+s3] =	stream.linear.scatter [tilespmem:s29], [sflag:$0x2], $0x80, $0x38;
	[tilespmem:$0x18500] =	vst v63  }
0x47a: {  	s13 =	sadd.s32 $0x20, s12;
	s29 =	simm.s32 $0x13E50  }
0x47b: {  	[hbm4b:s13+s3] =	stream.linear.scatter [tilespmem:s29], [sflag:$0x2], $0x80, $0x38;
	[tilespmem:$0x18500] =	vst v63  }
0x47c: {  	s13 =	sadd.s32 $0x30, s12;
	s29 =	simm.s32 $0x13ED8  }
0x47d: {  	[hbm4b:s13+s3] =	stream.linear.scatter [tilespmem:s29], [sflag:$0x2], $0x80, $0x38;
	[tilespmem:$0x18500] =	vst v63  }
0x47e: {  	s13 =	sadd.s32 $0x40, s12;
	s29 =	simm.s32 $0x13F60  }
0x47f: {  	[hbm4b:s13+s3] =	stream.linear.scatter [tilespmem:s29], [sflag:$0x2], $0x80, $0x38;
	[tilespmem:$0x18500] =	vst v63  }
0x480: {  	s13 =	sadd.s32 $0x50, s12;
	s29 =	simm.s32 $0x13FE8  }
0x481: {  	[hbm4b:s13+s3] =	stream.linear.scatter [tilespmem:s29], [sflag:$0x2], $0x80, $0x38;
	[tilespmem:$0x18500] =	vst v63  }
0x482: {  	s13 =	sadd.s32 $0x60, s12;
	s29 =	simm.s32 $0x14070  }
0x483: {  	[hbm4b:s13+s3] =	stream.linear.scatter [tilespmem:s29], [sflag:$0x2], $0x80, $0x38;
	[tilespmem:$0x18500] =	vst v63  }
0x484: {  	s12 =	sadd.s32 $0x70, s12;
	s29 =	simm.s32 $0x140F8  }
0x485: {  	[hbm4b:s12+s3] =	stream.linear.scatter [tilespmem:s29], [sflag:$0x2], $0x80, $0x38;
	[tilespmem:$0x18500] =	vst v63  }
0x486: {  	s12 =	sadd.s32 s7, s10;
	s29 =	simm.s32 $0x14180  }
0x487: {  	[hbm4b:s12+s3] =	stream.linear.scatter [tilespmem:s29], [sflag:$0x2], $0x80, $0x38;
	[tilespmem:$0x18500] =	vst v63  }
0x488: {  	s13 =	sadd.s32 $0x10, s12;
	s29 =	simm.s32 $0x14208  }
0x489: {  	[hbm4b:s13+s3] =	stream.linear.scatter [tilespmem:s29], [sflag:$0x2], $0x80, $0x38;
	[tilespmem:$0x18500] =	vst v63  }
0x48a: {  	s13 =	sadd.s32 $0x20, s12;
	s29 =	simm.s32 $0x14290  }
0x48b: {  	[hbm4b:s13+s3] =	stream.linear.scatter [tilespmem:s29], [sflag:$0x2], $0x80, $0x38;
	[tilespmem:$0x18500] =	vst v63  }
0x48c: {  	s13 =	sadd.s32 $0x30, s12;
	s29 =	simm.s32 $0x14318  }
0x48d: {  	[hbm4b:s13+s3] =	stream.linear.scatter [tilespmem:s29], [sflag:$0x2], $0x80, $0x38;
	[tilespmem:$0x18500] =	vst v63  }
0x48e: {  	s13 =	sadd.s32 $0x40, s12;
	s29 =	simm.s32 $0x143A0  }
0x48f: {  	[hbm4b:s13+s3] =	stream.linear.scatter [tilespmem:s29], [sflag:$0x2], $0x80, $0x38;
	[tilespmem:$0x18500] =	vst v63  }
0x490: {  	s13 =	sadd.s32 $0x50, s12;
	s29 =	simm.s32 $0x14428  }
0x491: {  	[hbm4b:s13+s3] =	stream.linear.scatter [tilespmem:s29], [sflag:$0x2], $0x80, $0x38;
	[tilespmem:$0x18500] =	vst v63  }
0x492: {  	s13 =	sadd.s32 $0x60, s12;
	s29 =	simm.s32 $0x144B0  }
0x493: {  	[hbm4b:s13+s3] =	stream.linear.scatter [tilespmem:s29], [sflag:$0x2], $0x80, $0x38;
	[tilespmem:$0x18500] =	vst v63  }
0x494: {  	s12 =	sadd.s32 $0x70, s12;
	s29 =	simm.s32 $0x14538  }
0x495: {  	[hbm4b:s12+s3] =	stream.linear.scatter [tilespmem:s29], [sflag:$0x2], $0x80, $0x38;
	[tilespmem:$0x18500] =	vst v63  }
0x496: {  	s7 =	sadd.s32 s7, s11;
	s29 =	simm.s32 $0x145C0  }
0x497: {  	[hbm4b:s7+s3] =	stream.linear.scatter [tilespmem:s29], [sflag:$0x2], $0x80, $0x38;
	[tilespmem:$0x18500] =	vst v63  }
0x498: {  	s13 =	sadd.s32 $0x10, s7;
	s29 =	simm.s32 $0x14648  }
0x499: {  	[hbm4b:s13+s3] =	stream.linear.scatter [tilespmem:s29], [sflag:$0x2], $0x80, $0x38;
	[tilespmem:$0x18500] =	vst v63  }
0x49a: {  	s13 =	sadd.s32 $0x20, s7;
	s29 =	simm.s32 $0x146D0  }
0x49b: {  	[hbm4b:s13+s3] =	stream.linear.scatter [tilespmem:s29], [sflag:$0x2], $0x80, $0x38;
	[tilespmem:$0x18500] =	vst v63  }
0x49c: {  	s13 =	sadd.s32 $0x30, s7;
	s29 =	simm.s32 $0x14758  }
0x49d: {  	[hbm4b:s13+s3] =	stream.linear.scatter [tilespmem:s29], [sflag:$0x2], $0x80, $0x38;
	[tilespmem:$0x18500] =	vst v63  }
0x49e: {  	s13 =	sadd.s32 $0x40, s7;
	s29 =	simm.s32 $0x147E0  }
0x49f: {  	[hbm4b:s13+s3] =	stream.linear.scatter [tilespmem:s29], [sflag:$0x2], $0x80, $0x38;
	[tilespmem:$0x18500] =	vst v63  }
0x4a0: {  	s13 =	sadd.s32 $0x50, s7;
	s29 =	simm.s32 $0x14868  }
0x4a1: {  	[hbm4b:s13+s3] =	stream.linear.scatter [tilespmem:s29], [sflag:$0x2], $0x80, $0x38;
	[tilespmem:$0x18500] =	vst v63  }
0x4a2: {  	s13 =	sadd.s32 $0x60, s7;
	s29 =	simm.s32 $0x148F0  }
0x4a3: {  	[hbm4b:s13+s3] =	stream.linear.scatter [tilespmem:s29], [sflag:$0x2], $0x80, $0x38;
	[tilespmem:$0x18500] =	vst v63  }
0x4a4: {  	s7 =	sadd.s32 $0x70, s7;
	s13 =	simm.s32 $0x14978  }
0x4a5: {  	[hbm4b:s7+s3] =	stream.linear.scatter [tilespmem:s13], [sflag:$0x2], $0x80, $0x38;
	[tilespmem:$0x18500] =	vst v63  }
0x4a6: {  	s12 =	simm.s32 @!p1 $0x80;
	s7 =	sadd.s32 @!p1 $0x680, s6;
	s13 =	simm.s32 @!p1 $0xB400  }
0x4a7: {  	[tilespmem:s13], [sflag:$0x1] =	stream.indirect.gather @!p1 [hbm4b:s4+s12], $0x20, s7, s12, $0xb8;
	[tilespmem:$0x18500] =	vst v63  }
0x4a8: {  	_ =	swait.ge [sflag:s1], $0x1000  }
0x4a9: {  	[sflag:s1] =	ssyncset.done $0x0  }
0x4aa: {  	s12 =	simm.s32 @!p0 $0x2;
	[sflag:s1] =	ssyncadd.s32 $0xFFFFF000  }
0x4ab: {  	_ =	swait.ge @!p0 [sflag:s12], $0x400  }
0x4ac: {  	[sflag:s12] =	ssyncset.done @!p0 $0x0  }
0x4ad: {  	[sflag:s12] =	ssyncadd.s32 @!p0 $0xFFFFFC00  }
0x4ae: {  	_ =	swait.ge @!p0 [sflag:s12], $0x400  }
0x4af: {  	[sflag:s12] =	ssyncset.done @!p0 $0x0  }
0x4b0: {  	[sflag:s12] =	ssyncadd.s32 @!p0 $0xFFFFFC00  }
0x4b1: {  	_ =	swait.ge @!p0 [sflag:s12], $0x400  }
0x4b2: {  	[sflag:s12] =	ssyncset.done @!p0 $0x0  }
0x4b3: {  	[sflag:s12] =	ssyncadd.s32 @!p0 $0xFFFFFC00  }
0x4b4: {  	s7 =	sor.u32 $0x6, s31;
	_ =	swait.ge @!p0 [sflag:s12], $0x400  }
0x4b5: {  	s29 =	sshll.u32 s7, $0x5;
	[sflag:s12] =	ssyncset.done @!p0 $0x0  }
0x4b6: {  	s13 =	sand.u32 $0x3FFFFFE0, s29;
	v56 =	vld [tilespmem:$0x1FFC0];
	[sflag:s12] =	ssyncadd.s32 @!p0 $0xFFFFFC00  }
0x4b7: {  	v34 =	vld [tilespmem:s13+$0x16C00]  }
0x4b8: {  	s29 =	simm.s32 $0xC500;
	v32 =	vld [tilespmem:s13+$0x16C10]  }
0x4b9: {  	v0 =	vld [tilespmem:s29+$0x50]  }
0x4ba: {  	v1 =	vld [tilespmem:s29+$0x10]  }
0x4bb: {  	v2 =	vld [tilespmem:s29+$0x70]  }
0x4bc: {  	v3 =	vld [tilespmem:s29+$0xB0]  }
0x4bd: {  	v39 =	vld [tilespmem:s29+$0x30]  }
0x4be: {  	v40 =	vld [tilespmem:s29+$0xF0]  }
0x4bf: {  	v58 =	vld [tilespmem:s29+$0xE0]  }
0x4c0: {  	v33 =	vimm.s32 $0x0;
	v59 =	vld [tilespmem:s29+$0xC0]  }
0x4c1: {  	v44 =	vadd.s32 v31, v33;
	v45 =	vld [tilespmem:s29+$0xA0]  }
0x4c2: {  	v46 =	vadd.s32 v29, v33;
	v42 =	vld [tilespmem:s29+$0xD0]  }
0x4c3: {  	v47 =	vadd.s32 v4, v33;
	v48 =	vld [tilespmem:s29+$0x80]  }
0x4c4: {  	v49 =	vadd.s32 v27, v33;
	v41 =	vld [tilespmem:s29+$0x90];
	v60 =	vadd.f32 v58, v34  }
0x4c5: {  	v37 =	vld [tilespmem:s29+$0xFFFFFFF0];
	v43 =	vadd.f32 v59, v34;
	v58 =	vadd.s32 v30, v33;
	v40 =	vadd.f32 v40, v32  }
0x4c6: {  	v36 =	vld [tilespmem:s29+$0xFFFFFF00];
	v45 =	vadd.f32 v45, v34;
	[tilespmem:v44+s20+$0x0] =	vst.idx.msk $0xffff, v60;
	v44 =	vadd.s32 v28, v33  }
0x4c7: {  	v57 =	vld [tilespmem:s29+$0x60];
	v42 =	vadd.f32 v42, v32;
	[tilespmem:v46+s20+$0x0] =	vst.idx.msk $0xffff, v43;
	v43 =	vadd.s32 v25, v33  }
0x4c8: {  	v50 =	vld [tilespmem:s29+$0x20];
	[tilespmem:v47+s20+$0x0] =	vst.idx.msk $0xffff, v40;
	v47 =	vadd.f32 v48, v34;
	v48 =	vadd.s32 v26, v33  }
0x4c9: {  	v59 =	vld [tilespmem:s29+$0x40];
	v3 =	vadd.f32 v3, v32;
	[tilespmem:v49+s20+$0x0] =	vst.idx.msk $0xffff, v45;
	v45 =	vadd.s32 v23, v33  }
0x4ca: {  	v38 =	vadd.s32 v56, v33;
	v56 =	vadd.s32 v24, v33;
	v46 =	vld [tilespmem:s29+$0x0];
	[tilespmem:v58+s20+$0x0] =	vst.idx.msk $0xffff, v42  }
0x4cb: {  	v41 =	vadd.f32 v41, v32;
	v49 =	vld [tilespmem:s29+$0xFFFFFFC0];
	[tilespmem:v44+s20+$0x0] =	vst.idx.msk $0xffff, v3  }
0x4cc: {  	v51 =	vadd.f32 v57, v34;
	v60 =	vld [tilespmem:s29+$0xFFFFFFA0];
	[tilespmem:v43+s20+$0x0] =	vst.idx.msk $0xffff, v47  }
0x4cd: {  	v2 =	vadd.f32 v2, v32;
	v40 =	vld [tilespmem:s29+$0xFFFFFFE0];
	[tilespmem:v48+s20+$0x0] =	vst.idx.msk $0xffff, v41  }
0x4ce: {  	v41 =	vld [tilespmem:$0x1FFE0];
	[tilespmem:v45+s20+$0x0] =	vst.idx.msk $0xffff, v51  }
0x4cf: {  	v3 =	vld [tilespmem:s29+$0xFFFFFF80];
	[tilespmem:v56+s20+$0x0] =	vst.idx.msk $0xffff, v2  }
0x4d0: {  	v2 =	vld [tilespmem:$0x1FFB0]  }
0x4d1: {  	v35 =	vadd.s32 v62, v33;
	v44 =	vadd.s32 v21, v33;
	v47 =	vld [tilespmem:s29+$0xFFFFFF60]  }
0x4d2: {  	v52 =	vadd.s32 v22, v33;
	v55 =	vadd.f32 v59, v34;
	v59 =	vadd.f32 v46, v34;
	v46 =	vld [tilespmem:s29+$0xFFFFFF40]  }
0x4d3: {  	v57 =	vadd.f32 v50, v34;
	v54 =	vadd.f32 v40, v34;
	v40 =	vld [tilespmem:s29+$0xFFFFFF20];
	v41 =	vadd.s32 v41, v33  }
0x4d4: {  	v0 =	vadd.f32 v0, v32;
	v50 =	vadd.f32 v60, v34;
	v60 =	vadd.s32 v20, v33;
	v45 =	vld [tilespmem:s29+$0xFFFFFF10]  }
0x4d5: {  	v42 =	vld [tilespmem:s29+$0xFFFFFF30];
	v58 =	vadd.s32 v15, v33;
	v53 =	vadd.f32 v49, v34;
	v2 =	vadd.s32 v2, v33  }
0x4d6: {  	v43 =	vadd.s32 v63, v33;
	v49 =	vld [tilespmem:s29+$0xFFFFFF50];
	v48 =	vadd.f32 v3, v34;
	[tilespmem:v44+s20+$0x0] =	vst.idx.msk $0xffff, v55  }
0x4d7: {  	v51 =	vld [tilespmem:s29+$0xFFFFFFB0];
	v47 =	vadd.f32 v47, v34;
	v3 =	vadd.f32 v39, v32;
	[tilespmem:v52+s20+$0x0] =	vst.idx.msk $0xffff, v0  }
0x4d8: {  	v56 =	vld [tilespmem:s29+$0xFFFFFFD0];
	v44 =	vadd.f32 v46, v34;
	[tilespmem:v41+s20+$0x0] =	vst.idx.msk $0xffff, v57;
	v57 =	vadd.s32 v6, v33  }
0x4d9: {  	v55 =	vld [tilespmem:s29+$0xFFFFFF90];
	v46 =	vadd.f32 v45, v32;
	v41 =	vadd.f32 v40, v34;
	[tilespmem:v60+s20+$0x0] =	vst.idx.msk $0xffff, v3  }
0x4da: {  	s12 =	simm.s32 $0x0;
	s13 =	simm.s32 $0xC700;
	v39 =	vadd.s32 $0x10, v33;
	v52 =	vld [tilespmem:s29+$0xFFFFFF70];
	v60 =	vadd.f32 v1, v32;
	[tilespmem:v2+s20+$0x0] =	vst.idx.msk $0xffff, v59;
	v59 =	vadd.s32 v5, v33  }
.LBB2_15:
0x4db: {  	_ = 	snop  }
0x4dc: {  	v45 =	vld [tilespmem:s13+$0x50];
	[tilespmem:v43+s20+$0x0] =	vst.idx.msk $0xffff, v54;
	v43 =	vadd.s32 v17, v33  }
0x4dd: {  	v40 =	vld [tilespmem:s13+$0x10];
	[tilespmem:v57+s20+$0x0] =	vst.idx.msk $0xffff, v53;
	v57 =	vadd.s32 v14, v33  }
0x4de: {  	v53 =	vld [tilespmem:s13+$0xB0];
	v54 =	vadd.s32 v19, v33  }
0x4df: {  	[tilespmem:v38+s20+$0x0] =	vst.idx.msk $0xffff, v60;
	v60 =	vld [tilespmem:s13+$0x70]  }
0x4e0: {  	[tilespmem:v59+s20+$0x0] =	vst.idx.msk $0xffff, v50;
	v50 =	vld [tilespmem:s13+$0xF0]  }
0x4e1: {  	v0 =	vadd.s32 v62, v39;
	v1 =	vadd.s32 v9, v33;
	v59 =	vld [tilespmem:s13+$0xD0];
	[tilespmem:v43+s20+$0x0] =	vst.idx.msk $0xffff, v48  }
0x4e2: {  	v2 =	vadd.s32 v61, v33;
	v3 =	vadd.f32 v37, v32;
	v48 =	vld [tilespmem:$0x1FFC0];
	[tilespmem:v57+s20+$0x0] =	vst.idx.msk $0xffff, v47  }
0x4e3: {  	v62 =	vadd.f32 v56, v32;
	v56 =	vadd.s32 v12, v33;
	v57 =	vld [tilespmem:s13+$0xA0];
	[tilespmem:v54+s20+$0x0] =	vst.idx.msk $0xffff, v41  }
0x4e4: {  	v37 =	vadd.s32 v18, v33;
	v42 =	vadd.f32 v42, v32;
	v41 =	vld [tilespmem:s13+$0x20];
	[tilespmem:v58+s20+$0x0] =	vst.idx.msk $0xffff, v3  }
0x4e5: {  	v36 =	vadd.f32 v36, v34;
	v3 =	vld [tilespmem:s13+$0x30];
	[tilespmem:v35+s20+$0x0] =	vst.idx.msk $0xffff, v62;
	v58 =	vadd.s32 v10, v33  }
0x4e6: {  	v61 =	vadd.s32 v11, v33;
	v55 =	vadd.f32 v55, v32;
	v35 =	vmov v0;
	v0 =	vld [tilespmem:s13+$0x90];
	[tilespmem:v1+s20+$0x0] =	vst.idx.msk $0xffff, v42  }
0x4e7: {  	v51 =	vadd.f32 v51, v32;
	v1 =	vld [tilespmem:s13+$0x0];
	[tilespmem:v2+s20+$0x0] =	vst.idx.msk $0xffff, v36  }
0x4e8: {  	v62 =	vadd.f32 v52, v32;
	[tilespmem:v56+s20+$0x0] =	vst.idx.msk $0xffff, v55;
	v55 =	vld [tilespmem:s13+$0xE0]  }
0x4e9: {  	[tilespmem:v37+s20+$0x0] =	vst.idx.msk $0xffff, v51;
	v37 =	vld [tilespmem:s13+$0xFFFFFFF0];
	v51 =	vadd.s32 v7, v33  }
0x4ea: {  	v49 =	vadd.f32 v49, v32;
	v56 =	vld [tilespmem:s13+$0xC0];
	[tilespmem:v58+s20+$0x0] =	vst.idx.msk $0xffff, v62;
	v58 =	vadd.s32 v31, v39  }
0x4eb: {  	v43 =	vadd.s32 v63, v39;
	v2 =	vadd.s32 v8, v33;
	[tilespmem:v61+s20+$0x0] =	vst.idx.msk $0xffff, v44;
	v44 =	vld [tilespmem:s13+$0x80]  }
0x4ec: {  	v47 =	vadd.s32 v23, v39;
	v53 =	vadd.f32 v53, v32;
	v36 =	vld [tilespmem:s13+$0xFFFFFF00];
	v62 =	vadd.s32 v29, v39  }
0x4ed: {  	v63 =	vadd.s32 v4, v39;
	v42 =	vadd.f32 v57, v34;
	v57 =	vld [tilespmem:s13+$0xFFFFFFC0];
	v55 =	vadd.f32 v55, v34  }
0x4ee: {  	v45 =	vadd.f32 v45, v32;
	v38 =	vadd.s32 v48, v39;
	[tilespmem:v51+s20+$0x0] =	vst.idx.msk $0xffff, v49;
	v49 =	vld [tilespmem:s13+$0x60]  }
0x4ef: {  	v48 =	vadd.s32 v25, v39;
	v54 =	vadd.f32 v56, v34;
	[tilespmem:v58+s20+$0x0] =	vst.idx.msk $0xffff, v55;
	v55 =	vld [tilespmem:s13+$0xFFFFFFE0]  }
0x4f0: {  	v50 =	vadd.f32 v50, v32;
	[tilespmem:v2+s20+$0x0] =	vst.idx.msk $0xffff, v46;
	v2 =	vld [tilespmem:s13+$0x40];
	v46 =	vadd.s32 v27, v39  }
0x4f1: {  	v52 =	vadd.s32 v22, v39;
	v51 =	vadd.s32 v30, v39;
	[tilespmem:v62+s20+$0x0] =	vst.idx.msk $0xffff, v54;
	v62 =	vld [tilespmem:s13+$0xFFFFFF20]  }
0x4f2: {  	v61 =	vadd.s32 v28, v39;
	v44 =	vadd.f32 v44, v34;
	[tilespmem:v63+s20+$0x0] =	vst.idx.msk $0xffff, v50;
	v50 =	vld [tilespmem:s13+$0xFFFFFFA0]  }
0x4f3: {  	v41 =	vadd.f32 v41, v34;
	v0 =	vadd.f32 v0, v32;
	v58 =	vadd.s32 v26, v39;
	v63 =	vld [tilespmem:$0x1FFB0]  }
0x4f4: {  	v56 =	vadd.f32 v59, v32;
	[tilespmem:v48+s20+$0x0] =	vst.idx.msk $0xffff, v44;
	v54 =	vadd.f32 v55, v34;
	v55 =	vld [tilespmem:$0x1FFE0]  }
0x4f5: {  	v1 =	vadd.f32 v1, v34;
	v59 =	vadd.s32 v21, v39;
	[tilespmem:v46+s20+$0x0] =	vst.idx.msk $0xffff, v42;
	v42 =	vld [tilespmem:s13+$0xFFFFFF80]  }
0x4f6: {  	v49 =	vadd.f32 v49, v34;
	v2 =	vadd.f32 v2, v34;
	[tilespmem:v51+s20+$0x0] =	vst.idx.msk $0xffff, v56;
	v56 =	vld [tilespmem:s13+$0xFFFFFF60]  }
0x4f7: {  	v46 =	vadd.s32 v24, v39;
	v51 =	vld [tilespmem:s13+$0xFFFFFFB0];
	[tilespmem:v61+s20+$0x0] =	vst.idx.msk $0xffff, v53;
	v53 =	vadd.f32 v57, v34  }
0x4f8: {  	v61 =	vld [tilespmem:s13+$0xFFFFFF40];
	v57 =	vadd.f32 v60, v32;
	[tilespmem:v58+s20+$0x0] =	vst.idx.msk $0xffff, v0;
	v63 =	vadd.s32 v63, v39  }
0x4f9: {  	s12 =	sadd.s32 $0x10, s12;
	v60 =	vadd.s32 v20, v39;
	v0 =	vld [tilespmem:s13+$0xFFFFFF10];
	[tilespmem:v47+s20+$0x0] =	vst.idx.msk $0xffff, v49;
	v55 =	vadd.s32 v55, v39  }
0x4fa: {  	p2 =	slt.u32 s12, $0x70;
	v33 =	vmov v39;
	[tilespmem:v59+s20+$0x0] =	vst.idx.msk $0xffff, v2;
	v49 =	vld [tilespmem:s13+$0xFFFFFF50];
	v2 =	vadd.f32 v3, v32;
	v58 =	vadd.s32 v15, v39  }
.Ltmp8:
0x4fb: {  	v59 =	vadd.s32 v5, v33;
	v50 =	vadd.f32 v50, v34;
	[tilespmem:v52+s20+$0x0] =	vst.idx.msk $0xffff, v45;
	v52 =	vld [tilespmem:s13+$0xFFFFFF70];
	(pc) =	sbr.rel @p2 .LBB2_15-.Ltmp8, $4  }
0x4fc: {  	v48 =	vadd.f32 v42, v34;
	[tilespmem:v46+s20+$0x0] =	vst.idx.msk $0xffff, v57;
	v42 =	vld [tilespmem:s13+$0xFFFFFF30];
	v47 =	vadd.f32 v56, v34  }
0x4fd: {  	v56 =	vld [tilespmem:s13+$0xFFFFFFD0];
	v57 =	vadd.s32 v6, v39;
	v44 =	vadd.f32 v61, v34;
	[tilespmem:v63+s20+$0x0] =	vst.idx.msk $0xffff, v1  }
0x4fe: {  	v61 =	vld [tilespmem:$0x1FF00];
	v46 =	vadd.f32 v0, v32;
	v39 =	vadd.s32 $0x10, v39;
	v63 =	vmov v16;
	[tilespmem:v55+s20+$0x0] =	vst.idx.msk $0xffff, v41  }
0x4ff: {  	v41 =	vadd.f32 v62, v34;
	v62 =	vmov v13;
	v55 =	vld [tilespmem:s13+$0xFFFFFF90];
	s13 =	sadd.s32 $0x200, s13;
	[tilespmem:v60+s20+$0x0] =	vst.idx.msk $0xffff, v2;
	v60 =	vadd.f32 v40, v32  }
0x500: {  	_ =	sdelay $0x3  }
0x501: {  	[tilespmem:v43+s20+$0x0] =	vst.idx.msk $0xffff, v54  }
0x502: {  	v2 =	vadd.s32 v18, v33;
	[tilespmem:v57+s20+$0x0] =	vst.idx.msk $0xffff, v53  }
0x503: {  	v1 =	vadd.f32 v37, v32;
	v57 =	vadd.s32 v17, v33;
	[tilespmem:v59+s20+$0x0] =	vst.idx.msk $0xffff, v50  }
0x504: {  	v40 =	vadd.s32 v14, v33;
	[tilespmem:v38+s20+$0x0] =	vst.idx.msk $0xffff, v60;
	v3 =	vadd.f32 v56, v32  }
0x505: {  	v43 =	vadd.f32 v51, v32;
	v50 =	vadd.s32 v11, v33;
	[tilespmem:v58+s20+$0x0] =	vst.idx.msk $0xffff, v1  }
0x506: {  	v60 =	vadd.s32 v12, v33;
	[tilespmem:v35+s20+$0x0] =	vst.idx.msk $0xffff, v3  }
0x507: {  	v45 =	vadd.s32 v10, v33;
	[tilespmem:v2+s20+$0x0] =	vst.idx.msk $0xffff, v43  }
0x508: {  	v51 =	vadd.s32 v7, v33;
	[tilespmem:v57+s20+$0x0] =	vst.idx.msk $0xffff, v48  }
0x509: {  	v0 =	vadd.s32 v61, v33;
	v3 =	vadd.f32 v55, v32;
	[tilespmem:v40+s20+$0x0] =	vst.idx.msk $0xffff, v47  }
0x50a: {  	v53 =	vadd.s32 v8, v33;
	v54 =	vadd.f32 v52, v32;
	[tilespmem:v50+s20+$0x0] =	vst.idx.msk $0xffff, v44  }
0x50b: {  	v56 =	vadd.f32 v49, v32;
	[tilespmem:v60+s20+$0x0] =	vst.idx.msk $0xffff, v3;
	v3 =	vadd.s32 v19, v33  }
0x50c: {  	v58 =	vadd.f32 v36, v34;
	v55 =	vadd.s32 v9, v33;
	[tilespmem:v45+s20+$0x0] =	vst.idx.msk $0xffff, v54  }
0x50d: {  	[tilespmem:v51+s20+$0x0] =	vst.idx.msk $0xffff, v56  }
0x50e: {  	s7 =	sshll.u32 s7, $0x11;
	[tilespmem:v0+s20+$0x0] =	vst.idx.msk $0xffff, v58  }
0x50f: {  	s7 =	sor.u32 s8, s7;
	v57 =	vadd.f32 v42, v32;
	[tilespmem:v53+s20+$0x0] =	vst.idx.msk $0xffff, v46  }
0x510: {  	s7 =	sshrl.u32 s7, $0x3;
	[tilespmem:v3+s20+$0x0] =	vst.idx.msk $0xffff, v41  }
0x511: {  	s12 =	sadd.s32 s2, s7;
	[tilespmem:v55+s20+$0x0] =	vst.idx.msk $0xffff, v57  }
0x512: {  	[hbm4b:s12+s3] =	stream.linear.scatter [tilespmem:s20], [sflag:$0x2], $0x80, $0x38;
	[tilespmem:$0x18500] =	vst v63  }
0x513: {  	s29 =	simm.s32 $0x14A88;
	s13 =	sadd.s32 $0x10, s12  }
0x514: {  	[hbm4b:s13+s3] =	stream.linear.scatter [tilespmem:s29], [sflag:$0x2], $0x80, $0x38;
	[tilespmem:$0x18500] =	vst v63  }
0x515: {  	s13 =	sadd.s32 $0x20, s12;
	s29 =	simm.s32 $0x14B10  }
0x516: {  	[hbm4b:s13+s3] =	stream.linear.scatter [tilespmem:s29], [sflag:$0x2], $0x80, $0x38;
	[tilespmem:$0x18500] =	vst v63  }
0x517: {  	s13 =	sadd.s32 $0x30, s12;
	s29 =	simm.s32 $0x14B98  }
0x518: {  	[hbm4b:s13+s3] =	stream.linear.scatter [tilespmem:s29], [sflag:$0x2], $0x80, $0x38;
	[tilespmem:$0x18500] =	vst v63  }
0x519: {  	s13 =	sadd.s32 $0x40, s12;
	s29 =	simm.s32 $0x14C20  }
0x51a: {  	[hbm4b:s13+s3] =	stream.linear.scatter [tilespmem:s29], [sflag:$0x2], $0x80, $0x38;
	[tilespmem:$0x18500] =	vst v63  }
0x51b: {  	s13 =	sadd.s32 $0x50, s12;
	s29 =	simm.s32 $0x14CA8  }
0x51c: {  	[hbm4b:s13+s3] =	stream.linear.scatter [tilespmem:s29], [sflag:$0x2], $0x80, $0x38;
	[tilespmem:$0x18500] =	vst v63  }
0x51d: {  	s13 =	sadd.s32 $0x60, s12;
	s29 =	simm.s32 $0x14D30  }
0x51e: {  	[hbm4b:s13+s3] =	stream.linear.scatter [tilespmem:s29], [sflag:$0x2], $0x80, $0x38;
	[tilespmem:$0x18500] =	vst v63  }
0x51f: {  	s12 =	sadd.s32 $0x70, s12;
	s29 =	simm.s32 $0x14DB8  }
0x520: {  	[hbm4b:s12+s3] =	stream.linear.scatter [tilespmem:s29], [sflag:$0x2], $0x80, $0x38;
	[tilespmem:$0x18500] =	vst v63  }
0x521: {  	s12 =	sadd.s32 s7, s9;
	s29 =	simm.s32 $0x14E40  }
0x522: {  	[hbm4b:s12+s3] =	stream.linear.scatter [tilespmem:s29], [sflag:$0x2], $0x80, $0x38;
	[tilespmem:$0x18500] =	vst v63  }
0x523: {  	s13 =	sadd.s32 $0x10, s12;
	s29 =	simm.s32 $0x14EC8  }
0x524: {  	[hbm4b:s13+s3] =	stream.linear.scatter [tilespmem:s29], [sflag:$0x2], $0x80, $0x38;
	[tilespmem:$0x18500] =	vst v63  }
0x525: {  	s13 =	sadd.s32 $0x20, s12;
	s29 =	simm.s32 $0x14F50  }
0x526: {  	[hbm4b:s13+s3] =	stream.linear.scatter [tilespmem:s29], [sflag:$0x2], $0x80, $0x38;
	[tilespmem:$0x18500] =	vst v63  }
0x527: {  	s13 =	sadd.s32 $0x30, s12;
	s29 =	simm.s32 $0x14FD8  }
0x528: {  	[hbm4b:s13+s3] =	stream.linear.scatter [tilespmem:s29], [sflag:$0x2], $0x80, $0x38;
	[tilespmem:$0x18500] =	vst v63  }
0x529: {  	s13 =	sadd.s32 $0x40, s12;
	s29 =	simm.s32 $0x15060  }
0x52a: {  	[hbm4b:s13+s3] =	stream.linear.scatter [tilespmem:s29], [sflag:$0x2], $0x80, $0x38;
	[tilespmem:$0x18500] =	vst v63  }
0x52b: {  	s13 =	sadd.s32 $0x50, s12;
	s29 =	simm.s32 $0x150E8  }
0x52c: {  	[hbm4b:s13+s3] =	stream.linear.scatter [tilespmem:s29], [sflag:$0x2], $0x80, $0x38;
	[tilespmem:$0x18500] =	vst v63  }
0x52d: {  	s13 =	sadd.s32 $0x60, s12;
	s29 =	simm.s32 $0x15170  }
0x52e: {  	[hbm4b:s13+s3] =	stream.linear.scatter [tilespmem:s29], [sflag:$0x2], $0x80, $0x38;
	[tilespmem:$0x18500] =	vst v63  }
0x52f: {  	s12 =	sadd.s32 $0x70, s12;
	s29 =	simm.s32 $0x151F8  }
0x530: {  	[hbm4b:s12+s3] =	stream.linear.scatter [tilespmem:s29], [sflag:$0x2], $0x80, $0x38;
	[tilespmem:$0x18500] =	vst v63  }
0x531: {  	s12 =	sadd.s32 s7, s10;
	s29 =	simm.s32 $0x15280  }
0x532: {  	[hbm4b:s12+s3] =	stream.linear.scatter [tilespmem:s29], [sflag:$0x2], $0x80, $0x38;
	[tilespmem:$0x18500] =	vst v63  }
0x533: {  	s13 =	sadd.s32 $0x10, s12;
	s29 =	simm.s32 $0x15308  }
0x534: {  	[hbm4b:s13+s3] =	stream.linear.scatter [tilespmem:s29], [sflag:$0x2], $0x80, $0x38;
	[tilespmem:$0x18500] =	vst v63  }
0x535: {  	s13 =	sadd.s32 $0x20, s12;
	s29 =	simm.s32 $0x15390  }
0x536: {  	[hbm4b:s13+s3] =	stream.linear.scatter [tilespmem:s29], [sflag:$0x2], $0x80, $0x38;
	[tilespmem:$0x18500] =	vst v63  }
0x537: {  	s13 =	sadd.s32 $0x30, s12;
	s29 =	simm.s32 $0x15418  }
0x538: {  	[hbm4b:s13+s3] =	stream.linear.scatter [tilespmem:s29], [sflag:$0x2], $0x80, $0x38;
	[tilespmem:$0x18500] =	vst v63  }
0x539: {  	s13 =	sadd.s32 $0x40, s12;
	s29 =	simm.s32 $0x154A0  }
0x53a: {  	[hbm4b:s13+s3] =	stream.linear.scatter [tilespmem:s29], [sflag:$0x2], $0x80, $0x38;
	[tilespmem:$0x18500] =	vst v63  }
0x53b: {  	s13 =	sadd.s32 $0x50, s12;
	s29 =	simm.s32 $0x15528  }
0x53c: {  	[hbm4b:s13+s3] =	stream.linear.scatter [tilespmem:s29], [sflag:$0x2], $0x80, $0x38;
	[tilespmem:$0x18500] =	vst v63  }
0x53d: {  	s13 =	sadd.s32 $0x60, s12;
	s29 =	simm.s32 $0x155B0  }
0x53e: {  	[hbm4b:s13+s3] =	stream.linear.scatter [tilespmem:s29], [sflag:$0x2], $0x80, $0x38;
	[tilespmem:$0x18500] =	vst v63  }
0x53f: {  	s12 =	sadd.s32 $0x70, s12;
	s29 =	simm.s32 $0x15638  }
0x540: {  	[hbm4b:s12+s3] =	stream.linear.scatter [tilespmem:s29], [sflag:$0x2], $0x80, $0x38;
	[tilespmem:$0x18500] =	vst v63  }
0x541: {  	s7 =	sadd.s32 s7, s11;
	s29 =	simm.s32 $0x156C0  }
0x542: {  	[hbm4b:s7+s3] =	stream.linear.scatter [tilespmem:s29], [sflag:$0x2], $0x80, $0x38;
	[tilespmem:$0x18500] =	vst v63  }
0x543: {  	s13 =	sadd.s32 $0x10, s7;
	s29 =	simm.s32 $0x15748  }
0x544: {  	[hbm4b:s13+s3] =	stream.linear.scatter [tilespmem:s29], [sflag:$0x2], $0x80, $0x38;
	[tilespmem:$0x18500] =	vst v63  }
0x545: {  	s13 =	sadd.s32 $0x20, s7;
	s29 =	simm.s32 $0x157D0  }
0x546: {  	[hbm4b:s13+s3] =	stream.linear.scatter [tilespmem:s29], [sflag:$0x2], $0x80, $0x38;
	[tilespmem:$0x18500] =	vst v63  }
0x547: {  	s13 =	sadd.s32 $0x30, s7;
	s29 =	simm.s32 $0x15858  }
0x548: {  	[hbm4b:s13+s3] =	stream.linear.scatter [tilespmem:s29], [sflag:$0x2], $0x80, $0x38;
	[tilespmem:$0x18500] =	vst v63  }
0x549: {  	s29 =	sadd.s32 $0x40, s7  }
0x54a: {  	[hbm4b:s29+s3] =	stream.linear.scatter [tilespmem:s15], [sflag:$0x2], $0x80, $0x38;
	[tilespmem:$0x18500] =	vst v63  }
0x54b: {  	s13 =	sadd.s32 $0x50, s7  }
0x54c: {  	[hbm4b:s13+s3] =	stream.linear.scatter [tilespmem:s17], [sflag:$0x2], $0x80, $0x38;
	[tilespmem:$0x18500] =	vst v63  }
0x54d: {  	s29 =	sadd.s32 $0x60, s7  }
0x54e: {  	[hbm4b:s29+s3] =	stream.linear.scatter [tilespmem:s18], [sflag:$0x2], $0x80, $0x38;
	[tilespmem:$0x18500] =	vst v63  }
0x54f: {  	s7 =	sadd.s32 $0x70, s7  }
0x550: {  	[hbm4b:s7+s3] =	stream.linear.scatter [tilespmem:s19], [sflag:$0x2], $0x80, $0x38;
	[tilespmem:$0x18500] =	vst v63  }
0x551: {  	s6 =	sadd.s32 @!p1 $0x700, s6;
	s12 =	simm.s32 @!p1 $0xC400;
	s7 =	simm.s32 @!p1 $0x80  }
0x552: {  	[tilespmem:s12], [sflag:$0x1] =	stream.indirect.gather @!p1 [hbm4b:s4+s7], $0x20, s6, s7, $0xb8;
	[tilespmem:$0x18500] =	vst v63  }
0x553: {  	_ =	swait.ge [sflag:s1], $0x1000  }
0x554: {  	[sflag:s1] =	ssyncset.done $0x0  }
0x555: {  	s7 =	simm.s32 @!p0 $0x2;
	[sflag:s1] =	ssyncadd.s32 $0xFFFFF000  }
0x556: {  	_ =	swait.ge @!p0 [sflag:s7], $0x400  }
0x557: {  	[sflag:s7] =	ssyncset.done @!p0 $0x0  }
0x558: {  	[sflag:s7] =	ssyncadd.s32 @!p0 $0xFFFFFC00  }
0x559: {  	_ =	swait.ge @!p0 [sflag:s7], $0x400  }
0x55a: {  	[sflag:s7] =	ssyncset.done @!p0 $0x0  }
0x55b: {  	[sflag:s7] =	ssyncadd.s32 @!p0 $0xFFFFFC00  }
0x55c: {  	_ =	swait.ge @!p0 [sflag:s7], $0x400  }
0x55d: {  	[sflag:s7] =	ssyncset.done @!p0 $0x0  }
0x55e: {  	[sflag:s7] =	ssyncadd.s32 @!p0 $0xFFFFFC00  }
0x55f: {  	s6 =	sor.u32 $0x7, s31;
	_ =	swait.ge @!p0 [sflag:s7], $0x400  }
0x560: {  	s13 =	sshll.u32 s6, $0x5;
	[sflag:s7] =	ssyncset.done @!p0 $0x0  }
0x561: {  	s29 =	sand.u32 $0x3FFFFFE0, s13;
	v56 =	vld [tilespmem:$0x1FFC0];
	[sflag:s7] =	ssyncadd.s32 @!p0 $0xFFFFFC00  }
0x562: {  	v34 =	vld [tilespmem:s29+$0x16C00]  }
0x563: {  	s31 =	simm.s32 $0xD500;
	v32 =	vld [tilespmem:s29+$0x16C10]  }
0x564: {  	v0 =	vld [tilespmem:s31+$0x50]  }
0x565: {  	v1 =	vld [tilespmem:s31+$0x10]  }
0x566: {  	v2 =	vld [tilespmem:s31+$0x70]  }
0x567: {  	v3 =	vld [tilespmem:s31+$0xB0]  }
0x568: {  	v39 =	vld [tilespmem:s31+$0x30]  }
0x569: {  	v40 =	vld [tilespmem:s31+$0xF0]  }
0x56a: {  	v58 =	vld [tilespmem:s31+$0xE0]  }
0x56b: {  	v33 =	vimm.s32 $0x0;
	v59 =	vld [tilespmem:s31+$0xC0]  }
0x56c: {  	v44 =	vadd.s32 v31, v33;
	v45 =	vld [tilespmem:s31+$0xA0]  }
0x56d: {  	v46 =	vadd.s32 v29, v33;
	v42 =	vld [tilespmem:s31+$0xD0]  }
0x56e: {  	v47 =	vadd.s32 v4, v33;
	v48 =	vld [tilespmem:s31+$0x80]  }
0x56f: {  	v49 =	vadd.s32 v27, v33;
	v41 =	vld [tilespmem:s31+$0x90];
	v60 =	vadd.f32 v58, v34  }
0x570: {  	v37 =	vld [tilespmem:s31+$0xFFFFFFF0];
	v43 =	vadd.f32 v59, v34;
	v58 =	vadd.s32 v30, v33;
	v40 =	vadd.f32 v40, v32  }
0x571: {  	v36 =	vld [tilespmem:s31+$0xFFFFFF00];
	v45 =	vadd.f32 v45, v34;
	[tilespmem:v44+s22+$0x0] =	vst.idx.msk $0xffff, v60;
	v44 =	vadd.s32 v28, v33  }
0x572: {  	v57 =	vld [tilespmem:s31+$0x60];
	v42 =	vadd.f32 v42, v32;
	[tilespmem:v46+s22+$0x0] =	vst.idx.msk $0xffff, v43;
	v43 =	vadd.s32 v25, v33  }
0x573: {  	v50 =	vld [tilespmem:s31+$0x20];
	[tilespmem:v47+s22+$0x0] =	vst.idx.msk $0xffff, v40;
	v47 =	vadd.f32 v48, v34;
	v48 =	vadd.s32 v26, v33  }
0x574: {  	v59 =	vld [tilespmem:s31+$0x40];
	v3 =	vadd.f32 v3, v32;
	[tilespmem:v49+s22+$0x0] =	vst.idx.msk $0xffff, v45;
	v45 =	vadd.s32 v23, v33  }
0x575: {  	v38 =	vadd.s32 v56, v33;
	v56 =	vadd.s32 v24, v33;
	v46 =	vld [tilespmem:s31+$0x0];
	[tilespmem:v58+s22+$0x0] =	vst.idx.msk $0xffff, v42  }
0x576: {  	v41 =	vadd.f32 v41, v32;
	v49 =	vld [tilespmem:s31+$0xFFFFFFC0];
	[tilespmem:v44+s22+$0x0] =	vst.idx.msk $0xffff, v3  }
0x577: {  	v51 =	vadd.f32 v57, v34;
	v60 =	vld [tilespmem:s31+$0xFFFFFFA0];
	[tilespmem:v43+s22+$0x0] =	vst.idx.msk $0xffff, v47  }
0x578: {  	v2 =	vadd.f32 v2, v32;
	v40 =	vld [tilespmem:s31+$0xFFFFFFE0];
	[tilespmem:v48+s22+$0x0] =	vst.idx.msk $0xffff, v41  }
0x579: {  	v41 =	vld [tilespmem:$0x1FFE0];
	[tilespmem:v45+s22+$0x0] =	vst.idx.msk $0xffff, v51  }
0x57a: {  	v3 =	vld [tilespmem:s31+$0xFFFFFF80];
	[tilespmem:v56+s22+$0x0] =	vst.idx.msk $0xffff, v2  }
0x57b: {  	v2 =	vld [tilespmem:$0x1FFB0]  }
0x57c: {  	v35 =	vadd.s32 v62, v33;
	v44 =	vadd.s32 v21, v33;
	v47 =	vld [tilespmem:s31+$0xFFFFFF60]  }
0x57d: {  	v52 =	vadd.s32 v22, v33;
	v55 =	vadd.f32 v59, v34;
	v59 =	vadd.f32 v46, v34;
	v46 =	vld [tilespmem:s31+$0xFFFFFF40]  }
0x57e: {  	v57 =	vadd.f32 v50, v34;
	v54 =	vadd.f32 v40, v34;
	v40 =	vld [tilespmem:s31+$0xFFFFFF20];
	v41 =	vadd.s32 v41, v33  }
0x57f: {  	v0 =	vadd.f32 v0, v32;
	v50 =	vadd.f32 v60, v34;
	v60 =	vadd.s32 v20, v33;
	v45 =	vld [tilespmem:s31+$0xFFFFFF10]  }
0x580: {  	v42 =	vld [tilespmem:s31+$0xFFFFFF30];
	v58 =	vadd.s32 v15, v33;
	v53 =	vadd.f32 v49, v34;
	v2 =	vadd.s32 v2, v33  }
0x581: {  	v43 =	vadd.s32 v63, v33;
	v49 =	vld [tilespmem:s31+$0xFFFFFF50];
	v48 =	vadd.f32 v3, v34;
	[tilespmem:v44+s22+$0x0] =	vst.idx.msk $0xffff, v55  }
0x582: {  	v51 =	vld [tilespmem:s31+$0xFFFFFFB0];
	v47 =	vadd.f32 v47, v34;
	v3 =	vadd.f32 v39, v32;
	[tilespmem:v52+s22+$0x0] =	vst.idx.msk $0xffff, v0  }
0x583: {  	v56 =	vld [tilespmem:s31+$0xFFFFFFD0];
	v44 =	vadd.f32 v46, v34;
	[tilespmem:v41+s22+$0x0] =	vst.idx.msk $0xffff, v57;
	v57 =	vadd.s32 v6, v33  }
0x584: {  	v55 =	vld [tilespmem:s31+$0xFFFFFF90];
	v46 =	vadd.f32 v45, v32;
	v41 =	vadd.f32 v40, v34;
	[tilespmem:v60+s22+$0x0] =	vst.idx.msk $0xffff, v3  }
0x585: {  	s12 =	simm.s32 $0xD700;
	s7 =	simm.s32 $0x0;
	v39 =	vadd.s32 $0x10, v33;
	v52 =	vld [tilespmem:s31+$0xFFFFFF70];
	v60 =	vadd.f32 v1, v32;
	[tilespmem:v2+s22+$0x0] =	vst.idx.msk $0xffff, v59;
	v59 =	vadd.s32 v5, v33  }
.LBB2_17:
0x586: {  	_ = 	snop  }
0x587: {  	v45 =	vld [tilespmem:s12+$0x50];
	[tilespmem:v43+s22+$0x0] =	vst.idx.msk $0xffff, v54;
	v43 =	vadd.s32 v17, v33  }
0x588: {  	v40 =	vld [tilespmem:s12+$0x10];
	[tilespmem:v57+s22+$0x0] =	vst.idx.msk $0xffff, v53;
	v57 =	vadd.s32 v14, v33  }
0x589: {  	v53 =	vld [tilespmem:s12+$0xB0];
	v54 =	vadd.s32 v19, v33  }
0x58a: {  	[tilespmem:v38+s22+$0x0] =	vst.idx.msk $0xffff, v60;
	v60 =	vld [tilespmem:s12+$0x70]  }
0x58b: {  	[tilespmem:v59+s22+$0x0] =	vst.idx.msk $0xffff, v50;
	v50 =	vld [tilespmem:s12+$0xF0]  }
0x58c: {  	v0 =	vadd.s32 v62, v39;
	v1 =	vadd.s32 v9, v33;
	v59 =	vld [tilespmem:s12+$0xD0];
	[tilespmem:v43+s22+$0x0] =	vst.idx.msk $0xffff, v48  }
0x58d: {  	v2 =	vadd.s32 v61, v33;
	v3 =	vadd.f32 v37, v32;
	v48 =	vld [tilespmem:$0x1FFC0];
	[tilespmem:v57+s22+$0x0] =	vst.idx.msk $0xffff, v47  }
0x58e: {  	v62 =	vadd.f32 v56, v32;
	v56 =	vadd.s32 v12, v33;
	v57 =	vld [tilespmem:s12+$0xA0];
	[tilespmem:v54+s22+$0x0] =	vst.idx.msk $0xffff, v41  }
0x58f: {  	v37 =	vadd.s32 v18, v33;
	v42 =	vadd.f32 v42, v32;
	v41 =	vld [tilespmem:s12+$0x20];
	[tilespmem:v58+s22+$0x0] =	vst.idx.msk $0xffff, v3  }
0x590: {  	v36 =	vadd.f32 v36, v34;
	v3 =	vld [tilespmem:s12+$0x30];
	[tilespmem:v35+s22+$0x0] =	vst.idx.msk $0xffff, v62;
	v58 =	vadd.s32 v10, v33  }
0x591: {  	v61 =	vadd.s32 v11, v33;
	v55 =	vadd.f32 v55, v32;
	v35 =	vmov v0;
	v0 =	vld [tilespmem:s12+$0x90];
	[tilespmem:v1+s22+$0x0] =	vst.idx.msk $0xffff, v42  }
0x592: {  	v51 =	vadd.f32 v51, v32;
	v1 =	vld [tilespmem:s12+$0x0];
	[tilespmem:v2+s22+$0x0] =	vst.idx.msk $0xffff, v36  }
0x593: {  	v62 =	vadd.f32 v52, v32;
	[tilespmem:v56+s22+$0x0] =	vst.idx.msk $0xffff, v55;
	v55 =	vld [tilespmem:s12+$0xE0]  }
0x594: {  	[tilespmem:v37+s22+$0x0] =	vst.idx.msk $0xffff, v51;
	v37 =	vld [tilespmem:s12+$0xFFFFFFF0];
	v51 =	vadd.s32 v7, v33  }
0x595: {  	v49 =	vadd.f32 v49, v32;
	v56 =	vld [tilespmem:s12+$0xC0];
	[tilespmem:v58+s22+$0x0] =	vst.idx.msk $0xffff, v62;
	v58 =	vadd.s32 v31, v39  }
0x596: {  	v43 =	vadd.s32 v63, v39;
	v2 =	vadd.s32 v8, v33;
	[tilespmem:v61+s22+$0x0] =	vst.idx.msk $0xffff, v44;
	v44 =	vld [tilespmem:s12+$0x80]  }
0x597: {  	v47 =	vadd.s32 v23, v39;
	v53 =	vadd.f32 v53, v32;
	v36 =	vld [tilespmem:s12+$0xFFFFFF00];
	v62 =	vadd.s32 v29, v39  }
0x598: {  	v63 =	vadd.s32 v4, v39;
	v42 =	vadd.f32 v57, v34;
	v57 =	vld [tilespmem:s12+$0xFFFFFFC0];
	v55 =	vadd.f32 v55, v34  }
0x599: {  	v45 =	vadd.f32 v45, v32;
	v38 =	vadd.s32 v48, v39;
	[tilespmem:v51+s22+$0x0] =	vst.idx.msk $0xffff, v49;
	v49 =	vld [tilespmem:s12+$0x60]  }
0x59a: {  	v48 =	vadd.s32 v25, v39;
	v54 =	vadd.f32 v56, v34;
	[tilespmem:v58+s22+$0x0] =	vst.idx.msk $0xffff, v55;
	v55 =	vld [tilespmem:s12+$0xFFFFFFE0]  }
0x59b: {  	v50 =	vadd.f32 v50, v32;
	[tilespmem:v2+s22+$0x0] =	vst.idx.msk $0xffff, v46;
	v2 =	vld [tilespmem:s12+$0x40];
	v46 =	vadd.s32 v27, v39  }
0x59c: {  	v52 =	vadd.s32 v22, v39;
	v51 =	vadd.s32 v30, v39;
	[tilespmem:v62+s22+$0x0] =	vst.idx.msk $0xffff, v54;
	v62 =	vld [tilespmem:s12+$0xFFFFFF20]  }
0x59d: {  	v61 =	vadd.s32 v28, v39;
	v44 =	vadd.f32 v44, v34;
	[tilespmem:v63+s22+$0x0] =	vst.idx.msk $0xffff, v50;
	v50 =	vld [tilespmem:s12+$0xFFFFFFA0]  }
0x59e: {  	v41 =	vadd.f32 v41, v34;
	v0 =	vadd.f32 v0, v32;
	v58 =	vadd.s32 v26, v39;
	v63 =	vld [tilespmem:$0x1FFB0]  }
0x59f: {  	v56 =	vadd.f32 v59, v32;
	[tilespmem:v48+s22+$0x0] =	vst.idx.msk $0xffff, v44;
	v54 =	vadd.f32 v55, v34;
	v55 =	vld [tilespmem:$0x1FFE0]  }
0x5a0: {  	v1 =	vadd.f32 v1, v34;
	v59 =	vadd.s32 v21, v39;
	[tilespmem:v46+s22+$0x0] =	vst.idx.msk $0xffff, v42;
	v42 =	vld [tilespmem:s12+$0xFFFFFF80]  }
0x5a1: {  	v49 =	vadd.f32 v49, v34;
	v2 =	vadd.f32 v2, v34;
	[tilespmem:v51+s22+$0x0] =	vst.idx.msk $0xffff, v56;
	v56 =	vld [tilespmem:s12+$0xFFFFFF60]  }
0x5a2: {  	v46 =	vadd.s32 v24, v39;
	v51 =	vld [tilespmem:s12+$0xFFFFFFB0];
	[tilespmem:v61+s22+$0x0] =	vst.idx.msk $0xffff, v53;
	v53 =	vadd.f32 v57, v34  }
0x5a3: {  	v61 =	vld [tilespmem:s12+$0xFFFFFF40];
	v57 =	vadd.f32 v60, v32;
	[tilespmem:v58+s22+$0x0] =	vst.idx.msk $0xffff, v0;
	v63 =	vadd.s32 v63, v39  }
0x5a4: {  	s7 =	sadd.s32 $0x10, s7;
	v60 =	vadd.s32 v20, v39;
	v0 =	vld [tilespmem:s12+$0xFFFFFF10];
	[tilespmem:v47+s22+$0x0] =	vst.idx.msk $0xffff, v49;
	v55 =	vadd.s32 v55, v39  }
0x5a5: {  	p0 =	slt.u32 s7, $0x70;
	v33 =	vmov v39;
	[tilespmem:v59+s22+$0x0] =	vst.idx.msk $0xffff, v2;
	v49 =	vld [tilespmem:s12+$0xFFFFFF50];
	v2 =	vadd.f32 v3, v32;
	v58 =	vadd.s32 v15, v39  }
.Ltmp9:
0x5a6: {  	v59 =	vadd.s32 v5, v33;
	v50 =	vadd.f32 v50, v34;
	[tilespmem:v52+s22+$0x0] =	vst.idx.msk $0xffff, v45;
	v52 =	vld [tilespmem:s12+$0xFFFFFF70];
	(pc) =	sbr.rel @p0 .LBB2_17-.Ltmp9, $4  }
0x5a7: {  	v48 =	vadd.f32 v42, v34;
	[tilespmem:v46+s22+$0x0] =	vst.idx.msk $0xffff, v57;
	v42 =	vld [tilespmem:s12+$0xFFFFFF30];
	v47 =	vadd.f32 v56, v34  }
0x5a8: {  	v56 =	vld [tilespmem:s12+$0xFFFFFFD0];
	v57 =	vadd.s32 v6, v39;
	v44 =	vadd.f32 v61, v34;
	[tilespmem:v63+s22+$0x0] =	vst.idx.msk $0xffff, v1  }
0x5a9: {  	v61 =	vld [tilespmem:$0x1FF00];
	v46 =	vadd.f32 v0, v32;
	v39 =	vadd.s32 $0x10, v39;
	v63 =	vmov v16;
	[tilespmem:v55+s22+$0x0] =	vst.idx.msk $0xffff, v41  }
0x5aa: {  	v41 =	vadd.f32 v62, v34;
	v62 =	vmov v13;
	v55 =	vld [tilespmem:s12+$0xFFFFFF90];
	s12 =	sadd.s32 $0x200, s12;
	[tilespmem:v60+s22+$0x0] =	vst.idx.msk $0xffff, v2;
	v60 =	vadd.f32 v40, v32  }
0x5ab: {  	_ =	sdelay $0x1  }
0x5ac: {  	v5 =	vld [tilespmem:$0x1FFE0]  }
0x5ad: {  	v45 =	vld [tilespmem:$0x1FFC0]  }
0x5ae: {  	v39 =	vld [tilespmem:$0x1FFB0];
	[tilespmem:v43+s22+$0x0] =	vst.idx.msk $0xffff, v54  }
0x5af: {  	v2 =	vadd.s32 v18, v33;
	[tilespmem:v57+s22+$0x0] =	vst.idx.msk $0xffff, v53  }
0x5b0: {  	v1 =	vadd.f32 v37, v32;
	v17 =	vadd.s32 v17, v33;
	[tilespmem:v59+s22+$0x0] =	vst.idx.msk $0xffff, v50  }
0x5b1: {  	v50 =	vadd.s32 v14, v33;
	[tilespmem:v38+s22+$0x0] =	vst.idx.msk $0xffff, v60;
	v3 =	vadd.f32 v56, v32  }
0x5b2: {  	v51 =	vadd.f32 v51, v32;
	v54 =	vadd.s32 v11, v33;
	[tilespmem:v58+s22+$0x0] =	vst.idx.msk $0xffff, v1  }
0x5b3: {  	v43 =	vadd.s32 v12, v33;
	[tilespmem:v35+s22+$0x0] =	vst.idx.msk $0xffff, v3  }
0x5b4: {  	v53 =	vadd.s32 v10, v33;
	[tilespmem:v2+s22+$0x0] =	vst.idx.msk $0xffff, v51  }
0x5b5: {  	v56 =	vadd.s32 v7, v33;
	[tilespmem:v17+s22+$0x0] =	vst.idx.msk $0xffff, v48  }
0x5b6: {  	v0 =	vadd.s32 v61, v33;
	v3 =	vadd.f32 v55, v32;
	[tilespmem:v50+s22+$0x0] =	vst.idx.msk $0xffff, v47  }
0x5b7: {  	v57 =	vadd.s32 v8, v33;
	v58 =	vadd.f32 v52, v32;
	[tilespmem:v54+s22+$0x0] =	vst.idx.msk $0xffff, v44  }
0x5b8: {  	v60 =	vadd.f32 v49, v32;
	[tilespmem:v43+s22+$0x0] =	vst.idx.msk $0xffff, v3;
	v3 =	vadd.s32 v19, v33  }
0x5b9: {  	v40 =	vadd.f32 v36, v34;
	v59 =	vadd.s32 v9, v33;
	[tilespmem:v53+s22+$0x0] =	vst.idx.msk $0xffff, v58  }
0x5ba: {  	[tilespmem:v56+s22+$0x0] =	vst.idx.msk $0xffff, v60  }
0x5bb: {  	s6 =	sshll.u32 s6, $0x11;
	[tilespmem:v0+s22+$0x0] =	vst.idx.msk $0xffff, v40  }
0x5bc: {  	s6 =	sor.u32 s8, s6;
	v61 =	vadd.f32 v42, v32;
	[tilespmem:v57+s22+$0x0] =	vst.idx.msk $0xffff, v46  }
0x5bd: {  	s6 =	sshrl.u32 s6, $0x3;
	[tilespmem:v3+s22+$0x0] =	vst.idx.msk $0xffff, v41  }
0x5be: {  	s7 =	sadd.s32 s2, s6;
	[tilespmem:v59+s22+$0x0] =	vst.idx.msk $0xffff, v61  }
0x5bf: {  	[hbm4b:s7+s3] =	stream.linear.scatter [tilespmem:s22], [sflag:$0x2], $0x80, $0x38;
	[tilespmem:$0x18500] =	vst v63  }
0x5c0: {  	s12 =	sadd.s32 $0x10, s7  }
0x5c1: {  	[hbm4b:s12+s3] =	stream.linear.scatter [tilespmem:s23], [sflag:$0x2], $0x80, $0x38;
	[tilespmem:$0x18500] =	vst v63  }
0x5c2: {  	s13 =	simm.s32 $0x15C10;
	s31 =	sadd.s32 $0x20, s7  }
0x5c3: {  	[hbm4b:s31+s3] =	stream.linear.scatter [tilespmem:s13], [sflag:$0x2], $0x80, $0x38;
	[tilespmem:$0x18500] =	vst v63  }
0x5c4: {  	s29 =	sadd.s32 $0x30, s7;
	s31 =	simm.s32 $0x15C98  }
0x5c5: {  	[hbm4b:s29+s3] =	stream.linear.scatter [tilespmem:s31], [sflag:$0x2], $0x80, $0x38;
	[tilespmem:$0x18500] =	vst v63  }
0x5c6: {  	s29 =	sadd.s32 $0x40, s7;
	s31 =	simm.s32 $0x15D20  }
0x5c7: {  	[hbm4b:s29+s3] =	stream.linear.scatter [tilespmem:s31], [sflag:$0x2], $0x80, $0x38;
	[tilespmem:$0x18500] =	vst v63  }
0x5c8: {  	s29 =	sadd.s32 $0x50, s7;
	s31 =	simm.s32 $0x15DA8  }
0x5c9: {  	[hbm4b:s29+s3] =	stream.linear.scatter [tilespmem:s31], [sflag:$0x2], $0x80, $0x38;
	[tilespmem:$0x18500] =	vst v63  }
0x5ca: {  	s13 =	sadd.s32 $0x60, s7;
	s29 =	simm.s32 $0x15E30  }
0x5cb: {  	[hbm4b:s13+s3] =	stream.linear.scatter [tilespmem:s29], [sflag:$0x2], $0x80, $0x38;
	[tilespmem:$0x18500] =	vst v63  }
0x5cc: {  	s7 =	sadd.s32 $0x70, s7;
	s31 =	simm.s32 $0x15EB8  }
0x5cd: {  	[hbm4b:s7+s3] =	stream.linear.scatter [tilespmem:s31], [sflag:$0x2], $0x80, $0x38;
	[tilespmem:$0x18500] =	vst v63  }
0x5ce: {  	s13 =	simm.s32 $0x15F40;
	s7 =	sadd.s32 s6, s9  }
0x5cf: {  	[hbm4b:s7+s3] =	stream.linear.scatter [tilespmem:s13], [sflag:$0x2], $0x80, $0x38;
	[tilespmem:$0x18500] =	vst v63  }
0x5d0: {  	s31 =	simm.s32 $0x15FC8;
	s29 =	sadd.s32 $0x10, s7  }
0x5d1: {  	[hbm4b:s29+s3] =	stream.linear.scatter [tilespmem:s31], [sflag:$0x2], $0x80, $0x38;
	[tilespmem:$0x18500] =	vst v63  }
0x5d2: {  	s29 =	sadd.s32 $0x20, s7;
	s31 =	simm.s32 $0x16050  }
0x5d3: {  	[hbm4b:s29+s3] =	stream.linear.scatter [tilespmem:s31], [sflag:$0x2], $0x80, $0x38;
	[tilespmem:$0x18500] =	vst v63  }
0x5d4: {  	s29 =	sadd.s32 $0x30, s7;
	s31 =	simm.s32 $0x160D8  }
0x5d5: {  	[hbm4b:s29+s3] =	stream.linear.scatter [tilespmem:s31], [sflag:$0x2], $0x80, $0x38;
	[tilespmem:$0x18500] =	vst v63  }
0x5d6: {  	s29 =	sadd.s32 $0x40, s7;
	s31 =	simm.s32 $0x16160  }
0x5d7: {  	[hbm4b:s29+s3] =	stream.linear.scatter [tilespmem:s31], [sflag:$0x2], $0x80, $0x38;
	[tilespmem:$0x18500] =	vst v63  }
0x5d8: {  	s29 =	sadd.s32 $0x50, s7;
	s31 =	simm.s32 $0x161E8  }
0x5d9: {  	[hbm4b:s29+s3] =	stream.linear.scatter [tilespmem:s31], [sflag:$0x2], $0x80, $0x38;
	[tilespmem:$0x18500] =	vst v63  }
0x5da: {  	s13 =	sadd.s32 $0x60, s7;
	s29 =	simm.s32 $0x16270  }
0x5db: {  	[hbm4b:s13+s3] =	stream.linear.scatter [tilespmem:s29], [sflag:$0x2], $0x80, $0x38;
	[tilespmem:$0x18500] =	vst v63  }
0x5dc: {  	s7 =	sadd.s32 $0x70, s7;
	s31 =	simm.s32 $0x162F8  }
0x5dd: {  	[hbm4b:s7+s3] =	stream.linear.scatter [tilespmem:s31], [sflag:$0x2], $0x80, $0x38;
	[tilespmem:$0x18500] =	vst v63  }
0x5de: {  	s13 =	simm.s32 $0x16380;
	s7 =	sadd.s32 s6, s10  }
0x5df: {  	[hbm4b:s7+s3] =	stream.linear.scatter [tilespmem:s13], [sflag:$0x2], $0x80, $0x38;
	[tilespmem:$0x18500] =	vst v63  }
0x5e0: {  	s31 =	simm.s32 $0x16408;
	s29 =	sadd.s32 $0x10, s7  }
0x5e1: {  	[hbm4b:s29+s3] =	stream.linear.scatter [tilespmem:s31], [sflag:$0x2], $0x80, $0x38;
	[tilespmem:$0x18500] =	vst v63  }
0x5e2: {  	s29 =	sadd.s32 $0x20, s7;
	s31 =	simm.s32 $0x16490  }
0x5e3: {  	[hbm4b:s29+s3] =	stream.linear.scatter [tilespmem:s31], [sflag:$0x2], $0x80, $0x38;
	[tilespmem:$0x18500] =	vst v63  }
0x5e4: {  	s29 =	sadd.s32 $0x30, s7;
	s31 =	simm.s32 $0x16518  }
0x5e5: {  	[hbm4b:s29+s3] =	stream.linear.scatter [tilespmem:s31], [sflag:$0x2], $0x80, $0x38;
	[tilespmem:$0x18500] =	vst v63  }
0x5e6: {  	s29 =	sadd.s32 $0x40, s7;
	s31 =	simm.s32 $0x165A0  }
0x5e7: {  	[hbm4b:s29+s3] =	stream.linear.scatter [tilespmem:s31], [sflag:$0x2], $0x80, $0x38;
	[tilespmem:$0x18500] =	vst v63  }
0x5e8: {  	s29 =	sadd.s32 $0x50, s7;
	s31 =	simm.s32 $0x16628  }
0x5e9: {  	[hbm4b:s29+s3] =	stream.linear.scatter [tilespmem:s31], [sflag:$0x2], $0x80, $0x38;
	[tilespmem:$0x18500] =	vst v63  }
0x5ea: {  	s29 =	sadd.s32 $0x60, s7;
	s31 =	simm.s32 $0x166B0  }
0x5eb: {  	[hbm4b:s29+s3] =	stream.linear.scatter [tilespmem:s31], [sflag:$0x2], $0x80, $0x38;
	[tilespmem:$0x18500] =	vst v63  }
0x5ec: {  	s7 =	sadd.s32 $0x70, s7;
	s29 =	simm.s32 $0x16738  }
0x5ed: {  	[hbm4b:s7+s3] =	stream.linear.scatter [tilespmem:s29], [sflag:$0x2], $0x80, $0x38;
	[tilespmem:$0x18500] =	vst v63  }
0x5ee: {  	s6 =	sadd.s32 s6, s11;
	s31 =	simm.s32 $0x167C0  }
0x5ef: {  	[hbm4b:s6+s3] =	stream.linear.scatter [tilespmem:s31], [sflag:$0x2], $0x80, $0x38;
	[tilespmem:$0x18500] =	vst v63  }
0x5f0: {  	s12 =	sadd.s32 $0x10, s6;
	s13 =	simm.s32 $0x16848  }
0x5f1: {  	[hbm4b:s12+s3] =	stream.linear.scatter [tilespmem:s13], [sflag:$0x2], $0x80, $0x38;
	[tilespmem:$0x18500] =	vst v63  }
0x5f2: {  	s29 =	sadd.s32 $0x20, s6;
	s31 =	simm.s32 $0x168D0  }
0x5f3: {  	[hbm4b:s29+s3] =	stream.linear.scatter [tilespmem:s31], [sflag:$0x2], $0x80, $0x38;
	[tilespmem:$0x18500] =	vst v63  }
0x5f4: {  	s12 =	sadd.s32 $0x30, s6;
	s13 =	simm.s32 $0x16958  }
0x5f5: {  	[hbm4b:s12+s3] =	stream.linear.scatter [tilespmem:s13], [sflag:$0x2], $0x80, $0x38;
	[tilespmem:$0x18500] =	vst v63  }
0x5f6: {  	s29 =	sadd.s32 $0x40, s6;
	s31 =	simm.s32 $0x169E0  }
0x5f7: {  	[hbm4b:s29+s3] =	stream.linear.scatter [tilespmem:s31], [sflag:$0x2], $0x80, $0x38;
	[tilespmem:$0x18500] =	vst v63  }
0x5f8: {  	s12 =	sadd.s32 $0x50, s6;
	s13 =	simm.s32 $0x16A68  }
0x5f9: {  	[hbm4b:s12+s3] =	stream.linear.scatter [tilespmem:s13], [sflag:$0x2], $0x80, $0x38;
	[tilespmem:$0x18500] =	vst v63  }
.Ltmp10:
0x5fa: {  	_ = 	snop;
	(pc) =	sbr.rel @p1 .LBB2_20-.Ltmp10, $4  }
0x5fb: {  	s29 =	sadd.s32 $0x60, s6;
	s31 =	simm.s32 $0x16AF0  }
0x5fc: {  	[hbm4b:s29+s3] =	stream.linear.scatter [tilespmem:s31], [sflag:$0x2], $0x80, $0x38;
	[tilespmem:$0x18500] =	vst v63  }
0x5fd: {  	s6 =	sadd.s32 $0x70, s6  }
0x5fe: {  	[hbm4b:s6+s3] =	stream.linear.scatter [tilespmem:s26], [sflag:$0x2], $0x80, $0x38;
	[tilespmem:$0x18500] =	vst v63  }
.Ltmp11:
0x5ff: {  	(pc) =	sbr.rel .LBB2_2-.Ltmp11, $4  }
0x600: {  	s6 =	sshll.u32 s30, $0xA  }
0x601: {  	s6 =	sand.u32 $0x3FFFFC00, s6  }
0x602: {  	s7 =	simm.s32 $0xD400;
	s30 =	sadd.s32 $0x1, s30;
	s6 =	sadd.s32 $0x780, s6  }
0x603: {  	v0 =	vmov v39;
	v2 =	vld [tilespmem:$0x1FFD0];
	v1 =	vmov v6;
	[tilespmem:s7], [sflag:$0x1] =	stream.indirect.gather [hbm4b:s4+s14], $0x20, s6, s14, $0xb8  }
.LBB2_21:
0x604: {  	_ =	sfence.sel $0x180000  }
0x605: {  	[bflag:$0x0] =	sbarrier.arrive $0xFFFF  }
0x606: {  	_ =	strace $0x90000047  }
0x607: {  	s0 =	stileid.u32;
	[bflag:$0x2] =	sbarrier.arrive $0xFFFF  }
0x608: {  	p0 =	sne.s32 s0, $0x0;
	s0 =	rddreg [dreg:$0x2]  }
0x609: {  	s0 =	sadd.s32 @!p0 $0x100000, s0  }
0x60a: {  	[sflag:s0] =	ssyncadd.tile.s32 @!p0 $0x1;
	_ =	shalt  }
.Lfunc_end2:
_tile_overlayer_lowered:
.L_overlay_start_2:
0x60b: {  	(tag) =	ssettag $0x2  }
0x60c: {  	s0 =	rddreg [dreg:$0x0];
	s2 =	stileid.u32  }
0x60d: {  	s1 =	rddreg [dreg:$0x1];
	p0 =	sne.s32 s2, $0x0  }
0x60e: {  	s3 =	rddreg [dreg:$0x2];
	[bflag:$0x3] =	sbarrier.arrive $0xFFFF;
	s2 =	simm.s32 @!p0 $0x1C03  }
0x60f: {  	[timem:s3], [sflag:s2] =	dma.local @!p0 [hbm:s0], s1  }
0x610: {  	s0 =	simm.s32 @!p0 $0x3  }
0x611: {  	_ =	swait.ge @!p0 [sflag:s0], s1  }
0x612: {  	s1 =	ssub.s32 @!p0 $0x0, s1;
	[sflag:s0] =	ssyncset.done @!p0 $0x0  }
0x613: {  	[sflag:s0] =	ssyncadd.s32 @!p0 s1  }
0x614: {  	[bflag:$0x3] =	sbarrier.arrive $0xFFFF  }
0x615: {  	_ =	shalt  }

</sc_bundles>
